<compile_context>
chip_gen: v7x
topology: tpu7x:2x2x1
jax: 0.10.2.dev20260603
libtpu: 0.0.44.dev20260713+nightly
codegen_flags: <defaults>
</compile_context>

<pallas_src>
import functools
import math

import jax
import jax.numpy as jnp
from jax import lax
from jax.experimental import pallas as pl
from jax.experimental.pallas import tpu as pltpu
from jax.experimental.pallas import tpu_sc as plsc

_D = 64
_LANES = 16
_NBUF = 4
_RUNROLL = 4
_SUBS = ((0, 104), (104, 96))


def _rsqrt_scalar(x):
    i = lax.bitcast_convert_type(x, jnp.int32)
    y = lax.bitcast_convert_type(jnp.int32(0x5F3759DF) - (i >> 1),
                                 jnp.float32)
    for _ in range(3):
        y = y * (1.5 - 0.5 * x * y * y)
    return y


def _make_sc_kernel(n_batch, seq_len, n_workers):
    bat_per_w = n_batch // n_workers
    rows_per_w = bat_per_w * seq_len
    n_chunks = bat_per_w
    assert n_chunks % _NBUF == 0
    nq = _D // _LANES
    mesh = plsc.VectorSubcoreMesh(core_axis_name="c", subcore_axis_name="s")

    @functools.partial(
        pl.kernel,
        out_type=jax.ShapeDtypeStruct((n_batch, seq_len, 2 * _D),
                                      jnp.float32),
        mesh=mesh,
        compiler_params=pltpu.CompilerParams(
            needs_layout_passes=False, use_tc_tiling_on_sc=False),
        scratch_types=[
            pltpu.VMEM((rows_per_w,), jnp.int32),
            pltpu.VMEM((_NBUF, seq_len, _D), jnp.float32),
            pltpu.VMEM((seq_len, _D), jnp.float32),
            pltpu.VMEM((_D,), jnp.float32),
            pltpu.VMEM((_D,), jnp.float32),
        ]
        + [pltpu.SemaphoreType.DMA] * (2 * _NBUF),
    )
    def sc_kernel(ids_hbm, table_hbm, pe_hbm, w_hbm, b_hbm, out_hbm,
                  idx_v, rows_v, pe_v, w_v, b_v, *sems):
        gsem = sems[:_NBUF]
        osem = sems[_NBUF:]
        wid = lax.axis_index("s") * 2 + lax.axis_index("c")
        row_base = wid * rows_per_w
        bat_base = wid * bat_per_w

        pltpu.sync_copy(ids_hbm.at[pl.ds(row_base, rows_per_w)], idx_v)
        pltpu.sync_copy(pe_hbm, pe_v)
        pltpu.sync_copy(w_hbm, w_v)
        pltpu.sync_copy(b_hbm, b_v)

        wq = [w_v[pl.ds(q * _LANES, _LANES)] for q in range(nq)]
        bq = [b_v[pl.ds(q * _LANES, _LANES)] for q in range(nq)]

        def fire_gather(chunk, buf):
            for off, cnt in _SUBS:
                pltpu.async_copy(
                    table_hbm.at[idx_v.at[pl.ds(chunk * seq_len + off, cnt)]],
                    rows_v.at[buf].at[pl.ds(off, cnt)],
                    gsem[buf],
                )

        def wait_gather(buf):
            pltpu.make_async_copy(
                table_hbm.at[pl.ds(0, seq_len)], rows_v.at[buf], gsem[buf]
            ).wait()

        def fire_out(chunk, buf):
            pltpu.async_copy(
                rows_v.at[buf],
                out_hbm.at[bat_base + chunk].at[:, pl.ds(0, _D)],
                osem[buf])

        def wait_out(buf):
            pltpu.make_async_copy(
                rows_v.at[buf], out_hbm.at[0].at[:, pl.ds(0, _D)],
                osem[buf]).wait()

        def compute(chunk, buf):
            rv = rows_v.at[buf]

            @plsc.parallel_loop(0, seq_len, 1, unroll=_RUNROLL)
            def _row(r):
                x = [
                    rv[r, pl.ds(q * _LANES, _LANES)]
                    + pe_v[r, pl.ds(q * _LANES, _LANES)]
                    for q in range(nq)
                ]
                t = (x[0] + x[1]) + (x[2] + x[3])
                u = (x[0] * x[0] + x[1] * x[1]) + (
                    x[2] * x[2] + x[3] * x[3])
                mean = jnp.sum(t) * (1.0 / _D)
                var = jnp.sum(u) * (1.0 / _D) - mean * mean
                rstd = _rsqrt_scalar(var + 1e-5)
                for q in range(nq):
                    rv[r, pl.ds(q * _LANES, _LANES)] = (
                        (x[q] - mean) * rstd * wq[q] + bq[q])

        for c in range(_NBUF - 1):
            fire_gather(c, c)

        def outer(c4, _):
            for i in range(_NBUF):
                chunk = c4 * _NBUF + i
                wait_gather(i)
                compute(chunk, i)
                fire_out(chunk, i)
                nb = (i + _NBUF - 1) % _NBUF

                def prefetch():
                    wait_out(nb)
                    fire_gather(chunk + _NBUF - 1, nb)

                if i == 0:

                    @pl.when(c4 == 0)
                    def _():
                        fire_gather(_NBUF - 1, nb)

                    @pl.when(c4 > 0)
                    def _():
                        prefetch()
                else:

                    @pl.when(c4 < n_chunks // _NBUF - 1)
                    def _():
                        prefetch()

            return 0

        lax.fori_loop(0, n_chunks // _NBUF, outer, 0)
        for b in range(_NBUF):
            wait_out(b)

    return sc_kernel


@jax.jit
def kernel(input_ids, word_table, pe, ln_weight, ln_bias):
    b, s = input_ids.shape
    n_workers = 32
    assert b % (n_workers * _NBUF) == 0

    ids_flat = input_ids.reshape(b * s).astype(jnp.int32) * 2
    tab = jnp.pad(word_table.astype(jnp.float32), ((0, 0), (0, _D)))
    tab = tab.reshape(2 * word_table.shape[0], _D)
    pe_s = pe[:s].astype(jnp.float32)

    sc = _make_sc_kernel(b, s, n_workers)
    out = sc(ids_flat, tab, pe_s,
             ln_weight.astype(jnp.float32), ln_bias.astype(jnp.float32))
    return out[:, :, :_D]

# --- scband reference (transcript-rebuilt; emitter-appended) ---
"""Pipeline reference for scband-layout-embed-89103391523087 (READ-ONLY COPY).

The authoritative reference and input builder live on the scoring server;
editing this copy changes nothing except your own understanding.
"""

import jax, jax.numpy as jnp
import numpy as np
import math


def _make_pe(max_len, d_model):
    position = np.arange(max_len, dtype=np.float32)[:, None]
    div_term = np.exp(np.arange(0, d_model, 2, dtype=np.float32) * (-math.log(10000.0) / d_model))
    pe = np.zeros((max_len, d_model), dtype=np.float32)
    pe[:, 0::2] = np.sin(position * div_term)
    pe[:, 1::2] = np.cos(position * div_term)
    return jnp.asarray(pe)


def setup_inputs(seed: int = 0):
    key = jax.random.key(seed)
    k1, k2 = jax.random.split(key, 2)
    input_ids = jax.random.randint(k1, (4096, 200), 0, 1000000)
    word_table = jax.random.normal(k2, (1000000, 64), dtype=jnp.float32)
    pe = _make_pe(5000, 64)
    ln_weight = jnp.ones((64,), dtype=jnp.float32)
    ln_bias = jnp.zeros((64,), dtype=jnp.float32)
    return {"input_ids": input_ids, "word_table": word_table, "pe": pe, "ln_weight": ln_weight, "ln_bias": ln_bias}


def reference(input_ids, word_table, pe, ln_weight, ln_bias):
    seq_length = input_ids.shape[1]
    position_ids = jnp.arange(seq_length)[None, :]
    # word embedding lookup (gather)
    word_embeddings = jnp.take(word_table, input_ids, axis=0)
    # positional encoding lookup (gather from precomputed sinusoidal buffer)
    position_embeddings = pe[position_ids, :]
    x = word_embeddings + position_embeddings
    # LayerNorm (eps=1e-5, elementwise affine)
    mean = jnp.mean(x, axis=-1, keepdims=True)
    var = jnp.var(x, axis=-1, keepdims=True)
    x = (x - mean) / jnp.sqrt(var + 1e-5)
    x = x * ln_weight + ln_bias
    # dropout is identity in eval mode; hidden_size=None so no dense projection
    return x

if __name__ == "__main__":
    import jax
    _d = setup_inputs()
    print(jax.jit(kernel)(*tuple(_d.values())))

</pallas_src>

<mosaic_0001>
#map = affine_map<(d0, d1) -> (0)>
#map1 = affine_map<(d0, d1) -> (0, 0)>
#map2 = affine_map<(d0, d1) -> (0, 0, 0)>
module attributes {stable_mosaic.version = 14 : i64} {
  func.func @sc_kernel(%arg0: i32, %arg1: i32, %arg2: memref<819200xi32, #tpu.memory_space<hbm>>, %arg3: memref<2000000x64xf32, #tpu.memory_space<hbm>>, %arg4: memref<200x64xf32, #tpu.memory_space<hbm>>, %arg5: memref<64xf32, #tpu.memory_space<hbm>>, %arg6: memref<64xf32, #tpu.memory_space<hbm>>, %arg7: memref<4096x200x128xf32, #tpu.memory_space<hbm>>, %arg8: memref<25600xi32, #tpu.memory_space<vmem>>, %arg9: memref<4x200x64xf32, #tpu.memory_space<vmem>>, %arg10: memref<200x64xf32, #tpu.memory_space<vmem>>, %arg11: memref<64xf32, #tpu.memory_space<vmem>>, %arg12: memref<64xf32, #tpu.memory_space<vmem>>, %arg13: memref<!tpu.dma_semaphore, #tpu.memory_space<semaphore_mem>>, %arg14: memref<!tpu.dma_semaphore, #tpu.memory_space<semaphore_mem>>, %arg15: memref<!tpu.dma_semaphore, #tpu.memory_space<semaphore_mem>>, %arg16: memref<!tpu.dma_semaphore, #tpu.memory_space<semaphore_mem>>, %arg17: memref<!tpu.dma_semaphore, #tpu.memory_space<semaphore_mem>>, %arg18: memref<!tpu.dma_semaphore, #tpu.memory_space<semaphore_mem>>, %arg19: memref<!tpu.dma_semaphore, #tpu.memory_space<semaphore_mem>>, %arg20: memref<!tpu.dma_semaphore, #tpu.memory_space<semaphore_mem>>) attributes {dimension_semantics = [#tpu.dimension_semantics<core_parallel>, #tpu.dimension_semantics<subcore_parallel>], iteration_bounds = array<i64: 2, 16>, scalar_prefetch = 0 : i64, scratch_operands = 13 : i64, tpu.core_type = #tpu.core_type<sc_vector_subcore>, window_params = [{transform_indices = #map}, {transform_indices = #map1}, {transform_indices = #map1}, {transform_indices = #map}, {transform_indices = #map}, {transform_indices = #map2}]} {
    %mul3A = arith.constant 2 : i32
    %mul3A_0 = arith.muli %arg1, %mul3A : i32
    %add3A = arith.addi %mul3A_0, %arg0 : i32
    %mul3A_1 = arith.constant 25600 : i32
    %mul3A_2 = arith.muli %add3A, %mul3A_1 : i32
    %mul3A_3 = arith.constant 128 : i32
    %mul3A_4 = arith.muli %add3A, %mul3A_3 : i32
    "tpu.region"() ({
      %run_scoped3A = tpu.sem_alloc : memref<!tpu.dma_semaphore, #tpu.memory_space<semaphore_mem>>
      %dma_start3A_198 = tpu.memref_slice %arg2[%mul3A_2] : memref<819200xi32, #tpu.memory_space<hbm>> -> memref<25600xi32, #tpu.memory_space<hbm>>
      %dma_start3A_199 = tpu.memref_slice %arg2[%mul3A_2] : memref<819200xi32, #tpu.memory_space<hbm>> -> memref<25600xi32, #tpu.memory_space<hbm>>
      tpu.enqueue_dma source(%dma_start3A_199 : memref<25600xi32, #tpu.memory_space<hbm>>) target(%arg8 : memref<25600xi32, #tpu.memory_space<vmem>>) target_semaphore(%run_scoped3A : memref<!tpu.dma_semaphore, #tpu.memory_space<semaphore_mem>>)
      %dma_wait3A_200 = tpu.memref_slice %arg2[%mul3A_2] : memref<819200xi32, #tpu.memory_space<hbm>> -> memref<25600xi32, #tpu.memory_space<hbm>>
      %dma_wait3A_201 = tpu.memref_slice %arg2[%mul3A_2] : memref<819200xi32, #tpu.memory_space<hbm>> -> memref<25600xi32, #tpu.memory_space<hbm>>
      tpu.wait_dma2 semaphore(%run_scoped3A : memref<!tpu.dma_semaphore, #tpu.memory_space<semaphore_mem>>) src(%dma_wait3A_201 : memref<25600xi32, #tpu.memory_space<hbm>>) dst(%arg8 : memref<25600xi32, #tpu.memory_space<vmem>>)
      tpu.yield
    }) : () -> ()
    "tpu.region"() ({
      %run_scoped3A = tpu.sem_alloc : memref<!tpu.dma_semaphore, #tpu.memory_space<semaphore_mem>>
      tpu.enqueue_dma source(%arg4 : memref<200x64xf32, #tpu.memory_space<hbm>>) target(%arg10 : memref<200x64xf32, #tpu.memory_space<vmem>>) target_semaphore(%run_scoped3A : memref<!tpu.dma_semaphore, #tpu.memory_space<semaphore_mem>>)
      tpu.wait_dma2 semaphore(%run_scoped3A : memref<!tpu.dma_semaphore, #tpu.memory_space<semaphore_mem>>) src(%arg4 : memref<200x64xf32, #tpu.memory_space<hbm>>) dst(%arg10 : memref<200x64xf32, #tpu.memory_space<vmem>>)
      tpu.yield
    }) : () -> ()
    "tpu.region"() ({
      %run_scoped3A = tpu.sem_alloc : memref<!tpu.dma_semaphore, #tpu.memory_space<semaphore_mem>>
      tpu.enqueue_dma source(%arg5 : memref<64xf32, #tpu.memory_space<hbm>>) target(%arg11 : memref<64xf32, #tpu.memory_space<vmem>>) target_semaphore(%run_scoped3A : memref<!tpu.dma_semaphore, #tpu.memory_space<semaphore_mem>>)
      tpu.wait_dma2 semaphore(%run_scoped3A : memref<!tpu.dma_semaphore, #tpu.memory_space<semaphore_mem>>) src(%arg5 : memref<64xf32, #tpu.memory_space<hbm>>) dst(%arg11 : memref<64xf32, #tpu.memory_space<vmem>>)
      tpu.yield
    }) : () -> ()
    "tpu.region"() ({
      %run_scoped3A = tpu.sem_alloc : memref<!tpu.dma_semaphore, #tpu.memory_space<semaphore_mem>>
      tpu.enqueue_dma source(%arg6 : memref<64xf32, #tpu.memory_space<hbm>>) target(%arg12 : memref<64xf32, #tpu.memory_space<vmem>>) target_semaphore(%run_scoped3A : memref<!tpu.dma_semaphore, #tpu.memory_space<semaphore_mem>>)
      tpu.wait_dma2 semaphore(%run_scoped3A : memref<!tpu.dma_semaphore, #tpu.memory_space<semaphore_mem>>) src(%arg6 : memref<64xf32, #tpu.memory_space<hbm>>) dst(%arg12 : memref<64xf32, #tpu.memory_space<vmem>>)
      tpu.yield
    }) : () -> ()
    %get3A = arith.constant 0 : index
    %get3A_5 = tpu.vector_load %arg11[%get3A] {strides = array<i32>} : memref<64xf32, #tpu.memory_space<vmem>>, vector<16xf32>,
    %get3A_6 = arith.constant 16 : index
    %get3A_7 = tpu.vector_load %arg11[%get3A_6] {strides = array<i32>} : memref<64xf32, #tpu.memory_space<vmem>>, vector<16xf32>,
    %get3A_8 = arith.constant 32 : index
    %get3A_9 = tpu.vector_load %arg11[%get3A_8] {strides = array<i32>} : memref<64xf32, #tpu.memory_space<vmem>>, vector<16xf32>,
    %get3A_10 = arith.constant 48 : index
    %get3A_11 = tpu.vector_load %arg11[%get3A_10] {strides = array<i32>} : memref<64xf32, #tpu.memory_space<vmem>>, vector<16xf32>,
    %get3A_12 = arith.constant 0 : index
    %get3A_13 = tpu.vector_load %arg12[%get3A_12] {strides = array<i32>} : memref<64xf32, #tpu.memory_space<vmem>>, vector<16xf32>,
    %get3A_14 = arith.constant 16 : index
    %get3A_15 = tpu.vector_load %arg12[%get3A_14] {strides = array<i32>} : memref<64xf32, #tpu.memory_space<vmem>>, vector<16xf32>,
    %get3A_16 = arith.constant 32 : index
    %get3A_17 = tpu.vector_load %arg12[%get3A_16] {strides = array<i32>} : memref<64xf32, #tpu.memory_space<vmem>>, vector<16xf32>,
    %get3A_18 = arith.constant 48 : index
    %get3A_19 = tpu.vector_load %arg12[%get3A_18] {strides = array<i32>} : memref<64xf32, #tpu.memory_space<vmem>>, vector<16xf32>,
    %dma_start3A = arith.constant 0 : i32
    %dma_start3A_20 = arith.constant 0 : i32
    %dma_start3A_21 = arith.constant 0 : i32
    %dma_start3A_22 = tpu.memref_slice %arg9[%dma_start3A, %dma_start3A_20, %dma_start3A_21] : memref<4x200x64xf32, #tpu.memory_space<vmem>> -> memref<1x200x64xf32, #tpu.memory_space<vmem>>
    %dma_start3A_23 = tpu.memref_squeeze %dma_start3A_22 : memref<1x200x64xf32, #tpu.memory_space<vmem>> -> memref<200x64xf32, #tpu.memory_space<vmem>>
    %dma_start3A_24 = arith.constant 0 : i32
    %dma_start3A_25 = arith.constant 0 : i32
    %dma_start3A_26 = tpu.memref_slice %dma_start3A_23[%dma_start3A_24, %dma_start3A_25] : memref<200x64xf32, #tpu.memory_space<vmem>> -> memref<104x64xf32, #tpu.memory_space<vmem>>
    %dma_start3A_27 = arith.constant 0 : i32
    %dma_start3A_28 = tpu.memref_slice %arg8[%dma_start3A_27] : memref<25600xi32, #tpu.memory_space<vmem>> -> memref<104xi32, #tpu.memory_space<vmem>>
    %dma_start3A_29 = arith.constant 0 : i32
    %dma_start3A_30 = arith.constant 0 : i32
    %dma_start3A_31 = tpu.memref_slice %arg3[%dma_start3A_29, %dma_start3A_30] : memref<2000000x64xf32, #tpu.memory_space<hbm>> -> memref<2000000x64xf32, #tpu.memory_space<hbm>>
    tpu.enqueue_indirect_dma source(%dma_start3A_31 : memref<2000000x64xf32, #tpu.memory_space<hbm>>) target(%dma_start3A_26 : memref<104x64xf32, #tpu.memory_space<vmem>>) offsets(%dma_start3A_28 : memref<104xi32, #tpu.memory_space<vmem>>) semaphore(%arg13 : memref<!tpu.dma_semaphore, #tpu.memory_space<semaphore_mem>>)
    %dma_start3A_32 = arith.constant 0 : i32
    %dma_start3A_33 = arith.constant 0 : i32
    %dma_start3A_34 = arith.constant 0 : i32
    %dma_start3A_35 = tpu.memref_slice %arg9[%dma_start3A_32, %dma_start3A_33, %dma_start3A_34] : memref<4x200x64xf32, #tpu.memory_space<vmem>> -> memref<1x200x64xf32, #tpu.memory_space<vmem>>
    %dma_start3A_36 = tpu.memref_squeeze %dma_start3A_35 : memref<1x200x64xf32, #tpu.memory_space<vmem>> -> memref<200x64xf32, #tpu.memory_space<vmem>>
    %dma_start3A_37 = arith.constant 104 : i32
    %dma_start3A_38 = arith.constant 0 : i32
    %dma_start3A_39 = tpu.memref_slice %dma_start3A_36[%dma_start3A_37, %dma_start3A_38] : memref<200x64xf32, #tpu.memory_space<vmem>> -> memref<96x64xf32, #tpu.memory_space<vmem>>
    %dma_start3A_40 = arith.constant 104 : i32
    %dma_start3A_41 = tpu.memref_slice %arg8[%dma_start3A_40] : memref<25600xi32, #tpu.memory_space<vmem>> -> memref<96xi32, #tpu.memory_space<vmem>>
    %dma_start3A_42 = arith.constant 0 : i32
    %dma_start3A_43 = arith.constant 0 : i32
    %dma_start3A_44 = tpu.memref_slice %arg3[%dma_start3A_42, %dma_start3A_43] : memref<2000000x64xf32, #tpu.memory_space<hbm>> -> memref<2000000x64xf32, #tpu.memory_space<hbm>>
    tpu.enqueue_indirect_dma source(%dma_start3A_44 : memref<2000000x64xf32, #tpu.memory_space<hbm>>) target(%dma_start3A_39 : memref<96x64xf32, #tpu.memory_space<vmem>>) offsets(%dma_start3A_41 : memref<96xi32, #tpu.memory_space<vmem>>) semaphore(%arg13 : memref<!tpu.dma_semaphore, #tpu.memory_space<semaphore_mem>>)
    %dma_start3A_45 = arith.constant 1 : i32
    %dma_start3A_46 = arith.constant 0 : i32
    %dma_start3A_47 = arith.constant 0 : i32
    %dma_start3A_48 = tpu.memref_slice %arg9[%dma_start3A_45, %dma_start3A_46, %dma_start3A_47] : memref<4x200x64xf32, #tpu.memory_space<vmem>> -> memref<1x200x64xf32, #tpu.memory_space<vmem>>
    %dma_start3A_49 = tpu.memref_squeeze %dma_start3A_48 : memref<1x200x64xf32, #tpu.memory_space<vmem>> -> memref<200x64xf32, #tpu.memory_space<vmem>>
    %dma_start3A_50 = arith.constant 0 : i32
    %dma_start3A_51 = arith.constant 0 : i32
    %dma_start3A_52 = tpu.memref_slice %dma_start3A_49[%dma_start3A_50, %dma_start3A_51] : memref<200x64xf32, #tpu.memory_space<vmem>> -> memref<104x64xf32, #tpu.memory_space<vmem>>
    %dma_start3A_53 = arith.constant 200 : i32
    %dma_start3A_54 = tpu.memref_slice %arg8[%dma_start3A_53] : memref<25600xi32, #tpu.memory_space<vmem>> -> memref<104xi32, #tpu.memory_space<vmem>>
    %dma_start3A_55 = arith.constant 0 : i32
    %dma_start3A_56 = arith.constant 0 : i32
    %dma_start3A_57 = tpu.memref_slice %arg3[%dma_start3A_55, %dma_start3A_56] : memref<2000000x64xf32, #tpu.memory_space<hbm>> -> memref<2000000x64xf32, #tpu.memory_space<hbm>>
    tpu.enqueue_indirect_dma source(%dma_start3A_57 : memref<2000000x64xf32, #tpu.memory_space<hbm>>) target(%dma_start3A_52 : memref<104x64xf32, #tpu.memory_space<vmem>>) offsets(%dma_start3A_54 : memref<104xi32, #tpu.memory_space<vmem>>) semaphore(%arg14 : memref<!tpu.dma_semaphore, #tpu.memory_space<semaphore_mem>>)
    %dma_start3A_58 = arith.constant 1 : i32
    %dma_start3A_59 = arith.constant 0 : i32
    %dma_start3A_60 = arith.constant 0 : i32
    %dma_start3A_61 = tpu.memref_slice %arg9[%dma_start3A_58, %dma_start3A_59, %dma_start3A_60] : memref<4x200x64xf32, #tpu.memory_space<vmem>> -> memref<1x200x64xf32, #tpu.memory_space<vmem>>
    %dma_start3A_62 = tpu.memref_squeeze %dma_start3A_61 : memref<1x200x64xf32, #tpu.memory_space<vmem>> -> memref<200x64xf32, #tpu.memory_space<vmem>>
    %dma_start3A_63 = arith.constant 104 : i32
    %dma_start3A_64 = arith.constant 0 : i32
    %dma_start3A_65 = tpu.memref_slice %dma_start3A_62[%dma_start3A_63, %dma_start3A_64] : memref<200x64xf32, #tpu.memory_space<vmem>> -> memref<96x64xf32, #tpu.memory_space<vmem>>
    %dma_start3A_66 = arith.constant 304 : i32
    %dma_start3A_67 = tpu.memref_slice %arg8[%dma_start3A_66] : memref<25600xi32, #tpu.memory_space<vmem>> -> memref<96xi32, #tpu.memory_space<vmem>>
    %dma_start3A_68 = arith.constant 0 : i32
    %dma_start3A_69 = arith.constant 0 : i32
    %dma_start3A_70 = tpu.memref_slice %arg3[%dma_start3A_68, %dma_start3A_69] : memref<2000000x64xf32, #tpu.memory_space<hbm>> -> memref<2000000x64xf32, #tpu.memory_space<hbm>>
    tpu.enqueue_indirect_dma source(%dma_start3A_70 : memref<2000000x64xf32, #tpu.memory_space<hbm>>) target(%dma_start3A_65 : memref<96x64xf32, #tpu.memory_space<vmem>>) offsets(%dma_start3A_67 : memref<96xi32, #tpu.memory_space<vmem>>) semaphore(%arg14 : memref<!tpu.dma_semaphore, #tpu.memory_space<semaphore_mem>>)
    %dma_start3A_71 = arith.constant 2 : i32
    %dma_start3A_72 = arith.constant 0 : i32
    %dma_start3A_73 = arith.constant 0 : i32
    %dma_start3A_74 = tpu.memref_slice %arg9[%dma_start3A_71, %dma_start3A_72, %dma_start3A_73] : memref<4x200x64xf32, #tpu.memory_space<vmem>> -> memref<1x200x64xf32, #tpu.memory_space<vmem>>
    %dma_start3A_75 = tpu.memref_squeeze %dma_start3A_74 : memref<1x200x64xf32, #tpu.memory_space<vmem>> -> memref<200x64xf32, #tpu.memory_space<vmem>>
    %dma_start3A_76 = arith.constant 0 : i32
    %dma_start3A_77 = arith.constant 0 : i32
    %dma_start3A_78 = tpu.memref_slice %dma_start3A_75[%dma_start3A_76, %dma_start3A_77] : memref<200x64xf32, #tpu.memory_space<vmem>> -> memref<104x64xf32, #tpu.memory_space<vmem>>
    %dma_start3A_79 = arith.constant 400 : i32
    %dma_start3A_80 = tpu.memref_slice %arg8[%dma_start3A_79] : memref<25600xi32, #tpu.memory_space<vmem>> -> memref<104xi32, #tpu.memory_space<vmem>>
    %dma_start3A_81 = arith.constant 0 : i32
    %dma_start3A_82 = arith.constant 0 : i32
    %dma_start3A_83 = tpu.memref_slice %arg3[%dma_start3A_81, %dma_start3A_82] : memref<2000000x64xf32, #tpu.memory_space<hbm>> -> memref<2000000x64xf32, #tpu.memory_space<hbm>>
    tpu.enqueue_indirect_dma source(%dma_start3A_83 : memref<2000000x64xf32, #tpu.memory_space<hbm>>) target(%dma_start3A_78 : memref<104x64xf32, #tpu.memory_space<vmem>>) offsets(%dma_start3A_80 : memref<104xi32, #tpu.memory_space<vmem>>) semaphore(%arg15 : memref<!tpu.dma_semaphore, #tpu.memory_space<semaphore_mem>>)
    %dma_start3A_84 = arith.constant 2 : i32
    %dma_start3A_85 = arith.constant 0 : i32
    %dma_start3A_86 = arith.constant 0 : i32
    %dma_start3A_87 = tpu.memref_slice %arg9[%dma_start3A_84, %dma_start3A_85, %dma_start3A_86] : memref<4x200x64xf32, #tpu.memory_space<vmem>> -> memref<1x200x64xf32, #tpu.memory_space<vmem>>
    %dma_start3A_88 = tpu.memref_squeeze %dma_start3A_87 : memref<1x200x64xf32, #tpu.memory_space<vmem>> -> memref<200x64xf32, #tpu.memory_space<vmem>>
    %dma_start3A_89 = arith.constant 104 : i32
    %dma_start3A_90 = arith.constant 0 : i32
    %dma_start3A_91 = tpu.memref_slice %dma_start3A_88[%dma_start3A_89, %dma_start3A_90] : memref<200x64xf32, #tpu.memory_space<vmem>> -> memref<96x64xf32, #tpu.memory_space<vmem>>
    %dma_start3A_92 = arith.constant 504 : i32
    %dma_start3A_93 = tpu.memref_slice %arg8[%dma_start3A_92] : memref<25600xi32, #tpu.memory_space<vmem>> -> memref<96xi32, #tpu.memory_space<vmem>>
    %dma_start3A_94 = arith.constant 0 : i32
    %dma_start3A_95 = arith.constant 0 : i32
    %dma_start3A_96 = tpu.memref_slice %arg3[%dma_start3A_94, %dma_start3A_95] : memref<2000000x64xf32, #tpu.memory_space<hbm>> -> memref<2000000x64xf32, #tpu.memory_space<hbm>>
    tpu.enqueue_indirect_dma source(%dma_start3A_96 : memref<2000000x64xf32, #tpu.memory_space<hbm>>) target(%dma_start3A_91 : memref<96x64xf32, #tpu.memory_space<vmem>>) offsets(%dma_start3A_93 : memref<96xi32, #tpu.memory_space<vmem>>) semaphore(%arg15 : memref<!tpu.dma_semaphore, #tpu.memory_space<semaphore_mem>>)
    %scan3A = arith.constant 0 : i32
    %scan3A_97 = arith.constant 0 : i32
    %scan3A_98 = arith.constant 32 : i32
    %scan3A_99 = arith.addi %scan3A_97, %scan3A_98 : i32
    %scan3A_100 = arith.constant 1 : i32
    %scan3A_101 = scf.for %scan3A_198 = %scan3A_97 to %scan3A_99 step %scan3A_100 iter_args(%scan3A_199 = %scan3A) -> (i32)  : i32 {
      %mul3A_200 = arith.constant 4 : i32
      %mul3A_201 = arith.muli %scan3A_198, %mul3A_200 : i32
      %add3A_202 = arith.constant 0 : i32
      %add3A_203 = arith.addi %mul3A_201, %add3A_202 : i32
      %dma_wait3A_204 = arith.constant 0 : i32
      %dma_wait3A_205 = arith.constant 0 : i32
      %dma_wait3A_206 = arith.constant 0 : i32
      %dma_wait3A_207 = tpu.memref_slice %arg9[%dma_wait3A_204, %dma_wait3A_205, %dma_wait3A_206] : memref<4x200x64xf32, #tpu.memory_space<vmem>> -> memref<1x200x64xf32, #tpu.memory_space<vmem>>
      %dma_wait3A_208 = tpu.memref_squeeze %dma_wait3A_207 : memref<1x200x64xf32, #tpu.memory_space<vmem>> -> memref<200x64xf32, #tpu.memory_space<vmem>>
      %dma_wait3A_209 = arith.constant 0 : i32
      %dma_wait3A_210 = arith.constant 0 : i32
      %dma_wait3A_211 = tpu.memref_slice %arg3[%dma_wait3A_209, %dma_wait3A_210] : memref<2000000x64xf32, #tpu.memory_space<hbm>> -> memref<200x64xf32, #tpu.memory_space<hbm>>
      %dma_wait3A_212 = arith.constant 0 : i32
      %dma_wait3A_213 = arith.constant 0 : i32
      %dma_wait3A_214 = tpu.memref_slice %arg9[%dma_wait3A_204, %dma_wait3A_212, %dma_wait3A_213] : memref<4x200x64xf32, #tpu.memory_space<vmem>> -> memref<1x200x64xf32, #tpu.memory_space<vmem>>
      %dma_wait3A_215 = tpu.memref_squeeze %dma_wait3A_214 : memref<1x200x64xf32, #tpu.memory_space<vmem>> -> memref<200x64xf32, #tpu.memory_space<vmem>>
      %dma_wait3A_216 = arith.constant 0 : i32
      %dma_wait3A_217 = arith.constant 0 : i32
      %dma_wait3A_218 = tpu.memref_slice %arg3[%dma_wait3A_216, %dma_wait3A_217] : memref<2000000x64xf32, #tpu.memory_space<hbm>> -> memref<200x64xf32, #tpu.memory_space<hbm>>
      tpu.wait_dma2 semaphore(%arg13 : memref<!tpu.dma_semaphore, #tpu.memory_space<semaphore_mem>>) src(%dma_wait3A_218 : memref<200x64xf32, #tpu.memory_space<hbm>>) dst(%dma_wait3A_215 : memref<200x64xf32, #tpu.memory_space<vmem>>)
      %parallel_loop3A = arith.constant 0 : i32
      %parallel_loop3A_219 = arith.constant 200 : i32
      %parallel_loop3A_220 = arith.constant 1 : i32
      %parallel_loop3A_221 = arith.constant 0 : i32
      scf.for %parallel_loop3A_408 = %parallel_loop3A to %parallel_loop3A_219 step %parallel_loop3A_220  : i32 {
        %parallel_loop3A_409 = arith.constant 0 : i32
        %parallel_loop3A_410 = arith.constant 0 : i32
        %parallel_loop3A_411 = tpu.memref_slice %arg9[%parallel_loop3A_221, %parallel_loop3A_409, %parallel_loop3A_410] : memref<4x200x64xf32, #tpu.memory_space<vmem>> -> memref<1x200x64xf32, #tpu.memory_space<vmem>>
        %parallel_loop3A_412 = tpu.memref_squeeze %parallel_loop3A_411 : memref<1x200x64xf32, #tpu.memory_space<vmem>> -> memref<200x64xf32, #tpu.memory_space<vmem>>
        %parallel_loop3A_413 = arith.index_cast %parallel_loop3A_408 : i32 to index
        %parallel_loop3A_414 = arith.constant 0 : index
        %parallel_loop3A_415 = tpu.vector_load %parallel_loop3A_412[%parallel_loop3A_413, %parallel_loop3A_414] {strides = array<i32>} : memref<200x64xf32, #tpu.memory_space<vmem>>, vector<16xf32>,
        %parallel_loop3A_416 = arith.index_cast %parallel_loop3A_408 : i32 to index
        %parallel_loop3A_417 = arith.constant 0 : index
        %parallel_loop3A_418 = tpu.vector_load %arg10[%parallel_loop3A_416, %parallel_loop3A_417] {strides = array<i32>} : memref<200x64xf32, #tpu.memory_space<vmem>>, vector<16xf32>,
        %parallel_loop3A_419 = arith.addf %parallel_loop3A_415, %parallel_loop3A_418 : vector<16xf32>
        %parallel_loop3A_420 = arith.constant 0 : i32
        %parallel_loop3A_421 = arith.constant 0 : i32
        %parallel_loop3A_422 = tpu.memref_slice %arg9[%parallel_loop3A_221, %parallel_loop3A_420, %parallel_loop3A_421] : memref<4x200x64xf32, #tpu.memory_space<vmem>> -> memref<1x200x64xf32, #tpu.memory_space<vmem>>
        %parallel_loop3A_423 = tpu.memref_squeeze %parallel_loop3A_422 : memref<1x200x64xf32, #tpu.memory_space<vmem>> -> memref<200x64xf32, #tpu.memory_space<vmem>>
        %parallel_loop3A_424 = arith.index_cast %parallel_loop3A_408 : i32 to index
        %parallel_loop3A_425 = arith.constant 16 : index
        %parallel_loop3A_426 = tpu.vector_load %parallel_loop3A_423[%parallel_loop3A_424, %parallel_loop3A_425] {strides = array<i32>} : memref<200x64xf32, #tpu.memory_space<vmem>>, vector<16xf32>,
        %parallel_loop3A_427 = arith.index_cast %parallel_loop3A_408 : i32 to index
        %parallel_loop3A_428 = arith.constant 16 : index
        %parallel_loop3A_429 = tpu.vector_load %arg10[%parallel_loop3A_427, %parallel_loop3A_428] {strides = array<i32>} : memref<200x64xf32, #tpu.memory_space<vmem>>, vector<16xf32>,
        %parallel_loop3A_430 = arith.addf %parallel_loop3A_426, %parallel_loop3A_429 : vector<16xf32>
        %parallel_loop3A_431 = arith.constant 0 : i32
        %parallel_loop3A_432 = arith.constant 0 : i32
        %parallel_loop3A_433 = tpu.memref_slice %arg9[%parallel_loop3A_221, %parallel_loop3A_431, %parallel_loop3A_432] : memref<4x200x64xf32, #tpu.memory_space<vmem>> -> memref<1x200x64xf32, #tpu.memory_space<vmem>>
        %parallel_loop3A_434 = tpu.memref_squeeze %parallel_loop3A_433 : memref<1x200x64xf32, #tpu.memory_space<vmem>> -> memref<200x64xf32, #tpu.memory_space<vmem>>
        %parallel_loop3A_435 = arith.index_cast %parallel_loop3A_408 : i32 to index
        %parallel_loop3A_436 = arith.constant 32 : index
        %parallel_loop3A_437 = tpu.vector_load %parallel_loop3A_434[%parallel_loop3A_435, %parallel_loop3A_436] {strides = array<i32>} : memref<200x64xf32, #tpu.memory_space<vmem>>, vector<16xf32>,
        %parallel_loop3A_438 = arith.index_cast %parallel_loop3A_408 : i32 to index
        %parallel_loop3A_439 = arith.constant 32 : index
        %parallel_loop3A_440 = tpu.vector_load %arg10[%parallel_loop3A_438, %parallel_loop3A_439] {strides = array<i32>} : memref<200x64xf32, #tpu.memory_space<vmem>>, vector<16xf32>,
        %parallel_loop3A_441 = arith.addf %parallel_loop3A_437, %parallel_loop3A_440 : vector<16xf32>
        %parallel_loop3A_442 = arith.constant 0 : i32
        %parallel_loop3A_443 = arith.constant 0 : i32
        %parallel_loop3A_444 = tpu.memref_slice %arg9[%parallel_loop3A_221, %parallel_loop3A_442, %parallel_loop3A_443] : memref<4x200x64xf32, #tpu.memory_space<vmem>> -> memref<1x200x64xf32, #tpu.memory_space<vmem>>
        %parallel_loop3A_445 = tpu.memref_squeeze %parallel_loop3A_444 : memref<1x200x64xf32, #tpu.memory_space<vmem>> -> memref<200x64xf32, #tpu.memory_space<vmem>>
        %parallel_loop3A_446 = arith.index_cast %parallel_loop3A_408 : i32 to index
        %parallel_loop3A_447 = arith.constant 48 : index
        %parallel_loop3A_448 = tpu.vector_load %parallel_loop3A_445[%parallel_loop3A_446, %parallel_loop3A_447] {strides = array<i32>} : memref<200x64xf32, #tpu.memory_space<vmem>>, vector<16xf32>,
        %parallel_loop3A_449 = arith.index_cast %parallel_loop3A_408 : i32 to index
        %parallel_loop3A_450 = arith.constant 48 : index
        %parallel_loop3A_451 = tpu.vector_load %arg10[%parallel_loop3A_449, %parallel_loop3A_450] {strides = array<i32>} : memref<200x64xf32, #tpu.memory_space<vmem>>, vector<16xf32>,
        %parallel_loop3A_452 = arith.addf %parallel_loop3A_448, %parallel_loop3A_451 : vector<16xf32>
        %parallel_loop3A_453 = arith.addf %parallel_loop3A_419, %parallel_loop3A_430 : vector<16xf32>
        %parallel_loop3A_454 = arith.addf %parallel_loop3A_441, %parallel_loop3A_452 : vector<16xf32>
        %parallel_loop3A_455 = arith.addf %parallel_loop3A_453, %parallel_loop3A_454 : vector<16xf32>
        %parallel_loop3A_456 = arith.mulf %parallel_loop3A_419, %parallel_loop3A_419 : vector<16xf32>
        %parallel_loop3A_457 = arith.mulf %parallel_loop3A_430, %parallel_loop3A_430 : vector<16xf32>
        %parallel_loop3A_458 = arith.addf %parallel_loop3A_456, %parallel_loop3A_457 : vector<16xf32>
        %parallel_loop3A_459 = arith.mulf %parallel_loop3A_441, %parallel_loop3A_441 : vector<16xf32>
        %parallel_loop3A_460 = arith.mulf %parallel_loop3A_452, %parallel_loop3A_452 : vector<16xf32>
        %parallel_loop3A_461 = arith.addf %parallel_loop3A_459, %parallel_loop3A_460 : vector<16xf32>
        %parallel_loop3A_462 = arith.addf %parallel_loop3A_458, %parallel_loop3A_461 : vector<16xf32>
        %parallel_loop3A_463 = arith.constant true
        %parallel_loop3A_464 = vector.broadcast %parallel_loop3A_463 : i1 to vector<16xi1>
        %parallel_loop3A_465 = tpu.scan <sum>, %parallel_loop3A_455 masked %parallel_loop3A_464 : vector<16xf32>, vector<16xi1> -> vector<16xf32>
        %parallel_loop3A_466 = vector.extract %parallel_loop3A_465[15] : f32 from vector<16xf32>
        %parallel_loop3A_467 = arith.constant 1.562500e-02 : f32
        %parallel_loop3A_468 = arith.mulf %parallel_loop3A_466, %parallel_loop3A_467 : f32
        %parallel_loop3A_469 = arith.constant true
        %parallel_loop3A_470 = vector.broadcast %parallel_loop3A_469 : i1 to vector<16xi1>
        %parallel_loop3A_471 = tpu.scan <sum>, %parallel_loop3A_462 masked %parallel_loop3A_470 : vector<16xf32>, vector<16xi1> -> vector<16xf32>
        %parallel_loop3A_472 = vector.extract %parallel_loop3A_471[15] : f32 from vector<16xf32>
        %parallel_loop3A_473 = arith.constant 1.562500e-02 : f32
        %parallel_loop3A_474 = arith.mulf %parallel_loop3A_472, %parallel_loop3A_473 : f32
        %parallel_loop3A_475 = arith.mulf %parallel_loop3A_468, %parallel_loop3A_468 : f32
        %parallel_loop3A_476 = arith.subf %parallel_loop3A_474, %parallel_loop3A_475 : f32
        %parallel_loop3A_477 = arith.constant 9.99999974E-6 : f32
        %parallel_loop3A_478 = arith.addf %parallel_loop3A_476, %parallel_loop3A_477 : f32
        %parallel_loop3A_479 = arith.bitcast %parallel_loop3A_478 : f32 to i32
        %parallel_loop3A_480 = arith.constant 1 : i32
        %parallel_loop3A_481 = arith.shrsi %parallel_loop3A_479, %parallel_loop3A_480 : i32
        %parallel_loop3A_482 = arith.constant 1597463007 : i32
        %parallel_loop3A_483 = arith.subi %parallel_loop3A_482, %parallel_loop3A_481 : i32
        %parallel_loop3A_484 = arith.bitcast %parallel_loop3A_483 : i32 to f32
        %parallel_loop3A_485 = arith.constant 5.000000e-01 : f32
        %parallel_loop3A_486 = arith.mulf %parallel_loop3A_485, %parallel_loop3A_478 : f32
        %parallel_loop3A_487 = arith.mulf %parallel_loop3A_486, %parallel_loop3A_484 : f32
        %parallel_loop3A_488 = arith.mulf %parallel_loop3A_487, %parallel_loop3A_484 : f32
        %parallel_loop3A_489 = arith.constant 1.500000e+00 : f32
        %parallel_loop3A_490 = arith.subf %parallel_loop3A_489, %parallel_loop3A_488 : f32
        %parallel_loop3A_491 = arith.mulf %parallel_loop3A_484, %parallel_loop3A_490 : f32
        %parallel_loop3A_492 = arith.constant 5.000000e-01 : f32
        %parallel_loop3A_493 = arith.mulf %parallel_loop3A_492, %parallel_loop3A_478 : f32
        %parallel_loop3A_494 = arith.mulf %parallel_loop3A_493, %parallel_loop3A_491 : f32
        %parallel_loop3A_495 = arith.mulf %parallel_loop3A_494, %parallel_loop3A_491 : f32
        %parallel_loop3A_496 = arith.constant 1.500000e+00 : f32
        %parallel_loop3A_497 = arith.subf %parallel_loop3A_496, %parallel_loop3A_495 : f32
        %parallel_loop3A_498 = arith.mulf %parallel_loop3A_491, %parallel_loop3A_497 : f32
        %parallel_loop3A_499 = arith.constant 5.000000e-01 : f32
        %parallel_loop3A_500 = arith.mulf %parallel_loop3A_499, %parallel_loop3A_478 : f32
        %parallel_loop3A_501 = arith.mulf %parallel_loop3A_500, %parallel_loop3A_498 : f32
        %parallel_loop3A_502 = arith.mulf %parallel_loop3A_501, %parallel_loop3A_498 : f32
        %parallel_loop3A_503 = arith.constant 1.500000e+00 : f32
        %parallel_loop3A_504 = arith.subf %parallel_loop3A_503, %parallel_loop3A_502 : f32
        %parallel_loop3A_505 = arith.mulf %parallel_loop3A_498, %parallel_loop3A_504 : f32
        %parallel_loop3A_506 = vector.broadcast %parallel_loop3A_468 : f32 to vector<16xf32>
        %parallel_loop3A_507 = arith.subf %parallel_loop3A_419, %parallel_loop3A_506 : vector<16xf32>
        %parallel_loop3A_508 = vector.broadcast %parallel_loop3A_505 : f32 to vector<16xf32>
        %parallel_loop3A_509 = arith.mulf %parallel_loop3A_507, %parallel_loop3A_508 : vector<16xf32>
        %parallel_loop3A_510 = arith.mulf %parallel_loop3A_509, %get3A_5 : vector<16xf32>
        %parallel_loop3A_511 = arith.addf %parallel_loop3A_510, %get3A_13 : vector<16xf32>
        %parallel_loop3A_512 = arith.constant 0 : i32
        %parallel_loop3A_513 = arith.constant 0 : i32
        %parallel_loop3A_514 = tpu.memref_slice %arg9[%parallel_loop3A_221, %parallel_loop3A_512, %parallel_loop3A_513] : memref<4x200x64xf32, #tpu.memory_space<vmem>> -> memref<1x200x64xf32, #tpu.memory_space<vmem>>
        %parallel_loop3A_515 = tpu.memref_squeeze %parallel_loop3A_514 : memref<1x200x64xf32, #tpu.memory_space<vmem>> -> memref<200x64xf32, #tpu.memory_space<vmem>>
        %parallel_loop3A_516 = arith.index_cast %parallel_loop3A_408 : i32 to index
        %parallel_loop3A_517 = arith.constant 0 : index
        %parallel_loop3A_518 = tpu.vector_load %parallel_loop3A_515[%parallel_loop3A_516, %parallel_loop3A_517] {strides = array<i32>} : memref<200x64xf32, #tpu.memory_space<vmem>>, vector<16xf32>,
        tpu.vector_store %parallel_loop3A_515[%parallel_loop3A_516, %parallel_loop3A_517], %parallel_loop3A_511 {strides = array<i32>} : memref<200x64xf32, #tpu.memory_space<vmem>>, vector<16xf32>,
        %parallel_loop3A_519 = vector.broadcast %parallel_loop3A_468 : f32 to vector<16xf32>
        %parallel_loop3A_520 = arith.subf %parallel_loop3A_430, %parallel_loop3A_519 : vector<16xf32>
        %parallel_loop3A_521 = vector.broadcast %parallel_loop3A_505 : f32 to vector<16xf32>
        %parallel_loop3A_522 = arith.mulf %parallel_loop3A_520, %parallel_loop3A_521 : vector<16xf32>
        %parallel_loop3A_523 = arith.mulf %parallel_loop3A_522, %get3A_7 : vector<16xf32>
        %parallel_loop3A_524 = arith.addf %parallel_loop3A_523, %get3A_15 : vector<16xf32>
        %parallel_loop3A_525 = arith.constant 0 : i32
        %parallel_loop3A_526 = arith.constant 0 : i32
        %parallel_loop3A_527 = tpu.memref_slice %arg9[%parallel_loop3A_221, %parallel_loop3A_525, %parallel_loop3A_526] : memref<4x200x64xf32, #tpu.memory_space<vmem>> -> memref<1x200x64xf32, #tpu.memory_space<vmem>>
        %parallel_loop3A_528 = tpu.memref_squeeze %parallel_loop3A_527 : memref<1x200x64xf32, #tpu.memory_space<vmem>> -> memref<200x64xf32, #tpu.memory_space<vmem>>
        %parallel_loop3A_529 = arith.index_cast %parallel_loop3A_408 : i32 to index
        %parallel_loop3A_530 = arith.constant 16 : index
        %parallel_loop3A_531 = tpu.vector_load %parallel_loop3A_528[%parallel_loop3A_529, %parallel_loop3A_530] {strides = array<i32>} : memref<200x64xf32, #tpu.memory_space<vmem>>, vector<16xf32>,
        tpu.vector_store %parallel_loop3A_528[%parallel_loop3A_529, %parallel_loop3A_530], %parallel_loop3A_524 {strides = array<i32>} : memref<200x64xf32, #tpu.memory_space<vmem>>, vector<16xf32>,
        %parallel_loop3A_532 = vector.broadcast %parallel_loop3A_468 : f32 to vector<16xf32>
        %parallel_loop3A_533 = arith.subf %parallel_loop3A_441, %parallel_loop3A_532 : vector<16xf32>
        %parallel_loop3A_534 = vector.broadcast %parallel_loop3A_505 : f32 to vector<16xf32>
        %parallel_loop3A_535 = arith.mulf %parallel_loop3A_533, %parallel_loop3A_534 : vector<16xf32>
        %parallel_loop3A_536 = arith.mulf %parallel_loop3A_535, %get3A_9 : vector<16xf32>
        %parallel_loop3A_537 = arith.addf %parallel_loop3A_536, %get3A_17 : vector<16xf32>
        %parallel_loop3A_538 = arith.constant 0 : i32
        %parallel_loop3A_539 = arith.constant 0 : i32
        %parallel_loop3A_540 = tpu.memref_slice %arg9[%parallel_loop3A_221, %parallel_loop3A_538, %parallel_loop3A_539] : memref<4x200x64xf32, #tpu.memory_space<vmem>> -> memref<1x200x64xf32, #tpu.memory_space<vmem>>
        %parallel_loop3A_541 = tpu.memref_squeeze %parallel_loop3A_540 : memref<1x200x64xf32, #tpu.memory_space<vmem>> -> memref<200x64xf32, #tpu.memory_space<vmem>>
        %parallel_loop3A_542 = arith.index_cast %parallel_loop3A_408 : i32 to index
        %parallel_loop3A_543 = arith.constant 32 : index
        %parallel_loop3A_544 = tpu.vector_load %parallel_loop3A_541[%parallel_loop3A_542, %parallel_loop3A_543] {strides = array<i32>} : memref<200x64xf32, #tpu.memory_space<vmem>>, vector<16xf32>,
        tpu.vector_store %parallel_loop3A_541[%parallel_loop3A_542, %parallel_loop3A_543], %parallel_loop3A_537 {strides = array<i32>} : memref<200x64xf32, #tpu.memory_space<vmem>>, vector<16xf32>,
        %parallel_loop3A_545 = vector.broadcast %parallel_loop3A_468 : f32 to vector<16xf32>
        %parallel_loop3A_546 = arith.subf %parallel_loop3A_452, %parallel_loop3A_545 : vector<16xf32>
        %parallel_loop3A_547 = vector.broadcast %parallel_loop3A_505 : f32 to vector<16xf32>
        %parallel_loop3A_548 = arith.mulf %parallel_loop3A_546, %parallel_loop3A_547 : vector<16xf32>
        %parallel_loop3A_549 = arith.mulf %parallel_loop3A_548, %get3A_11 : vector<16xf32>
        %parallel_loop3A_550 = arith.addf %parallel_loop3A_549, %get3A_19 : vector<16xf32>
        %parallel_loop3A_551 = arith.constant 0 : i32
        %parallel_loop3A_552 = arith.constant 0 : i32
        %parallel_loop3A_553 = tpu.memref_slice %arg9[%parallel_loop3A_221, %parallel_loop3A_551, %parallel_loop3A_552] : memref<4x200x64xf32, #tpu.memory_space<vmem>> -> memref<1x200x64xf32, #tpu.memory_space<vmem>>
        %parallel_loop3A_554 = tpu.memref_squeeze %parallel_loop3A_553 : memref<1x200x64xf32, #tpu.memory_space<vmem>> -> memref<200x64xf32, #tpu.memory_space<vmem>>
        %parallel_loop3A_555 = arith.index_cast %parallel_loop3A_408 : i32 to index
        %parallel_loop3A_556 = arith.constant 48 : index
        %parallel_loop3A_557 = tpu.vector_load %parallel_loop3A_554[%parallel_loop3A_555, %parallel_loop3A_556] {strides = array<i32>} : memref<200x64xf32, #tpu.memory_space<vmem>>, vector<16xf32>,
        tpu.vector_store %parallel_loop3A_554[%parallel_loop3A_555, %parallel_loop3A_556], %parallel_loop3A_550 {strides = array<i32>} : memref<200x64xf32, #tpu.memory_space<vmem>>, vector<16xf32>,
      } {sc.loop_unroll_factor = 4 : i64, sc.parallel_access}
      %add3A_222 = arith.addi %mul3A_4, %add3A_203 : i32
      %dma_start3A_223 = arith.constant 0 : i32
      %dma_start3A_224 = arith.constant 0 : i32
      %dma_start3A_225 = arith.constant 0 : i32
      %dma_start3A_226 = tpu.memref_slice %arg9[%dma_start3A_223, %dma_start3A_224, %dma_start3A_225] : memref<4x200x64xf32, #tpu.memory_space<vmem>> -> memref<1x200x64xf32, #tpu.memory_space<vmem>>
      %dma_start3A_227 = tpu.memref_squeeze %dma_start3A_226 : memref<1x200x64xf32, #tpu.memory_space<vmem>> -> memref<200x64xf32, #tpu.memory_space<vmem>>
      %dma_start3A_228 = arith.constant 0 : i32
      %dma_start3A_229 = arith.constant 0 : i32
      %dma_start3A_230 = tpu.memref_slice %arg7[%add3A_222, %dma_start3A_228, %dma_start3A_229] : memref<4096x200x128xf32, #tpu.memory_space<hbm>> -> memref<1x200x128xf32, #tpu.memory_space<hbm>>
      %dma_start3A_231 = tpu.memref_squeeze %dma_start3A_230 : memref<1x200x128xf32, #tpu.memory_space<hbm>> -> memref<200x128xf32, #tpu.memory_space<hbm>>
      %dma_start3A_232 = arith.constant 0 : i32
      %dma_start3A_233 = arith.constant 0 : i32
      %dma_start3A_234 = tpu.memref_slice %dma_start3A_231[%dma_start3A_232, %dma_start3A_233] : memref<200x128xf32, #tpu.memory_space<hbm>> -> memref<200x64xf32, #tpu.memory_space<hbm>>
      %dma_start3A_235 = arith.constant 0 : i32
      %dma_start3A_236 = arith.constant 0 : i32
      %dma_start3A_237 = tpu.memref_slice %arg7[%add3A_222, %dma_start3A_235, %dma_start3A_236] : memref<4096x200x128xf32, #tpu.memory_space<hbm>> -> memref<1x200x128xf32, #tpu.memory_space<hbm>>
      %dma_start3A_238 = tpu.memref_squeeze %dma_start3A_237 : memref<1x200x128xf32, #tpu.memory_space<hbm>> -> memref<200x128xf32, #tpu.memory_space<hbm>>
      %dma_start3A_239 = arith.constant 0 : i32
      %dma_start3A_240 = arith.constant 0 : i32
      %dma_start3A_241 = tpu.memref_slice %dma_start3A_238[%dma_start3A_239, %dma_start3A_240] : memref<200x128xf32, #tpu.memory_space<hbm>> -> memref<200x64xf32, #tpu.memory_space<hbm>>
      %dma_start3A_242 = arith.constant 0 : i32
      %dma_start3A_243 = arith.constant 0 : i32
      %dma_start3A_244 = tpu.memref_slice %arg9[%dma_start3A_223, %dma_start3A_242, %dma_start3A_243] : memref<4x200x64xf32, #tpu.memory_space<vmem>> -> memref<1x200x64xf32, #tpu.memory_space<vmem>>
      %dma_start3A_245 = tpu.memref_squeeze %dma_start3A_244 : memref<1x200x64xf32, #tpu.memory_space<vmem>> -> memref<200x64xf32, #tpu.memory_space<vmem>>
      tpu.enqueue_dma source(%dma_start3A_245 : memref<200x64xf32, #tpu.memory_space<vmem>>) target(%dma_start3A_241 : memref<200x64xf32, #tpu.memory_space<hbm>>) target_semaphore(%arg17 : memref<!tpu.dma_semaphore, #tpu.memory_space<semaphore_mem>>)
      %eq3A = arith.constant 0 : i32
      %eq3A_246 = arith.cmpi eq, %scan3A_198, %eq3A : i32
      %convert_element_type3A = arith.extui %eq3A_246 : i1 to i32
      %cond3A = arith.constant 0 : i32
      %cond3A_247 = arith.cmpi ne, %convert_element_type3A, %cond3A : i32
      scf.if %cond3A_247 {
        %dma_start3A_408 = arith.constant 3 : i32
        %dma_start3A_409 = arith.constant 0 : i32
        %dma_start3A_410 = arith.constant 0 : i32
        %dma_start3A_411 = tpu.memref_slice %arg9[%dma_start3A_408, %dma_start3A_409, %dma_start3A_410] : memref<4x200x64xf32, #tpu.memory_space<vmem>> -> memref<1x200x64xf32, #tpu.memory_space<vmem>>
        %dma_start3A_412 = tpu.memref_squeeze %dma_start3A_411 : memref<1x200x64xf32, #tpu.memory_space<vmem>> -> memref<200x64xf32, #tpu.memory_space<vmem>>
        %dma_start3A_413 = arith.constant 0 : i32
        %dma_start3A_414 = arith.constant 0 : i32
        %dma_start3A_415 = tpu.memref_slice %dma_start3A_412[%dma_start3A_413, %dma_start3A_414] : memref<200x64xf32, #tpu.memory_space<vmem>> -> memref<104x64xf32, #tpu.memory_space<vmem>>
        %dma_start3A_416 = arith.constant 600 : i32
        %dma_start3A_417 = tpu.memref_slice %arg8[%dma_start3A_416] : memref<25600xi32, #tpu.memory_space<vmem>> -> memref<104xi32, #tpu.memory_space<vmem>>
        %dma_start3A_418 = arith.constant 0 : i32
        %dma_start3A_419 = arith.constant 0 : i32
        %dma_start3A_420 = tpu.memref_slice %arg3[%dma_start3A_418, %dma_start3A_419] : memref<2000000x64xf32, #tpu.memory_space<hbm>> -> memref<2000000x64xf32, #tpu.memory_space<hbm>>
        tpu.enqueue_indirect_dma source(%dma_start3A_420 : memref<2000000x64xf32, #tpu.memory_space<hbm>>) target(%dma_start3A_415 : memref<104x64xf32, #tpu.memory_space<vmem>>) offsets(%dma_start3A_417 : memref<104xi32, #tpu.memory_space<vmem>>) semaphore(%arg16 : memref<!tpu.dma_semaphore, #tpu.memory_space<semaphore_mem>>)
        %dma_start3A_421 = arith.constant 3 : i32
        %dma_start3A_422 = arith.constant 0 : i32
        %dma_start3A_423 = arith.constant 0 : i32
        %dma_start3A_424 = tpu.memref_slice %arg9[%dma_start3A_421, %dma_start3A_422, %dma_start3A_423] : memref<4x200x64xf32, #tpu.memory_space<vmem>> -> memref<1x200x64xf32, #tpu.memory_space<vmem>>
        %dma_start3A_425 = tpu.memref_squeeze %dma_start3A_424 : memref<1x200x64xf32, #tpu.memory_space<vmem>> -> memref<200x64xf32, #tpu.memory_space<vmem>>
        %dma_start3A_426 = arith.constant 104 : i32
        %dma_start3A_427 = arith.constant 0 : i32
        %dma_start3A_428 = tpu.memref_slice %dma_start3A_425[%dma_start3A_426, %dma_start3A_427] : memref<200x64xf32, #tpu.memory_space<vmem>> -> memref<96x64xf32, #tpu.memory_space<vmem>>
        %dma_start3A_429 = arith.constant 704 : i32
        %dma_start3A_430 = tpu.memref_slice %arg8[%dma_start3A_429] : memref<25600xi32, #tpu.memory_space<vmem>> -> memref<96xi32, #tpu.memory_space<vmem>>
        %dma_start3A_431 = arith.constant 0 : i32
        %dma_start3A_432 = arith.constant 0 : i32
        %dma_start3A_433 = tpu.memref_slice %arg3[%dma_start3A_431, %dma_start3A_432] : memref<2000000x64xf32, #tpu.memory_space<hbm>> -> memref<2000000x64xf32, #tpu.memory_space<hbm>>
        tpu.enqueue_indirect_dma source(%dma_start3A_433 : memref<2000000x64xf32, #tpu.memory_space<hbm>>) target(%dma_start3A_428 : memref<96x64xf32, #tpu.memory_space<vmem>>) offsets(%dma_start3A_430 : memref<96xi32, #tpu.memory_space<vmem>>) semaphore(%arg16 : memref<!tpu.dma_semaphore, #tpu.memory_space<semaphore_mem>>)
      } else {
      }
      %gt3A = arith.constant 0 : i32
      %gt3A_248 = arith.cmpi sgt, %scan3A_198, %gt3A : i32
      %convert_element_type3A_249 = arith.extui %gt3A_248 : i1 to i32
      %cond3A_250 = arith.constant 0 : i32
      %cond3A_251 = arith.cmpi ne, %convert_element_type3A_249, %cond3A_250 : i32
      scf.if %cond3A_251 {
        %dma_wait3A_408 = arith.constant 3 : i32
        %dma_wait3A_409 = arith.constant 0 : i32
        %dma_wait3A_410 = arith.constant 0 : i32
        %dma_wait3A_411 = arith.constant 0 : i32
        %dma_wait3A_412 = tpu.memref_slice %arg9[%dma_wait3A_408, %dma_wait3A_410, %dma_wait3A_411] : memref<4x200x64xf32, #tpu.memory_space<vmem>> -> memref<1x200x64xf32, #tpu.memory_space<vmem>>
        %dma_wait3A_413 = tpu.memref_squeeze %dma_wait3A_412 : memref<1x200x64xf32, #tpu.memory_space<vmem>> -> memref<200x64xf32, #tpu.memory_space<vmem>>
        %dma_wait3A_414 = arith.constant 0 : i32
        %dma_wait3A_415 = arith.constant 0 : i32
        %dma_wait3A_416 = tpu.memref_slice %arg7[%dma_wait3A_409, %dma_wait3A_414, %dma_wait3A_415] : memref<4096x200x128xf32, #tpu.memory_space<hbm>> -> memref<1x200x128xf32, #tpu.memory_space<hbm>>
        %dma_wait3A_417 = tpu.memref_squeeze %dma_wait3A_416 : memref<1x200x128xf32, #tpu.memory_space<hbm>> -> memref<200x128xf32, #tpu.memory_space<hbm>>
        %dma_wait3A_418 = arith.constant 0 : i32
        %dma_wait3A_419 = arith.constant 0 : i32
        %dma_wait3A_420 = tpu.memref_slice %dma_wait3A_417[%dma_wait3A_418, %dma_wait3A_419] : memref<200x128xf32, #tpu.memory_space<hbm>> -> memref<200x64xf32, #tpu.memory_space<hbm>>
        %dma_wait3A_421 = arith.constant 0 : i32
        %dma_wait3A_422 = arith.constant 0 : i32
        %dma_wait3A_423 = tpu.memref_slice %arg7[%dma_wait3A_409, %dma_wait3A_421, %dma_wait3A_422] : memref<4096x200x128xf32, #tpu.memory_space<hbm>> -> memref<1x200x128xf32, #tpu.memory_space<hbm>>
        %dma_wait3A_424 = tpu.memref_squeeze %dma_wait3A_423 : memref<1x200x128xf32, #tpu.memory_space<hbm>> -> memref<200x128xf32, #tpu.memory_space<hbm>>
        %dma_wait3A_425 = arith.constant 0 : i32
        %dma_wait3A_426 = arith.constant 0 : i32
        %dma_wait3A_427 = tpu.memref_slice %dma_wait3A_424[%dma_wait3A_425, %dma_wait3A_426] : memref<200x128xf32, #tpu.memory_space<hbm>> -> memref<200x64xf32, #tpu.memory_space<hbm>>
        %dma_wait3A_428 = arith.constant 0 : i32
        %dma_wait3A_429 = arith.constant 0 : i32
        %dma_wait3A_430 = tpu.memref_slice %arg9[%dma_wait3A_408, %dma_wait3A_428, %dma_wait3A_429] : memref<4x200x64xf32, #tpu.memory_space<vmem>> -> memref<1x200x64xf32, #tpu.memory_space<vmem>>
        %dma_wait3A_431 = tpu.memref_squeeze %dma_wait3A_430 : memref<1x200x64xf32, #tpu.memory_space<vmem>> -> memref<200x64xf32, #tpu.memory_space<vmem>>
        tpu.wait_dma2 semaphore(%arg20 : memref<!tpu.dma_semaphore, #tpu.memory_space<semaphore_mem>>) src(%dma_wait3A_431 : memref<200x64xf32, #tpu.memory_space<vmem>>) dst(%dma_wait3A_427 : memref<200x64xf32, #tpu.memory_space<hbm>>)
        %add3A_432 = arith.constant 4 : i32
        %add3A_433 = arith.addi %add3A_203, %add3A_432 : i32
        %sub3A = arith.constant 1 : i32
        %sub3A_434 = arith.subi %add3A_433, %sub3A : i32
        %mul3A_435 = arith.constant 200 : i32
        %mul3A_436 = arith.muli %sub3A_434, %mul3A_435 : i32
        %add3A_437 = arith.constant 0 : i32
        %add3A_438 = arith.addi %mul3A_436, %add3A_437 : i32
        %dma_start3A_439 = arith.constant 3 : i32
        %dma_start3A_440 = arith.constant 0 : i32
        %dma_start3A_441 = arith.constant 0 : i32
        %dma_start3A_442 = tpu.memref_slice %arg9[%dma_start3A_439, %dma_start3A_440, %dma_start3A_441] : memref<4x200x64xf32, #tpu.memory_space<vmem>> -> memref<1x200x64xf32, #tpu.memory_space<vmem>>
        %dma_start3A_443 = tpu.memref_squeeze %dma_start3A_442 : memref<1x200x64xf32, #tpu.memory_space<vmem>> -> memref<200x64xf32, #tpu.memory_space<vmem>>
        %dma_start3A_444 = arith.constant 0 : i32
        %dma_start3A_445 = arith.constant 0 : i32
        %dma_start3A_446 = tpu.memref_slice %dma_start3A_443[%dma_start3A_444, %dma_start3A_445] : memref<200x64xf32, #tpu.memory_space<vmem>> -> memref<104x64xf32, #tpu.memory_space<vmem>>
        %dma_start3A_447 = tpu.memref_slice %arg8[%add3A_438] : memref<25600xi32, #tpu.memory_space<vmem>> -> memref<104xi32, #tpu.memory_space<vmem>>
        %dma_start3A_448 = arith.constant 0 : i32
        %dma_start3A_449 = arith.constant 0 : i32
        %dma_start3A_450 = tpu.memref_slice %arg3[%dma_start3A_448, %dma_start3A_449] : memref<2000000x64xf32, #tpu.memory_space<hbm>> -> memref<2000000x64xf32, #tpu.memory_space<hbm>>
        tpu.enqueue_indirect_dma source(%dma_start3A_450 : memref<2000000x64xf32, #tpu.memory_space<hbm>>) target(%dma_start3A_446 : memref<104x64xf32, #tpu.memory_space<vmem>>) offsets(%dma_start3A_447 : memref<104xi32, #tpu.memory_space<vmem>>) semaphore(%arg16 : memref<!tpu.dma_semaphore, #tpu.memory_space<semaphore_mem>>)
        %mul3A_451 = arith.constant 200 : i32
        %mul3A_452 = arith.muli %sub3A_434, %mul3A_451 : i32
        %add3A_453 = arith.constant 104 : i32
        %add3A_454 = arith.addi %mul3A_452, %add3A_453 : i32
        %dma_start3A_455 = arith.constant 3 : i32
        %dma_start3A_456 = arith.constant 0 : i32
        %dma_start3A_457 = arith.constant 0 : i32
        %dma_start3A_458 = tpu.memref_slice %arg9[%dma_start3A_455, %dma_start3A_456, %dma_start3A_457] : memref<4x200x64xf32, #tpu.memory_space<vmem>> -> memref<1x200x64xf32, #tpu.memory_space<vmem>>
        %dma_start3A_459 = tpu.memref_squeeze %dma_start3A_458 : memref<1x200x64xf32, #tpu.memory_space<vmem>> -> memref<200x64xf32, #tpu.memory_space<vmem>>
        %dma_start3A_460 = arith.constant 104 : i32
        %dma_start3A_461 = arith.constant 0 : i32
        %dma_start3A_462 = tpu.memref_slice %dma_start3A_459[%dma_start3A_460, %dma_start3A_461] : memref<200x64xf32, #tpu.memory_space<vmem>> -> memref<96x64xf32, #tpu.memory_space<vmem>>
        %dma_start3A_463 = tpu.memref_slice %arg8[%add3A_454] : memref<25600xi32, #tpu.memory_space<vmem>> -> memref<96xi32, #tpu.memory_space<vmem>>
        %dma_start3A_464 = arith.constant 0 : i32
        %dma_start3A_465 = arith.constant 0 : i32
        %dma_start3A_466 = tpu.memref_slice %arg3[%dma_start3A_464, %dma_start3A_465] : memref<2000000x64xf32, #tpu.memory_space<hbm>> -> memref<2000000x64xf32, #tpu.memory_space<hbm>>
        tpu.enqueue_indirect_dma source(%dma_start3A_466 : memref<2000000x64xf32, #tpu.memory_space<hbm>>) target(%dma_start3A_462 : memref<96x64xf32, #tpu.memory_space<vmem>>) offsets(%dma_start3A_463 : memref<96xi32, #tpu.memory_space<vmem>>) semaphore(%arg16 : memref<!tpu.dma_semaphore, #tpu.memory_space<semaphore_mem>>)
      } else {
      }
      %mul3A_252 = arith.constant 4 : i32
      %mul3A_253 = arith.muli %scan3A_198, %mul3A_252 : i32
      %add3A_254 = arith.constant 1 : i32
      %add3A_255 = arith.addi %mul3A_253, %add3A_254 : i32
      %dma_wait3A_256 = arith.constant 1 : i32
      %dma_wait3A_257 = arith.constant 0 : i32
      %dma_wait3A_258 = arith.constant 0 : i32
      %dma_wait3A_259 = tpu.memref_slice %arg9[%dma_wait3A_256, %dma_wait3A_257, %dma_wait3A_258] : memref<4x200x64xf32, #tpu.memory_space<vmem>> -> memref<1x200x64xf32, #tpu.memory_space<vmem>>
      %dma_wait3A_260 = tpu.memref_squeeze %dma_wait3A_259 : memref<1x200x64xf32, #tpu.memory_space<vmem>> -> memref<200x64xf32, #tpu.memory_space<vmem>>
      %dma_wait3A_261 = arith.constant 0 : i32
      %dma_wait3A_262 = arith.constant 0 : i32
      %dma_wait3A_263 = tpu.memref_slice %arg3[%dma_wait3A_261, %dma_wait3A_262] : memref<2000000x64xf32, #tpu.memory_space<hbm>> -> memref<200x64xf32, #tpu.memory_space<hbm>>
      %dma_wait3A_264 = arith.constant 0 : i32
      %dma_wait3A_265 = arith.constant 0 : i32
      %dma_wait3A_266 = tpu.memref_slice %arg9[%dma_wait3A_256, %dma_wait3A_264, %dma_wait3A_265] : memref<4x200x64xf32, #tpu.memory_space<vmem>> -> memref<1x200x64xf32, #tpu.memory_space<vmem>>
      %dma_wait3A_267 = tpu.memref_squeeze %dma_wait3A_266 : memref<1x200x64xf32, #tpu.memory_space<vmem>> -> memref<200x64xf32, #tpu.memory_space<vmem>>
      %dma_wait3A_268 = arith.constant 0 : i32
      %dma_wait3A_269 = arith.constant 0 : i32
      %dma_wait3A_270 = tpu.memref_slice %arg3[%dma_wait3A_268, %dma_wait3A_269] : memref<2000000x64xf32, #tpu.memory_space<hbm>> -> memref<200x64xf32, #tpu.memory_space<hbm>>
      tpu.wait_dma2 semaphore(%arg14 : memref<!tpu.dma_semaphore, #tpu.memory_space<semaphore_mem>>) src(%dma_wait3A_270 : memref<200x64xf32, #tpu.memory_space<hbm>>) dst(%dma_wait3A_267 : memref<200x64xf32, #tpu.memory_space<vmem>>)
      %parallel_loop3A_271 = arith.constant 0 : i32
      %parallel_loop3A_272 = arith.constant 200 : i32
      %parallel_loop3A_273 = arith.constant 1 : i32
      %parallel_loop3A_274 = arith.constant 1 : i32
      scf.for %parallel_loop3A_408 = %parallel_loop3A_271 to %parallel_loop3A_272 step %parallel_loop3A_273  : i32 {
        %parallel_loop3A_409 = arith.constant 0 : i32
        %parallel_loop3A_410 = arith.constant 0 : i32
        %parallel_loop3A_411 = tpu.memref_slice %arg9[%parallel_loop3A_274, %parallel_loop3A_409, %parallel_loop3A_410] : memref<4x200x64xf32, #tpu.memory_space<vmem>> -> memref<1x200x64xf32, #tpu.memory_space<vmem>>
        %parallel_loop3A_412 = tpu.memref_squeeze %parallel_loop3A_411 : memref<1x200x64xf32, #tpu.memory_space<vmem>> -> memref<200x64xf32, #tpu.memory_space<vmem>>
        %parallel_loop3A_413 = arith.index_cast %parallel_loop3A_408 : i32 to index
        %parallel_loop3A_414 = arith.constant 0 : index
        %parallel_loop3A_415 = tpu.vector_load %parallel_loop3A_412[%parallel_loop3A_413, %parallel_loop3A_414] {strides = array<i32>} : memref<200x64xf32, #tpu.memory_space<vmem>>, vector<16xf32>,
        %parallel_loop3A_416 = arith.index_cast %parallel_loop3A_408 : i32 to index
        %parallel_loop3A_417 = arith.constant 0 : index
        %parallel_loop3A_418 = tpu.vector_load %arg10[%parallel_loop3A_416, %parallel_loop3A_417] {strides = array<i32>} : memref<200x64xf32, #tpu.memory_space<vmem>>, vector<16xf32>,
        %parallel_loop3A_419 = arith.addf %parallel_loop3A_415, %parallel_loop3A_418 : vector<16xf32>
        %parallel_loop3A_420 = arith.constant 0 : i32
        %parallel_loop3A_421 = arith.constant 0 : i32
        %parallel_loop3A_422 = tpu.memref_slice %arg9[%parallel_loop3A_274, %parallel_loop3A_420, %parallel_loop3A_421] : memref<4x200x64xf32, #tpu.memory_space<vmem>> -> memref<1x200x64xf32, #tpu.memory_space<vmem>>
        %parallel_loop3A_423 = tpu.memref_squeeze %parallel_loop3A_422 : memref<1x200x64xf32, #tpu.memory_space<vmem>> -> memref<200x64xf32, #tpu.memory_space<vmem>>
        %parallel_loop3A_424 = arith.index_cast %parallel_loop3A_408 : i32 to index
        %parallel_loop3A_425 = arith.constant 16 : index
        %parallel_loop3A_426 = tpu.vector_load %parallel_loop3A_423[%parallel_loop3A_424, %parallel_loop3A_425] {strides = array<i32>} : memref<200x64xf32, #tpu.memory_space<vmem>>, vector<16xf32>,
        %parallel_loop3A_427 = arith.index_cast %parallel_loop3A_408 : i32 to index
        %parallel_loop3A_428 = arith.constant 16 : index
        %parallel_loop3A_429 = tpu.vector_load %arg10[%parallel_loop3A_427, %parallel_loop3A_428] {strides = array<i32>} : memref<200x64xf32, #tpu.memory_space<vmem>>, vector<16xf32>,
        %parallel_loop3A_430 = arith.addf %parallel_loop3A_426, %parallel_loop3A_429 : vector<16xf32>
        %parallel_loop3A_431 = arith.constant 0 : i32
        %parallel_loop3A_432 = arith.constant 0 : i32
        %parallel_loop3A_433 = tpu.memref_slice %arg9[%parallel_loop3A_274, %parallel_loop3A_431, %parallel_loop3A_432] : memref<4x200x64xf32, #tpu.memory_space<vmem>> -> memref<1x200x64xf32, #tpu.memory_space<vmem>>
        %parallel_loop3A_434 = tpu.memref_squeeze %parallel_loop3A_433 : memref<1x200x64xf32, #tpu.memory_space<vmem>> -> memref<200x64xf32, #tpu.memory_space<vmem>>
        %parallel_loop3A_435 = arith.index_cast %parallel_loop3A_408 : i32 to index
        %parallel_loop3A_436 = arith.constant 32 : index
        %parallel_loop3A_437 = tpu.vector_load %parallel_loop3A_434[%parallel_loop3A_435, %parallel_loop3A_436] {strides = array<i32>} : memref<200x64xf32, #tpu.memory_space<vmem>>, vector<16xf32>,
        %parallel_loop3A_438 = arith.index_cast %parallel_loop3A_408 : i32 to index
        %parallel_loop3A_439 = arith.constant 32 : index
        %parallel_loop3A_440 = tpu.vector_load %arg10[%parallel_loop3A_438, %parallel_loop3A_439] {strides = array<i32>} : memref<200x64xf32, #tpu.memory_space<vmem>>, vector<16xf32>,
        %parallel_loop3A_441 = arith.addf %parallel_loop3A_437, %parallel_loop3A_440 : vector<16xf32>
        %parallel_loop3A_442 = arith.constant 0 : i32
        %parallel_loop3A_443 = arith.constant 0 : i32
        %parallel_loop3A_444 = tpu.memref_slice %arg9[%parallel_loop3A_274, %parallel_loop3A_442, %parallel_loop3A_443] : memref<4x200x64xf32, #tpu.memory_space<vmem>> -> memref<1x200x64xf32, #tpu.memory_space<vmem>>
        %parallel_loop3A_445 = tpu.memref_squeeze %parallel_loop3A_444 : memref<1x200x64xf32, #tpu.memory_space<vmem>> -> memref<200x64xf32, #tpu.memory_space<vmem>>
        %parallel_loop3A_446 = arith.index_cast %parallel_loop3A_408 : i32 to index
        %parallel_loop3A_447 = arith.constant 48 : index
        %parallel_loop3A_448 = tpu.vector_load %parallel_loop3A_445[%parallel_loop3A_446, %parallel_loop3A_447] {strides = array<i32>} : memref<200x64xf32, #tpu.memory_space<vmem>>, vector<16xf32>,
        %parallel_loop3A_449 = arith.index_cast %parallel_loop3A_408 : i32 to index
        %parallel_loop3A_450 = arith.constant 48 : index
        %parallel_loop3A_451 = tpu.vector_load %arg10[%parallel_loop3A_449, %parallel_loop3A_450] {strides = array<i32>} : memref<200x64xf32, #tpu.memory_space<vmem>>, vector<16xf32>,
        %parallel_loop3A_452 = arith.addf %parallel_loop3A_448, %parallel_loop3A_451 : vector<16xf32>
        %parallel_loop3A_453 = arith.addf %parallel_loop3A_419, %parallel_loop3A_430 : vector<16xf32>
        %parallel_loop3A_454 = arith.addf %parallel_loop3A_441, %parallel_loop3A_452 : vector<16xf32>
        %parallel_loop3A_455 = arith.addf %parallel_loop3A_453, %parallel_loop3A_454 : vector<16xf32>
        %parallel_loop3A_456 = arith.mulf %parallel_loop3A_419, %parallel_loop3A_419 : vector<16xf32>
        %parallel_loop3A_457 = arith.mulf %parallel_loop3A_430, %parallel_loop3A_430 : vector<16xf32>
        %parallel_loop3A_458 = arith.addf %parallel_loop3A_456, %parallel_loop3A_457 : vector<16xf32>
        %parallel_loop3A_459 = arith.mulf %parallel_loop3A_441, %parallel_loop3A_441 : vector<16xf32>
        %parallel_loop3A_460 = arith.mulf %parallel_loop3A_452, %parallel_loop3A_452 : vector<16xf32>
        %parallel_loop3A_461 = arith.addf %parallel_loop3A_459, %parallel_loop3A_460 : vector<16xf32>
        %parallel_loop3A_462 = arith.addf %parallel_loop3A_458, %parallel_loop3A_461 : vector<16xf32>
        %parallel_loop3A_463 = arith.constant true
        %parallel_loop3A_464 = vector.broadcast %parallel_loop3A_463 : i1 to vector<16xi1>
        %parallel_loop3A_465 = tpu.scan <sum>, %parallel_loop3A_455 masked %parallel_loop3A_464 : vector<16xf32>, vector<16xi1> -> vector<16xf32>
        %parallel_loop3A_466 = vector.extract %parallel_loop3A_465[15] : f32 from vector<16xf32>
        %parallel_loop3A_467 = arith.constant 1.562500e-02 : f32
        %parallel_loop3A_468 = arith.mulf %parallel_loop3A_466, %parallel_loop3A_467 : f32
        %parallel_loop3A_469 = arith.constant true
        %parallel_loop3A_470 = vector.broadcast %parallel_loop3A_469 : i1 to vector<16xi1>
        %parallel_loop3A_471 = tpu.scan <sum>, %parallel_loop3A_462 masked %parallel_loop3A_470 : vector<16xf32>, vector<16xi1> -> vector<16xf32>
        %parallel_loop3A_472 = vector.extract %parallel_loop3A_471[15] : f32 from vector<16xf32>
        %parallel_loop3A_473 = arith.constant 1.562500e-02 : f32
        %parallel_loop3A_474 = arith.mulf %parallel_loop3A_472, %parallel_loop3A_473 : f32
        %parallel_loop3A_475 = arith.mulf %parallel_loop3A_468, %parallel_loop3A_468 : f32
        %parallel_loop3A_476 = arith.subf %parallel_loop3A_474, %parallel_loop3A_475 : f32
        %parallel_loop3A_477 = arith.constant 9.99999974E-6 : f32
        %parallel_loop3A_478 = arith.addf %parallel_loop3A_476, %parallel_loop3A_477 : f32
        %parallel_loop3A_479 = arith.bitcast %parallel_loop3A_478 : f32 to i32
        %parallel_loop3A_480 = arith.constant 1 : i32
        %parallel_loop3A_481 = arith.shrsi %parallel_loop3A_479, %parallel_loop3A_480 : i32
        %parallel_loop3A_482 = arith.constant 1597463007 : i32
        %parallel_loop3A_483 = arith.subi %parallel_loop3A_482, %parallel_loop3A_481 : i32
        %parallel_loop3A_484 = arith.bitcast %parallel_loop3A_483 : i32 to f32
        %parallel_loop3A_485 = arith.constant 5.000000e-01 : f32
        %parallel_loop3A_486 = arith.mulf %parallel_loop3A_485, %parallel_loop3A_478 : f32
        %parallel_loop3A_487 = arith.mulf %parallel_loop3A_486, %parallel_loop3A_484 : f32
        %parallel_loop3A_488 = arith.mulf %parallel_loop3A_487, %parallel_loop3A_484 : f32
        %parallel_loop3A_489 = arith.constant 1.500000e+00 : f32
        %parallel_loop3A_490 = arith.subf %parallel_loop3A_489, %parallel_loop3A_488 : f32
        %parallel_loop3A_491 = arith.mulf %parallel_loop3A_484, %parallel_loop3A_490 : f32
        %parallel_loop3A_492 = arith.constant 5.000000e-01 : f32
        %parallel_loop3A_493 = arith.mulf %parallel_loop3A_492, %parallel_loop3A_478 : f32
        %parallel_loop3A_494 = arith.mulf %parallel_loop3A_493, %parallel_loop3A_491 : f32
        %parallel_loop3A_495 = arith.mulf %parallel_loop3A_494, %parallel_loop3A_491 : f32
        %parallel_loop3A_496 = arith.constant 1.500000e+00 : f32
        %parallel_loop3A_497 = arith.subf %parallel_loop3A_496, %parallel_loop3A_495 : f32
        %parallel_loop3A_498 = arith.mulf %parallel_loop3A_491, %parallel_loop3A_497 : f32
        %parallel_loop3A_499 = arith.constant 5.000000e-01 : f32
        %parallel_loop3A_500 = arith.mulf %parallel_loop3A_499, %parallel_loop3A_478 : f32
        %parallel_loop3A_501 = arith.mulf %parallel_loop3A_500, %parallel_loop3A_498 : f32
        %parallel_loop3A_502 = arith.mulf %parallel_loop3A_501, %parallel_loop3A_498 : f32
        %parallel_loop3A_503 = arith.constant 1.500000e+00 : f32
        %parallel_loop3A_504 = arith.subf %parallel_loop3A_503, %parallel_loop3A_502 : f32
        %parallel_loop3A_505 = arith.mulf %parallel_loop3A_498, %parallel_loop3A_504 : f32
        %parallel_loop3A_506 = vector.broadcast %parallel_loop3A_468 : f32 to vector<16xf32>
        %parallel_loop3A_507 = arith.subf %parallel_loop3A_419, %parallel_loop3A_506 : vector<16xf32>
        %parallel_loop3A_508 = vector.broadcast %parallel_loop3A_505 : f32 to vector<16xf32>
        %parallel_loop3A_509 = arith.mulf %parallel_loop3A_507, %parallel_loop3A_508 : vector<16xf32>
        %parallel_loop3A_510 = arith.mulf %parallel_loop3A_509, %get3A_5 : vector<16xf32>
        %parallel_loop3A_511 = arith.addf %parallel_loop3A_510, %get3A_13 : vector<16xf32>
        %parallel_loop3A_512 = arith.constant 0 : i32
        %parallel_loop3A_513 = arith.constant 0 : i32
        %parallel_loop3A_514 = tpu.memref_slice %arg9[%parallel_loop3A_274, %parallel_loop3A_512, %parallel_loop3A_513] : memref<4x200x64xf32, #tpu.memory_space<vmem>> -> memref<1x200x64xf32, #tpu.memory_space<vmem>>
        %parallel_loop3A_515 = tpu.memref_squeeze %parallel_loop3A_514 : memref<1x200x64xf32, #tpu.memory_space<vmem>> -> memref<200x64xf32, #tpu.memory_space<vmem>>
        %parallel_loop3A_516 = arith.index_cast %parallel_loop3A_408 : i32 to index
        %parallel_loop3A_517 = arith.constant 0 : index
        %parallel_loop3A_518 = tpu.vector_load %parallel_loop3A_515[%parallel_loop3A_516, %parallel_loop3A_517] {strides = array<i32>} : memref<200x64xf32, #tpu.memory_space<vmem>>, vector<16xf32>,
        tpu.vector_store %parallel_loop3A_515[%parallel_loop3A_516, %parallel_loop3A_517], %parallel_loop3A_511 {strides = array<i32>} : memref<200x64xf32, #tpu.memory_space<vmem>>, vector<16xf32>,
        %parallel_loop3A_519 = vector.broadcast %parallel_loop3A_468 : f32 to vector<16xf32>
        %parallel_loop3A_520 = arith.subf %parallel_loop3A_430, %parallel_loop3A_519 : vector<16xf32>
        %parallel_loop3A_521 = vector.broadcast %parallel_loop3A_505 : f32 to vector<16xf32>
        %parallel_loop3A_522 = arith.mulf %parallel_loop3A_520, %parallel_loop3A_521 : vector<16xf32>
        %parallel_loop3A_523 = arith.mulf %parallel_loop3A_522, %get3A_7 : vector<16xf32>
        %parallel_loop3A_524 = arith.addf %parallel_loop3A_523, %get3A_15 : vector<16xf32>
        %parallel_loop3A_525 = arith.constant 0 : i32
        %parallel_loop3A_526 = arith.constant 0 : i32
        %parallel_loop3A_527 = tpu.memref_slice %arg9[%parallel_loop3A_274, %parallel_loop3A_525, %parallel_loop3A_526] : memref<4x200x64xf32, #tpu.memory_space<vmem>> -> memref<1x200x64xf32, #tpu.memory_space<vmem>>
        %parallel_loop3A_528 = tpu.memref_squeeze %parallel_loop3A_527 : memref<1x200x64xf32, #tpu.memory_space<vmem>> -> memref<200x64xf32, #tpu.memory_space<vmem>>
        %parallel_loop3A_529 = arith.index_cast %parallel_loop3A_408 : i32 to index
        %parallel_loop3A_530 = arith.constant 16 : index
        %parallel_loop3A_531 = tpu.vector_load %parallel_loop3A_528[%parallel_loop3A_529, %parallel_loop3A_530] {strides = array<i32>} : memref<200x64xf32, #tpu.memory_space<vmem>>, vector<16xf32>,
        tpu.vector_store %parallel_loop3A_528[%parallel_loop3A_529, %parallel_loop3A_530], %parallel_loop3A_524 {strides = array<i32>} : memref<200x64xf32, #tpu.memory_space<vmem>>, vector<16xf32>,
        %parallel_loop3A_532 = vector.broadcast %parallel_loop3A_468 : f32 to vector<16xf32>
        %parallel_loop3A_533 = arith.subf %parallel_loop3A_441, %parallel_loop3A_532 : vector<16xf32>
        %parallel_loop3A_534 = vector.broadcast %parallel_loop3A_505 : f32 to vector<16xf32>
        %parallel_loop3A_535 = arith.mulf %parallel_loop3A_533, %parallel_loop3A_534 : vector<16xf32>
        %parallel_loop3A_536 = arith.mulf %parallel_loop3A_535, %get3A_9 : vector<16xf32>
        %parallel_loop3A_537 = arith.addf %parallel_loop3A_536, %get3A_17 : vector<16xf32>
        %parallel_loop3A_538 = arith.constant 0 : i32
        %parallel_loop3A_539 = arith.constant 0 : i32
        %parallel_loop3A_540 = tpu.memref_slice %arg9[%parallel_loop3A_274, %parallel_loop3A_538, %parallel_loop3A_539] : memref<4x200x64xf32, #tpu.memory_space<vmem>> -> memref<1x200x64xf32, #tpu.memory_space<vmem>>
        %parallel_loop3A_541 = tpu.memref_squeeze %parallel_loop3A_540 : memref<1x200x64xf32, #tpu.memory_space<vmem>> -> memref<200x64xf32, #tpu.memory_space<vmem>>
        %parallel_loop3A_542 = arith.index_cast %parallel_loop3A_408 : i32 to index
        %parallel_loop3A_543 = arith.constant 32 : index
        %parallel_loop3A_544 = tpu.vector_load %parallel_loop3A_541[%parallel_loop3A_542, %parallel_loop3A_543] {strides = array<i32>} : memref<200x64xf32, #tpu.memory_space<vmem>>, vector<16xf32>,
        tpu.vector_store %parallel_loop3A_541[%parallel_loop3A_542, %parallel_loop3A_543], %parallel_loop3A_537 {strides = array<i32>} : memref<200x64xf32, #tpu.memory_space<vmem>>, vector<16xf32>,
        %parallel_loop3A_545 = vector.broadcast %parallel_loop3A_468 : f32 to vector<16xf32>
        %parallel_loop3A_546 = arith.subf %parallel_loop3A_452, %parallel_loop3A_545 : vector<16xf32>
        %parallel_loop3A_547 = vector.broadcast %parallel_loop3A_505 : f32 to vector<16xf32>
        %parallel_loop3A_548 = arith.mulf %parallel_loop3A_546, %parallel_loop3A_547 : vector<16xf32>
        %parallel_loop3A_549 = arith.mulf %parallel_loop3A_548, %get3A_11 : vector<16xf32>
        %parallel_loop3A_550 = arith.addf %parallel_loop3A_549, %get3A_19 : vector<16xf32>
        %parallel_loop3A_551 = arith.constant 0 : i32
        %parallel_loop3A_552 = arith.constant 0 : i32
        %parallel_loop3A_553 = tpu.memref_slice %arg9[%parallel_loop3A_274, %parallel_loop3A_551, %parallel_loop3A_552] : memref<4x200x64xf32, #tpu.memory_space<vmem>> -> memref<1x200x64xf32, #tpu.memory_space<vmem>>
        %parallel_loop3A_554 = tpu.memref_squeeze %parallel_loop3A_553 : memref<1x200x64xf32, #tpu.memory_space<vmem>> -> memref<200x64xf32, #tpu.memory_space<vmem>>
        %parallel_loop3A_555 = arith.index_cast %parallel_loop3A_408 : i32 to index
        %parallel_loop3A_556 = arith.constant 48 : index
        %parallel_loop3A_557 = tpu.vector_load %parallel_loop3A_554[%parallel_loop3A_555, %parallel_loop3A_556] {strides = array<i32>} : memref<200x64xf32, #tpu.memory_space<vmem>>, vector<16xf32>,
        tpu.vector_store %parallel_loop3A_554[%parallel_loop3A_555, %parallel_loop3A_556], %parallel_loop3A_550 {strides = array<i32>} : memref<200x64xf32, #tpu.memory_space<vmem>>, vector<16xf32>,
      } {sc.loop_unroll_factor = 4 : i64, sc.parallel_access}
      %add3A_275 = arith.addi %mul3A_4, %add3A_255 : i32
      %dma_start3A_276 = arith.constant 1 : i32
      %dma_start3A_277 = arith.constant 0 : i32
      %dma_start3A_278 = arith.constant 0 : i32
      %dma_start3A_279 = tpu.memref_slice %arg9[%dma_start3A_276, %dma_start3A_277, %dma_start3A_278] : memref<4x200x64xf32, #tpu.memory_space<vmem>> -> memref<1x200x64xf32, #tpu.memory_space<vmem>>
      %dma_start3A_280 = tpu.memref_squeeze %dma_start3A_279 : memref<1x200x64xf32, #tpu.memory_space<vmem>> -> memref<200x64xf32, #tpu.memory_space<vmem>>
      %dma_start3A_281 = arith.constant 0 : i32
      %dma_start3A_282 = arith.constant 0 : i32
      %dma_start3A_283 = tpu.memref_slice %arg7[%add3A_275, %dma_start3A_281, %dma_start3A_282] : memref<4096x200x128xf32, #tpu.memory_space<hbm>> -> memref<1x200x128xf32, #tpu.memory_space<hbm>>
      %dma_start3A_284 = tpu.memref_squeeze %dma_start3A_283 : memref<1x200x128xf32, #tpu.memory_space<hbm>> -> memref<200x128xf32, #tpu.memory_space<hbm>>
      %dma_start3A_285 = arith.constant 0 : i32
      %dma_start3A_286 = arith.constant 0 : i32
      %dma_start3A_287 = tpu.memref_slice %dma_start3A_284[%dma_start3A_285, %dma_start3A_286] : memref<200x128xf32, #tpu.memory_space<hbm>> -> memref<200x64xf32, #tpu.memory_space<hbm>>
      %dma_start3A_288 = arith.constant 0 : i32
      %dma_start3A_289 = arith.constant 0 : i32
      %dma_start3A_290 = tpu.memref_slice %arg7[%add3A_275, %dma_start3A_288, %dma_start3A_289] : memref<4096x200x128xf32, #tpu.memory_space<hbm>> -> memref<1x200x128xf32, #tpu.memory_space<hbm>>
      %dma_start3A_291 = tpu.memref_squeeze %dma_start3A_290 : memref<1x200x128xf32, #tpu.memory_space<hbm>> -> memref<200x128xf32, #tpu.memory_space<hbm>>
      %dma_start3A_292 = arith.constant 0 : i32
      %dma_start3A_293 = arith.constant 0 : i32
      %dma_start3A_294 = tpu.memref_slice %dma_start3A_291[%dma_start3A_292, %dma_start3A_293] : memref<200x128xf32, #tpu.memory_space<hbm>> -> memref<200x64xf32, #tpu.memory_space<hbm>>
      %dma_start3A_295 = arith.constant 0 : i32
      %dma_start3A_296 = arith.constant 0 : i32
      %dma_start3A_297 = tpu.memref_slice %arg9[%dma_start3A_276, %dma_start3A_295, %dma_start3A_296] : memref<4x200x64xf32, #tpu.memory_space<vmem>> -> memref<1x200x64xf32, #tpu.memory_space<vmem>>
      %dma_start3A_298 = tpu.memref_squeeze %dma_start3A_297 : memref<1x200x64xf32, #tpu.memory_space<vmem>> -> memref<200x64xf32, #tpu.memory_space<vmem>>
      tpu.enqueue_dma source(%dma_start3A_298 : memref<200x64xf32, #tpu.memory_space<vmem>>) target(%dma_start3A_294 : memref<200x64xf32, #tpu.memory_space<hbm>>) target_semaphore(%arg18 : memref<!tpu.dma_semaphore, #tpu.memory_space<semaphore_mem>>)
      %lt3A = arith.constant 31 : i32
      %lt3A_299 = arith.cmpi slt, %scan3A_198, %lt3A : i32
      %convert_element_type3A_300 = arith.extui %lt3A_299 : i1 to i32
      %cond3A_301 = arith.constant 0 : i32
      %cond3A_302 = arith.cmpi ne, %convert_element_type3A_300, %cond3A_301 : i32
      scf.if %cond3A_302 {
        %dma_wait3A_408 = arith.constant 0 : i32
        %dma_wait3A_409 = arith.constant 0 : i32
        %dma_wait3A_410 = arith.constant 0 : i32
        %dma_wait3A_411 = arith.constant 0 : i32
        %dma_wait3A_412 = tpu.memref_slice %arg9[%dma_wait3A_408, %dma_wait3A_410, %dma_wait3A_411] : memref<4x200x64xf32, #tpu.memory_space<vmem>> -> memref<1x200x64xf32, #tpu.memory_space<vmem>>
        %dma_wait3A_413 = tpu.memref_squeeze %dma_wait3A_412 : memref<1x200x64xf32, #tpu.memory_space<vmem>> -> memref<200x64xf32, #tpu.memory_space<vmem>>
        %dma_wait3A_414 = arith.constant 0 : i32
        %dma_wait3A_415 = arith.constant 0 : i32
        %dma_wait3A_416 = tpu.memref_slice %arg7[%dma_wait3A_409, %dma_wait3A_414, %dma_wait3A_415] : memref<4096x200x128xf32, #tpu.memory_space<hbm>> -> memref<1x200x128xf32, #tpu.memory_space<hbm>>
        %dma_wait3A_417 = tpu.memref_squeeze %dma_wait3A_416 : memref<1x200x128xf32, #tpu.memory_space<hbm>> -> memref<200x128xf32, #tpu.memory_space<hbm>>
        %dma_wait3A_418 = arith.constant 0 : i32
        %dma_wait3A_419 = arith.constant 0 : i32
        %dma_wait3A_420 = tpu.memref_slice %dma_wait3A_417[%dma_wait3A_418, %dma_wait3A_419] : memref<200x128xf32, #tpu.memory_space<hbm>> -> memref<200x64xf32, #tpu.memory_space<hbm>>
        %dma_wait3A_421 = arith.constant 0 : i32
        %dma_wait3A_422 = arith.constant 0 : i32
        %dma_wait3A_423 = tpu.memref_slice %arg7[%dma_wait3A_409, %dma_wait3A_421, %dma_wait3A_422] : memref<4096x200x128xf32, #tpu.memory_space<hbm>> -> memref<1x200x128xf32, #tpu.memory_space<hbm>>
        %dma_wait3A_424 = tpu.memref_squeeze %dma_wait3A_423 : memref<1x200x128xf32, #tpu.memory_space<hbm>> -> memref<200x128xf32, #tpu.memory_space<hbm>>
        %dma_wait3A_425 = arith.constant 0 : i32
        %dma_wait3A_426 = arith.constant 0 : i32
        %dma_wait3A_427 = tpu.memref_slice %dma_wait3A_424[%dma_wait3A_425, %dma_wait3A_426] : memref<200x128xf32, #tpu.memory_space<hbm>> -> memref<200x64xf32, #tpu.memory_space<hbm>>
        %dma_wait3A_428 = arith.constant 0 : i32
        %dma_wait3A_429 = arith.constant 0 : i32
        %dma_wait3A_430 = tpu.memref_slice %arg9[%dma_wait3A_408, %dma_wait3A_428, %dma_wait3A_429] : memref<4x200x64xf32, #tpu.memory_space<vmem>> -> memref<1x200x64xf32, #tpu.memory_space<vmem>>
        %dma_wait3A_431 = tpu.memref_squeeze %dma_wait3A_430 : memref<1x200x64xf32, #tpu.memory_space<vmem>> -> memref<200x64xf32, #tpu.memory_space<vmem>>
        tpu.wait_dma2 semaphore(%arg17 : memref<!tpu.dma_semaphore, #tpu.memory_space<semaphore_mem>>) src(%dma_wait3A_431 : memref<200x64xf32, #tpu.memory_space<vmem>>) dst(%dma_wait3A_427 : memref<200x64xf32, #tpu.memory_space<hbm>>)
        %add3A_432 = arith.constant 4 : i32
        %add3A_433 = arith.addi %add3A_255, %add3A_432 : i32
        %sub3A = arith.constant 1 : i32
        %sub3A_434 = arith.subi %add3A_433, %sub3A : i32
        %mul3A_435 = arith.constant 200 : i32
        %mul3A_436 = arith.muli %sub3A_434, %mul3A_435 : i32
        %add3A_437 = arith.constant 0 : i32
        %add3A_438 = arith.addi %mul3A_436, %add3A_437 : i32
        %dma_start3A_439 = arith.constant 0 : i32
        %dma_start3A_440 = arith.constant 0 : i32
        %dma_start3A_441 = arith.constant 0 : i32
        %dma_start3A_442 = tpu.memref_slice %arg9[%dma_start3A_439, %dma_start3A_440, %dma_start3A_441] : memref<4x200x64xf32, #tpu.memory_space<vmem>> -> memref<1x200x64xf32, #tpu.memory_space<vmem>>
        %dma_start3A_443 = tpu.memref_squeeze %dma_start3A_442 : memref<1x200x64xf32, #tpu.memory_space<vmem>> -> memref<200x64xf32, #tpu.memory_space<vmem>>
        %dma_start3A_444 = arith.constant 0 : i32
        %dma_start3A_445 = arith.constant 0 : i32
        %dma_start3A_446 = tpu.memref_slice %dma_start3A_443[%dma_start3A_444, %dma_start3A_445] : memref<200x64xf32, #tpu.memory_space<vmem>> -> memref<104x64xf32, #tpu.memory_space<vmem>>
        %dma_start3A_447 = tpu.memref_slice %arg8[%add3A_438] : memref<25600xi32, #tpu.memory_space<vmem>> -> memref<104xi32, #tpu.memory_space<vmem>>
        %dma_start3A_448 = arith.constant 0 : i32
        %dma_start3A_449 = arith.constant 0 : i32
        %dma_start3A_450 = tpu.memref_slice %arg3[%dma_start3A_448, %dma_start3A_449] : memref<2000000x64xf32, #tpu.memory_space<hbm>> -> memref<2000000x64xf32, #tpu.memory_space<hbm>>
        tpu.enqueue_indirect_dma source(%dma_start3A_450 : memref<2000000x64xf32, #tpu.memory_space<hbm>>) target(%dma_start3A_446 : memref<104x64xf32, #tpu.memory_space<vmem>>) offsets(%dma_start3A_447 : memref<104xi32, #tpu.memory_space<vmem>>) semaphore(%arg13 : memref<!tpu.dma_semaphore, #tpu.memory_space<semaphore_mem>>)
        %mul3A_451 = arith.constant 200 : i32
        %mul3A_452 = arith.muli %sub3A_434, %mul3A_451 : i32
        %add3A_453 = arith.constant 104 : i32
        %add3A_454 = arith.addi %mul3A_452, %add3A_453 : i32
        %dma_start3A_455 = arith.constant 0 : i32
        %dma_start3A_456 = arith.constant 0 : i32
        %dma_start3A_457 = arith.constant 0 : i32
        %dma_start3A_458 = tpu.memref_slice %arg9[%dma_start3A_455, %dma_start3A_456, %dma_start3A_457] : memref<4x200x64xf32, #tpu.memory_space<vmem>> -> memref<1x200x64xf32, #tpu.memory_space<vmem>>
        %dma_start3A_459 = tpu.memref_squeeze %dma_start3A_458 : memref<1x200x64xf32, #tpu.memory_space<vmem>> -> memref<200x64xf32, #tpu.memory_space<vmem>>
        %dma_start3A_460 = arith.constant 104 : i32
        %dma_start3A_461 = arith.constant 0 : i32
        %dma_start3A_462 = tpu.memref_slice %dma_start3A_459[%dma_start3A_460, %dma_start3A_461] : memref<200x64xf32, #tpu.memory_space<vmem>> -> memref<96x64xf32, #tpu.memory_space<vmem>>
        %dma_start3A_463 = tpu.memref_slice %arg8[%add3A_454] : memref<25600xi32, #tpu.memory_space<vmem>> -> memref<96xi32, #tpu.memory_space<vmem>>
        %dma_start3A_464 = arith.constant 0 : i32
        %dma_start3A_465 = arith.constant 0 : i32
        %dma_start3A_466 = tpu.memref_slice %arg3[%dma_start3A_464, %dma_start3A_465] : memref<2000000x64xf32, #tpu.memory_space<hbm>> -> memref<2000000x64xf32, #tpu.memory_space<hbm>>
        tpu.enqueue_indirect_dma source(%dma_start3A_466 : memref<2000000x64xf32, #tpu.memory_space<hbm>>) target(%dma_start3A_462 : memref<96x64xf32, #tpu.memory_space<vmem>>) offsets(%dma_start3A_463 : memref<96xi32, #tpu.memory_space<vmem>>) semaphore(%arg13 : memref<!tpu.dma_semaphore, #tpu.memory_space<semaphore_mem>>)
      } else {
      }
      %mul3A_303 = arith.constant 4 : i32
      %mul3A_304 = arith.muli %scan3A_198, %mul3A_303 : i32
      %add3A_305 = arith.constant 2 : i32
      %add3A_306 = arith.addi %mul3A_304, %add3A_305 : i32
      %dma_wait3A_307 = arith.constant 2 : i32
      %dma_wait3A_308 = arith.constant 0 : i32
      %dma_wait3A_309 = arith.constant 0 : i32
      %dma_wait3A_310 = tpu.memref_slice %arg9[%dma_wait3A_307, %dma_wait3A_308, %dma_wait3A_309] : memref<4x200x64xf32, #tpu.memory_space<vmem>> -> memref<1x200x64xf32, #tpu.memory_space<vmem>>
      %dma_wait3A_311 = tpu.memref_squeeze %dma_wait3A_310 : memref<1x200x64xf32, #tpu.memory_space<vmem>> -> memref<200x64xf32, #tpu.memory_space<vmem>>
      %dma_wait3A_312 = arith.constant 0 : i32
      %dma_wait3A_313 = arith.constant 0 : i32
      %dma_wait3A_314 = tpu.memref_slice %arg3[%dma_wait3A_312, %dma_wait3A_313] : memref<2000000x64xf32, #tpu.memory_space<hbm>> -> memref<200x64xf32, #tpu.memory_space<hbm>>
      %dma_wait3A_315 = arith.constant 0 : i32
      %dma_wait3A_316 = arith.constant 0 : i32
      %dma_wait3A_317 = tpu.memref_slice %arg9[%dma_wait3A_307, %dma_wait3A_315, %dma_wait3A_316] : memref<4x200x64xf32, #tpu.memory_space<vmem>> -> memref<1x200x64xf32, #tpu.memory_space<vmem>>
      %dma_wait3A_318 = tpu.memref_squeeze %dma_wait3A_317 : memref<1x200x64xf32, #tpu.memory_space<vmem>> -> memref<200x64xf32, #tpu.memory_space<vmem>>
      %dma_wait3A_319 = arith.constant 0 : i32
      %dma_wait3A_320 = arith.constant 0 : i32
      %dma_wait3A_321 = tpu.memref_slice %arg3[%dma_wait3A_319, %dma_wait3A_320] : memref<2000000x64xf32, #tpu.memory_space<hbm>> -> memref<200x64xf32, #tpu.memory_space<hbm>>
      tpu.wait_dma2 semaphore(%arg15 : memref<!tpu.dma_semaphore, #tpu.memory_space<semaphore_mem>>) src(%dma_wait3A_321 : memref<200x64xf32, #tpu.memory_space<hbm>>) dst(%dma_wait3A_318 : memref<200x64xf32, #tpu.memory_space<vmem>>)
      %parallel_loop3A_322 = arith.constant 0 : i32
      %parallel_loop3A_323 = arith.constant 200 : i32
      %parallel_loop3A_324 = arith.constant 1 : i32
      %parallel_loop3A_325 = arith.constant 2 : i32
      scf.for %parallel_loop3A_408 = %parallel_loop3A_322 to %parallel_loop3A_323 step %parallel_loop3A_324  : i32 {
        %parallel_loop3A_409 = arith.constant 0 : i32
        %parallel_loop3A_410 = arith.constant 0 : i32
        %parallel_loop3A_411 = tpu.memref_slice %arg9[%parallel_loop3A_325, %parallel_loop3A_409, %parallel_loop3A_410] : memref<4x200x64xf32, #tpu.memory_space<vmem>> -> memref<1x200x64xf32, #tpu.memory_space<vmem>>
        %parallel_loop3A_412 = tpu.memref_squeeze %parallel_loop3A_411 : memref<1x200x64xf32, #tpu.memory_space<vmem>> -> memref<200x64xf32, #tpu.memory_space<vmem>>
        %parallel_loop3A_413 = arith.index_cast %parallel_loop3A_408 : i32 to index
        %parallel_loop3A_414 = arith.constant 0 : index
        %parallel_loop3A_415 = tpu.vector_load %parallel_loop3A_412[%parallel_loop3A_413, %parallel_loop3A_414] {strides = array<i32>} : memref<200x64xf32, #tpu.memory_space<vmem>>, vector<16xf32>,
        %parallel_loop3A_416 = arith.index_cast %parallel_loop3A_408 : i32 to index
        %parallel_loop3A_417 = arith.constant 0 : index
        %parallel_loop3A_418 = tpu.vector_load %arg10[%parallel_loop3A_416, %parallel_loop3A_417] {strides = array<i32>} : memref<200x64xf32, #tpu.memory_space<vmem>>, vector<16xf32>,
        %parallel_loop3A_419 = arith.addf %parallel_loop3A_415, %parallel_loop3A_418 : vector<16xf32>
        %parallel_loop3A_420 = arith.constant 0 : i32
        %parallel_loop3A_421 = arith.constant 0 : i32
        %parallel_loop3A_422 = tpu.memref_slice %arg9[%parallel_loop3A_325, %parallel_loop3A_420, %parallel_loop3A_421] : memref<4x200x64xf32, #tpu.memory_space<vmem>> -> memref<1x200x64xf32, #tpu.memory_space<vmem>>
        %parallel_loop3A_423 = tpu.memref_squeeze %parallel_loop3A_422 : memref<1x200x64xf32, #tpu.memory_space<vmem>> -> memref<200x64xf32, #tpu.memory_space<vmem>>
        %parallel_loop3A_424 = arith.index_cast %parallel_loop3A_408 : i32 to index
        %parallel_loop3A_425 = arith.constant 16 : index
        %parallel_loop3A_426 = tpu.vector_load %parallel_loop3A_423[%parallel_loop3A_424, %parallel_loop3A_425] {strides = array<i32>} : memref<200x64xf32, #tpu.memory_space<vmem>>, vector<16xf32>,
        %parallel_loop3A_427 = arith.index_cast %parallel_loop3A_408 : i32 to index
        %parallel_loop3A_428 = arith.constant 16 : index
        %parallel_loop3A_429 = tpu.vector_load %arg10[%parallel_loop3A_427, %parallel_loop3A_428] {strides = array<i32>} : memref<200x64xf32, #tpu.memory_space<vmem>>, vector<16xf32>,
        %parallel_loop3A_430 = arith.addf %parallel_loop3A_426, %parallel_loop3A_429 : vector<16xf32>
        %parallel_loop3A_431 = arith.constant 0 : i32
        %parallel_loop3A_432 = arith.constant 0 : i32
        %parallel_loop3A_433 = tpu.memref_slice %arg9[%parallel_loop3A_325, %parallel_loop3A_431, %parallel_loop3A_432] : memref<4x200x64xf32, #tpu.memory_space<vmem>> -> memref<1x200x64xf32, #tpu.memory_space<vmem>>
        %parallel_loop3A_434 = tpu.memref_squeeze %parallel_loop3A_433 : memref<1x200x64xf32, #tpu.memory_space<vmem>> -> memref<200x64xf32, #tpu.memory_space<vmem>>
        %parallel_loop3A_435 = arith.index_cast %parallel_loop3A_408 : i32 to index
        %parallel_loop3A_436 = arith.constant 32 : index
        %parallel_loop3A_437 = tpu.vector_load %parallel_loop3A_434[%parallel_loop3A_435, %parallel_loop3A_436] {strides = array<i32>} : memref<200x64xf32, #tpu.memory_space<vmem>>, vector<16xf32>,
        %parallel_loop3A_438 = arith.index_cast %parallel_loop3A_408 : i32 to index
        %parallel_loop3A_439 = arith.constant 32 : index
        %parallel_loop3A_440 = tpu.vector_load %arg10[%parallel_loop3A_438, %parallel_loop3A_439] {strides = array<i32>} : memref<200x64xf32, #tpu.memory_space<vmem>>, vector<16xf32>,
        %parallel_loop3A_441 = arith.addf %parallel_loop3A_437, %parallel_loop3A_440 : vector<16xf32>
        %parallel_loop3A_442 = arith.constant 0 : i32
        %parallel_loop3A_443 = arith.constant 0 : i32
        %parallel_loop3A_444 = tpu.memref_slice %arg9[%parallel_loop3A_325, %parallel_loop3A_442, %parallel_loop3A_443] : memref<4x200x64xf32, #tpu.memory_space<vmem>> -> memref<1x200x64xf32, #tpu.memory_space<vmem>>
        %parallel_loop3A_445 = tpu.memref_squeeze %parallel_loop3A_444 : memref<1x200x64xf32, #tpu.memory_space<vmem>> -> memref<200x64xf32, #tpu.memory_space<vmem>>
        %parallel_loop3A_446 = arith.index_cast %parallel_loop3A_408 : i32 to index
        %parallel_loop3A_447 = arith.constant 48 : index
        %parallel_loop3A_448 = tpu.vector_load %parallel_loop3A_445[%parallel_loop3A_446, %parallel_loop3A_447] {strides = array<i32>} : memref<200x64xf32, #tpu.memory_space<vmem>>, vector<16xf32>,
        %parallel_loop3A_449 = arith.index_cast %parallel_loop3A_408 : i32 to index
        %parallel_loop3A_450 = arith.constant 48 : index
        %parallel_loop3A_451 = tpu.vector_load %arg10[%parallel_loop3A_449, %parallel_loop3A_450] {strides = array<i32>} : memref<200x64xf32, #tpu.memory_space<vmem>>, vector<16xf32>,
        %parallel_loop3A_452 = arith.addf %parallel_loop3A_448, %parallel_loop3A_451 : vector<16xf32>
        %parallel_loop3A_453 = arith.addf %parallel_loop3A_419, %parallel_loop3A_430 : vector<16xf32>
        %parallel_loop3A_454 = arith.addf %parallel_loop3A_441, %parallel_loop3A_452 : vector<16xf32>
        %parallel_loop3A_455 = arith.addf %parallel_loop3A_453, %parallel_loop3A_454 : vector<16xf32>
        %parallel_loop3A_456 = arith.mulf %parallel_loop3A_419, %parallel_loop3A_419 : vector<16xf32>
        %parallel_loop3A_457 = arith.mulf %parallel_loop3A_430, %parallel_loop3A_430 : vector<16xf32>
        %parallel_loop3A_458 = arith.addf %parallel_loop3A_456, %parallel_loop3A_457 : vector<16xf32>
        %parallel_loop3A_459 = arith.mulf %parallel_loop3A_441, %parallel_loop3A_441 : vector<16xf32>
        %parallel_loop3A_460 = arith.mulf %parallel_loop3A_452, %parallel_loop3A_452 : vector<16xf32>
        %parallel_loop3A_461 = arith.addf %parallel_loop3A_459, %parallel_loop3A_460 : vector<16xf32>
        %parallel_loop3A_462 = arith.addf %parallel_loop3A_458, %parallel_loop3A_461 : vector<16xf32>
        %parallel_loop3A_463 = arith.constant true
        %parallel_loop3A_464 = vector.broadcast %parallel_loop3A_463 : i1 to vector<16xi1>
        %parallel_loop3A_465 = tpu.scan <sum>, %parallel_loop3A_455 masked %parallel_loop3A_464 : vector<16xf32>, vector<16xi1> -> vector<16xf32>
        %parallel_loop3A_466 = vector.extract %parallel_loop3A_465[15] : f32 from vector<16xf32>
        %parallel_loop3A_467 = arith.constant 1.562500e-02 : f32
        %parallel_loop3A_468 = arith.mulf %parallel_loop3A_466, %parallel_loop3A_467 : f32
        %parallel_loop3A_469 = arith.constant true
        %parallel_loop3A_470 = vector.broadcast %parallel_loop3A_469 : i1 to vector<16xi1>
        %parallel_loop3A_471 = tpu.scan <sum>, %parallel_loop3A_462 masked %parallel_loop3A_470 : vector<16xf32>, vector<16xi1> -> vector<16xf32>
        %parallel_loop3A_472 = vector.extract %parallel_loop3A_471[15] : f32 from vector<16xf32>
        %parallel_loop3A_473 = arith.constant 1.562500e-02 : f32
        %parallel_loop3A_474 = arith.mulf %parallel_loop3A_472, %parallel_loop3A_473 : f32
        %parallel_loop3A_475 = arith.mulf %parallel_loop3A_468, %parallel_loop3A_468 : f32
        %parallel_loop3A_476 = arith.subf %parallel_loop3A_474, %parallel_loop3A_475 : f32
        %parallel_loop3A_477 = arith.constant 9.99999974E-6 : f32
        %parallel_loop3A_478 = arith.addf %parallel_loop3A_476, %parallel_loop3A_477 : f32
        %parallel_loop3A_479 = arith.bitcast %parallel_loop3A_478 : f32 to i32
        %parallel_loop3A_480 = arith.constant 1 : i32
        %parallel_loop3A_481 = arith.shrsi %parallel_loop3A_479, %parallel_loop3A_480 : i32
        %parallel_loop3A_482 = arith.constant 1597463007 : i32
        %parallel_loop3A_483 = arith.subi %parallel_loop3A_482, %parallel_loop3A_481 : i32
        %parallel_loop3A_484 = arith.bitcast %parallel_loop3A_483 : i32 to f32
        %parallel_loop3A_485 = arith.constant 5.000000e-01 : f32
        %parallel_loop3A_486 = arith.mulf %parallel_loop3A_485, %parallel_loop3A_478 : f32
        %parallel_loop3A_487 = arith.mulf %parallel_loop3A_486, %parallel_loop3A_484 : f32
        %parallel_loop3A_488 = arith.mulf %parallel_loop3A_487, %parallel_loop3A_484 : f32
        %parallel_loop3A_489 = arith.constant 1.500000e+00 : f32
        %parallel_loop3A_490 = arith.subf %parallel_loop3A_489, %parallel_loop3A_488 : f32
        %parallel_loop3A_491 = arith.mulf %parallel_loop3A_484, %parallel_loop3A_490 : f32
        %parallel_loop3A_492 = arith.constant 5.000000e-01 : f32
        %parallel_loop3A_493 = arith.mulf %parallel_loop3A_492, %parallel_loop3A_478 : f32
        %parallel_loop3A_494 = arith.mulf %parallel_loop3A_493, %parallel_loop3A_491 : f32
        %parallel_loop3A_495 = arith.mulf %parallel_loop3A_494, %parallel_loop3A_491 : f32
        %parallel_loop3A_496 = arith.constant 1.500000e+00 : f32
        %parallel_loop3A_497 = arith.subf %parallel_loop3A_496, %parallel_loop3A_495 : f32
        %parallel_loop3A_498 = arith.mulf %parallel_loop3A_491, %parallel_loop3A_497 : f32
        %parallel_loop3A_499 = arith.constant 5.000000e-01 : f32
        %parallel_loop3A_500 = arith.mulf %parallel_loop3A_499, %parallel_loop3A_478 : f32
        %parallel_loop3A_501 = arith.mulf %parallel_loop3A_500, %parallel_loop3A_498 : f32
        %parallel_loop3A_502 = arith.mulf %parallel_loop3A_501, %parallel_loop3A_498 : f32
        %parallel_loop3A_503 = arith.constant 1.500000e+00 : f32
        %parallel_loop3A_504 = arith.subf %parallel_loop3A_503, %parallel_loop3A_502 : f32
        %parallel_loop3A_505 = arith.mulf %parallel_loop3A_498, %parallel_loop3A_504 : f32
        %parallel_loop3A_506 = vector.broadcast %parallel_loop3A_468 : f32 to vector<16xf32>
        %parallel_loop3A_507 = arith.subf %parallel_loop3A_419, %parallel_loop3A_506 : vector<16xf32>
        %parallel_loop3A_508 = vector.broadcast %parallel_loop3A_505 : f32 to vector<16xf32>
        %parallel_loop3A_509 = arith.mulf %parallel_loop3A_507, %parallel_loop3A_508 : vector<16xf32>
        %parallel_loop3A_510 = arith.mulf %parallel_loop3A_509, %get3A_5 : vector<16xf32>
        %parallel_loop3A_511 = arith.addf %parallel_loop3A_510, %get3A_13 : vector<16xf32>
        %parallel_loop3A_512 = arith.constant 0 : i32
        %parallel_loop3A_513 = arith.constant 0 : i32
        %parallel_loop3A_514 = tpu.memref_slice %arg9[%parallel_loop3A_325, %parallel_loop3A_512, %parallel_loop3A_513] : memref<4x200x64xf32, #tpu.memory_space<vmem>> -> memref<1x200x64xf32, #tpu.memory_space<vmem>>
        %parallel_loop3A_515 = tpu.memref_squeeze %parallel_loop3A_514 : memref<1x200x64xf32, #tpu.memory_space<vmem>> -> memref<200x64xf32, #tpu.memory_space<vmem>>
        %parallel_loop3A_516 = arith.index_cast %parallel_loop3A_408 : i32 to index
        %parallel_loop3A_517 = arith.constant 0 : index
        %parallel_loop3A_518 = tpu.vector_load %parallel_loop3A_515[%parallel_loop3A_516, %parallel_loop3A_517] {strides = array<i32>} : memref<200x64xf32, #tpu.memory_space<vmem>>, vector<16xf32>,
        tpu.vector_store %parallel_loop3A_515[%parallel_loop3A_516, %parallel_loop3A_517], %parallel_loop3A_511 {strides = array<i32>} : memref<200x64xf32, #tpu.memory_space<vmem>>, vector<16xf32>,
        %parallel_loop3A_519 = vector.broadcast %parallel_loop3A_468 : f32 to vector<16xf32>
        %parallel_loop3A_520 = arith.subf %parallel_loop3A_430, %parallel_loop3A_519 : vector<16xf32>
        %parallel_loop3A_521 = vector.broadcast %parallel_loop3A_505 : f32 to vector<16xf32>
        %parallel_loop3A_522 = arith.mulf %parallel_loop3A_520, %parallel_loop3A_521 : vector<16xf32>
        %parallel_loop3A_523 = arith.mulf %parallel_loop3A_522, %get3A_7 : vector<16xf32>
        %parallel_loop3A_524 = arith.addf %parallel_loop3A_523, %get3A_15 : vector<16xf32>
        %parallel_loop3A_525 = arith.constant 0 : i32
        %parallel_loop3A_526 = arith.constant 0 : i32
        %parallel_loop3A_527 = tpu.memref_slice %arg9[%parallel_loop3A_325, %parallel_loop3A_525, %parallel_loop3A_526] : memref<4x200x64xf32, #tpu.memory_space<vmem>> -> memref<1x200x64xf32, #tpu.memory_space<vmem>>
        %parallel_loop3A_528 = tpu.memref_squeeze %parallel_loop3A_527 : memref<1x200x64xf32, #tpu.memory_space<vmem>> -> memref<200x64xf32, #tpu.memory_space<vmem>>
        %parallel_loop3A_529 = arith.index_cast %parallel_loop3A_408 : i32 to index
        %parallel_loop3A_530 = arith.constant 16 : index
        %parallel_loop3A_531 = tpu.vector_load %parallel_loop3A_528[%parallel_loop3A_529, %parallel_loop3A_530] {strides = array<i32>} : memref<200x64xf32, #tpu.memory_space<vmem>>, vector<16xf32>,
        tpu.vector_store %parallel_loop3A_528[%parallel_loop3A_529, %parallel_loop3A_530], %parallel_loop3A_524 {strides = array<i32>} : memref<200x64xf32, #tpu.memory_space<vmem>>, vector<16xf32>,
        %parallel_loop3A_532 = vector.broadcast %parallel_loop3A_468 : f32 to vector<16xf32>
        %parallel_loop3A_533 = arith.subf %parallel_loop3A_441, %parallel_loop3A_532 : vector<16xf32>
        %parallel_loop3A_534 = vector.broadcast %parallel_loop3A_505 : f32 to vector<16xf32>
        %parallel_loop3A_535 = arith.mulf %parallel_loop3A_533, %parallel_loop3A_534 : vector<16xf32>
        %parallel_loop3A_536 = arith.mulf %parallel_loop3A_535, %get3A_9 : vector<16xf32>
        %parallel_loop3A_537 = arith.addf %parallel_loop3A_536, %get3A_17 : vector<16xf32>
        %parallel_loop3A_538 = arith.constant 0 : i32
        %parallel_loop3A_539 = arith.constant 0 : i32
        %parallel_loop3A_540 = tpu.memref_slice %arg9[%parallel_loop3A_325, %parallel_loop3A_538, %parallel_loop3A_539] : memref<4x200x64xf32, #tpu.memory_space<vmem>> -> memref<1x200x64xf32, #tpu.memory_space<vmem>>
        %parallel_loop3A_541 = tpu.memref_squeeze %parallel_loop3A_540 : memref<1x200x64xf32, #tpu.memory_space<vmem>> -> memref<200x64xf32, #tpu.memory_space<vmem>>
        %parallel_loop3A_542 = arith.index_cast %parallel_loop3A_408 : i32 to index
        %parallel_loop3A_543 = arith.constant 32 : index
        %parallel_loop3A_544 = tpu.vector_load %parallel_loop3A_541[%parallel_loop3A_542, %parallel_loop3A_543] {strides = array<i32>} : memref<200x64xf32, #tpu.memory_space<vmem>>, vector<16xf32>,
        tpu.vector_store %parallel_loop3A_541[%parallel_loop3A_542, %parallel_loop3A_543], %parallel_loop3A_537 {strides = array<i32>} : memref<200x64xf32, #tpu.memory_space<vmem>>, vector<16xf32>,
        %parallel_loop3A_545 = vector.broadcast %parallel_loop3A_468 : f32 to vector<16xf32>
        %parallel_loop3A_546 = arith.subf %parallel_loop3A_452, %parallel_loop3A_545 : vector<16xf32>
        %parallel_loop3A_547 = vector.broadcast %parallel_loop3A_505 : f32 to vector<16xf32>
        %parallel_loop3A_548 = arith.mulf %parallel_loop3A_546, %parallel_loop3A_547 : vector<16xf32>
        %parallel_loop3A_549 = arith.mulf %parallel_loop3A_548, %get3A_11 : vector<16xf32>
        %parallel_loop3A_550 = arith.addf %parallel_loop3A_549, %get3A_19 : vector<16xf32>
        %parallel_loop3A_551 = arith.constant 0 : i32
        %parallel_loop3A_552 = arith.constant 0 : i32
        %parallel_loop3A_553 = tpu.memref_slice %arg9[%parallel_loop3A_325, %parallel_loop3A_551, %parallel_loop3A_552] : memref<4x200x64xf32, #tpu.memory_space<vmem>> -> memref<1x200x64xf32, #tpu.memory_space<vmem>>
        %parallel_loop3A_554 = tpu.memref_squeeze %parallel_loop3A_553 : memref<1x200x64xf32, #tpu.memory_space<vmem>> -> memref<200x64xf32, #tpu.memory_space<vmem>>
        %parallel_loop3A_555 = arith.index_cast %parallel_loop3A_408 : i32 to index
        %parallel_loop3A_556 = arith.constant 48 : index
        %parallel_loop3A_557 = tpu.vector_load %parallel_loop3A_554[%parallel_loop3A_555, %parallel_loop3A_556] {strides = array<i32>} : memref<200x64xf32, #tpu.memory_space<vmem>>, vector<16xf32>,
        tpu.vector_store %parallel_loop3A_554[%parallel_loop3A_555, %parallel_loop3A_556], %parallel_loop3A_550 {strides = array<i32>} : memref<200x64xf32, #tpu.memory_space<vmem>>, vector<16xf32>,
      } {sc.loop_unroll_factor = 4 : i64, sc.parallel_access}
      %add3A_326 = arith.addi %mul3A_4, %add3A_306 : i32
      %dma_start3A_327 = arith.constant 2 : i32
      %dma_start3A_328 = arith.constant 0 : i32
      %dma_start3A_329 = arith.constant 0 : i32
      %dma_start3A_330 = tpu.memref_slice %arg9[%dma_start3A_327, %dma_start3A_328, %dma_start3A_329] : memref<4x200x64xf32, #tpu.memory_space<vmem>> -> memref<1x200x64xf32, #tpu.memory_space<vmem>>
      %dma_start3A_331 = tpu.memref_squeeze %dma_start3A_330 : memref<1x200x64xf32, #tpu.memory_space<vmem>> -> memref<200x64xf32, #tpu.memory_space<vmem>>
      %dma_start3A_332 = arith.constant 0 : i32
      %dma_start3A_333 = arith.constant 0 : i32
      %dma_start3A_334 = tpu.memref_slice %arg7[%add3A_326, %dma_start3A_332, %dma_start3A_333] : memref<4096x200x128xf32, #tpu.memory_space<hbm>> -> memref<1x200x128xf32, #tpu.memory_space<hbm>>
      %dma_start3A_335 = tpu.memref_squeeze %dma_start3A_334 : memref<1x200x128xf32, #tpu.memory_space<hbm>> -> memref<200x128xf32, #tpu.memory_space<hbm>>
      %dma_start3A_336 = arith.constant 0 : i32
      %dma_start3A_337 = arith.constant 0 : i32
      %dma_start3A_338 = tpu.memref_slice %dma_start3A_335[%dma_start3A_336, %dma_start3A_337] : memref<200x128xf32, #tpu.memory_space<hbm>> -> memref<200x64xf32, #tpu.memory_space<hbm>>
      %dma_start3A_339 = arith.constant 0 : i32
      %dma_start3A_340 = arith.constant 0 : i32
      %dma_start3A_341 = tpu.memref_slice %arg7[%add3A_326, %dma_start3A_339, %dma_start3A_340] : memref<4096x200x128xf32, #tpu.memory_space<hbm>> -> memref<1x200x128xf32, #tpu.memory_space<hbm>>
      %dma_start3A_342 = tpu.memref_squeeze %dma_start3A_341 : memref<1x200x128xf32, #tpu.memory_space<hbm>> -> memref<200x128xf32, #tpu.memory_space<hbm>>
      %dma_start3A_343 = arith.constant 0 : i32
      %dma_start3A_344 = arith.constant 0 : i32
      %dma_start3A_345 = tpu.memref_slice %dma_start3A_342[%dma_start3A_343, %dma_start3A_344] : memref<200x128xf32, #tpu.memory_space<hbm>> -> memref<200x64xf32, #tpu.memory_space<hbm>>
      %dma_start3A_346 = arith.constant 0 : i32
      %dma_start3A_347 = arith.constant 0 : i32
      %dma_start3A_348 = tpu.memref_slice %arg9[%dma_start3A_327, %dma_start3A_346, %dma_start3A_347] : memref<4x200x64xf32, #tpu.memory_space<vmem>> -> memref<1x200x64xf32, #tpu.memory_space<vmem>>
      %dma_start3A_349 = tpu.memref_squeeze %dma_start3A_348 : memref<1x200x64xf32, #tpu.memory_space<vmem>> -> memref<200x64xf32, #tpu.memory_space<vmem>>
      tpu.enqueue_dma source(%dma_start3A_349 : memref<200x64xf32, #tpu.memory_space<vmem>>) target(%dma_start3A_345 : memref<200x64xf32, #tpu.memory_space<hbm>>) target_semaphore(%arg19 : memref<!tpu.dma_semaphore, #tpu.memory_space<semaphore_mem>>)
      %lt3A_350 = arith.constant 31 : i32
      %lt3A_351 = arith.cmpi slt, %scan3A_198, %lt3A_350 : i32
      %convert_element_type3A_352 = arith.extui %lt3A_351 : i1 to i32
      %cond3A_353 = arith.constant 0 : i32
      %cond3A_354 = arith.cmpi ne, %convert_element_type3A_352, %cond3A_353 : i32
      scf.if %cond3A_354 {
        %dma_wait3A_408 = arith.constant 1 : i32
        %dma_wait3A_409 = arith.constant 0 : i32
        %dma_wait3A_410 = arith.constant 0 : i32
        %dma_wait3A_411 = arith.constant 0 : i32
        %dma_wait3A_412 = tpu.memref_slice %arg9[%dma_wait3A_408, %dma_wait3A_410, %dma_wait3A_411] : memref<4x200x64xf32, #tpu.memory_space<vmem>> -> memref<1x200x64xf32, #tpu.memory_space<vmem>>
        %dma_wait3A_413 = tpu.memref_squeeze %dma_wait3A_412 : memref<1x200x64xf32, #tpu.memory_space<vmem>> -> memref<200x64xf32, #tpu.memory_space<vmem>>
        %dma_wait3A_414 = arith.constant 0 : i32
        %dma_wait3A_415 = arith.constant 0 : i32
        %dma_wait3A_416 = tpu.memref_slice %arg7[%dma_wait3A_409, %dma_wait3A_414, %dma_wait3A_415] : memref<4096x200x128xf32, #tpu.memory_space<hbm>> -> memref<1x200x128xf32, #tpu.memory_space<hbm>>
        %dma_wait3A_417 = tpu.memref_squeeze %dma_wait3A_416 : memref<1x200x128xf32, #tpu.memory_space<hbm>> -> memref<200x128xf32, #tpu.memory_space<hbm>>
        %dma_wait3A_418 = arith.constant 0 : i32
        %dma_wait3A_419 = arith.constant 0 : i32
        %dma_wait3A_420 = tpu.memref_slice %dma_wait3A_417[%dma_wait3A_418, %dma_wait3A_419] : memref<200x128xf32, #tpu.memory_space<hbm>> -> memref<200x64xf32, #tpu.memory_space<hbm>>
        %dma_wait3A_421 = arith.constant 0 : i32
        %dma_wait3A_422 = arith.constant 0 : i32
        %dma_wait3A_423 = tpu.memref_slice %arg7[%dma_wait3A_409, %dma_wait3A_421, %dma_wait3A_422] : memref<4096x200x128xf32, #tpu.memory_space<hbm>> -> memref<1x200x128xf32, #tpu.memory_space<hbm>>
        %dma_wait3A_424 = tpu.memref_squeeze %dma_wait3A_423 : memref<1x200x128xf32, #tpu.memory_space<hbm>> -> memref<200x128xf32, #tpu.memory_space<hbm>>
        %dma_wait3A_425 = arith.constant 0 : i32
        %dma_wait3A_426 = arith.constant 0 : i32
        %dma_wait3A_427 = tpu.memref_slice %dma_wait3A_424[%dma_wait3A_425, %dma_wait3A_426] : memref<200x128xf32, #tpu.memory_space<hbm>> -> memref<200x64xf32, #tpu.memory_space<hbm>>
        %dma_wait3A_428 = arith.constant 0 : i32
        %dma_wait3A_429 = arith.constant 0 : i32
        %dma_wait3A_430 = tpu.memref_slice %arg9[%dma_wait3A_408, %dma_wait3A_428, %dma_wait3A_429] : memref<4x200x64xf32, #tpu.memory_space<vmem>> -> memref<1x200x64xf32, #tpu.memory_space<vmem>>
        %dma_wait3A_431 = tpu.memref_squeeze %dma_wait3A_430 : memref<1x200x64xf32, #tpu.memory_space<vmem>> -> memref<200x64xf32, #tpu.memory_space<vmem>>
        tpu.wait_dma2 semaphore(%arg18 : memref<!tpu.dma_semaphore, #tpu.memory_space<semaphore_mem>>) src(%dma_wait3A_431 : memref<200x64xf32, #tpu.memory_space<vmem>>) dst(%dma_wait3A_427 : memref<200x64xf32, #tpu.memory_space<hbm>>)
        %add3A_432 = arith.constant 4 : i32
        %add3A_433 = arith.addi %add3A_306, %add3A_432 : i32
        %sub3A = arith.constant 1 : i32
        %sub3A_434 = arith.subi %add3A_433, %sub3A : i32
        %mul3A_435 = arith.constant 200 : i32
        %mul3A_436 = arith.muli %sub3A_434, %mul3A_435 : i32
        %add3A_437 = arith.constant 0 : i32
        %add3A_438 = arith.addi %mul3A_436, %add3A_437 : i32
        %dma_start3A_439 = arith.constant 1 : i32
        %dma_start3A_440 = arith.constant 0 : i32
        %dma_start3A_441 = arith.constant 0 : i32
        %dma_start3A_442 = tpu.memref_slice %arg9[%dma_start3A_439, %dma_start3A_440, %dma_start3A_441] : memref<4x200x64xf32, #tpu.memory_space<vmem>> -> memref<1x200x64xf32, #tpu.memory_space<vmem>>
        %dma_start3A_443 = tpu.memref_squeeze %dma_start3A_442 : memref<1x200x64xf32, #tpu.memory_space<vmem>> -> memref<200x64xf32, #tpu.memory_space<vmem>>
        %dma_start3A_444 = arith.constant 0 : i32
        %dma_start3A_445 = arith.constant 0 : i32
        %dma_start3A_446 = tpu.memref_slice %dma_start3A_443[%dma_start3A_444, %dma_start3A_445] : memref<200x64xf32, #tpu.memory_space<vmem>> -> memref<104x64xf32, #tpu.memory_space<vmem>>
        %dma_start3A_447 = tpu.memref_slice %arg8[%add3A_438] : memref<25600xi32, #tpu.memory_space<vmem>> -> memref<104xi32, #tpu.memory_space<vmem>>
        %dma_start3A_448 = arith.constant 0 : i32
        %dma_start3A_449 = arith.constant 0 : i32
        %dma_start3A_450 = tpu.memref_slice %arg3[%dma_start3A_448, %dma_start3A_449] : memref<2000000x64xf32, #tpu.memory_space<hbm>> -> memref<2000000x64xf32, #tpu.memory_space<hbm>>
        tpu.enqueue_indirect_dma source(%dma_start3A_450 : memref<2000000x64xf32, #tpu.memory_space<hbm>>) target(%dma_start3A_446 : memref<104x64xf32, #tpu.memory_space<vmem>>) offsets(%dma_start3A_447 : memref<104xi32, #tpu.memory_space<vmem>>) semaphore(%arg14 : memref<!tpu.dma_semaphore, #tpu.memory_space<semaphore_mem>>)
        %mul3A_451 = arith.constant 200 : i32
        %mul3A_452 = arith.muli %sub3A_434, %mul3A_451 : i32
        %add3A_453 = arith.constant 104 : i32
        %add3A_454 = arith.addi %mul3A_452, %add3A_453 : i32
        %dma_start3A_455 = arith.constant 1 : i32
        %dma_start3A_456 = arith.constant 0 : i32
        %dma_start3A_457 = arith.constant 0 : i32
        %dma_start3A_458 = tpu.memref_slice %arg9[%dma_start3A_455, %dma_start3A_456, %dma_start3A_457] : memref<4x200x64xf32, #tpu.memory_space<vmem>> -> memref<1x200x64xf32, #tpu.memory_space<vmem>>
        %dma_start3A_459 = tpu.memref_squeeze %dma_start3A_458 : memref<1x200x64xf32, #tpu.memory_space<vmem>> -> memref<200x64xf32, #tpu.memory_space<vmem>>
        %dma_start3A_460 = arith.constant 104 : i32
        %dma_start3A_461 = arith.constant 0 : i32
        %dma_start3A_462 = tpu.memref_slice %dma_start3A_459[%dma_start3A_460, %dma_start3A_461] : memref<200x64xf32, #tpu.memory_space<vmem>> -> memref<96x64xf32, #tpu.memory_space<vmem>>
        %dma_start3A_463 = tpu.memref_slice %arg8[%add3A_454] : memref<25600xi32, #tpu.memory_space<vmem>> -> memref<96xi32, #tpu.memory_space<vmem>>
        %dma_start3A_464 = arith.constant 0 : i32
        %dma_start3A_465 = arith.constant 0 : i32
        %dma_start3A_466 = tpu.memref_slice %arg3[%dma_start3A_464, %dma_start3A_465] : memref<2000000x64xf32, #tpu.memory_space<hbm>> -> memref<2000000x64xf32, #tpu.memory_space<hbm>>
        tpu.enqueue_indirect_dma source(%dma_start3A_466 : memref<2000000x64xf32, #tpu.memory_space<hbm>>) target(%dma_start3A_462 : memref<96x64xf32, #tpu.memory_space<vmem>>) offsets(%dma_start3A_463 : memref<96xi32, #tpu.memory_space<vmem>>) semaphore(%arg14 : memref<!tpu.dma_semaphore, #tpu.memory_space<semaphore_mem>>)
      } else {
      }
      %mul3A_355 = arith.constant 4 : i32
      %mul3A_356 = arith.muli %scan3A_198, %mul3A_355 : i32
      %add3A_357 = arith.constant 3 : i32
      %add3A_358 = arith.addi %mul3A_356, %add3A_357 : i32
      %dma_wait3A_359 = arith.constant 3 : i32
      %dma_wait3A_360 = arith.constant 0 : i32
      %dma_wait3A_361 = arith.constant 0 : i32
      %dma_wait3A_362 = tpu.memref_slice %arg9[%dma_wait3A_359, %dma_wait3A_360, %dma_wait3A_361] : memref<4x200x64xf32, #tpu.memory_space<vmem>> -> memref<1x200x64xf32, #tpu.memory_space<vmem>>
      %dma_wait3A_363 = tpu.memref_squeeze %dma_wait3A_362 : memref<1x200x64xf32, #tpu.memory_space<vmem>> -> memref<200x64xf32, #tpu.memory_space<vmem>>
      %dma_wait3A_364 = arith.constant 0 : i32
      %dma_wait3A_365 = arith.constant 0 : i32
      %dma_wait3A_366 = tpu.memref_slice %arg3[%dma_wait3A_364, %dma_wait3A_365] : memref<2000000x64xf32, #tpu.memory_space<hbm>> -> memref<200x64xf32, #tpu.memory_space<hbm>>
      %dma_wait3A_367 = arith.constant 0 : i32
      %dma_wait3A_368 = arith.constant 0 : i32
      %dma_wait3A_369 = tpu.memref_slice %arg9[%dma_wait3A_359, %dma_wait3A_367, %dma_wait3A_368] : memref<4x200x64xf32, #tpu.memory_space<vmem>> -> memref<1x200x64xf32, #tpu.memory_space<vmem>>
      %dma_wait3A_370 = tpu.memref_squeeze %dma_wait3A_369 : memref<1x200x64xf32, #tpu.memory_space<vmem>> -> memref<200x64xf32, #tpu.memory_space<vmem>>
      %dma_wait3A_371 = arith.constant 0 : i32
      %dma_wait3A_372 = arith.constant 0 : i32
      %dma_wait3A_373 = tpu.memref_slice %arg3[%dma_wait3A_371, %dma_wait3A_372] : memref<2000000x64xf32, #tpu.memory_space<hbm>> -> memref<200x64xf32, #tpu.memory_space<hbm>>
      tpu.wait_dma2 semaphore(%arg16 : memref<!tpu.dma_semaphore, #tpu.memory_space<semaphore_mem>>) src(%dma_wait3A_373 : memref<200x64xf32, #tpu.memory_space<hbm>>) dst(%dma_wait3A_370 : memref<200x64xf32, #tpu.memory_space<vmem>>)
      %parallel_loop3A_374 = arith.constant 0 : i32
      %parallel_loop3A_375 = arith.constant 200 : i32
      %parallel_loop3A_376 = arith.constant 1 : i32
      %parallel_loop3A_377 = arith.constant 3 : i32
      scf.for %parallel_loop3A_408 = %parallel_loop3A_374 to %parallel_loop3A_375 step %parallel_loop3A_376  : i32 {
        %parallel_loop3A_409 = arith.constant 0 : i32
        %parallel_loop3A_410 = arith.constant 0 : i32
        %parallel_loop3A_411 = tpu.memref_slice %arg9[%parallel_loop3A_377, %parallel_loop3A_409, %parallel_loop3A_410] : memref<4x200x64xf32, #tpu.memory_space<vmem>> -> memref<1x200x64xf32, #tpu.memory_space<vmem>>
        %parallel_loop3A_412 = tpu.memref_squeeze %parallel_loop3A_411 : memref<1x200x64xf32, #tpu.memory_space<vmem>> -> memref<200x64xf32, #tpu.memory_space<vmem>>
        %parallel_loop3A_413 = arith.index_cast %parallel_loop3A_408 : i32 to index
        %parallel_loop3A_414 = arith.constant 0 : index
        %parallel_loop3A_415 = tpu.vector_load %parallel_loop3A_412[%parallel_loop3A_413, %parallel_loop3A_414] {strides = array<i32>} : memref<200x64xf32, #tpu.memory_space<vmem>>, vector<16xf32>,
        %parallel_loop3A_416 = arith.index_cast %parallel_loop3A_408 : i32 to index
        %parallel_loop3A_417 = arith.constant 0 : index
        %parallel_loop3A_418 = tpu.vector_load %arg10[%parallel_loop3A_416, %parallel_loop3A_417] {strides = array<i32>} : memref<200x64xf32, #tpu.memory_space<vmem>>, vector<16xf32>,
        %parallel_loop3A_419 = arith.addf %parallel_loop3A_415, %parallel_loop3A_418 : vector<16xf32>
        %parallel_loop3A_420 = arith.constant 0 : i32
        %parallel_loop3A_421 = arith.constant 0 : i32
        %parallel_loop3A_422 = tpu.memref_slice %arg9[%parallel_loop3A_377, %parallel_loop3A_420, %parallel_loop3A_421] : memref<4x200x64xf32, #tpu.memory_space<vmem>> -> memref<1x200x64xf32, #tpu.memory_space<vmem>>
        %parallel_loop3A_423 = tpu.memref_squeeze %parallel_loop3A_422 : memref<1x200x64xf32, #tpu.memory_space<vmem>> -> memref<200x64xf32, #tpu.memory_space<vmem>>
        %parallel_loop3A_424 = arith.index_cast %parallel_loop3A_408 : i32 to index
        %parallel_loop3A_425 = arith.constant 16 : index
        %parallel_loop3A_426 = tpu.vector_load %parallel_loop3A_423[%parallel_loop3A_424, %parallel_loop3A_425] {strides = array<i32>} : memref<200x64xf32, #tpu.memory_space<vmem>>, vector<16xf32>,
        %parallel_loop3A_427 = arith.index_cast %parallel_loop3A_408 : i32 to index
        %parallel_loop3A_428 = arith.constant 16 : index
        %parallel_loop3A_429 = tpu.vector_load %arg10[%parallel_loop3A_427, %parallel_loop3A_428] {strides = array<i32>} : memref<200x64xf32, #tpu.memory_space<vmem>>, vector<16xf32>,
        %parallel_loop3A_430 = arith.addf %parallel_loop3A_426, %parallel_loop3A_429 : vector<16xf32>
        %parallel_loop3A_431 = arith.constant 0 : i32
        %parallel_loop3A_432 = arith.constant 0 : i32
        %parallel_loop3A_433 = tpu.memref_slice %arg9[%parallel_loop3A_377, %parallel_loop3A_431, %parallel_loop3A_432] : memref<4x200x64xf32, #tpu.memory_space<vmem>> -> memref<1x200x64xf32, #tpu.memory_space<vmem>>
        %parallel_loop3A_434 = tpu.memref_squeeze %parallel_loop3A_433 : memref<1x200x64xf32, #tpu.memory_space<vmem>> -> memref<200x64xf32, #tpu.memory_space<vmem>>
        %parallel_loop3A_435 = arith.index_cast %parallel_loop3A_408 : i32 to index
        %parallel_loop3A_436 = arith.constant 32 : index
        %parallel_loop3A_437 = tpu.vector_load %parallel_loop3A_434[%parallel_loop3A_435, %parallel_loop3A_436] {strides = array<i32>} : memref<200x64xf32, #tpu.memory_space<vmem>>, vector<16xf32>,
        %parallel_loop3A_438 = arith.index_cast %parallel_loop3A_408 : i32 to index
        %parallel_loop3A_439 = arith.constant 32 : index
        %parallel_loop3A_440 = tpu.vector_load %arg10[%parallel_loop3A_438, %parallel_loop3A_439] {strides = array<i32>} : memref<200x64xf32, #tpu.memory_space<vmem>>, vector<16xf32>,
        %parallel_loop3A_441 = arith.addf %parallel_loop3A_437, %parallel_loop3A_440 : vector<16xf32>
        %parallel_loop3A_442 = arith.constant 0 : i32
        %parallel_loop3A_443 = arith.constant 0 : i32
        %parallel_loop3A_444 = tpu.memref_slice %arg9[%parallel_loop3A_377, %parallel_loop3A_442, %parallel_loop3A_443] : memref<4x200x64xf32, #tpu.memory_space<vmem>> -> memref<1x200x64xf32, #tpu.memory_space<vmem>>
        %parallel_loop3A_445 = tpu.memref_squeeze %parallel_loop3A_444 : memref<1x200x64xf32, #tpu.memory_space<vmem>> -> memref<200x64xf32, #tpu.memory_space<vmem>>
        %parallel_loop3A_446 = arith.index_cast %parallel_loop3A_408 : i32 to index
        %parallel_loop3A_447 = arith.constant 48 : index
        %parallel_loop3A_448 = tpu.vector_load %parallel_loop3A_445[%parallel_loop3A_446, %parallel_loop3A_447] {strides = array<i32>} : memref<200x64xf32, #tpu.memory_space<vmem>>, vector<16xf32>,
        %parallel_loop3A_449 = arith.index_cast %parallel_loop3A_408 : i32 to index
        %parallel_loop3A_450 = arith.constant 48 : index
        %parallel_loop3A_451 = tpu.vector_load %arg10[%parallel_loop3A_449, %parallel_loop3A_450] {strides = array<i32>} : memref<200x64xf32, #tpu.memory_space<vmem>>, vector<16xf32>,
        %parallel_loop3A_452 = arith.addf %parallel_loop3A_448, %parallel_loop3A_451 : vector<16xf32>
        %parallel_loop3A_453 = arith.addf %parallel_loop3A_419, %parallel_loop3A_430 : vector<16xf32>
        %parallel_loop3A_454 = arith.addf %parallel_loop3A_441, %parallel_loop3A_452 : vector<16xf32>
        %parallel_loop3A_455 = arith.addf %parallel_loop3A_453, %parallel_loop3A_454 : vector<16xf32>
        %parallel_loop3A_456 = arith.mulf %parallel_loop3A_419, %parallel_loop3A_419 : vector<16xf32>
        %parallel_loop3A_457 = arith.mulf %parallel_loop3A_430, %parallel_loop3A_430 : vector<16xf32>
        %parallel_loop3A_458 = arith.addf %parallel_loop3A_456, %parallel_loop3A_457 : vector<16xf32>
        %parallel_loop3A_459 = arith.mulf %parallel_loop3A_441, %parallel_loop3A_441 : vector<16xf32>
        %parallel_loop3A_460 = arith.mulf %parallel_loop3A_452, %parallel_loop3A_452 : vector<16xf32>
        %parallel_loop3A_461 = arith.addf %parallel_loop3A_459, %parallel_loop3A_460 : vector<16xf32>
        %parallel_loop3A_462 = arith.addf %parallel_loop3A_458, %parallel_loop3A_461 : vector<16xf32>
        %parallel_loop3A_463 = arith.constant true
        %parallel_loop3A_464 = vector.broadcast %parallel_loop3A_463 : i1 to vector<16xi1>
        %parallel_loop3A_465 = tpu.scan <sum>, %parallel_loop3A_455 masked %parallel_loop3A_464 : vector<16xf32>, vector<16xi1> -> vector<16xf32>
        %parallel_loop3A_466 = vector.extract %parallel_loop3A_465[15] : f32 from vector<16xf32>
        %parallel_loop3A_467 = arith.constant 1.562500e-02 : f32
        %parallel_loop3A_468 = arith.mulf %parallel_loop3A_466, %parallel_loop3A_467 : f32
        %parallel_loop3A_469 = arith.constant true
        %parallel_loop3A_470 = vector.broadcast %parallel_loop3A_469 : i1 to vector<16xi1>
        %parallel_loop3A_471 = tpu.scan <sum>, %parallel_loop3A_462 masked %parallel_loop3A_470 : vector<16xf32>, vector<16xi1> -> vector<16xf32>
        %parallel_loop3A_472 = vector.extract %parallel_loop3A_471[15] : f32 from vector<16xf32>
        %parallel_loop3A_473 = arith.constant 1.562500e-02 : f32
        %parallel_loop3A_474 = arith.mulf %parallel_loop3A_472, %parallel_loop3A_473 : f32
        %parallel_loop3A_475 = arith.mulf %parallel_loop3A_468, %parallel_loop3A_468 : f32
        %parallel_loop3A_476 = arith.subf %parallel_loop3A_474, %parallel_loop3A_475 : f32
        %parallel_loop3A_477 = arith.constant 9.99999974E-6 : f32
        %parallel_loop3A_478 = arith.addf %parallel_loop3A_476, %parallel_loop3A_477 : f32
        %parallel_loop3A_479 = arith.bitcast %parallel_loop3A_478 : f32 to i32
        %parallel_loop3A_480 = arith.constant 1 : i32
        %parallel_loop3A_481 = arith.shrsi %parallel_loop3A_479, %parallel_loop3A_480 : i32
        %parallel_loop3A_482 = arith.constant 1597463007 : i32
        %parallel_loop3A_483 = arith.subi %parallel_loop3A_482, %parallel_loop3A_481 : i32
        %parallel_loop3A_484 = arith.bitcast %parallel_loop3A_483 : i32 to f32
        %parallel_loop3A_485 = arith.constant 5.000000e-01 : f32
        %parallel_loop3A_486 = arith.mulf %parallel_loop3A_485, %parallel_loop3A_478 : f32
        %parallel_loop3A_487 = arith.mulf %parallel_loop3A_486, %parallel_loop3A_484 : f32
        %parallel_loop3A_488 = arith.mulf %parallel_loop3A_487, %parallel_loop3A_484 : f32
        %parallel_loop3A_489 = arith.constant 1.500000e+00 : f32
        %parallel_loop3A_490 = arith.subf %parallel_loop3A_489, %parallel_loop3A_488 : f32
        %parallel_loop3A_491 = arith.mulf %parallel_loop3A_484, %parallel_loop3A_490 : f32
        %parallel_loop3A_492 = arith.constant 5.000000e-01 : f32
        %parallel_loop3A_493 = arith.mulf %parallel_loop3A_492, %parallel_loop3A_478 : f32
        %parallel_loop3A_494 = arith.mulf %parallel_loop3A_493, %parallel_loop3A_491 : f32
        %parallel_loop3A_495 = arith.mulf %parallel_loop3A_494, %parallel_loop3A_491 : f32
        %parallel_loop3A_496 = arith.constant 1.500000e+00 : f32
        %parallel_loop3A_497 = arith.subf %parallel_loop3A_496, %parallel_loop3A_495 : f32
        %parallel_loop3A_498 = arith.mulf %parallel_loop3A_491, %parallel_loop3A_497 : f32
        %parallel_loop3A_499 = arith.constant 5.000000e-01 : f32
        %parallel_loop3A_500 = arith.mulf %parallel_loop3A_499, %parallel_loop3A_478 : f32
        %parallel_loop3A_501 = arith.mulf %parallel_loop3A_500, %parallel_loop3A_498 : f32
        %parallel_loop3A_502 = arith.mulf %parallel_loop3A_501, %parallel_loop3A_498 : f32
        %parallel_loop3A_503 = arith.constant 1.500000e+00 : f32
        %parallel_loop3A_504 = arith.subf %parallel_loop3A_503, %parallel_loop3A_502 : f32
        %parallel_loop3A_505 = arith.mulf %parallel_loop3A_498, %parallel_loop3A_504 : f32
        %parallel_loop3A_506 = vector.broadcast %parallel_loop3A_468 : f32 to vector<16xf32>
        %parallel_loop3A_507 = arith.subf %parallel_loop3A_419, %parallel_loop3A_506 : vector<16xf32>
        %parallel_loop3A_508 = vector.broadcast %parallel_loop3A_505 : f32 to vector<16xf32>
        %parallel_loop3A_509 = arith.mulf %parallel_loop3A_507, %parallel_loop3A_508 : vector<16xf32>
        %parallel_loop3A_510 = arith.mulf %parallel_loop3A_509, %get3A_5 : vector<16xf32>
        %parallel_loop3A_511 = arith.addf %parallel_loop3A_510, %get3A_13 : vector<16xf32>
        %parallel_loop3A_512 = arith.constant 0 : i32
        %parallel_loop3A_513 = arith.constant 0 : i32
        %parallel_loop3A_514 = tpu.memref_slice %arg9[%parallel_loop3A_377, %parallel_loop3A_512, %parallel_loop3A_513] : memref<4x200x64xf32, #tpu.memory_space<vmem>> -> memref<1x200x64xf32, #tpu.memory_space<vmem>>
        %parallel_loop3A_515 = tpu.memref_squeeze %parallel_loop3A_514 : memref<1x200x64xf32, #tpu.memory_space<vmem>> -> memref<200x64xf32, #tpu.memory_space<vmem>>
        %parallel_loop3A_516 = arith.index_cast %parallel_loop3A_408 : i32 to index
        %parallel_loop3A_517 = arith.constant 0 : index
        %parallel_loop3A_518 = tpu.vector_load %parallel_loop3A_515[%parallel_loop3A_516, %parallel_loop3A_517] {strides = array<i32>} : memref<200x64xf32, #tpu.memory_space<vmem>>, vector<16xf32>,
        tpu.vector_store %parallel_loop3A_515[%parallel_loop3A_516, %parallel_loop3A_517], %parallel_loop3A_511 {strides = array<i32>} : memref<200x64xf32, #tpu.memory_space<vmem>>, vector<16xf32>,
        %parallel_loop3A_519 = vector.broadcast %parallel_loop3A_468 : f32 to vector<16xf32>
        %parallel_loop3A_520 = arith.subf %parallel_loop3A_430, %parallel_loop3A_519 : vector<16xf32>
        %parallel_loop3A_521 = vector.broadcast %parallel_loop3A_505 : f32 to vector<16xf32>
        %parallel_loop3A_522 = arith.mulf %parallel_loop3A_520, %parallel_loop3A_521 : vector<16xf32>
        %parallel_loop3A_523 = arith.mulf %parallel_loop3A_522, %get3A_7 : vector<16xf32>
        %parallel_loop3A_524 = arith.addf %parallel_loop3A_523, %get3A_15 : vector<16xf32>
        %parallel_loop3A_525 = arith.constant 0 : i32
        %parallel_loop3A_526 = arith.constant 0 : i32
        %parallel_loop3A_527 = tpu.memref_slice %arg9[%parallel_loop3A_377, %parallel_loop3A_525, %parallel_loop3A_526] : memref<4x200x64xf32, #tpu.memory_space<vmem>> -> memref<1x200x64xf32, #tpu.memory_space<vmem>>
        %parallel_loop3A_528 = tpu.memref_squeeze %parallel_loop3A_527 : memref<1x200x64xf32, #tpu.memory_space<vmem>> -> memref<200x64xf32, #tpu.memory_space<vmem>>
        %parallel_loop3A_529 = arith.index_cast %parallel_loop3A_408 : i32 to index
        %parallel_loop3A_530 = arith.constant 16 : index
        %parallel_loop3A_531 = tpu.vector_load %parallel_loop3A_528[%parallel_loop3A_529, %parallel_loop3A_530] {strides = array<i32>} : memref<200x64xf32, #tpu.memory_space<vmem>>, vector<16xf32>,
        tpu.vector_store %parallel_loop3A_528[%parallel_loop3A_529, %parallel_loop3A_530], %parallel_loop3A_524 {strides = array<i32>} : memref<200x64xf32, #tpu.memory_space<vmem>>, vector<16xf32>,
        %parallel_loop3A_532 = vector.broadcast %parallel_loop3A_468 : f32 to vector<16xf32>
        %parallel_loop3A_533 = arith.subf %parallel_loop3A_441, %parallel_loop3A_532 : vector<16xf32>
        %parallel_loop3A_534 = vector.broadcast %parallel_loop3A_505 : f32 to vector<16xf32>
        %parallel_loop3A_535 = arith.mulf %parallel_loop3A_533, %parallel_loop3A_534 : vector<16xf32>
        %parallel_loop3A_536 = arith.mulf %parallel_loop3A_535, %get3A_9 : vector<16xf32>
        %parallel_loop3A_537 = arith.addf %parallel_loop3A_536, %get3A_17 : vector<16xf32>
        %parallel_loop3A_538 = arith.constant 0 : i32
        %parallel_loop3A_539 = arith.constant 0 : i32
        %parallel_loop3A_540 = tpu.memref_slice %arg9[%parallel_loop3A_377, %parallel_loop3A_538, %parallel_loop3A_539] : memref<4x200x64xf32, #tpu.memory_space<vmem>> -> memref<1x200x64xf32, #tpu.memory_space<vmem>>
        %parallel_loop3A_541 = tpu.memref_squeeze %parallel_loop3A_540 : memref<1x200x64xf32, #tpu.memory_space<vmem>> -> memref<200x64xf32, #tpu.memory_space<vmem>>
        %parallel_loop3A_542 = arith.index_cast %parallel_loop3A_408 : i32 to index
        %parallel_loop3A_543 = arith.constant 32 : index
        %parallel_loop3A_544 = tpu.vector_load %parallel_loop3A_541[%parallel_loop3A_542, %parallel_loop3A_543] {strides = array<i32>} : memref<200x64xf32, #tpu.memory_space<vmem>>, vector<16xf32>,
        tpu.vector_store %parallel_loop3A_541[%parallel_loop3A_542, %parallel_loop3A_543], %parallel_loop3A_537 {strides = array<i32>} : memref<200x64xf32, #tpu.memory_space<vmem>>, vector<16xf32>,
        %parallel_loop3A_545 = vector.broadcast %parallel_loop3A_468 : f32 to vector<16xf32>
        %parallel_loop3A_546 = arith.subf %parallel_loop3A_452, %parallel_loop3A_545 : vector<16xf32>
        %parallel_loop3A_547 = vector.broadcast %parallel_loop3A_505 : f32 to vector<16xf32>
        %parallel_loop3A_548 = arith.mulf %parallel_loop3A_546, %parallel_loop3A_547 : vector<16xf32>
        %parallel_loop3A_549 = arith.mulf %parallel_loop3A_548, %get3A_11 : vector<16xf32>
        %parallel_loop3A_550 = arith.addf %parallel_loop3A_549, %get3A_19 : vector<16xf32>
        %parallel_loop3A_551 = arith.constant 0 : i32
        %parallel_loop3A_552 = arith.constant 0 : i32
        %parallel_loop3A_553 = tpu.memref_slice %arg9[%parallel_loop3A_377, %parallel_loop3A_551, %parallel_loop3A_552] : memref<4x200x64xf32, #tpu.memory_space<vmem>> -> memref<1x200x64xf32, #tpu.memory_space<vmem>>
        %parallel_loop3A_554 = tpu.memref_squeeze %parallel_loop3A_553 : memref<1x200x64xf32, #tpu.memory_space<vmem>> -> memref<200x64xf32, #tpu.memory_space<vmem>>
        %parallel_loop3A_555 = arith.index_cast %parallel_loop3A_408 : i32 to index
        %parallel_loop3A_556 = arith.constant 48 : index
        %parallel_loop3A_557 = tpu.vector_load %parallel_loop3A_554[%parallel_loop3A_555, %parallel_loop3A_556] {strides = array<i32>} : memref<200x64xf32, #tpu.memory_space<vmem>>, vector<16xf32>,
        tpu.vector_store %parallel_loop3A_554[%parallel_loop3A_555, %parallel_loop3A_556], %parallel_loop3A_550 {strides = array<i32>} : memref<200x64xf32, #tpu.memory_space<vmem>>, vector<16xf32>,
      } {sc.loop_unroll_factor = 4 : i64, sc.parallel_access}
      %add3A_378 = arith.addi %mul3A_4, %add3A_358 : i32
      %dma_start3A_379 = arith.constant 3 : i32
      %dma_start3A_380 = arith.constant 0 : i32
      %dma_start3A_381 = arith.constant 0 : i32
      %dma_start3A_382 = tpu.memref_slice %arg9[%dma_start3A_379, %dma_start3A_380, %dma_start3A_381] : memref<4x200x64xf32, #tpu.memory_space<vmem>> -> memref<1x200x64xf32, #tpu.memory_space<vmem>>
      %dma_start3A_383 = tpu.memref_squeeze %dma_start3A_382 : memref<1x200x64xf32, #tpu.memory_space<vmem>> -> memref<200x64xf32, #tpu.memory_space<vmem>>
      %dma_start3A_384 = arith.constant 0 : i32
      %dma_start3A_385 = arith.constant 0 : i32
      %dma_start3A_386 = tpu.memref_slice %arg7[%add3A_378, %dma_start3A_384, %dma_start3A_385] : memref<4096x200x128xf32, #tpu.memory_space<hbm>> -> memref<1x200x128xf32, #tpu.memory_space<hbm>>
      %dma_start3A_387 = tpu.memref_squeeze %dma_start3A_386 : memref<1x200x128xf32, #tpu.memory_space<hbm>> -> memref<200x128xf32, #tpu.memory_space<hbm>>
      %dma_start3A_388 = arith.constant 0 : i32
      %dma_start3A_389 = arith.constant 0 : i32
      %dma_start3A_390 = tpu.memref_slice %dma_start3A_387[%dma_start3A_388, %dma_start3A_389] : memref<200x128xf32, #tpu.memory_space<hbm>> -> memref<200x64xf32, #tpu.memory_space<hbm>>
      %dma_start3A_391 = arith.constant 0 : i32
      %dma_start3A_392 = arith.constant 0 : i32
      %dma_start3A_393 = tpu.memref_slice %arg7[%add3A_378, %dma_start3A_391, %dma_start3A_392] : memref<4096x200x128xf32, #tpu.memory_space<hbm>> -> memref<1x200x128xf32, #tpu.memory_space<hbm>>
      %dma_start3A_394 = tpu.memref_squeeze %dma_start3A_393 : memref<1x200x128xf32, #tpu.memory_space<hbm>> -> memref<200x128xf32, #tpu.memory_space<hbm>>
      %dma_start3A_395 = arith.constant 0 : i32
      %dma_start3A_396 = arith.constant 0 : i32
      %dma_start3A_397 = tpu.memref_slice %dma_start3A_394[%dma_start3A_395, %dma_start3A_396] : memref<200x128xf32, #tpu.memory_space<hbm>> -> memref<200x64xf32, #tpu.memory_space<hbm>>
      %dma_start3A_398 = arith.constant 0 : i32
      %dma_start3A_399 = arith.constant 0 : i32
      %dma_start3A_400 = tpu.memref_slice %arg9[%dma_start3A_379, %dma_start3A_398, %dma_start3A_399] : memref<4x200x64xf32, #tpu.memory_space<vmem>> -> memref<1x200x64xf32, #tpu.memory_space<vmem>>
      %dma_start3A_401 = tpu.memref_squeeze %dma_start3A_400 : memref<1x200x64xf32, #tpu.memory_space<vmem>> -> memref<200x64xf32, #tpu.memory_space<vmem>>
      tpu.enqueue_dma source(%dma_start3A_401 : memref<200x64xf32, #tpu.memory_space<vmem>>) target(%dma_start3A_397 : memref<200x64xf32, #tpu.memory_space<hbm>>) target_semaphore(%arg20 : memref<!tpu.dma_semaphore, #tpu.memory_space<semaphore_mem>>)
      %lt3A_402 = arith.constant 31 : i32
      %lt3A_403 = arith.cmpi slt, %scan3A_198, %lt3A_402 : i32
      %convert_element_type3A_404 = arith.extui %lt3A_403 : i1 to i32
      %cond3A_405 = arith.constant 0 : i32
      %cond3A_406 = arith.cmpi ne, %convert_element_type3A_404, %cond3A_405 : i32
      scf.if %cond3A_406 {
        %dma_wait3A_408 = arith.constant 2 : i32
        %dma_wait3A_409 = arith.constant 0 : i32
        %dma_wait3A_410 = arith.constant 0 : i32
        %dma_wait3A_411 = arith.constant 0 : i32
        %dma_wait3A_412 = tpu.memref_slice %arg9[%dma_wait3A_408, %dma_wait3A_410, %dma_wait3A_411] : memref<4x200x64xf32, #tpu.memory_space<vmem>> -> memref<1x200x64xf32, #tpu.memory_space<vmem>>
        %dma_wait3A_413 = tpu.memref_squeeze %dma_wait3A_412 : memref<1x200x64xf32, #tpu.memory_space<vmem>> -> memref<200x64xf32, #tpu.memory_space<vmem>>
        %dma_wait3A_414 = arith.constant 0 : i32
        %dma_wait3A_415 = arith.constant 0 : i32
        %dma_wait3A_416 = tpu.memref_slice %arg7[%dma_wait3A_409, %dma_wait3A_414, %dma_wait3A_415] : memref<4096x200x128xf32, #tpu.memory_space<hbm>> -> memref<1x200x128xf32, #tpu.memory_space<hbm>>
        %dma_wait3A_417 = tpu.memref_squeeze %dma_wait3A_416 : memref<1x200x128xf32, #tpu.memory_space<hbm>> -> memref<200x128xf32, #tpu.memory_space<hbm>>
        %dma_wait3A_418 = arith.constant 0 : i32
        %dma_wait3A_419 = arith.constant 0 : i32
        %dma_wait3A_420 = tpu.memref_slice %dma_wait3A_417[%dma_wait3A_418, %dma_wait3A_419] : memref<200x128xf32, #tpu.memory_space<hbm>> -> memref<200x64xf32, #tpu.memory_space<hbm>>
        %dma_wait3A_421 = arith.constant 0 : i32
        %dma_wait3A_422 = arith.constant 0 : i32
        %dma_wait3A_423 = tpu.memref_slice %arg7[%dma_wait3A_409, %dma_wait3A_421, %dma_wait3A_422] : memref<4096x200x128xf32, #tpu.memory_space<hbm>> -> memref<1x200x128xf32, #tpu.memory_space<hbm>>
        %dma_wait3A_424 = tpu.memref_squeeze %dma_wait3A_423 : memref<1x200x128xf32, #tpu.memory_space<hbm>> -> memref<200x128xf32, #tpu.memory_space<hbm>>
        %dma_wait3A_425 = arith.constant 0 : i32
        %dma_wait3A_426 = arith.constant 0 : i32
        %dma_wait3A_427 = tpu.memref_slice %dma_wait3A_424[%dma_wait3A_425, %dma_wait3A_426] : memref<200x128xf32, #tpu.memory_space<hbm>> -> memref<200x64xf32, #tpu.memory_space<hbm>>
        %dma_wait3A_428 = arith.constant 0 : i32
        %dma_wait3A_429 = arith.constant 0 : i32
        %dma_wait3A_430 = tpu.memref_slice %arg9[%dma_wait3A_408, %dma_wait3A_428, %dma_wait3A_429] : memref<4x200x64xf32, #tpu.memory_space<vmem>> -> memref<1x200x64xf32, #tpu.memory_space<vmem>>
        %dma_wait3A_431 = tpu.memref_squeeze %dma_wait3A_430 : memref<1x200x64xf32, #tpu.memory_space<vmem>> -> memref<200x64xf32, #tpu.memory_space<vmem>>
        tpu.wait_dma2 semaphore(%arg19 : memref<!tpu.dma_semaphore, #tpu.memory_space<semaphore_mem>>) src(%dma_wait3A_431 : memref<200x64xf32, #tpu.memory_space<vmem>>) dst(%dma_wait3A_427 : memref<200x64xf32, #tpu.memory_space<hbm>>)
        %add3A_432 = arith.constant 4 : i32
        %add3A_433 = arith.addi %add3A_358, %add3A_432 : i32
        %sub3A = arith.constant 1 : i32
        %sub3A_434 = arith.subi %add3A_433, %sub3A : i32
        %mul3A_435 = arith.constant 200 : i32
        %mul3A_436 = arith.muli %sub3A_434, %mul3A_435 : i32
        %add3A_437 = arith.constant 0 : i32
        %add3A_438 = arith.addi %mul3A_436, %add3A_437 : i32
        %dma_start3A_439 = arith.constant 2 : i32
        %dma_start3A_440 = arith.constant 0 : i32
        %dma_start3A_441 = arith.constant 0 : i32
        %dma_start3A_442 = tpu.memref_slice %arg9[%dma_start3A_439, %dma_start3A_440, %dma_start3A_441] : memref<4x200x64xf32, #tpu.memory_space<vmem>> -> memref<1x200x64xf32, #tpu.memory_space<vmem>>
        %dma_start3A_443 = tpu.memref_squeeze %dma_start3A_442 : memref<1x200x64xf32, #tpu.memory_space<vmem>> -> memref<200x64xf32, #tpu.memory_space<vmem>>
        %dma_start3A_444 = arith.constant 0 : i32
        %dma_start3A_445 = arith.constant 0 : i32
        %dma_start3A_446 = tpu.memref_slice %dma_start3A_443[%dma_start3A_444, %dma_start3A_445] : memref<200x64xf32, #tpu.memory_space<vmem>> -> memref<104x64xf32, #tpu.memory_space<vmem>>
        %dma_start3A_447 = tpu.memref_slice %arg8[%add3A_438] : memref<25600xi32, #tpu.memory_space<vmem>> -> memref<104xi32, #tpu.memory_space<vmem>>
        %dma_start3A_448 = arith.constant 0 : i32
        %dma_start3A_449 = arith.constant 0 : i32
        %dma_start3A_450 = tpu.memref_slice %arg3[%dma_start3A_448, %dma_start3A_449] : memref<2000000x64xf32, #tpu.memory_space<hbm>> -> memref<2000000x64xf32, #tpu.memory_space<hbm>>
        tpu.enqueue_indirect_dma source(%dma_start3A_450 : memref<2000000x64xf32, #tpu.memory_space<hbm>>) target(%dma_start3A_446 : memref<104x64xf32, #tpu.memory_space<vmem>>) offsets(%dma_start3A_447 : memref<104xi32, #tpu.memory_space<vmem>>) semaphore(%arg15 : memref<!tpu.dma_semaphore, #tpu.memory_space<semaphore_mem>>)
        %mul3A_451 = arith.constant 200 : i32
        %mul3A_452 = arith.muli %sub3A_434, %mul3A_451 : i32
        %add3A_453 = arith.constant 104 : i32
        %add3A_454 = arith.addi %mul3A_452, %add3A_453 : i32
        %dma_start3A_455 = arith.constant 2 : i32
        %dma_start3A_456 = arith.constant 0 : i32
        %dma_start3A_457 = arith.constant 0 : i32
        %dma_start3A_458 = tpu.memref_slice %arg9[%dma_start3A_455, %dma_start3A_456, %dma_start3A_457] : memref<4x200x64xf32, #tpu.memory_space<vmem>> -> memref<1x200x64xf32, #tpu.memory_space<vmem>>
        %dma_start3A_459 = tpu.memref_squeeze %dma_start3A_458 : memref<1x200x64xf32, #tpu.memory_space<vmem>> -> memref<200x64xf32, #tpu.memory_space<vmem>>
        %dma_start3A_460 = arith.constant 104 : i32
        %dma_start3A_461 = arith.constant 0 : i32
        %dma_start3A_462 = tpu.memref_slice %dma_start3A_459[%dma_start3A_460, %dma_start3A_461] : memref<200x64xf32, #tpu.memory_space<vmem>> -> memref<96x64xf32, #tpu.memory_space<vmem>>
        %dma_start3A_463 = tpu.memref_slice %arg8[%add3A_454] : memref<25600xi32, #tpu.memory_space<vmem>> -> memref<96xi32, #tpu.memory_space<vmem>>
        %dma_start3A_464 = arith.constant 0 : i32
        %dma_start3A_465 = arith.constant 0 : i32
        %dma_start3A_466 = tpu.memref_slice %arg3[%dma_start3A_464, %dma_start3A_465] : memref<2000000x64xf32, #tpu.memory_space<hbm>> -> memref<2000000x64xf32, #tpu.memory_space<hbm>>
        tpu.enqueue_indirect_dma source(%dma_start3A_466 : memref<2000000x64xf32, #tpu.memory_space<hbm>>) target(%dma_start3A_462 : memref<96x64xf32, #tpu.memory_space<vmem>>) offsets(%dma_start3A_463 : memref<96xi32, #tpu.memory_space<vmem>>) semaphore(%arg15 : memref<!tpu.dma_semaphore, #tpu.memory_space<semaphore_mem>>)
      } else {
      }
      %scan3A_407 = arith.constant 0 : i32
      scf.yield %scan3A_407 : i32
    }
    %scan3A_102 = arith.constant 32 : i32
    %dma_wait3A = arith.constant 0 : i32
    %dma_wait3A_103 = arith.constant 0 : i32
    %dma_wait3A_104 = arith.constant 0 : i32
    %dma_wait3A_105 = arith.constant 0 : i32
    %dma_wait3A_106 = tpu.memref_slice %arg9[%dma_wait3A, %dma_wait3A_104, %dma_wait3A_105] : memref<4x200x64xf32, #tpu.memory_space<vmem>> -> memref<1x200x64xf32, #tpu.memory_space<vmem>>
    %dma_wait3A_107 = tpu.memref_squeeze %dma_wait3A_106 : memref<1x200x64xf32, #tpu.memory_space<vmem>> -> memref<200x64xf32, #tpu.memory_space<vmem>>
    %dma_wait3A_108 = arith.constant 0 : i32
    %dma_wait3A_109 = arith.constant 0 : i32
    %dma_wait3A_110 = tpu.memref_slice %arg7[%dma_wait3A_103, %dma_wait3A_108, %dma_wait3A_109] : memref<4096x200x128xf32, #tpu.memory_space<hbm>> -> memref<1x200x128xf32, #tpu.memory_space<hbm>>
    %dma_wait3A_111 = tpu.memref_squeeze %dma_wait3A_110 : memref<1x200x128xf32, #tpu.memory_space<hbm>> -> memref<200x128xf32, #tpu.memory_space<hbm>>
    %dma_wait3A_112 = arith.constant 0 : i32
    %dma_wait3A_113 = arith.constant 0 : i32
    %dma_wait3A_114 = tpu.memref_slice %dma_wait3A_111[%dma_wait3A_112, %dma_wait3A_113] : memref<200x128xf32, #tpu.memory_space<hbm>> -> memref<200x64xf32, #tpu.memory_space<hbm>>
    %dma_wait3A_115 = arith.constant 0 : i32
    %dma_wait3A_116 = arith.constant 0 : i32
    %dma_wait3A_117 = tpu.memref_slice %arg7[%dma_wait3A_103, %dma_wait3A_115, %dma_wait3A_116] : memref<4096x200x128xf32, #tpu.memory_space<hbm>> -> memref<1x200x128xf32, #tpu.memory_space<hbm>>
    %dma_wait3A_118 = tpu.memref_squeeze %dma_wait3A_117 : memref<1x200x128xf32, #tpu.memory_space<hbm>> -> memref<200x128xf32, #tpu.memory_space<hbm>>
    %dma_wait3A_119 = arith.constant 0 : i32
    %dma_wait3A_120 = arith.constant 0 : i32
    %dma_wait3A_121 = tpu.memref_slice %dma_wait3A_118[%dma_wait3A_119, %dma_wait3A_120] : memref<200x128xf32, #tpu.memory_space<hbm>> -> memref<200x64xf32, #tpu.memory_space<hbm>>
    %dma_wait3A_122 = arith.constant 0 : i32
    %dma_wait3A_123 = arith.constant 0 : i32
    %dma_wait3A_124 = tpu.memref_slice %arg9[%dma_wait3A, %dma_wait3A_122, %dma_wait3A_123] : memref<4x200x64xf32, #tpu.memory_space<vmem>> -> memref<1x200x64xf32, #tpu.memory_space<vmem>>
    %dma_wait3A_125 = tpu.memref_squeeze %dma_wait3A_124 : memref<1x200x64xf32, #tpu.memory_space<vmem>> -> memref<200x64xf32, #tpu.memory_space<vmem>>
    tpu.wait_dma2 semaphore(%arg17 : memref<!tpu.dma_semaphore, #tpu.memory_space<semaphore_mem>>) src(%dma_wait3A_125 : memref<200x64xf32, #tpu.memory_space<vmem>>) dst(%dma_wait3A_121 : memref<200x64xf32, #tpu.memory_space<hbm>>)
    %dma_wait3A_126 = arith.constant 1 : i32
    %dma_wait3A_127 = arith.constant 0 : i32
    %dma_wait3A_128 = arith.constant 0 : i32
    %dma_wait3A_129 = arith.constant 0 : i32
    %dma_wait3A_130 = tpu.memref_slice %arg9[%dma_wait3A_126, %dma_wait3A_128, %dma_wait3A_129] : memref<4x200x64xf32, #tpu.memory_space<vmem>> -> memref<1x200x64xf32, #tpu.memory_space<vmem>>
    %dma_wait3A_131 = tpu.memref_squeeze %dma_wait3A_130 : memref<1x200x64xf32, #tpu.memory_space<vmem>> -> memref<200x64xf32, #tpu.memory_space<vmem>>
    %dma_wait3A_132 = arith.constant 0 : i32
    %dma_wait3A_133 = arith.constant 0 : i32
    %dma_wait3A_134 = tpu.memref_slice %arg7[%dma_wait3A_127, %dma_wait3A_132, %dma_wait3A_133] : memref<4096x200x128xf32, #tpu.memory_space<hbm>> -> memref<1x200x128xf32, #tpu.memory_space<hbm>>
    %dma_wait3A_135 = tpu.memref_squeeze %dma_wait3A_134 : memref<1x200x128xf32, #tpu.memory_space<hbm>> -> memref<200x128xf32, #tpu.memory_space<hbm>>
    %dma_wait3A_136 = arith.constant 0 : i32
    %dma_wait3A_137 = arith.constant 0 : i32
    %dma_wait3A_138 = tpu.memref_slice %dma_wait3A_135[%dma_wait3A_136, %dma_wait3A_137] : memref<200x128xf32, #tpu.memory_space<hbm>> -> memref<200x64xf32, #tpu.memory_space<hbm>>
    %dma_wait3A_139 = arith.constant 0 : i32
    %dma_wait3A_140 = arith.constant 0 : i32
    %dma_wait3A_141 = tpu.memref_slice %arg7[%dma_wait3A_127, %dma_wait3A_139, %dma_wait3A_140] : memref<4096x200x128xf32, #tpu.memory_space<hbm>> -> memref<1x200x128xf32, #tpu.memory_space<hbm>>
    %dma_wait3A_142 = tpu.memref_squeeze %dma_wait3A_141 : memref<1x200x128xf32, #tpu.memory_space<hbm>> -> memref<200x128xf32, #tpu.memory_space<hbm>>
    %dma_wait3A_143 = arith.constant 0 : i32
    %dma_wait3A_144 = arith.constant 0 : i32
    %dma_wait3A_145 = tpu.memref_slice %dma_wait3A_142[%dma_wait3A_143, %dma_wait3A_144] : memref<200x128xf32, #tpu.memory_space<hbm>> -> memref<200x64xf32, #tpu.memory_space<hbm>>
    %dma_wait3A_146 = arith.constant 0 : i32
    %dma_wait3A_147 = arith.constant 0 : i32
    %dma_wait3A_148 = tpu.memref_slice %arg9[%dma_wait3A_126, %dma_wait3A_146, %dma_wait3A_147] : memref<4x200x64xf32, #tpu.memory_space<vmem>> -> memref<1x200x64xf32, #tpu.memory_space<vmem>>
    %dma_wait3A_149 = tpu.memref_squeeze %dma_wait3A_148 : memref<1x200x64xf32, #tpu.memory_space<vmem>> -> memref<200x64xf32, #tpu.memory_space<vmem>>
    tpu.wait_dma2 semaphore(%arg18 : memref<!tpu.dma_semaphore, #tpu.memory_space<semaphore_mem>>) src(%dma_wait3A_149 : memref<200x64xf32, #tpu.memory_space<vmem>>) dst(%dma_wait3A_145 : memref<200x64xf32, #tpu.memory_space<hbm>>)
    %dma_wait3A_150 = arith.constant 2 : i32
    %dma_wait3A_151 = arith.constant 0 : i32
    %dma_wait3A_152 = arith.constant 0 : i32
    %dma_wait3A_153 = arith.constant 0 : i32
    %dma_wait3A_154 = tpu.memref_slice %arg9[%dma_wait3A_150, %dma_wait3A_152, %dma_wait3A_153] : memref<4x200x64xf32, #tpu.memory_space<vmem>> -> memref<1x200x64xf32, #tpu.memory_space<vmem>>
    %dma_wait3A_155 = tpu.memref_squeeze %dma_wait3A_154 : memref<1x200x64xf32, #tpu.memory_space<vmem>> -> memref<200x64xf32, #tpu.memory_space<vmem>>
    %dma_wait3A_156 = arith.constant 0 : i32
    %dma_wait3A_157 = arith.constant 0 : i32
    %dma_wait3A_158 = tpu.memref_slice %arg7[%dma_wait3A_151, %dma_wait3A_156, %dma_wait3A_157] : memref<4096x200x128xf32, #tpu.memory_space<hbm>> -> memref<1x200x128xf32, #tpu.memory_space<hbm>>
    %dma_wait3A_159 = tpu.memref_squeeze %dma_wait3A_158 : memref<1x200x128xf32, #tpu.memory_space<hbm>> -> memref<200x128xf32, #tpu.memory_space<hbm>>
    %dma_wait3A_160 = arith.constant 0 : i32
    %dma_wait3A_161 = arith.constant 0 : i32
    %dma_wait3A_162 = tpu.memref_slice %dma_wait3A_159[%dma_wait3A_160, %dma_wait3A_161] : memref<200x128xf32, #tpu.memory_space<hbm>> -> memref<200x64xf32, #tpu.memory_space<hbm>>
    %dma_wait3A_163 = arith.constant 0 : i32
    %dma_wait3A_164 = arith.constant 0 : i32
    %dma_wait3A_165 = tpu.memref_slice %arg7[%dma_wait3A_151, %dma_wait3A_163, %dma_wait3A_164] : memref<4096x200x128xf32, #tpu.memory_space<hbm>> -> memref<1x200x128xf32, #tpu.memory_space<hbm>>
    %dma_wait3A_166 = tpu.memref_squeeze %dma_wait3A_165 : memref<1x200x128xf32, #tpu.memory_space<hbm>> -> memref<200x128xf32, #tpu.memory_space<hbm>>
    %dma_wait3A_167 = arith.constant 0 : i32
    %dma_wait3A_168 = arith.constant 0 : i32
    %dma_wait3A_169 = tpu.memref_slice %dma_wait3A_166[%dma_wait3A_167, %dma_wait3A_168] : memref<200x128xf32, #tpu.memory_space<hbm>> -> memref<200x64xf32, #tpu.memory_space<hbm>>
    %dma_wait3A_170 = arith.constant 0 : i32
    %dma_wait3A_171 = arith.constant 0 : i32
    %dma_wait3A_172 = tpu.memref_slice %arg9[%dma_wait3A_150, %dma_wait3A_170, %dma_wait3A_171] : memref<4x200x64xf32, #tpu.memory_space<vmem>> -> memref<1x200x64xf32, #tpu.memory_space<vmem>>
    %dma_wait3A_173 = tpu.memref_squeeze %dma_wait3A_172 : memref<1x200x64xf32, #tpu.memory_space<vmem>> -> memref<200x64xf32, #tpu.memory_space<vmem>>
    tpu.wait_dma2 semaphore(%arg19 : memref<!tpu.dma_semaphore, #tpu.memory_space<semaphore_mem>>) src(%dma_wait3A_173 : memref<200x64xf32, #tpu.memory_space<vmem>>) dst(%dma_wait3A_169 : memref<200x64xf32, #tpu.memory_space<hbm>>)
    %dma_wait3A_174 = arith.constant 3 : i32
    %dma_wait3A_175 = arith.constant 0 : i32
    %dma_wait3A_176 = arith.constant 0 : i32
    %dma_wait3A_177 = arith.constant 0 : i32
    %dma_wait3A_178 = tpu.memref_slice %arg9[%dma_wait3A_174, %dma_wait3A_176, %dma_wait3A_177] : memref<4x200x64xf32, #tpu.memory_space<vmem>> -> memref<1x200x64xf32, #tpu.memory_space<vmem>>
    %dma_wait3A_179 = tpu.memref_squeeze %dma_wait3A_178 : memref<1x200x64xf32, #tpu.memory_space<vmem>> -> memref<200x64xf32, #tpu.memory_space<vmem>>
    %dma_wait3A_180 = arith.constant 0 : i32
    %dma_wait3A_181 = arith.constant 0 : i32
    %dma_wait3A_182 = tpu.memref_slice %arg7[%dma_wait3A_175, %dma_wait3A_180, %dma_wait3A_181] : memref<4096x200x128xf32, #tpu.memory_space<hbm>> -> memref<1x200x128xf32, #tpu.memory_space<hbm>>
    %dma_wait3A_183 = tpu.memref_squeeze %dma_wait3A_182 : memref<1x200x128xf32, #tpu.memory_space<hbm>> -> memref<200x128xf32, #tpu.memory_space<hbm>>
    %dma_wait3A_184 = arith.constant 0 : i32
    %dma_wait3A_185 = arith.constant 0 : i32
    %dma_wait3A_186 = tpu.memref_slice %dma_wait3A_183[%dma_wait3A_184, %dma_wait3A_185] : memref<200x128xf32, #tpu.memory_space<hbm>> -> memref<200x64xf32, #tpu.memory_space<hbm>>
    %dma_wait3A_187 = arith.constant 0 : i32
    %dma_wait3A_188 = arith.constant 0 : i32
    %dma_wait3A_189 = tpu.memref_slice %arg7[%dma_wait3A_175, %dma_wait3A_187, %dma_wait3A_188] : memref<4096x200x128xf32, #tpu.memory_space<hbm>> -> memref<1x200x128xf32, #tpu.memory_space<hbm>>
    %dma_wait3A_190 = tpu.memref_squeeze %dma_wait3A_189 : memref<1x200x128xf32, #tpu.memory_space<hbm>> -> memref<200x128xf32, #tpu.memory_space<hbm>>
    %dma_wait3A_191 = arith.constant 0 : i32
    %dma_wait3A_192 = arith.constant 0 : i32
    %dma_wait3A_193 = tpu.memref_slice %dma_wait3A_190[%dma_wait3A_191, %dma_wait3A_192] : memref<200x128xf32, #tpu.memory_space<hbm>> -> memref<200x64xf32, #tpu.memory_space<hbm>>
    %dma_wait3A_194 = arith.constant 0 : i32
    %dma_wait3A_195 = arith.constant 0 : i32
    %dma_wait3A_196 = tpu.memref_slice %arg9[%dma_wait3A_174, %dma_wait3A_194, %dma_wait3A_195] : memref<4x200x64xf32, #tpu.memory_space<vmem>> -> memref<1x200x64xf32, #tpu.memory_space<vmem>>
    %dma_wait3A_197 = tpu.memref_squeeze %dma_wait3A_196 : memref<1x200x64xf32, #tpu.memory_space<vmem>> -> memref<200x64xf32, #tpu.memory_space<vmem>>
    tpu.wait_dma2 semaphore(%arg20 : memref<!tpu.dma_semaphore, #tpu.memory_space<semaphore_mem>>) src(%dma_wait3A_197 : memref<200x64xf32, #tpu.memory_space<vmem>>) dst(%dma_wait3A_193 : memref<200x64xf32, #tpu.memory_space<hbm>>)
    return
  }
}

</mosaic_0001>

<sc_bundles>
// kernel: kernel.3.cloned.1.call-start
scs
__scs_entry_jumppad:
0x0: {  	(pc) =	sbr.rel $0x88, $3  }
0x1: {  	(tag) =	ssettag $0x0;
	lr =	simm.s32 $0x1  }
0x2: {  	[smem:$0x3F9C] =	sst lr;
	_ =	strace $0xD0000000  }
0x3: {  	_ = 	snop  }
0x4: {  	_ = 	snop  }
0x5: {  	_ = 	snop  }
0x6: {  	_ = 	snop  }
0x7: {  	_ = 	snop  }
__scs_overlays_trampoline_lowered:
0x8: {  	[smem:$0x3FAB] =	sst s0  }
0x9: {  	[smem:$0x3FAC] =	sst s1  }
0xa: {  	[smem:$0x3FAD] =	sst s2  }
0xb: {  	[smem:$0x3FAE] =	sst s3  }
0xc: {  	[smem:$0x3FAF] =	sst s4  }
0xd: {  	[smem:$0x3FB0] =	sst s5  }
0xe: {  	[smem:$0x3FB1] =	sst s6  }
0xf: {  	[smem:$0x3FB2] =	sst s7  }
0x10: {  	[smem:$0x3FB3] =	sst s8  }
0x11: {  	[smem:$0x3FB4] =	sst s9;
	s0 =	simm.s32 @!p0 $0x0  }
0x12: {  	s1 =	sld [smem:$0x3F9A];
	s0 =	simm.s32 @p0 $0x1  }
0x13: {  	[smem:$0x3FB5] =	sst s0;
	s0 =	simm.s32 @!p1 $0x0  }
0x14: {  	s2 =	sld [smem:$0x3F99];
	s0 =	simm.s32 @p1 $0x1  }
0x15: {  	[smem:$0x3FB6] =	sst s0;
	s0 =	simm.s32 @!p2 $0x0  }
0x16: {  	s3 =	sld [smem:$0x3FDB];
	s0 =	simm.s32 @p2 $0x1  }
0x17: {  	s4 =	simm.s32 $0x1BF5;
	[smem:$0x3FB8] =	sst s0  }
0x18: {  	s0 =	sld [smem:$0x3F9B];
	_ =	swait.ge [sflag:s4], $0x0  }
0x19: {  	s7 =	sld [smem:$0x3F9C]  }
0x1a: {  	s8 =	sadd.s32 $0xFFFFE003, lr  }
0x1b: {  	s9 =	sadd.s32 $0xFFFFFEF7, lr;
	s5 =	simm.s32 $0xFFFFFFFF;
	p2 =	slt.u32 s8, $0xFFFFF086  }
0x1c: {  	p1 =	slt.u32 s9, $0xF7A;
	s5 =	simm.s32 @!p2 $0x0  }
0x1d: {  	s5 =	simm.s32 @p1 $0x1;
	p0 =	seq.s32 s7, s2  }
0x1e: {  	s7 =	smul.u32 @!p0 $0xF7A, s2;
	p2 =	seq.s32 @!p0 s5, $0x0  }
0x1f: {  	s9 =	smul.u32 $0xF7A, s1;
	s8 =	simm.s32 @!p0 $0x1BF5;
	p2 =	por !p2, p0  }
0x20: {  	[sflag:s8] =	ssyncset.s32 @!p0 $0xFFFFF086;
	s6 =	sadd.s32 @!p0 s3, s7;
	s7 =	simm.s32 @!p0 $0x108  }
0x21: {  	s3 =	sadd.s32 s3, s9;
	s6 =	sadd.s32 @!p0 $0x88, s6;
	s7 =	simm.s32 @p2 $0x1082  }
0x22: {  	[simem:s7], [sflag:s8] =	dma.local @!p0 [hbm:s6], $0xF7A  }
0x23: {  	s9 =	sor.u32 $0xD0000000, s2;
	s6 =	simm.s32 $0x108;
	_ =	swait.ge @!p0 [sflag:s8], $0x0  }
0x24: {  	s3 =	sadd.s32 $0x88, s3;
	s6 =	simm.s32 @!p1 $0x1082;
	[sflag:s4] =	ssyncset.s32 $0xFFFFF086  }
0x25: {  	[simem:s6], [sflag:s4] =	dma.local [hbm:s3], $0xF7A  }
0x26: {  	[smem:$0x3F9C] =	sst s1;
	(tag) =	ssettag s2;
	_ =	strace s9  }
0x27: {  	s1 =	sld [smem:$0x3FAC]  }
0x28: {  	s2 =	sld [smem:$0x3FAD]  }
0x29: {  	s4 =	sld [smem:$0x3FAF]  }
0x2a: {  	p0 =	seq.s32 s5, $0x0;
	s5 =	sld [smem:$0x3FB0]  }
0x2b: {  	s6 =	sld [smem:$0x3FB1]  }
0x2c: {  	s7 =	sld [smem:$0x3FB2]  }
0x2d: {  	s3 =	simm.s32 $0x108;
	s8 =	sld [smem:$0x3FB3]  }
0x2e: {  	s3 =	simm.s32 @!p0 $0x1082;
	s9 =	sld [smem:$0x3FB4]  }
0x2f: {  	lr =	sadd.s32 s0, s3;
	s0 =	sld [smem:$0x3FAB]  }
0x30: {  	s3 =	sld [smem:$0x3FAE]  }
0x31: {  	[smem:$0x3FB7] =	sst s10  }
0x32: {  	s10 =	sld [smem:$0x3FB5];
	_ =	sdelay $0x3  }
0x33: {  	p0 =	seq.s32 s10, $0x1;
	s10 =	sld [smem:$0x3FB7];
	_ =	sdelay $0x3  }
0x34: {  	[smem:$0x3FB7] =	sst s10  }
0x35: {  	s10 =	sld [smem:$0x3FB6];
	_ =	sdelay $0x3  }
0x36: {  	p1 =	seq.s32 s10, $0x1;
	s10 =	sld [smem:$0x3FB7];
	_ =	sdelay $0x3  }
0x37: {  	[smem:$0x3FB7] =	sst s10  }
0x38: {  	s10 =	sld [smem:$0x3FB8]  }
0x39: {  	_ = 	snop;
	(pc) =	sbr.ind lr, $3  }
0x3a: {  	_ = 	snop  }
0x3b: {  	_ = 	snop  }
0x3c: {  	p2 =	seq.s32 s10, $0x1;
	s10 =	sld [smem:$0x3FB7]  }
0x3d: {  	_ =	shalt  }
0x3e: {  	_ =	shalt  }
0x3f: {  	_ =	shalt  }
0x40: {  	_ =	shalt  }
0x41: {  	_ =	shalt  }
0x42: {  	_ =	shalt  }
0x43: {  	_ =	shalt  }
0x44: {  	_ =	shalt  }
0x45: {  	_ =	shalt  }
0x46: {  	_ =	shalt  }
0x47: {  	_ =	shalt  }
0x48: {  	_ =	shalt  }
0x49: {  	_ =	shalt  }
0x4a: {  	_ =	shalt  }
0x4b: {  	_ =	shalt  }
0x4c: {  	_ =	shalt  }
0x4d: {  	_ =	shalt  }
0x4e: {  	_ =	shalt  }
0x4f: {  	_ =	shalt  }
0x50: {  	_ =	shalt  }
0x51: {  	_ =	shalt  }
0x52: {  	_ =	shalt  }
0x53: {  	_ =	shalt  }
0x54: {  	_ =	shalt  }
0x55: {  	_ =	shalt  }
0x56: {  	_ =	shalt  }
0x57: {  	_ =	shalt  }
0x58: {  	_ =	shalt  }
0x59: {  	_ =	shalt  }
0x5a: {  	_ =	shalt  }
0x5b: {  	_ =	shalt  }
0x5c: {  	_ =	shalt  }
0x5d: {  	_ =	shalt  }
0x5e: {  	_ =	shalt  }
0x5f: {  	_ =	shalt  }
0x60: {  	_ =	shalt  }
0x61: {  	_ =	shalt  }
0x62: {  	_ =	shalt  }
0x63: {  	_ =	shalt  }
0x64: {  	_ =	shalt  }
0x65: {  	_ =	shalt  }
0x66: {  	_ =	shalt  }
0x67: {  	_ =	shalt  }
0x68: {  	_ =	shalt  }
0x69: {  	_ =	shalt  }
0x6a: {  	_ =	shalt  }
0x6b: {  	_ =	shalt  }
0x6c: {  	_ =	shalt  }
0x6d: {  	_ =	shalt  }
0x6e: {  	_ =	shalt  }
0x6f: {  	_ =	shalt  }
0x70: {  	_ =	shalt  }
0x71: {  	_ =	shalt  }
0x72: {  	_ =	shalt  }
0x73: {  	_ =	shalt  }
0x74: {  	_ =	shalt  }
0x75: {  	_ =	shalt  }
0x76: {  	_ =	shalt  }
0x77: {  	_ =	shalt  }
0x78: {  	_ =	shalt  }
0x79: {  	_ =	shalt  }
0x7a: {  	_ =	shalt  }
0x7b: {  	_ =	shalt  }
0x7c: {  	_ =	shalt  }
0x7d: {  	_ =	shalt  }
0x7e: {  	_ =	shalt  }
0x7f: {  	_ =	shalt  }
0x80: {  	_ =	shalt  }
0x81: {  	_ =	shalt  }
0x82: {  	_ =	shalt  }
0x83: {  	_ =	shalt  }
0x84: {  	_ =	shalt  }
0x85: {  	_ =	shalt  }
0x86: {  	_ =	shalt  }
0x87: {  	_ =	shalt  }
.Lfunc_end0:
.L_simem_size_0:
called_computation.2_lowered:
.L_overlay_start_0:
0x88: {  	s2 =	sld [smem:$0x3FD9]  }
0x89: {  	s3 =	sld [smem:$0x3FFE];
	_ =	sdelay $0x1  }
0x8a: {  	s1 =	srdreg.scid  }
0x8b: {  	s0 =	sand.u32 $0x1, s1  }
0x8c: {  	s17 =	sshll.u32 s0, $0xA;
	s2 =	sadd.s32 s3, s2  }
0x8d: {  	s2 =	sadd.s32 s2, s17  }
0x8e: {  	[smem:$0x3FC3] =	sst s2  }
0x8f: {  	_ = 	snop  }
0x90: {  	s2 =	sld [smem:$0x3FC6]  }
0x91: {  	s18 =	sld [smem:$0x3FC5]  }
0x92: {  	s4 =	sld [smem:$0x3FD0];
	(tm) =	ssettm $0x1  }
0x93: {  	s5 =	sld [smem:$0x3FFB];
	_ =	sdelay $0x3  }
0x94: {  	_ =	strace s5  }
0x95: {  	s5 =	sld [smem:$0x3FFC];
	_ =	sdelay $0x3  }
0x96: {  	_ =	strace s5  }
0x97: {  	s5 =	sld [smem:$0x3FFD];
	_ =	sdelay $0x3  }
0x98: {  	_ =	strace s5  }
0x99: {  	_ =	strace $0x8FFFFFFF  }
0x9a: {  	s19 =	sld [smem:$0x3FDB];
	_ =	sdelay $0x1  }
0x9b: {  	s6 =	simm.s32 $_scs_section_size  }
0x9c: {  	s7 =	simm.s32 $_size__tile_overlayer_lowered;
	s8 =	simm.s32 $_tile_overlayer_lowered  }
0x9d: {  	s22 =	simm.s32 $0x1BFF;
	s21 =	sshll.u32 s8, $0x1;
	s5 =	sadd.s32 s6, s19  }
0x9e: {  	s9 =	simm.s32 $0x0;
	s20 =	sshll.u32 s7, $0x1;
	s7 =	sadd.s32 s21, s5  }
0x9f: {  	[timem:s9], [sflag:s22] =	dma.local [hbm:s7], s20  }
0xa0: {  	_ =	swait.ge [sflag:s22], s20  }
0xa1: {  	s6 =	ssub.s32 $0x0, s20;
	[sflag:s22] =	ssyncset.done $0x0  }
0xa2: {  	[sflag:s22] =	ssyncadd.s32 s6;
	_ =	sdelay $0x1  }
0xa3: {  	s23 =	simm.s32 $0x1B8B  }
0xa4: {  	_ =	swait.ge [sflag:s23], $0x1  }
0xa5: {  	[sflag:s23] =	ssyncset.done $0x0  }
0xa6: {  	s25 =	simm.s32 $0x1B8E;
	s24 =	sld [smem:$0x3FFE];
	[sflag:s23] =	ssyncadd.s32 $0xFFFFFFFF  }
0xa7: {  	s26 =	simm.s32 $execute0_lowered;
	[smem:$0x3FD2] =	sst s25  }
0xa8: {  	s7 =	sshll.u32 s26, $0x1;
	_ =	strace $0x80000049;
	[dreg:$0x1] =	wrdreg $0xFFFFFFFF  }
0xa9: {  	s28 =	simm.s32 $_size_execute0_lowered;
	s5 =	sadd.s32 s5, s7;
	[dreg:$0x0] =	wrdreg $0x0  }
0xaa: {  	s7 =	sshll.u32 s28, $0x1;
	[dreg:$0x2] =	wrdreg s5  }
0xab: {  	[dreg:$0x3] =	wrdreg s7  }
0xac: {  	[dreg:$0x4] =	wrdreg $0xC0  }
0xad: {  	_ =	task [dreg:s9], $0x5FFFF  }
0xae: {  	[dreg:$0x1] =	wrdreg $0xFFFFFFFF  }
0xaf: {  	[dreg:$0x0] =	wrdreg $0x60  }
0xb0: {  	[dreg:$0x2] =	wrdreg s4  }
0xb1: {  	[dreg:$0x3] =	wrdreg s24  }
0xb2: {  	[dreg:$0x4] =	wrdreg s2  }
0xb3: {  	[dreg:$0x5] =	wrdreg s18  }
0xb4: {  	[dreg:$0x6] =	wrdreg $0x9  }
0xb5: {  	_ =	task.clear_ibuf [dreg:s9], $0x7FFFF;
	_ =	strace $0x90000049  }
0xb6: {  	s29 =	simm.s32 $0x9;
	_ =	strace $0x8000004B  }
0xb7: {  	_ =	swait.ge [sflag:s29], $0x1  }
0xb8: {  	[sflag:s29] =	ssyncadd.s32 $0xFFFFFFFF  }
0xb9: {  	_ =	strace $0x9000004B  }
0xba: {  	_ =	sfence  }
0xbb: {  	s30 =	sld [smem:$0x0];
	_ =	sdelay $0x2  }
0xbc: {  	s31 =	sshll.u32 s1, $0xD;
	s1 =	sshrl.u32 s1, $0x2  }
0xbd: {  	s3 =	sand.u32 $0x4000, s31;
	s1 =	sadd.s32 s1, s30  }
0xbe: {  	s0 =	sor.u32 s3, s0;
	s1 =	sshll.u32 s1, $0x11  }
0xbf: {  	s0 =	sor.u32 s1, s0  }
0xc0: {  	s0 =	sadd.s32 $0x8F2B, s0  }
0xc1: {  	[sflag:s0] =	ssyncadd.remote.s32 $0x1  }
0xc2: {  	_ =	sfence.sel $0xFFFF  }
0xc3: {  	[dreg:$0x0] =	wrdreg $0xFFFFFFFF;
	(pc) =	sbr.abs _section_cstart, $3  }
0xc4: {  	[dreg:$0x1] =	wrdreg $0xFFFFFFFF  }
0xc5: {  	_ =	task.clear_ibuf [dreg:s9], $0x2FFFF;
	_ =	strace $0x9FFFFFFF  }
0xc6: {  	(tm) =	ssettm $0x7FFFFFFF  }
0xc7: {  	_ =	shalt  }
tec
execute0_lowered:
.L_overlay_start_1:
0x0: {  	(tag) =	ssettag $0x1  }
0x1: {  	s0 =	rddreg [dreg:$0x0]  }
0x2: {  	s1 =	rddreg [dreg:$0x1]  }
0x3: {  	s4 =	simm.s32 $0x0;
	s2 =	srdreg.scid;
	s3 =	stileid.u32  }
0x4: {  	s31 =	simm.s32 $0xC800;
	s2 =	sand.u32 $0x1, s2;
	s3 =	sshll.u32 s3, $0x1  }
0x5: {  	s29 =	simm.s32 $0x40;
	s30 =	simm.s32 $0x80;
	s3 =	sor.u32 s2, s3  }
0x6: {  	[smem:$0x7FF] =	sst s4;
	s5 =	sadd.s32 $0xF43E00, s1;
	s25 =	smul.u32 $0xC80, s3  }
.Ltmp0:
0x7: {  	s6 =	sadd.s32 $0xF43600, s1;
	s2 =	ssub.s32 $0x2, s2;
	(pc) =	sbr.rel .LBB2_1-.Ltmp0, $4  }
0x8: {  	s7 =	sadd.s32 $0x1200, s1;
	_ =	strace $0x8000004A;
	s26 =	sshrl.u32 s2, $0x1  }
0x9: {  	[dreg:$0x5] =	wrdreg s6;
	s1 =	ssub.s32 s2, s26;
	s0 =	sadd.s32 s0, s25  }
0xa: {  	s14 =	simm.s32 $0x7;
	s28 =	smax.u32 s1, $0x1;
	[dreg:$0x6] =	wrdreg s0  }
0xb: {  	s8 =	sshll.u32 s3, $0x7;
	s2 =	simm.s32 $0x0;
	[dreg:$0x7] =	wrdreg s28  }
.LBB2_12:
0xc: {  	s0 =	simm.s32 $0x5  }
0xd: {  	_ =	swait.ge [sflag:s0], $0x3200  }
0xe: {  	[sflag:s0] =	ssyncset.done $0x0  }
0xf: {  	s26 =	simm.s32 $0x6;
	[sflag:s0] =	ssyncadd.s32 $0xFFFFCE00  }
0x10: {  	_ =	swait.ge [sflag:s26], $0x3200  }
0x11: {  	[sflag:s26] =	ssyncset.done $0x0  }
0x12: {  	[sflag:s26] =	ssyncadd.s32 $0xFFFFCE00  }
0x13: {  	_ =	swait.ge [sflag:s14], $0x3200  }
0x14: {  	[sflag:s14] =	ssyncset.done $0x0  }
0x15: {  	s1 =	simm.s32 $0x8;
	[sflag:s14] =	ssyncadd.s32 $0xFFFFCE00  }
0x16: {  	_ =	swait.ge [sflag:s1], $0x3200  }
0x17: {  	s2 =	rddreg [dreg:$0x8]  }
0x18: {  	s28 =	rddreg [dreg:$0x7];
	s2 =	sadd.s32 $0x1, s2  }
0x19: {  	p0 =	sne.s32 s2, s28  }
.Ltmp1:
0x1a: {  	_ = 	snop;
	(pc) =	sbr.rel @!p0 .LBB2_13-.Ltmp1, $3  }
0x1b: {  	_ =	sdelay $0x1  }
0x1c: {  	[sflag:s1] =	ssyncset.done $0x0  }
0x1d: {  	[sflag:s1] =	ssyncadd.s32 $0xFFFFCE00  }
.LBB2_1:
0x1e: {  	[dreg:$0x8] =	wrdreg s2  }
0x1f: {  	s1 =	simm.s32 $0x0;
	s0 =	rddreg [dreg:$0x6];
	s11 =	simm.s32 $0x9  }
0x20: {  	[tilespmem:s1], [sflag:$0x9] =	stream.linear.gather [hbm4b:s0+s1], $0x6400, $0x38;
	[tilespmem:$0x15E80] =	vst v63  }
0x21: {  	_ =	swait.ge [sflag:s11], $0x6400  }
0x22: {  	[sflag:s11] =	ssyncset.done $0x0  }
0x23: {  	s3 =	simm.s32 $0x12C00;
	s12 =	rddreg [dreg:$0x5];
	[sflag:s11] =	ssyncadd.s32 $0xFFFF9C00  }
0x24: {  	[tilespmem:s3], [sflag:$0x9] =	stream.linear.gather [hbm4b:s12+s1], $0x3200, $0x38;
	[tilespmem:$0x15E80] =	vst v63  }
0x25: {  	_ =	swait.ge [sflag:s11], $0x3200  }
0x26: {  	[sflag:s11] =	ssyncset.done $0x0  }
0x27: {  	[sflag:s11] =	ssyncadd.s32 $0xFFFFCE00  }
0x28: {  	s15 =	simm.s32 $0x15E00;
	s13 =	rddreg [dreg:$0x2]  }
0x29: {  	[tilespmem:s15], [sflag:$0x9] =	stream.linear.gather [hbm4b:s13+s1], $0x40, $0x38;
	[tilespmem:$0x15E80] =	vst v63  }
0x2a: {  	_ =	swait.ge [sflag:s11], $0x40  }
0x2b: {  	[sflag:s11] =	ssyncset.done $0x0  }
0x2c: {  	[sflag:s11] =	ssyncadd.s32 $0xFFFFFFC0  }
0x2d: {  	s17 =	simm.s32 $0x15E40;
	s16 =	rddreg [dreg:$0x3]  }
0x2e: {  	[tilespmem:s17], [sflag:$0x9] =	stream.linear.gather [hbm4b:s16+s1], $0x40, $0x38;
	[tilespmem:$0x15E80] =	vst v63  }
0x2f: {  	_ =	swait.ge [sflag:s11], $0x40  }
0x30: {  	[sflag:s11] =	ssyncset.done $0x0  }
0x31: {  	[sflag:s11] =	ssyncadd.s32 $0xFFFFFFC0  }
0x32: {  	v0 =	vld [tilespmem:$0x15E00]  }
0x33: {  	v61 =	vld [tilespmem:$0x15E10]  }
0x34: {  	v62 =	vld [tilespmem:$0x15E20]  }
0x35: {  	v63 =	vld [tilespmem:$0x15E30]  }
0x36: {  	v4 =	vld [tilespmem:$0x15E40]  }
0x37: {  	v5 =	vld [tilespmem:$0x15E50]  }
0x38: {  	s18 =	simm.s32 $0x68;
	s19 =	simm.s32 $0x6400;
	v6 =	vld [tilespmem:$0x15E60]  }
0x39: {  	v7 =	vld [tilespmem:$0x15E70];
	[tilespmem:s19], [sflag:$0x1] =	stream.indirect.gather [hbm4b:s5+s18], $0x40, s1, s18, $0xb8  }
0x3a: {  	s20 =	simm.s32 $0x60;
	s21 =	simm.s32 $0x7E00  }
0x3b: {  	[tilespmem:s21], [sflag:$0x1] =	stream.indirect.gather [hbm4b:s5+s20], $0x40, s18, s20, $0xb8;
	[tilespmem:$0x15E80] =	vst v63  }
0x3c: {  	s22 =	simm.s32 $0xC8;
	s23 =	simm.s32 $0x9600  }
0x3d: {  	[tilespmem:s23], [sflag:$0x2] =	stream.indirect.gather [hbm4b:s5+s18], $0x40, s22, s18, $0xb8;
	[tilespmem:$0x15E80] =	vst v63  }
0x3e: {  	[tilespmem:$0x1FFC0] =	vst v0  }
0x3f: {  	s24 =	simm.s32 $0x130;
	s25 =	simm.s32 $0xB000;
	[tilespmem:$0x1FFD0] =	vst v61  }
0x40: {  	[tilespmem:s25], [sflag:$0x2] =	stream.indirect.gather [hbm4b:s5+s20], $0x40, s24, s20, $0xb8;
	[tilespmem:$0x15E80] =	vst v63  }
0x41: {  	s26 =	simm.s32 $0x190;
	[tilespmem:$0x1FFE0] =	vst v62  }
0x42: {  	[tilespmem:s31], [sflag:$0x3] =	stream.indirect.gather [hbm4b:s5+s18], $0x40, s26, s18, $0xb8;
	[tilespmem:$0x15E80] =	vst v63  }
0x43: {  	s28 =	simm.s32 $0x1F8;
	s21 =	simm.s32 $0x0;
	[tilespmem:$0x1FFF0] =	vst v63;
	s31 =	simm.s32 $0xE200  }
0x44: {  	[tilespmem:s31], [sflag:$0x3] =	stream.indirect.gather [hbm4b:s5+s20], $0x40, s28, s20, $0xb8;
	[tilespmem:$0x15E80] =	vst v63  }
.LBB2_2:
0x45: {  	s0 =	simm.s32 $0x1  }
0x46: {  	_ =	swait.ge [sflag:s0], $0x3200  }
0x47: {  	[sflag:s0] =	ssyncset.done $0x0  }
0x48: {  	s22 =	simm.s32 $0x6480;
	[sflag:s0] =	ssyncadd.s32 $0xFFFFCE00  }
0x49: {  	s13 =	simm.s32 $0x12C80;
	v8 =	vld [tilespmem:s22+$0x40]  }
0x4a: {  	v9 =	vld [tilespmem:s13+$0x40]  }
0x4b: {  	v11 =	vld [tilespmem:s22+$0x50]  }
0x4c: {  	v12 =	vld [tilespmem:s13+$0x50]  }
0x4d: {  	v13 =	vld [tilespmem:s22+$0x60]  }
0x4e: {  	v14 =	vld [tilespmem:s13+$0x60]  }
0x4f: {  	v15 =	vld [tilespmem:s22+$0x70]  }
0x50: {  	v16 =	vld [tilespmem:s13+$0x70]  }
0x51: {  	v17 =	vld [tilespmem:s13+$0xFFFFFF80]  }
0x52: {  	v18 =	vld [tilespmem:s22+$0xFFFFFF90]  }
0x53: {  	v19 =	vld [tilespmem:s13+$0xFFFFFF90]  }
0x54: {  	v23 =	vld [tilespmem:s13+$0xFFFFFFB0];
	v10 =	vadd.f32 v9, v8;
	v9 =	vadd.f32 v12, v11  }
0x55: {  	v25 =	vld [tilespmem:s22+$0xFFFFFFC0];
	v8 =	vadd.f32 v14, v13;
	v11 =	vadd.f32 v16, v15  }
0x56: {  	v26 =	vld [tilespmem:s22+$0xFFFFFFE0];
	v14 =	vmul.f32 v10, v10;
	v15 =	vmul.f32 v9, v9  }
0x57: {  	v27 =	vld [tilespmem:s13+$0xFFFFFFE0];
	v20 =	vmul.f32 v8, v8;
	v21 =	vmul.f32 v11, v11  }
0x58: {  	v28 =	vld [tilespmem:s22+$0xFFFFFFF0];
	v22 =	vadd.f32 v9, v10;
	v24 =	vadd.f32 v11, v8  }
0x59: {  	v29 =	vld [tilespmem:s13+$0xFFFFFFF0];
	v14 =	vadd.f32 v15, v14;
	v15 =	vadd.f32 v21, v20  }
0x5a: {  	v12 =	vld [tilespmem:s22+$0xFFFFFFA0];
	v21 =	vadd.f32 v24, v22  }
0x5b: {  	v13 =	vld [tilespmem:s13+$0xFFFFFFA0];
	v14 =	vadd.f32 v15, v14  }
0x5c: {  	v16 =	vld [tilespmem:s22+$0xFFFFFFB0];
	(xrf2) =	vadd.scan.msk.f32 $0xffff, v21  }
0x5d: {  	v20 =	vld [tilespmem:s13+$0xFFFFFFC0];
	(xrf2) =	vadd.scan.msk.f32 $0xffff, v14  }
0x5e: {  	v24 =	vld [tilespmem:s22+$0xFFFFFFD0]  }
0x5f: {  	v15 =	vld [tilespmem:s13+$0xFFFFFFD0]  }
0x60: {  	v30 =	vld [tilespmem:s22+$0x0]  }
0x61: {  	v31 =	vld [tilespmem:s13+$0x0]  }
0x62: {  	v32 =	vld [tilespmem:s22+$0x10];
	v12 =	vadd.f32 v13, v12;
	v13 =	vadd.f32 v23, v16  }
0x63: {  	v16 =	vld [tilespmem:s22+$0x20];
	v14 =	vadd.f32 v19, v18;
	v19 =	vadd.f32 v29, v28  }
0x64: {  	v28 =	vld [tilespmem:s13+$0x30];
	v22 =	vadd.f32 v20, v25;
	v21 =	vadd.f32 v15, v24  }
0x65: {  	v25 =	vld [tilespmem:s22+$0x30]  }
0x66: {  	v20 =	vadd.f32 v27, v26;
	v26 =	vld [tilespmem:s22+$0xFFFFFF80];
	v18 =	vmul.f32 v22, v22;
	v23 =	vmul.f32 v21, v21;
	v15, _, _ =	vpop (xrf2)  }
0x67: {  	v35 =	vmul.f32 v19, v19;
	v24 =	vld [tilespmem:s13+$0x20];
	(v2sf) =	vpush v15, $0xF;
	v15, _, _ =	vpop (xrf2)  }
0x68: {  	v33 =	vld [tilespmem:s13+$0x10];
	v34 =	vadd.f32 v23, v18;
	v23 =	vmul.f32 v20, v20;
	(v2sf) =	vpush v15, $0xF  }
0x69: {  	v27 =	vadd.f32 v19, v20;
	v15 =	vadd.f32 v21, v22  }
0x6a: {  	v18 =	vadd.f32 v31, v30;
	v30 =	vadd.f32 v35, v23  }
0x6b: {  	v23 =	vadd.f32 v17, v26;
	v27 =	vadd.f32 v27, v15  }
0x6c: {  	v17 =	vadd.f32 v24, v16;
	v16 =	vadd.f32 v28, v25  }
0x6d: {  	v24 =	vadd.f32 v30, v34;
	v15 =	vadd.f32 v33, v32;
	(xrf2) =	vadd.scan.msk.f32 $0xffff, v27  }
0x6e: {  	v29 =	vadd.f32 v13, v12;
	v25 =	vadd.f32 v14, v23  }
0x6f: {  	v30 =	vadd.f32 v16, v17;
	v27 =	vadd.f32 v15, v18;
	(xrf2) =	vadd.scan.msk.f32 $0xffff, v24  }
0x70: {  	v26 =	vmul.f32 v12, v12;
	v28 =	vmul.f32 v13, v13;
	v24 =	vadd.f32 v29, v25  }
0x71: {  	v25 =	vmul.f32 v14, v14;
	v29 =	vmul.f32 v23, v23;
	v27 =	vadd.f32 v30, v27  }
0x72: {  	(xrf2) =	vadd.scan.msk.f32 $0xffff, v24  }
0x73: {  	v26 =	vadd.f32 v28, v26;
	v25 =	vadd.f32 v25, v29;
	(xrf2) =	vadd.scan.msk.f32 $0xffff, v27  }
0x74: {  	v28 =	vmul.f32 v15, v15;
	v30 =	vmul.f32 v16, v16  }
0x75: {  	v24 =	vmul.f32 v18, v18;
	v29 =	vmul.f32 v17, v17;
	v25 =	vadd.f32 v26, v25  }
0x76: {  	s15 =	spop (v2sf)  }
0x77: {  	v24 =	vadd.f32 v28, v24;
	v26 =	vadd.f32 v30, v29;
	(xrf2) =	vadd.scan.msk.f32 $0xffff, v25;
	v27, _, _ =	vpop (xrf2);
	s4 =	smul.f32 $1.562500000e-02, s15;
	s16 =	spop (v2sf)  }
0x78: {  	s17 =	simm.s32 $0x12D80;
	(v2sf) =	vpush v27, $0xF;
	s6 =	smul.f32 $1.562500000e-02, s16  }
0x79: {  	v49 =	vld [tilespmem:s17+$0x70];
	v24 =	vadd.f32 v26, v24;
	v28, _, _ =	vpop (xrf2);
	s9 =	smul.f32 s4, s4  }
0x7a: {  	s23 =	simm.s32 $0x6580;
	v30 =	vld [tilespmem:s17+$0x60];
	(v2sf) =	vpush v28, $0xF  }
0x7b: {  	v25 =	vld [tilespmem:s23+$0x40];
	(xrf2) =	vadd.scan.msk.f32 $0xffff, v24;
	s6 =	ssub.f32 s6, s9  }
0x7c: {  	v26 =	vld [tilespmem:s17+$0x40];
	v29, _, _ =	vpop (xrf2)  }
0x7d: {  	v27 =	vld [tilespmem:s23+$0x50];
	(v2sf) =	vpush v29, $0xF;
	v31, _, _ =	vpop (xrf2);
	s6 =	sadd.f32 $9.999999740e-06, s6  }
0x7e: {  	v24 =	vld [tilespmem:s17+$0x50];
	(v2sf) =	vpush v31, $0xF  }
0x7f: {  	v28 =	vld [tilespmem:s23+$0x60];
	s19 =	sshra.s32 s6, $0x1;
	s6 =	smul.f32 $5.000000000e-01, s6  }
0x80: {  	v29 =	vld [tilespmem:s23+$0x70];
	s9 =	ssub.s32 $0x5F3759DF, s19  }
0x81: {  	v51 =	vld [tilespmem:s17+$0xFFFFFF90];
	v50, _, _ =	vpop (xrf2);
	s10 =	smul.f32 s9, s6  }
0x82: {  	v38 =	vld [tilespmem:s23+$0xFFFFFFA0];
	(v2sf) =	vpush v50, $0xF  }
0x83: {  	v52 =	vld [tilespmem:s23+$0xFFFFFFB0];
	s10 =	smul.f32 s9, s10  }
0x84: {  	v39 =	vld [tilespmem:s17+$0xFFFFFFB0];
	v1 =	vadd.f32 v24, v27;
	v0 =	vadd.f32 v30, v28  }
0x85: {  	v42 =	vld [tilespmem:s17+$0xFFFFFFC0];
	v37 =	vadd.f32 v26, v25;
	v36 =	vadd.f32 v49, v29;
	v24, _, _ =	vpop (xrf2);
	s10 =	ssub.f32 $1.500000000e+00, s10  }
0x86: {  	v43 =	vld [tilespmem:s23+$0xFFFFFFD0];
	v25 =	vmul.f32 v1, v1;
	v28 =	vmul.f32 v0, v0;
	(v2sf) =	vpush v24, $0xF  }
0x87: {  	v54 =	vld [tilespmem:s17+$0xFFFFFFD0];
	v53 =	vmul.f32 v36, v36;
	v24 =	vmul.f32 v37, v37;
	s11 =	spop (v2sf);
	s10 =	smul.f32 s9, s10  }
0x88: {  	v55 =	vld [tilespmem:s23+$0xFFFFFFE0];
	v40 =	vadd.f32 v1, v37;
	v41 =	vadd.f32 v36, v0;
	s9 =	smul.f32 $1.562500000e-02, s11  }
0x89: {  	v44 =	vld [tilespmem:s23+$0xFFFFFFF0];
	v24 =	vadd.f32 v25, v24;
	v25 =	vadd.f32 v53, v28;
	s12 =	spop (v2sf);
	s20 =	smul.f32 s10, s6  }
0x8a: {  	v45 =	vld [tilespmem:s23+$0x0];
	v28 =	vadd.f32 v41, v40;
	s18 =	smul.f32 $1.562500000e-02, s12  }
0x8b: {  	v46 =	vld [tilespmem:s17+$0x0];
	v24 =	vadd.f32 v25, v24;
	s16 =	smul.f32 s9, s9  }
0x8c: {  	v47 =	vld [tilespmem:s23+$0x10];
	(xrf2) =	vadd.scan.msk.f32 $0xffff, v28;
	s24 =	spop (v2sf);
	s11 =	smul.f32 s20, s10  }
0x8d: {  	v34 =	vld [tilespmem:s17+$0x10];
	(xrf2) =	vadd.scan.msk.f32 $0xffff, v24;
	s13 =	smul.f32 $1.562500000e-02, s24;
	s25 =	spop (v2sf)  }
0x8e: {  	v26 =	vld [tilespmem:s23+$0xFFFFFFC0];
	s12 =	smul.f32 $1.562500000e-02, s25  }
0x8f: {  	v31 =	vld [tilespmem:s23+$0xFFFFFF90];
	s11 =	ssub.f32 $1.500000000e+00, s11;
	s28 =	smul.f32 s13, s13  }
0x90: {  	v28 =	vld [tilespmem:s17+$0xFFFFFFE0];
	s26 =	ssub.f32 s18, s16;
	s20 =	smul.f32 s12, s12  }
0x91: {  	v24 =	vld [tilespmem:s17+$0xFFFFFFF0];
	s31 =	spop (v2sf);
	s10 =	smul.f32 s11, s10  }
0x92: {  	v56 =	vld [tilespmem:s23+$0x30];
	s18 =	smul.f32 $1.562500000e-02, s31;
	s11 =	sadd.f32 $9.999999740e-06, s26  }
0x93: {  	v60 =	vld [tilespmem:s23+$0xFFFFFF80];
	v32 =	vadd.f32 v46, v45;
	s6 =	smul.f32 s10, s6  }
0x94: {  	v34 =	vadd.f32 v34, v47;
	v27 =	vld [tilespmem:s17+$0xFFFFFFA0];
	v33 =	vadd.f32 v42, v26;
	s16 =	ssub.f32 s18, s28;
	s2 =	sshra.s32 s11, $0x1;
	s11 =	smul.f32 $5.000000000e-01, s11  }
0x95: {  	v35 =	vld [tilespmem:s17+$0xFFFFFF80];
	v25 =	vadd.f32 v51, v31;
	v31 =	vadd.f32 v54, v43;
	s1 =	spop (v2sf);
	s3 =	ssub.s32 $0x5F3759DF, s2;
	s19 =	smul.f32 s6, s10  }
0x96: {  	v49 =	vld [tilespmem:s17+$0x30];
	v26 =	vadd.f32 v28, v55;
	v24 =	vadd.f32 v24, v44;
	v58, _, _ =	vpop (xrf2);
	s6 =	smul.f32 $1.562500000e-02, s1;
	s16 =	sadd.f32 $9.999999740e-06, s16  }
0x97: {  	v40 =	vld [tilespmem:s23+$0x20];
	v57 =	vadd.f32 v31, v33;
	(v2sf) =	vpush v58, $0xF;
	v62, _, _ =	vpop (xrf2);
	s15 =	smul.f32 s3, s11  }
0x98: {  	v61 =	vmul.f32 v33, v33;
	v41 =	vld [tilespmem:s17+$0x20];
	v59 =	vadd.f32 v24, v26;
	(v2sf) =	vpush v62, $0xF;
	s24 =	sshra.s32 s16, $0x1;
	s18 =	smul.f32 $5.000000000e-01, s16;
	s6 =	ssub.f32 s6, s20  }
0x99: {  	v48 =	vmul.f32 v31, v31;
	v28 =	vadd.f32 v27, v38;
	v27 =	vadd.f32 v39, v52;
	s25 =	smul.f32 s3, s15;
	s19 =	ssub.f32 $1.500000000e+00, s19;
	s24 =	ssub.s32 $0x5F3759DF, s24  }
0x9a: {  	v2 =	vmul.f32 v26, v26;
	v52 =	vmul.f32 v24, v24;
	v42 =	vadd.f32 v59, v57;
	s17 =	smul.f32 s24, s18;
	s6 =	sadd.f32 $9.999999740e-06, s6  }
0x9b: {  	v51 =	vadd.f32 v35, v60;
	v35 =	vadd.f32 v49, v56;
	s10 =	smul.f32 s19, s10  }
0x9c: {  	v44 =	vadd.f32 v48, v61;
	v45 =	vadd.f32 v52, v2;
	(xrf2) =	vadd.scan.msk.f32 $0xffff, v42;
	s26 =	sshra.s32 s6, $0x1;
	s16 =	smul.f32 $5.000000000e-01, s6  }
0x9d: {  	v47 =	vadd.f32 v25, v51;
	v50 =	vadd.f32 v41, v40;
	s31 =	ssub.f32 $1.500000000e+00, s25;
	s28 =	smul.f32 s24, s17;
	s1 =	ssub.s32 $0x5F3759DF, s26  }
0x9e: {  	v63 =	vadd.f32 v27, v28;
	v40 =	vadd.f32 v45, v44;
	s26 =	smul.f32 s1, s16  }
0x9f: {  	v46 =	vadd.f32 v34, v32;
	v48 =	vadd.f32 v35, v50;
	s20 =	smul.f32 s3, s31;
	s6 =	ssub.f32 $1.500000000e+00, s28  }
0xa0: {  	v39 =	vadd.f32 v63, v47;
	(xrf2) =	vadd.scan.msk.f32 $0xffff, v40;
	s2 =	smul.f32 s1, s26  }
0xa1: {  	v38 =	vadd.f32 v48, v46;
	s24 =	smul.f32 s24, s6  }
0xa2: {  	v49 =	vmul.f32 v25, v25;
	v56 =	vmul.f32 v51, v51;
	(xrf2) =	vadd.scan.msk.f32 $0xffff, v39;
	s3 =	smul.f32 s20, s11;
	s0 =	ssub.f32 $1.500000000e+00, s2  }
0xa3: {  	v53 =	vmul.f32 v27, v27;
	v52 =	vmul.f32 v28, v28;
	(xrf2) =	vadd.scan.msk.f32 $0xffff, v38;
	s6 =	smul.f32 s24, s18  }
0xa4: {  	v58 =	vmul.f32 v50, v50;
	v59 =	vmul.f32 v35, v35;
	s25 =	smul.f32 s1, s0  }
0xa5: {  	v54 =	vmul.f32 v32, v32;
	v41 =	vadd.f32 v49, v56;
	v55 =	vmul.f32 v34, v34;
	s31 =	smul.f32 s6, s24  }
0xa6: {  	v57 =	vadd.f32 v53, v52;
	v40 =	vadd.f32 v59, v58;
	v60, _, _ =	vpop (xrf2);
	s17 =	spop (v2sf);
	s1 =	smul.f32 s3, s20  }
0xa7: {  	v39 =	vadd.f32 v55, v54;
	(v2sf) =	vpush v60, $0xF;
	s0 =	smul.f32 $1.562500000e-02, s17;
	s28 =	spop (v2sf)  }
0xa8: {  	v38 =	vadd.f32 v57, v41;
	s17 =	smul.f32 $1.562500000e-02, s28  }
0xa9: {  	v61 =	vmov s9;
	s9 =	simm.s32 $0x12E80;
	v63 =	vmov s13;
	v39 =	vadd.f32 v40, v39;
	s2 =	ssub.f32 $1.500000000e+00, s31;
	s15 =	smul.f32 s0, s0  }
0xaa: {  	v46 =	vsub.f32 v14, v63;
	v14 =	vld [tilespmem:s9+$0x60];
	v49 =	vsub.f32 v12, v63;
	(xrf2) =	vadd.scan.msk.f32 $0xffff, v38;
	v62, _, _ =	vpop (xrf2);
	s28 =	smul.f32 s25, s16  }
0xab: {  	v12 =	vmov s4;
	v42 =	vsub.f32 v22, v61;
	v22 =	vld [tilespmem:s9+$0x40];
	(xrf2) =	vadd.scan.msk.f32 $0xffff, v39;
	(v2sf) =	vpush v62, $0xF;
	s24 =	smul.f32 s2, s24;
	s15 =	ssub.f32 s17, s15  }
0xac: {  	v43 =	vsub.f32 v21, v61;
	v54 =	vsub.f32 v11, v12;
	v11 =	vld [tilespmem:s9+$0x70];
	s6 =	simm.s32 $0x6680;
	v21, _, _ =	vpop (xrf2);
	s3 =	smul.f32 s28, s25;
	s17 =	ssub.f32 $1.500000000e+00, s1  }
0xad: {  	v44 =	vsub.f32 v20, v61;
	v57 =	vld [tilespmem:s6+$0x40];
	(v2sf) =	vpush v21, $0xF;
	v20, _, _ =	vpop (xrf2);
	s1 =	smul.f32 s24, s18  }
0xae: {  	v45 =	vsub.f32 v19, v61;
	v19 =	vld [tilespmem:s6+$0x60];
	(v2sf) =	vpush v20, $0xF;
	v20 =	vmov s12;
	s15 =	sadd.f32 $9.999999740e-06, s15;
	s12 =	smul.f32 s17, s20  }
0xaf: {  	v48 =	vsub.f32 v13, v63;
	v13 =	vld [tilespmem:s6+$0x70];
	s26 =	ssub.f32 $1.500000000e+00, s3;
	s17 =	smul.f32 s1, s24  }
0xb0: {  	v47 =	vsub.f32 v23, v63;
	v53 =	vsub.f32 v9, v12;
	v58 =	vld [tilespmem:s6+$0x50];
	s19 =	smul.f32 $5.000000000e-01, s15  }
0xb1: {  	v52 =	vsub.f32 v8, v12;
	v55 =	vsub.f32 v10, v12;
	v21 =	vld [tilespmem:s9+$0x50];
	s28 =	sshra.s32 s15, $0x1;
	s4 =	smul.f32 s26, s25  }
0xb2: {  	v38 =	vsub.f32 v18, v20;
	v39 =	vsub.f32 v15, v20;
	s25 =	smul.f32 s12, s11;
	s31 =	ssub.s32 $0x5F3759DF, s28  }
0xb3: {  	v23 =	vld [tilespmem:s9+$0xFFFFFFB0];
	v40 =	vsub.f32 v17, v20;
	v41 =	vsub.f32 v16, v20;
	s18 =	ssub.f32 $1.500000000e+00, s17;
	s13 =	smul.f32 s31, s19  }
0xb4: {  	v59 =	vld [tilespmem:s9+$0xFFFFFFC0];
	v8 =	vadd.f32 v14, v19;
	v15 =	vadd.f32 v11, v13;
	v10, _, _ =	vpop (xrf2);
	s25 =	smul.f32 s25, s12  }
0xb5: {  	v18 =	vld [tilespmem:s6+$0xFFFFFFA0];
	(v2sf) =	vpush v10, $0xF;
	v9, _, _ =	vpop (xrf2);
	v10 =	vadd.f32 v22, v57;
	s11 =	smul.f32 s18, s24  }
0xb6: {  	v20 =	vld [tilespmem:s9+$0xFFFFFFA0];
	(v2sf) =	vpush v9, $0xF;
	v9 =	vadd.f32 v21, v58;
	s13 =	smul.f32 s31, s13;
	s2 =	spop (v2sf)  }
0xb7: {  	v19 =	vmul.f32 v8, v8;
	v21 =	vld [tilespmem:s6+$0xFFFFFFB0];
	s20 =	smul.f32 $1.562500000e-02, s2  }
0xb8: {  	v60 =	vld [tilespmem:s6+$0xFFFFFFD0];
	v22 =	vmul.f32 v15, v15;
	v2 =	vadd.f32 v15, v8;
	v57 =	vadd.f32 v9, v10;
	s3 =	ssub.f32 $1.500000000e+00, s13;
	s13 =	smul.f32 s4, s16  }
0xb9: {  	v16 =	vld [tilespmem:s6+$0xFFFFFF90];
	v13 =	vmul.f32 v10, v10;
	v14 =	vmul.f32 v9, v9;
	v12 =	vmov s20;
	s20 =	smul.f32 s20, s20  }
0xba: {  	v17 =	vld [tilespmem:s9+$0xFFFFFF90];
	v19 =	vadd.f32 v22, v19;
	v22 =	vadd.f32 v2, v57;
	s26 =	spop (v2sf);
	s15 =	smul.f32 s31, s3  }
0xbb: {  	v30 =	vld [tilespmem:s6+$0xFFFFFFF0];
	v61 =	vadd.f32 v14, v13;
	s16 =	smul.f32 $1.562500000e-02, s26  }
0xbc: {  	v54 =	vmul.f32 s10, v54;
	v58 =	vld [tilespmem:s6+$0xFFFFFFE0];
	v21 =	vadd.f32 v23, v21;
	(xrf2) =	vadd.scan.msk.f32 $0xffff, v22;
	v22 =	vadd.f32 v20, v18;
	s31 =	spop (v2sf);
	s28 =	smul.f32 s15, s19  }
0xbd: {  	v55 =	vmul.f32 s10, v55;
	v11 =	vsub.f32 v33, v12;
	v33 =	vld [tilespmem:s6+$0xFFFFFFC0];
	v14 =	vsub.f32 v31, v12;
	s1 =	smul.f32 $1.562500000e-02, s31  }
0xbe: {  	v53 =	vmul.f32 s10, v53;
	v57 =	vld [tilespmem:s9+$0xFFFFFFD0];
	s25 =	ssub.f32 $1.500000000e+00, s25;
	v13 =	vsub.f32 v26, v12;
	v26 =	vadd.f32 v19, v61;
	s17 =	smul.f32 s28, s15  }
0xbf: {  	v12 =	vsub.f32 v24, v12;
	v19 =	vadd.f32 v17, v16;
	v17 =	vld [tilespmem:s9+$0xFFFFFFE0];
	s13 =	smul.f32 s13, s4;
	s2 =	spop (v2sf);
	v16 =	vmov s1  }
0xc0: {  	v2 =	vld [tilespmem:s9+$0xFFFFFFF0];
	v63 =	vmul.f32 v21, v21;
	v61 =	vadd.f32 v21, v22;
	s18 =	smul.f32 $1.562500000e-02, s2;
	v24 =	vsub.f32 v51, v16;
	s17 =	ssub.f32 $1.500000000e+00, s17  }
0xc1: {  	v62 =	vld [tilespmem:s6+$0x0];
	v18 =	vmul.f32 v22, v22;
	s3 =	ssub.f32 s16, s20;
	s16 =	smul.f32 s25, s12;
	(xrf2) =	vadd.scan.msk.f32 $0xffff, v26;
	v26 =	vsub.f32 v25, v16;
	v25 =	vsub.f32 v28, v16  }
0xc2: {  	v29 =	vld [tilespmem:s6+$0x20];
	v23 =	vmov s18;
	v28 =	vsub.f32 v27, v16;
	v31 =	vadd.f32 v59, v33;
	s15 =	smul.f32 s17, s15  }
0xc3: {  	v52 =	vmul.f32 s10, v52;
	s25 =	smul.f32 s1, s1;
	v27 =	vld [tilespmem:s9+$0x0];
	v16 =	vsub.f32 v32, v23;
	v32 =	vadd.f32 v57, v60  }
0xc4: {  	v47 =	vmul.f32 s11, v47;
	v57 =	vld [tilespmem:s6+$0x10];
	v60 =	vadd.f32 v63, v18;
	v33 =	vadd.f32 v17, v58;
	s20 =	smul.f32 s15, s19  }
0xc5: {  	v46 =	vmul.f32 s11, v46;
	s18 =	smul.f32 s18, s18;
	v58 =	vld [tilespmem:s9+$0x10];
	v17 =	vsub.f32 v34, v23;
	v34 =	vadd.f32 v2, v30;
	s26 =	spop (v2sf)  }
0xc6: {  	v18 =	vsub.f32 v50, v23;
	v30 =	vld [tilespmem:s9+$0x20];
	v59 =	vmul.f32 v31, v31;
	v20 =	vmul.f32 v32, v32;
	s1 =	spop (v2sf);
	s28 =	smul.f32 s20, s15  }
0xc7: {  	v56 =	vld [tilespmem:s9+$0xFFFFFF80];
	v49 =	vmul.f32 s11, v49;
	v63 =	vadd.f32 v32, v31;
	v2 =	vadd.f32 v34, v33;
	s17 =	sadd.f32 $9.999999740e-06, s3;
	s20 =	smul.f32 $1.562500000e-02, s26  }
0xc8: {  	v48 =	vmul.f32 s11, v48;
	s13 =	ssub.f32 $1.500000000e+00, s13;
	v51, _, _ =	vpop (xrf2);
	s3 =	smul.f32 $1.562500000e-02, s1;
	v50 =	vadd.f32 v20, v59;
	v20 =	vsub.f32 v35, v23;
	v35 =	vld [tilespmem:s6+$0xFFFFFF80]  }
0xc9: {  	v42 =	vmul.f32 s16, v42;
	v27 =	vadd.f32 v27, v62;
	(v2sf) =	vpush v51, $0xF;
	v51 =	vld [tilespmem:s9+$0x30];
	s31 =	sshra.s32 s17, $0x1;
	s12 =	smul.f32 $5.000000000e-01, s17;
	s2 =	ssub.f32 s20, s25  }
0xca: {  	s4 =	smul.f32 s13, s4;
	v59 =	vmov s0;
	v23 =	vadd.f32 v58, v57;
	v57 =	vld [tilespmem:s6+$0x30];
	v58 =	vadd.f32 v2, v63;
	s20 =	ssub.s32 $0x5F3759DF, s31;
	s24 =	ssub.f32 $1.500000000e+00, s28  }
0xcb: {  	v43 =	vmul.f32 s16, v43;
	v36 =	vsub.f32 v36, v59;
	v29 =	vadd.f32 v30, v29;
	s18 =	ssub.f32 s3, s18;
	s26 =	smul.f32 s20, s12  }
0xcc: {  	v30 =	vmul.f32 v33, v33;
	v2 =	vmul.f32 v34, v34;
	v37 =	vsub.f32 v37, v59;
	v62, _, _ =	vpop (xrf2);
	s17 =	sadd.f32 $9.999999740e-06, s2;
	s19 =	smul.f32 s24, s15  }
0xcd: {  	v44 =	vmul.f32 s16, v44;
	s3 =	sadd.f32 $9.999999740e-06, s18;
	(v2sf) =	vpush v62, $0xF;
	v35 =	vadd.f32 v56, v35;
	s25 =	smul.f32 s20, s26  }
0xce: {  	v45 =	vmul.f32 s16, v45;
	v62 =	vsub.f32 v1, v59;
	v56 =	vadd.f32 v2, v30;
	s28 =	sshra.s32 s17, $0x1;
	s0 =	smul.f32 $5.000000000e-01, s17  }
0xcf: {  	v38 =	vmul.f32 s4, v38;
	v30 =	vadd.f32 v51, v57;
	v1 =	vadd.f32 v19, v35;
	s31 =	ssub.s32 $0x5F3759DF, s28;
	s1 =	ssub.f32 $1.500000000e+00, s25;
	s25 =	smul.f32 $5.000000000e-01, s3  }
0xd0: {  	v39 =	vmul.f32 s4, v39;
	v59 =	vsub.f32 v0, v59;
	v57 =	vadd.f32 v23, v27;
	s2 =	smul.f32 s31, s0  }
0xd1: {  	v40 =	vmul.f32 s4, v40;
	(xrf2) =	vadd.scan.msk.f32 $0xffff, v58;
	v0 =	vadd.f32 v30, v29;
	v51 =	vadd.f32 v61, v1;
	v61 =	vld [tilespmem:$0x1FFE0];
	s18 =	smul.f32 s20, s1;
	s20 =	sshra.s32 s3, $0x1  }
0xd2: {  	v63 =	vmul.f32 v27, v27;
	v2 =	vmul.f32 v23, v23;
	s24 =	smul.f32 s31, s2;
	s17 =	ssub.s32 $0x5F3759DF, s20  }
0xd3: {  	v41 =	vmul.f32 s4, v41;
	v50 =	vadd.f32 v56, v50;
	v57 =	vadd.f32 v0, v57;
	v0 =	vld [tilespmem:$0x1FFD0];
	s26 =	smul.f32 s17, s25  }
0xd4: {  	v56 =	vadd.f32 v2, v63;
	v2 =	vmul.f32 v30, v30;
	v1 =	vmul.f32 v29, v29;
	s28 =	smul.f32 s18, s12  }
0xd5: {  	v58 =	vmul.f32 v19, v19;
	v63 =	vmul.f32 v35, v35;
	s20 =	ssub.f32 $1.500000000e+00, s24;
	s10 =	smul.f32 s17, s26  }
0xd6: {  	(xrf2) =	vadd.scan.msk.f32 $0xffff, v50;
	v36 =	vmul.f32 s19, v36;
	v50 =	vadd.f32 v2, v1;
	v1 =	vld [tilespmem:$0x1FFF0];
	v52 =	vmul.f32 v52, v61;
	s11 =	smul.f32 s28, s18  }
0xd7: {  	v37 =	vmul.f32 s19, v37;
	(xrf2) =	vadd.scan.msk.f32 $0xffff, v51;
	v51 =	vadd.f32 v58, v63;
	v63 =	vld [tilespmem:$0x1FFC0];
	v44 =	vmul.f32 v44, v61;
	s15 =	smul.f32 s31, s20  }
0xd8: {  	v58 =	vmul.f32 s19, v62;
	v53 =	vmul.f32 v53, v0;
	v52 =	vadd.f32 v52, v6;
	s10 =	ssub.f32 $1.500000000e+00, s10  }
0xd9: {  	v50 =	vadd.f32 v50, v56;
	v46 =	vmul.f32 v46, v0;
	v44 =	vadd.f32 v44, v6;
	s11 =	ssub.f32 $1.500000000e+00, s11;
	s20 =	smul.f32 s15, s0  }
0xda: {  	v51 =	vadd.f32 v60, v51;
	v43 =	vmul.f32 v43, v0;
	v53 =	vadd.f32 v53, v5;
	[tilespmem:s22+$0x60] =	vst v52;
	s10 =	smul.f32 s17, s10  }
0xdb: {  	v60, _, _ =	vpop (xrf2);
	(xrf2) =	vadd.scan.msk.f32 $0xffff, v57;
	s16 =	spop (v2sf);
	v54 =	vmul.f32 v54, v1;
	v46 =	vadd.f32 v46, v5;
	[tilespmem:s22+$0xFFFFFFE0] =	vst v44;
	s11 =	smul.f32 s11, s18  }
0xdc: {  	v49 =	vmul.f32 v49, v61;
	v55 =	vmul.f32 v55, v63;
	v43 =	vadd.f32 v43, v5;
	[tilespmem:s22+$0x50] =	vst v53;
	s18 =	smul.f32 $1.562500000e-02, s16  }
0xdd: {  	(v2sf) =	vpush v60, $0xF;
	v36 =	vmul.f32 v36, v1;
	v54 =	vadd.f32 v54, v7;
	[tilespmem:s22+$0xFFFFFF90] =	vst v46;
	s31 =	smul.f32 s20, s15  }
0xde: {  	v40 =	vmul.f32 v40, v61;
	v47 =	vmul.f32 v47, v63;
	v55 =	vadd.f32 v55, v4;
	[tilespmem:s22+$0xFFFFFFD0] =	vst v43;
	s20 =	spop (v2sf);
	s1 =	smul.f32 s10, s25  }
0xdf: {  	v42 =	vmul.f32 v42, v63;
	v38 =	vmul.f32 v38, v63;
	v36 =	vadd.f32 v36, v7;
	[tilespmem:s22+$0x70] =	vst v54;
	s13 =	smul.f32 $1.562500000e-02, s20  }
0xe0: {  	v57 =	vmul.f32 v58, v0;
	v39 =	vmul.f32 v39, v0;
	v47 =	vadd.f32 v47, v4;
	[tilespmem:s22+$0x40] =	vst v55;
	s26 =	smul.f32 s18, s18;
	s2 =	ssub.f32 $1.500000000e+00, s31  }
0xe1: {  	v45 =	vmul.f32 v45, v1;
	v42 =	vadd.f32 v42, v4;
	v38 =	vadd.f32 v38, v4;
	v2, _, _ =	vpop (xrf2);
	[tilespmem:s23+$0x70] =	vst v36;
	s3 =	smul.f32 s1, s10  }
0xe2: {  	(v2sf) =	vpush v2, $0xF;
	v2 =	vmul.f32 s19, v59;
	v55 =	vmul.f32 v48, v1;
	[tilespmem:s22+$0xFFFFFF80] =	vst v47;
	s19 =	smul.f32 s2, s15  }
0xe3: {  	v37 =	vmul.f32 v37, v63;
	v40 =	vadd.f32 v40, v6;
	[tilespmem:s22+$0xFFFFFFC0] =	vst v42;
	v59 =	vadd.f32 v45, v7;
	s16 =	smul.f32 s11, s12;
	s24 =	ssub.f32 $1.500000000e+00, s3  }
0xe4: {  	v60 =	vmul.f32 v41, v1;
	v41 =	vadd.f32 v39, v5;
	[tilespmem:s22+$0x0] =	vst v38;
	v56, _, _ =	vpop (xrf2);
	v36 =	vadd.f32 v55, v7;
	s28 =	smul.f32 s19, s0  }
0xe5: {  	(v2sf) =	vpush v56, $0xF;
	v56 =	vadd.f32 v49, v6;
	v58 =	vmul.f32 v2, v61;
	[tilespmem:s22+$0xFFFFFFF0] =	vst v59;
	s31 =	ssub.f32 s13, s26;
	s10 =	smul.f32 s24, s10  }
0xe6: {  	v39 =	vadd.f32 v60, v7;
	(xrf2) =	vadd.scan.msk.f32 $0xffff, v51;
	s12 =	simm.s32 $0x8;
	[tilespmem:s22+$0xFFFFFFB0] =	vst v36;
	v36 =	vadd.f32 v37, v4;
	s20 =	smul.f32 s28, s19  }
0xe7: {  	v62 =	vmovc v0;
	(xrf2) =	vadd.scan.msk.f32 $0xffff, v50;
	[tilespmem:s22+$0xFFFFFFA0] =	vst v56;
	v37 =	vadd.f32 v57, v5;
	v38 =	vadd.f32 v58, v6;
	s13 =	simm.s32 $0x6780;
	s0 =	sadd.f32 $9.999999740e-06, s31;
	s4 =	smul.f32 s10, s25  }
.LBB2_3:
0xe8: {  	_ =	sdelay $0x1  }
0xe9: {  	v42 =	vld [tilespmem:s13+$0x40]  }
0xea: {  	v56 =	vld [tilespmem:s13+$0x50]  }
0xeb: {  	s9 =	sadd.s32 $0x100, s9;
	v47 =	vld [tilespmem:s13+$0xFFFFFF90];
	s15 =	sshra.s32 s0, $0x1;
	s0 =	smul.f32 $5.000000000e-01, s0;
	[tilespmem:s22+$0x10] =	vst v41  }
0xec: {  	v55 =	vld [tilespmem:s9+$0x40];
	[tilespmem:s22+$0x20] =	vst v40;
	s15 =	ssub.s32 $0x5F3759DF, s15  }
0xed: {  	[tilespmem:s22+$0x30] =	vst v39;
	s22 =	smov.u32 s23;
	v57 =	vld [tilespmem:s9+$0x50];
	s24 =	smul.f32 s15, s0  }
0xee: {  	s16 =	smul.f32 s16, s11;
	v49 =	vld [tilespmem:s9+$0xFFFFFF90];
	[tilespmem:s22+$0x40] =	vst v36  }
0xef: {  	s17 =	ssub.f32 $1.500000000e+00, s20;
	v36 =	vld [tilespmem:s13+$0x60];
	[tilespmem:s22+$0x50] =	vst v37;
	s2 =	smul.f32 s15, s24;
	v43, _, _ =	vpop (xrf2)  }
0xf0: {  	s1 =	ssub.f32 $1.500000000e+00, s16;
	v37 =	vld [tilespmem:s9+$0x60];
	[tilespmem:s22+$0x60] =	vst v38;
	(v2sf) =	vpush v43, $0xF;
	v58, _, _ =	vpop (xrf2)  }
0xf1: {  	s17 =	smul.f32 s17, s19;
	v59 =	vld [tilespmem:s13+$0x70];
	s16 =	ssub.f32 $1.500000000e+00, s2;
	(v2sf) =	vpush v58, $0xF  }
0xf2: {  	s4 =	smul.f32 s4, s10;
	v44 =	vld [tilespmem:s9+$0x70]  }
0xf3: {  	v24 =	vmul.f32 s17, v24;
	v60, _, _ =	vpop (xrf2);
	s15 =	smul.f32 s15, s16;
	s3 =	spop (v2sf)  }
0xf4: {  	v26 =	vmul.f32 s17, v26;
	v50 =	vadd.f32 v55, v42;
	(v2sf) =	vpush v60, $0xF;
	s24 =	smul.f32 $1.562500000e-02, s3  }
0xf5: {  	v52 =	vld [tilespmem:s13+$0xFFFFFFC0];
	v25 =	vmul.f32 s17, v25;
	v40 =	vmul.f32 s17, v28;
	v48 =	vadd.f32 v57, v56;
	s28 =	smul.f32 s15, s0  }
0xf6: {  	v0 =	vld [tilespmem:s9+$0xFFFFFFA0];
	v49 =	vadd.f32 v49, v47;
	v1 =	vmul.f32 v50, v50;
	v42 =	vadd.f32 v37, v36;
	s25 =	smul.f32 s24, s24  }
0xf7: {  	v28 =	vld [tilespmem:s13+$0xFFFFFFB0];
	v36 =	vmul.f32 v24, v63;
	v44 =	vadd.f32 v44, v59;
	s26 =	spop (v2sf);
	v45 =	vmov s24;
	s24 =	smul.f32 s28, s15  }
0xf8: {  	v39 =	vadd.f32 v48, v50;
	v51 =	vmul.f32 v48, v48;
	v37 =	vmul.f32 v26, v62;
	v26 =	vld [tilespmem:s9+$0xFFFFFFB0];
	s19 =	smul.f32 $1.562500000e-02, s26  }
0xf9: {  	v54 =	vld [tilespmem:s9+$0xFFFFFFC0];
	v2 =	vmul.f32 v42, v42;
	v36 =	vadd.f32 v36, v4;
	v24 =	vadd.f32 v44, v42;
	s31 =	spop (v2sf);
	s24 =	ssub.f32 $1.500000000e+00, s24  }
0xfa: {  	v37 =	vadd.f32 v37, v5;
	v53 =	vmul.f32 v44, v44;
	s17 =	smul.f32 $1.562500000e-02, s31;
	v46 =	vsub.f32 v34, v45;
	v34 =	vld [tilespmem:s13+$0xFFFFFFA0]  }
0xfb: {  	v56 =	vld [tilespmem:s13+$0xFFFFFFD0];
	v24 =	vadd.f32 v24, v39;
	v39 =	vmul.f32 v25, v61;
	v25 =	vadd.f32 v51, v1;
	s15 =	smul.f32 s24, s15  }
0xfc: {  	v57 =	vld [tilespmem:s13+$0xFFFFFFE0];
	v60 =	vadd.f32 v53, v2;
	v31 =	vsub.f32 v31, v45;
	s16 =	ssub.f32 s19, s25;
	s19 =	smul.f32 s1, s11  }
0xfd: {  	v61 =	vld [tilespmem:s9+$0xFFFFFFD0];
	v62 =	vadd.f32 v26, v28;
	v32 =	vsub.f32 v32, v45;
	s0 =	smul.f32 s15, s0  }
0xfe: {  	s4 =	ssub.f32 $1.500000000e+00, s4;
	v55 =	vmov s17;
	s17 =	smul.f32 s17, s17;
	v47 =	vmul.f32 s19, v11;
	v11 =	vmovc v31;
	v31 =	vadd.f32 v54, v52;
	v52 =	vld [tilespmem:s13+$0xFFFFFFF0]  }
0xff: {  	(xrf2) =	vadd.scan.msk.f32 $0xffff, v24;
	v28 =	vadd.f32 v60, v25;
	v34 =	vadd.f32 v0, v34;
	v0 =	vld [tilespmem:s9+$0xFFFFFFF0];
	s1 =	spop (v2sf);
	s0 =	smul.f32 s0, s15  }
0x100: {  	v59 =	vld [tilespmem:s9+$0xFFFFFFE0];
	v33 =	vsub.f32 v33, v45;
	v39 =	vadd.f32 v39, v6;
	s3 =	smul.f32 $1.562500000e-02, s1;
	s25 =	spop (v2sf)  }
0x101: {  	v43 =	vmul.f32 v49, v49;
	v24 =	vsub.f32 v35, v55;
	v26 =	vsub.f32 v19, v55;
	(xrf2) =	vadd.scan.msk.f32 $0xffff, v28;
	s20 =	smul.f32 $1.562500000e-02, s25;
	s0 =	ssub.f32 $1.500000000e+00, s0  }
0x102: {  	v38 =	vld [tilespmem:s9+$0xFFFFFF80];
	v63 =	vmul.f32 v62, v62;
	v25 =	vsub.f32 v22, v55;
	v28 =	vsub.f32 v21, v55;
	s16 =	sadd.f32 $9.999999740e-06, s16;
	s31 =	smul.f32 s3, s3  }
0x103: {  	v53 =	vld [tilespmem:s13+$0x0];
	v55 =	vmul.f32 s19, v14;
	v14 =	vmovc v32;
	v32 =	vadd.f32 v61, v56;
	v56 =	vmov s18;
	s25 =	spop (v2sf);
	s18 =	smul.f32 s0, s15  }
0x104: {  	v58 =	vmul.f32 v34, v34;
	v51 =	vadd.f32 v62, v34;
	v22 =	vmovc v34;
	v34 =	vadd.f32 v0, v52;
	v0 =	vld [tilespmem:$0x1FFF0];
	s17 =	ssub.f32 s20, s17;
	s0 =	smul.f32 $5.000000000e-01, s16  }
0x105: {  	v60 =	vmul.f32 s19, v13;
	v13 =	vmovc v33;
	v33 =	vadd.f32 v59, v57;
	v61 =	vld [tilespmem:s13+$0x10];
	v1 =	vsub.f32 v15, v56;
	s2 =	sshra.s32 s16, $0x1;
	s26 =	smul.f32 $1.562500000e-02, s25  }
0x106: {  	s4 =	smul.f32 s4, s10;
	v21 =	vmovc v62;
	v3 =	vmul.f32 s19, v12;
	v2 =	vmul.f32 v32, v32;
	s11 =	ssub.s32 $0x5F3759DF, s2;
	v62 =	vld [tilespmem:s9+$0x10];
	v45 =	vmov s3;
	s28 =	sadd.f32 $9.999999740e-06, s17  }
0x107: {  	v19 =	vmovc v49;
	v35 =	vld [tilespmem:s9+$0x0];
	v12 =	vmovc v46;
	v58 =	vadd.f32 v63, v58;
	v49 =	vsub.f32 v23, v45;
	v23 =	vmul.f32 s18, v1;
	s2 =	ssub.f32 s26, s31;
	s26 =	smul.f32 s11, s0  }
0x108: {  	v59 =	vld [tilespmem:s9+$0x20];
	v15 =	vmovc v44;
	v41 =	vsub.f32 v27, v45;
	v27 =	vmul.f32 v31, v31;
	v44 =	vsub.f32 v29, v45;
	s1 =	sshra.s32 s28, $0x1;
	s16 =	smul.f32 $5.000000000e-01, s28  }
0x109: {  	v46 =	vld [tilespmem:s13+$0xFFFFFF80];
	v63, _, _ =	vpop (xrf2);
	v45 =	vsub.f32 v30, v45;
	v30 =	vsub.f32 v10, v56;
	v23 =	vmul.f32 v23, v0;
	s3 =	ssub.s32 $0x5F3759DF, s1;
	s15 =	sadd.f32 $9.999999740e-06, s2;
	s20 =	smul.f32 s11, s26  }
0x10a: {  	v29 =	vld [tilespmem:s13+$0x20];
	(v2sf) =	vpush v63, $0xF;
	v52 =	vadd.f32 v2, v27;
	s24 =	smul.f32 s3, s16  }
0x10b: {  	v10 =	vmov v50;
	v50 =	vld [tilespmem:s9+$0x30];
	v2 =	vadd.f32 v23, v7;
	v23 =	vadd.f32 v62, v61;
	v61, _, _ =	vpop (xrf2);
	s28 =	sshra.s32 s15, $0x1;
	s25 =	smul.f32 $5.000000000e-01, s15  }
0x10c: {  	v27 =	vadd.f32 v35, v53;
	v35 =	vld [tilespmem:s13+$0x30];
	(v2sf) =	vpush v61, $0xF;
	s20 =	ssub.f32 $1.500000000e+00, s20;
	s31 =	smul.f32 s3, s24;
	s19 =	ssub.s32 $0x5F3759DF, s28  }
0x10d: {  	v57 =	vadd.f32 v32, v31;
	v54 =	vmul.f32 v33, v33;
	v1 =	vmul.f32 v34, v34;
	s1 =	smul.f32 s19, s25  }
0x10e: {  	v53 =	vsub.f32 v9, v56;
	v0 =	vadd.f32 v34, v33;
	s11 =	smul.f32 s11, s20;
	s15 =	ssub.f32 $1.500000000e+00, s31  }
0x10f: {  	v63 =	vld [tilespmem:$0x1FFC0];
	v56 =	vsub.f32 v8, v56;
	v1 =	vadd.f32 v1, v54;
	s2 =	smul.f32 s19, s1  }
0x110: {  	v9 =	vmovc v48;
	v48 =	vmul.f32 v27, v27;
	v29 =	vadd.f32 v59, v29;
	v62 =	vld [tilespmem:$0x1FFD0];
	v0 =	vadd.f32 v0, v57;
	s15 =	smul.f32 s3, s15  }
0x111: {  	s23 =	smov.u32 s6;
	v57 =	vmul.f32 s18, v30;
	v30 =	vadd.f32 v50, v35;
	v35 =	vadd.f32 v38, v46;
	s3 =	smul.f32 s11, s0  }
0x112: {  	v1 =	vadd.f32 v1, v52;
	v38 =	vmul.f32 s18, v56;
	[tilespmem:s23+$0x70] =	vst v2;
	v2 =	vadd.f32 v23, v27;
	s26 =	ssub.f32 $1.500000000e+00, s2;
	s28 =	smul.f32 s15, s16  }
0x113: {  	v59 =	vmul.f32 v23, v23;
	(xrf2) =	vadd.scan.msk.f32 $0xffff, v0;
	v0 =	vmul.f32 s18, v53;
	v52 =	vadd.f32 v19, v35;
	s17 =	smul.f32 s3, s11  }
0x114: {  	[tilespmem:s22+$0xFFFFFF80] =	vst v36;
	v61 =	vld [tilespmem:$0x1FFE0];
	v57 =	vmul.f32 v57, v63;
	v46 =	vadd.f32 v30, v29;
	v50 =	vmul.f32 v30, v30;
	s20 =	smul.f32 s19, s26  }
0x115: {  	v8 =	vmovc v42;
	v56 =	vmul.f32 v35, v35;
	v54 =	vmul.f32 v55, v62;
	v55 =	vadd.f32 v51, v52;
	s31 =	smul.f32 s28, s15;
	s2 =	ssub.f32 $1.500000000e+00, s17  }
0x116: {  	(xrf2) =	vadd.scan.msk.f32 $0xffff, v1;
	v1 =	vmul.f32 v47, v63;
	v42 =	vadd.f32 v59, v48;
	v59 =	vld [tilespmem:$0x1FFF0];
	v36 =	vadd.f32 v57, v4;
	s19 =	smul.f32 s20, s25  }
0x117: {  	v48 =	vmul.f32 v29, v29;
	v2 =	vadd.f32 v46, v2;
	v43 =	vadd.f32 v43, v56;
	(xrf2) =	vadd.scan.msk.f32 $0xffff, v55;
	s18 =	ssub.f32 $1.500000000e+00, s31;
	s11 =	smul.f32 s2, s11  }
0x118: {  	v51 =	vld [tilespmem:$0x1FFF0];
	v0 =	vmul.f32 v0, v62;
	v1 =	vadd.f32 v1, v4;
	v52 =	vmul.f32 s4, v17;
	s1 =	smul.f32 s19, s20  }
0x119: {  	[tilespmem:s22+$0xFFFFFF90] =	vst v37;
	v56 =	vmul.f32 v60, v61;
	v38 =	vmul.f32 v38, v61;
	v43 =	vadd.f32 v58, v43;
	s19 =	smul.f32 s18, s15;
	s18 =	spop (v2sf)  }
0x11a: {  	[tilespmem:s22+$0xFFFFFFA0] =	vst v39;
	v60 =	vadd.f32 v54, v5;
	v54 =	vmul.f32 s4, v18;
	v55 =	vmul.f32 s4, v20;
	s18 =	smul.f32 $1.562500000e-02, s18  }
0x11b: {  	v17 =	vmovc v49;
	v39 =	vmul.f32 v52, v62;
	v40 =	vmul.f32 v40, v59;
	v59 =	vadd.f32 v50, v48;
	s24 =	spop (v2sf);
	s31 =	smul.f32 s19, s16  }
0x11c: {  	s12 =	sadd.s32 $0x4, s12;
	v18 =	vmovc v44;
	v37 =	vadd.f32 v0, v5;
	[tilespmem:s22+$0xFFFFFFC0] =	vst v1;
	v38 =	vadd.f32 v38, v6;
	v50 =	vmul.f32 s4, v16;
	s26 =	smul.f32 $1.562500000e-02, s24  }
0x11d: {  	p0 =	slt.u32 s12, $0xC4;
	v48 =	vadd.f32 v56, v6;
	v16 =	vmovc v41;
	v57 =	vmul.f32 v54, v61;
	v3 =	vmul.f32 v3, v51;
	s28 =	smul.f32 s18, s18  }
.Ltmp2:
0x11e: {  	[tilespmem:s22+$0xFFFFFFD0] =	vst v60;
	v41 =	vadd.f32 v39, v5;
	v40 =	vadd.f32 v40, v7;
	v56 =	vmul.f32 v50, v63;
	s3 =	ssub.f32 $1.500000000e+00, s1;
	(pc) =	sbr.rel @p0 .LBB2_3-.Ltmp2, $4  }
0x11f: {  	v58 =	vmul.f32 v55, v51;
	v42 =	vadd.f32 v59, v42;
	[tilespmem:s22+$0xFFFFFFE0] =	vst v48;
	v3 =	vadd.f32 v3, v7;
	v59, _, _ =	vpop (xrf2);
	s16 =	smul.f32 s11, s0  }
0x120: {  	(xrf2) =	vadd.scan.msk.f32 $0xffff, v2;
	[tilespmem:s22+$0xFFFFFFB0] =	vst v40;
	(v2sf) =	vpush v59, $0xF;
	v53, _, _ =	vpop (xrf2);
	v59 =	vadd.f32 v56, v4;
	s10 =	smul.f32 s3, s20;
	s4 =	ssub.f32 s26, s28  }
0x121: {  	s6 =	smov.u32 s13;
	v39 =	vadd.f32 v58, v7;
	(xrf2) =	vadd.scan.msk.f32 $0xffff, v43;
	[tilespmem:s22+$0xFFFFFFF0] =	vst v3;
	(v2sf) =	vpush v53, $0xF;
	v60, _, _ =	vpop (xrf2);
	s20 =	smul.f32 s31, s19  }
0x122: {  	s13 =	sadd.s32 $0x100, s13;
	v20 =	vmovc v45;
	v40 =	vadd.f32 v57, v6;
	(xrf2) =	vadd.scan.msk.f32 $0xffff, v42;
	[tilespmem:s22+$0x0] =	vst v59;
	(v2sf) =	vpush v60, $0xF;
	s0 =	sadd.f32 $9.999999740e-06, s4;
	s4 =	smul.f32 s10, s25  }
0x123: {  	_ =	sdelay $0x1  }
0x124: {  	s9 =	sshra.s32 s0, $0x1;
	s0 =	smul.f32 $5.000000000e-01, s0  }
0x125: {  	s12 =	ssub.s32 $0x5F3759DF, s9  }
0x126: {  	s9 =	smul.f32 s12, s0;
	_ =	sdelay $0x1  }
0x127: {  	s15 =	smul.f32 s12, s9  }
0x128: {  	v0, _, _ =	vpop (xrf2)  }
0x129: {  	s9 =	smul.f32 s4, s10;
	s15 =	ssub.f32 $1.500000000e+00, s15;
	(v2sf) =	vpush v0, $0xF;
	v58, _, _ =	vpop (xrf2)  }
0x12a: {  	s13 =	smul.f32 s16, s11;
	s1 =	ssub.f32 $1.500000000e+00, s20;
	(v2sf) =	vpush v58, $0xF  }
0x12b: {  	s9 =	ssub.f32 $1.500000000e+00, s9;
	v59, _, _ =	vpop (xrf2);
	s2 =	smul.f32 s12, s15  }
0x12c: {  	s15 =	smul.f32 s1, s19;
	(v2sf) =	vpush v59, $0xF  }
0x12d: {  	s9 =	smul.f32 s9, s10  }
0x12e: {  	s12 =	smul.f32 s2, s0;
	s31 =	spop (v2sf)  }
0x12f: {  	s17 =	smul.f32 $1.562500000e-02, s31  }
0x130: {  	s25 =	spop (v2sf);
	s12 =	smul.f32 s12, s2  }
0x131: {  	s19 =	smul.f32 $1.562500000e-02, s25;
	s26 =	spop (v2sf)  }
0x132: {  	s3 =	smul.f32 s17, s17;
	s24 =	ssub.f32 $1.500000000e+00, s12  }
0x133: {  	s13 =	ssub.f32 $1.500000000e+00, s13;
	s20 =	smul.f32 $1.562500000e-02, s26  }
0x134: {  	s4 =	smul.f32 s24, s2  }
0x135: {  	s12 =	smul.f32 s13, s11;
	s31 =	ssub.f32 s19, s3  }
0x136: {  	s0 =	smul.f32 s4, s0  }
0x137: {  	s1 =	smul.f32 s20, s20;
	s11 =	sadd.f32 $9.999999740e-06, s31  }
0x138: {  	s0 =	smul.f32 s0, s4;
	s28 =	spop (v2sf)  }
0x139: {  	s25 =	sshra.s32 s11, $0x1;
	s11 =	smul.f32 $5.000000000e-01, s11;
	s2 =	spop (v2sf)  }
0x13a: {  	s16 =	smul.f32 $1.562500000e-02, s2  }
0x13b: {  	s24 =	smul.f32 $1.562500000e-02, s28;
	s3 =	spop (v2sf)  }
0x13c: {  	s19 =	smul.f32 $1.562500000e-02, s3;
	s13 =	ssub.f32 s16, s1  }
0x13d: {  	s25 =	ssub.s32 $0x5F3759DF, s25;
	s0 =	ssub.f32 $1.500000000e+00, s0;
	s26 =	smul.f32 s24, s24  }
0x13e: {  	s31 =	smul.f32 s25, s11;
	s13 =	sadd.f32 $9.999999740e-06, s13  }
0x13f: {  	s0 =	smul.f32 s0, s4;
	s16 =	ssub.f32 s19, s26  }
0x140: {  	s28 =	sshra.s32 s13, $0x1;
	s13 =	smul.f32 $5.000000000e-01, s13  }
0x141: {  	s16 =	sadd.f32 $9.999999740e-06, s16;
	s19 =	ssub.s32 $0x5F3759DF, s28;
	s28 =	smul.f32 s25, s31  }
0x142: {  	s26 =	smul.f32 s19, s13  }
0x143: {  	v3 =	vmul.f32 s15, v24;
	s31 =	sshra.s32 s16, $0x1;
	s4 =	smul.f32 $5.000000000e-01, s16  }
0x144: {  	v25 =	vmul.f32 s15, v25;
	s2 =	ssub.f32 $1.500000000e+00, s28;
	s1 =	smul.f32 s19, s26;
	s26 =	ssub.s32 $0x5F3759DF, s31  }
0x145: {  	v3 =	vmul.f32 v3, v63;
	s3 =	smul.f32 s26, s4  }
0x146: {  	v25 =	vmul.f32 v25, v61;
	s16 =	ssub.f32 $1.500000000e+00, s1;
	s1 =	smul.f32 s25, s2  }
0x147: {  	v60 =	vmov s17;
	v3 =	vadd.f32 v3, v4;
	s2 =	smul.f32 s26, s3  }
0x148: {  	v28 =	vmul.f32 s15, v28;
	v25 =	vadd.f32 v25, v6;
	v1 =	vsub.f32 v31, v60;
	s3 =	smul.f32 s19, s16  }
0x149: {  	v2 =	vsub.f32 v32, v60;
	v31 =	vsub.f32 v33, v60;
	v42 =	vmov s20;
	s20 =	smul.f32 s1, s11  }
0x14a: {  	v24 =	vsub.f32 v34, v60;
	v34 =	vmul.f32 s15, v26;
	v26 =	vmov s18;
	s17 =	ssub.f32 $1.500000000e+00, s2;
	s19 =	smul.f32 s3, s13  }
0x14b: {  	[tilespmem:s22+$0x10] =	vst v41;
	v15 =	vsub.f32 v15, v26;
	v11 =	vmul.f32 s12, v11;
	v14 =	vmul.f32 s12, v14;
	s18 =	smul.f32 s20, s1  }
0x14c: {  	[tilespmem:s22+$0x30] =	vst v39;
	v13 =	vmul.f32 s12, v13;
	v10 =	vsub.f32 v10, v26;
	v9 =	vsub.f32 v9, v26;
	s17 =	smul.f32 s26, s17  }
0x14d: {  	[tilespmem:s23+$0x40] =	vst v36;
	v0 =	vmul.f32 v34, v62;
	v44 =	vmov s24;
	v15 =	vmul.f32 s0, v15;
	s19 =	smul.f32 s19, s3;
	s24 =	ssub.f32 $1.500000000e+00, s18  }
0x14e: {  	[tilespmem:s22+$0x20] =	vst v40;
	v12 =	vmul.f32 s12, v12;
	v8 =	vsub.f32 v8, v26;
	v11 =	vmul.f32 v11, v63;
	s22 =	smul.f32 s17, s4  }
0x14f: {  	[tilespmem:s23+$0x50] =	vst v37;
	v43 =	vsub.f32 v35, v42;
	v0 =	vadd.f32 v0, v5;
	v15 =	vmul.f32 v15, v51;
	s19 =	ssub.f32 $1.500000000e+00, s19;
	s12 =	smul.f32 s24, s1  }
0x150: {  	[tilespmem:s23+$0x60] =	vst v38;
	v45 =	vmul.f32 v13, v61;
	v13 =	vmul.f32 s9, v16;
	v11 =	vadd.f32 v11, v4;
	s20 =	smul.f32 s22, s17  }
0x151: {  	v19 =	vsub.f32 v19, v42;
	v12 =	vmul.f32 v12, v51;
	[tilespmem:s23+$0xFFFFFF90] =	vst v0;
	v15 =	vadd.f32 v15, v7;
	s15 =	smul.f32 s19, s3  }
0x152: {  	v22 =	vsub.f32 v22, v42;
	v21 =	vsub.f32 v21, v42;
	v13 =	vmul.f32 v13, v63;
	[tilespmem:s23+$0xFFFFFFC0] =	vst v11;
	s11 =	smul.f32 s12, s11  }
0x153: {  	v0 =	vadd.f32 v45, v6;
	v11 =	vadd.f32 v12, v7;
	[tilespmem:s6+$0x70] =	vst v15;
	v15 =	vmul.f32 v28, v51;
	s26 =	ssub.f32 $1.500000000e+00, s20;
	s25 =	smul.f32 s15, s13  }
0x154: {  	[tilespmem:s23+$0xFFFFFF80] =	vst v3;
	v12 =	vmul.f32 s9, v20;
	v13 =	vadd.f32 v13, v4;
	v27 =	vsub.f32 v27, v44;
	s11 =	smul.f32 s11, s12  }
0x155: {  	[tilespmem:s23+$0xFFFFFFA0] =	vst v25;
	v3 =	vmul.f32 s0, v10;
	v10 =	vmul.f32 v14, v62;
	v14 =	vadd.f32 v15, v7;
	s28 =	smul.f32 s26, s17  }
0x156: {  	[tilespmem:s23+$0xFFFFFFE0] =	vst v0;
	v23 =	vsub.f32 v23, v44;
	v29 =	vsub.f32 v29, v44;
	v46 =	vmul.f32 s0, v9;
	s10 =	smul.f32 s25, s15  }
0x157: {  	v9 =	vmul.f32 v12, v51;
	v10 =	vadd.f32 v10, v5;
	[tilespmem:s23+$0xFFFFFFB0] =	vst v14;
	v14 =	vmul.f32 s9, v18;
	s1 =	ssub.f32 $1.500000000e+00, s11  }
0x158: {  	[tilespmem:s23+$0xFFFFFFF0] =	vst v11;
	v30 =	vsub.f32 v30, v44;
	v8 =	vmul.f32 s0, v8;
	v3 =	vmul.f32 v3, v63;
	s31 =	smul.f32 s28, s4;
	s10 =	ssub.f32 $1.500000000e+00, s10  }
0x159: {  	v9 =	vadd.f32 v9, v7;
	[tilespmem:s23+$0xFFFFFFD0] =	vst v10;
	v15 =	vmul.f32 s9, v17;
	v10 =	vmul.f32 v14, v61;
	s4 =	smul.f32 s1, s12  }
0x15a: {  	[tilespmem:s23+$0x0] =	vst v13;
	v0 =	vmul.f32 v46, v62;
	v8 =	vmul.f32 v8, v61;
	v3 =	vadd.f32 v3, v4;
	s10 =	smul.f32 s10, s15  }
0x15b: {  	[tilespmem:s23+$0x30] =	vst v9;
	v15 =	vmul.f32 v15, v62;
	v10 =	vadd.f32 v10, v6;
	v1 =	vmul.f32 s4, v1  }
0x15c: {  	v0 =	vadd.f32 v0, v5;
	[tilespmem:s6+$0x40] =	vst v3;
	s0 =	smul.f32 s31, s28;
	v2 =	vmul.f32 s4, v2;
	v11 =	vmul.f32 s10, v43  }
0x15d: {  	v8 =	vadd.f32 v8, v6;
	[tilespmem:s23+$0x20] =	vst v10;
	v10 =	vmul.f32 s10, v19;
	v1 =	vmul.f32 v1, v63  }
0x15e: {  	[tilespmem:s6+$0x50] =	vst v0;
	v12 =	vadd.f32 v15, v5;
	s0 =	ssub.f32 $1.500000000e+00, s0;
	v9 =	vmul.f32 s10, v22;
	v11 =	vmul.f32 v11, v63  }
0x15f: {  	[tilespmem:s6+$0x60] =	vst v8;
	v3 =	vmul.f32 s10, v21;
	v10 =	vmul.f32 v10, v62;
	v1 =	vadd.f32 v1, v4  }
0x160: {  	[tilespmem:s23+$0x10] =	vst v12;
	v2 =	vmul.f32 v2, v62;
	s0 =	smul.f32 s0, s28;
	v47 =	vmul.f32 v9, v61;
	v9 =	vadd.f32 v11, v4  }
0x161: {  	v3 =	vmul.f32 v3, v51;
	v8 =	vadd.f32 v10, v5;
	v10 =	vmul.f32 s4, v31;
	[tilespmem:s6+$0xFFFFFFC0] =	vst v1  }
0x162: {  	v48 =	vmul.f32 s0, v27;
	v0 =	vadd.f32 v47, v6;
	[tilespmem:s6+$0xFFFFFF80] =	vst v9;
	v9 =	vmul.f32 s4, v24  }
0x163: {  	v3 =	vadd.f32 v3, v7;
	[tilespmem:s6+$0xFFFFFF90] =	vst v8;
	v8 =	vmul.f32 v10, v61;
	v10 =	vmul.f32 s0, v23  }
0x164: {  	v2 =	vadd.f32 v2, v5;
	[tilespmem:s6+$0xFFFFFFA0] =	vst v0;
	v0 =	vmul.f32 v48, v63;
	v9 =	vmul.f32 v9, v51  }
0x165: {  	[tilespmem:s6+$0xFFFFFFB0] =	vst v3;
	v3 =	vadd.f32 v8, v6;
	v8 =	vmul.f32 s0, v29;
	v10 =	vmul.f32 v10, v62  }
0x166: {  	[tilespmem:s6+$0xFFFFFFD0] =	vst v2;
	v0 =	vadd.f32 v0, v4;
	v49 =	vadd.f32 v9, v7;
	v9 =	vmul.f32 s0, v30  }
0x167: {  	v50 =	vmul.f32 v8, v61;
	[tilespmem:s6+$0xFFFFFFE0] =	vst v3  }
0x168: {  	s22 =	sshll.u32 s21, $0x2;
	v8 =	vadd.f32 v10, v5;
	[tilespmem:s6+$0x0] =	vst v0;
	v3 =	vmul.f32 v9, v51  }
0x169: {  	s2 =	sadd.s32 s8, s22;
	[tilespmem:s6+$0xFFFFFFF0] =	vst v49;
	v52 =	vadd.f32 v50, v6  }
0x16a: {  	s0 =	smul.u32 $0xC80, s2;
	[tilespmem:s6+$0x10] =	vst v8;
	v53 =	vadd.f32 v3, v7  }
0x16b: {  	[tilespmem:s6+$0x20] =	vst v52  }
0x16c: {  	p0 =	seq.s32 s21, $0x0;
	s1 =	simm.s32 $0x6400;
	s0 =	sadd.s32 s7, s0;
	[tilespmem:s6+$0x30] =	vst v53  }
0x16d: {  	[hbm4b:s0+s29] =	stream.strided.scatter [tilespmem:s1], [sflag:$0x5], $0x3200, s30, s29, $0x38;
	[tilespmem:$0x15E80] =	vst v63  }
0x16e: {  	s0 =	smul.u32 @!p0 $0xC80, s21  }
0x16f: {  	s4 =	simm.s32 @!p0 $0x8  }
0x170: {  	s9 =	simm.s32 $0x60;
	_ =	swait.ge @!p0 [sflag:s4], $0x3200;
	s0 =	sshra.s32 @!p0 s0, $0x2  }
0x171: {  	s2 =	simm.s32 $0xFA00;
	[sflag:s4] =	ssyncset.done @!p0 $0x0;
	s0 =	simm.s32 @p0 $0x0  }
0x172: {  	s6 =	simm.s32 $0x68;
	[sflag:s4] =	ssyncadd.s32 @!p0 $0xFFFFCE00;
	s3 =	sadd.s32 $0x258, s0  }
0x173: {  	[tilespmem:s2], [sflag:$0x4] =	stream.indirect.gather [hbm4b:s5+s6], $0x40, s3, s6, $0xb8;
	[tilespmem:$0x15E80] =	vst v63  }
0x174: {  	s11 =	simm.s32 $0x2;
	s10 =	simm.s32 $0x11400;
	s0 =	sadd.s32 $0x2C0, s0  }
0x175: {  	[tilespmem:s10], [sflag:$0x4] =	stream.indirect.gather [hbm4b:s5+s9], $0x40, s0, s9, $0xb8;
	[tilespmem:$0x15E80] =	vst v63  }
0x176: {  	_ =	swait.ge [sflag:s11], $0x3200  }
0x177: {  	[sflag:s11] =	ssyncset.done $0x0  }
0x178: {  	s23 =	simm.s32 $0x96F0;
	[sflag:s11] =	ssyncadd.s32 $0xFFFFCE00  }
0x179: {  	s12 =	simm.s32 $0x12C80;
	v54 =	vld [tilespmem:s23+$0xFFFFFFD0]  }
0x17a: {  	v55 =	vld [tilespmem:s12+$0x40]  }
0x17b: {  	v56 =	vld [tilespmem:s23+$0xFFFFFFE0]  }
0x17c: {  	v3 =	vld [tilespmem:s12+$0x50]  }
0x17d: {  	v8 =	vld [tilespmem:s23+$0xFFFFFFF0]  }
0x17e: {  	v11 =	vld [tilespmem:s12+$0x60]  }
0x17f: {  	v12 =	vld [tilespmem:s23+$0x0]  }
0x180: {  	v13 =	vld [tilespmem:s12+$0x70]  }
0x181: {  	v16 =	vld [tilespmem:s12+$0xFFFFFF80]  }
0x182: {  	v14 =	vld [tilespmem:s23+$0xFFFFFF20]  }
0x183: {  	v15 =	vld [tilespmem:s12+$0xFFFFFF90]  }
0x184: {  	v57 =	vld [tilespmem:s23+$0xFFFFFF30];
	v10 =	vadd.f32 v55, v54;
	v9 =	vadd.f32 v3, v56  }
0x185: {  	v58 =	vld [tilespmem:s12+$0xFFFFFFA0];
	v8 =	vadd.f32 v11, v8;
	v11 =	vadd.f32 v13, v12  }
0x186: {  	v19 =	vld [tilespmem:s12+$0xFFFFFFB0];
	v59 =	vmul.f32 v10, v10;
	v3 =	vmul.f32 v9, v9  }
0x187: {  	v21 =	vld [tilespmem:s23+$0xFFFFFF50];
	v13 =	vmul.f32 v8, v8;
	v17 =	vmul.f32 v11, v11  }
0x188: {  	v23 =	vld [tilespmem:s23+$0xFFFFFF70];
	v18 =	vadd.f32 v9, v10;
	v20 =	vadd.f32 v11, v8  }
0x189: {  	v60 =	vld [tilespmem:s12+$0xFFFFFFE0];
	v2 =	vadd.f32 v3, v59;
	v3 =	vadd.f32 v17, v13  }
0x18a: {  	v24 =	vld [tilespmem:s23+$0xFFFFFF80];
	v13 =	vadd.f32 v20, v18  }
0x18b: {  	v25 =	vld [tilespmem:s12+$0xFFFFFFF0];
	v2 =	vadd.f32 v3, v2  }
0x18c: {  	v26 =	vld [tilespmem:s23+$0xFFFFFF90];
	(xrf2) =	vadd.scan.msk.f32 $0xffff, v13  }
0x18d: {  	v12 =	vld [tilespmem:s23+$0xFFFFFF40];
	(xrf2) =	vadd.scan.msk.f32 $0xffff, v2  }
0x18e: {  	v17 =	vld [tilespmem:s12+$0xFFFFFFC0]  }
0x18f: {  	v18 =	vld [tilespmem:s23+$0xFFFFFF60]  }
0x190: {  	v3 =	vld [tilespmem:s12+$0xFFFFFFD0]  }
0x191: {  	v28 =	vld [tilespmem:s23+$0xFFFFFFA0]  }
0x192: {  	v61 =	vld [tilespmem:s12+$0x10]  }
0x193: {  	v12 =	vadd.f32 v19, v12;
	v19 =	vadd.f32 v25, v24;
	v24 =	vld [tilespmem:s23+$0xFFFFFFC0]  }
0x194: {  	v25 =	vld [tilespmem:s12+$0x30];
	v22 =	vadd.f32 v17, v21  }
0x195: {  	v21 =	vadd.f32 v60, v23;
	v23 =	vld [tilespmem:s23+$0xFFFFFF10];
	v20 =	vadd.f32 v3, v18  }
0x196: {  	v33 =	vld [tilespmem:s23+$0xFFFFFFB0];
	v13 =	vadd.f32 v15, v14;
	v14 =	vadd.f32 v58, v57;
	v3, _, _ =	vpop (xrf2)  }
0x197: {  	v34 =	vld [tilespmem:s12+$0x20];
	v15 =	vmul.f32 v22, v22;
	v17 =	vmul.f32 v20, v20;
	(v2sf) =	vpush v3, $0xF;
	v3, _, _ =	vpop (xrf2)  }
0x198: {  	v27 =	vld [tilespmem:s12+$0x0];
	v31 =	vmul.f32 v19, v19;
	v18 =	vadd.f32 v19, v21;
	(v2sf) =	vpush v3, $0xF  }
0x199: {  	v30 =	vadd.f32 v17, v15;
	v17 =	vmul.f32 v21, v21;
	v3 =	vadd.f32 v20, v22  }
0x19a: {  	v23 =	vadd.f32 v16, v23;
	v16 =	vadd.f32 v25, v24  }
0x19b: {  	v35 =	vadd.f32 v31, v17;
	v3 =	vadd.f32 v18, v3  }
0x19c: {  	v15 =	vadd.f32 v61, v28;
	v17 =	vadd.f32 v34, v33  }
0x19d: {  	v0 =	vadd.f32 v35, v30;
	v18 =	vadd.f32 v27, v26;
	(xrf2) =	vadd.scan.msk.f32 $0xffff, v3  }
0x19e: {  	v29 =	vadd.f32 v12, v14;
	v36 =	vadd.f32 v13, v23  }
0x19f: {  	v25 =	vadd.f32 v16, v17;
	v3 =	vadd.f32 v15, v18;
	(xrf2) =	vadd.scan.msk.f32 $0xffff, v0  }
0x1a0: {  	v37 =	vmul.f32 v14, v14;
	v24 =	vmul.f32 v12, v12;
	v38 =	vadd.f32 v29, v36  }
0x1a1: {  	v39 =	vmul.f32 v13, v13;
	v26 =	vmul.f32 v23, v23;
	v3 =	vadd.f32 v25, v3  }
0x1a2: {  	v2 =	vadd.f32 v24, v37;
	(xrf2) =	vadd.scan.msk.f32 $0xffff, v38  }
0x1a3: {  	v24 =	vmul.f32 v15, v15;
	v40 =	vmul.f32 v18, v18;
	v1 =	vadd.f32 v39, v26;
	(xrf2) =	vadd.scan.msk.f32 $0xffff, v3  }
0x1a4: {  	v26 =	vmul.f32 v16, v16;
	v25 =	vmul.f32 v17, v17  }
0x1a5: {  	v1 =	vadd.f32 v2, v1  }
0x1a6: {  	v0 =	vadd.f32 v24, v40;
	v41 =	vadd.f32 v26, v25;
	s13 =	spop (v2sf)  }
0x1a7: {  	v3, _, _ =	vpop (xrf2);
	s10 =	smul.f32 $1.562500000e-02, s13;
	s15 =	spop (v2sf)  }
0x1a8: {  	s25 =	simm.s32 $0x97F0;
	v0 =	vadd.f32 v41, v0;
	(xrf2) =	vadd.scan.msk.f32 $0xffff, v1;
	(v2sf) =	vpush v3, $0xF;
	s16 =	smul.f32 $1.562500000e-02, s15  }
0x1a9: {  	s0 =	simm.s32 $0x12D80;
	v42 =	vld [tilespmem:s25+$0xFFFFFFD0];
	v3, _, _ =	vpop (xrf2);
	s17 =	smul.f32 s10, s10  }
0x1aa: {  	v43 =	vld [tilespmem:s0+$0x40];
	(xrf2) =	vadd.scan.msk.f32 $0xffff, v0;
	(v2sf) =	vpush v3, $0xF  }
0x1ab: {  	v44 =	vld [tilespmem:s25+$0xFFFFFFE0];
	s4 =	ssub.f32 s16, s17  }
0x1ac: {  	v27 =	vld [tilespmem:s25+$0x0];
	v24, _, _ =	vpop (xrf2)  }
0x1ad: {  	v25 =	vld [tilespmem:s25+$0xFFFFFFF0];
	(v2sf) =	vpush v24, $0xF;
	v26, _, _ =	vpop (xrf2);
	s4 =	sadd.f32 $9.999999740e-06, s4  }
0x1ae: {  	v3 =	vld [tilespmem:s0+$0x50];
	(v2sf) =	vpush v26, $0xF  }
0x1af: {  	v24 =	vld [tilespmem:s0+$0x60];
	s18 =	sshra.s32 s4, $0x1;
	s4 =	smul.f32 $5.000000000e-01, s4  }
0x1b0: {  	v26 =	vld [tilespmem:s0+$0x70];
	s6 =	ssub.s32 $0x5F3759DF, s18  }
0x1b1: {  	s19 =	smul.f32 s6, s4  }
0x1b2: {  	v28, _, _ =	vpop (xrf2)  }
0x1b3: {  	v37 =	vadd.f32 v43, v42;
	(v2sf) =	vpush v28, $0xF;
	s9 =	smul.f32 s6, s19  }
0x1b4: {  	v30 =	vadd.f32 v3, v44;
	v36 =	vadd.f32 v24, v25;
	v46, _, _ =	vpop (xrf2)  }
0x1b5: {  	v45 =	vld [tilespmem:s25+$0xFFFFFF20];
	v38 =	vadd.f32 v26, v27;
	(v2sf) =	vpush v46, $0xF;
	s9 =	ssub.f32 $1.500000000e+00, s9  }
0x1b6: {  	v47 =	vld [tilespmem:s0+$0xFFFFFF90];
	v2 =	vmul.f32 v37, v37;
	v3 =	vmul.f32 v30, v30  }
0x1b7: {  	v48 =	vld [tilespmem:s25+$0xFFFFFF30];
	v24 =	vmul.f32 v36, v36;
	v26 =	vmul.f32 v38, v38;
	s20 =	spop (v2sf);
	s6 =	smul.f32 s6, s9  }
0x1b8: {  	v49 =	vld [tilespmem:s0+$0xFFFFFFC0];
	v27 =	vadd.f32 v30, v37;
	v28 =	vadd.f32 v38, v36;
	s11 =	smul.f32 $1.562500000e-02, s20  }
0x1b9: {  	v50 =	vld [tilespmem:s25+$0xFFFFFF80];
	v2 =	vadd.f32 v3, v2;
	v3 =	vadd.f32 v26, v24;
	s26 =	spop (v2sf);
	s9 =	smul.f32 s6, s4  }
0x1ba: {  	v51 =	vld [tilespmem:s0+$0xFFFFFFF0];
	v24 =	vadd.f32 v28, v27;
	s28 =	smul.f32 $1.562500000e-02, s26  }
0x1bb: {  	v52 =	vld [tilespmem:s25+$0xFFFFFF40];
	v2 =	vadd.f32 v3, v2;
	s24 =	smul.f32 s11, s11  }
0x1bc: {  	v53 =	vld [tilespmem:s0+$0xFFFFFFB0];
	(xrf2) =	vadd.scan.msk.f32 $0xffff, v24;
	s31 =	spop (v2sf);
	s9 =	smul.f32 s9, s6  }
0x1bd: {  	v31 =	vld [tilespmem:s25+$0xFFFFFF50];
	(xrf2) =	vadd.scan.msk.f32 $0xffff, v2;
	s13 =	smul.f32 $1.562500000e-02, s31;
	s1 =	spop (v2sf)  }
0x1be: {  	v26 =	vld [tilespmem:s25+$0xFFFFFF60];
	s12 =	smul.f32 $1.562500000e-02, s1;
	s9 =	ssub.f32 $1.500000000e+00, s9  }
0x1bf: {  	v27 =	vld [tilespmem:s0+$0xFFFFFFD0];
	s3 =	smul.f32 s13, s13  }
0x1c0: {  	v3 =	vld [tilespmem:s25+$0xFFFFFF70];
	s18 =	smul.f32 s9, s6  }
0x1c1: {  	v24 =	vld [tilespmem:s0+$0xFFFFFFE0];
	s2 =	ssub.f32 s28, s24;
	s24 =	smul.f32 s12, s12  }
0x1c2: {  	v54 =	vld [tilespmem:s25+$0xFFFFFF90];
	s4 =	smul.f32 s18, s4;
	s16 =	spop (v2sf)  }
0x1c3: {  	v55 =	vld [tilespmem:s0+$0x0];
	s15 =	smul.f32 $1.562500000e-02, s16  }
0x1c4: {  	v56 =	vld [tilespmem:s0+$0x10];
	s17 =	spop (v2sf);
	s20 =	smul.f32 s4, s18  }
0x1c5: {  	v59 =	vld [tilespmem:s0+$0x20];
	v32 =	vadd.f32 v49, v31;
	v31 =	vadd.f32 v27, v26;
	s6 =	sadd.f32 $9.999999740e-06, s2;
	s4 =	smul.f32 $1.562500000e-02, s17  }
0x1c6: {  	v25 =	vld [tilespmem:s0+$0xFFFFFFA0];
	v28 =	vadd.f32 v24, v3;
	v24 =	vadd.f32 v51, v50;
	v26, _, _ =	vpop (xrf2);
	s9 =	ssub.f32 s15, s3  }
0x1c7: {  	v58 =	vld [tilespmem:s25+$0xFFFFFFB0];
	v57 =	vadd.f32 v31, v32;
	s19 =	sshra.s32 s6, $0x1;
	(v2sf) =	vpush v26, $0xF;
	s16 =	smul.f32 $5.000000000e-01, s6;
	v26, _, _ =	vpop (xrf2);
	s4 =	ssub.f32 s4, s24  }
0x1c8: {  	v42 =	vld [tilespmem:s25+$0xFFFFFF10];
	v34 =	vadd.f32 v24, v28;
	s15 =	ssub.s32 $0x5F3759DF, s19;
	(v2sf) =	vpush v26, $0xF;
	s9 =	sadd.f32 $9.999999740e-06, s9  }
0x1c9: {  	v29 =	vld [tilespmem:s0+$0xFFFFFF80];
	s28 =	smul.f32 s15, s16  }
0x1ca: {  	v43 =	vld [tilespmem:s25+$0xFFFFFFC0];
	v33 =	vadd.f32 v55, v54;
	v2 =	vadd.f32 v34, v57;
	s4 =	sadd.f32 $9.999999740e-06, s4;
	s19 =	smul.f32 $5.000000000e-01, s9  }
0x1cb: {  	v25 =	vadd.f32 v25, v48;
	v27 =	vadd.f32 v53, v52;
	v3 =	vld [tilespmem:s25+$0xFFFFFFA0];
	s26 =	sshra.s32 s9, $0x1;
	s9 =	smul.f32 s15, s28  }
0x1cc: {  	v60 =	vmul.f32 v32, v32;
	v61 =	vmul.f32 v31, v31;
	(xrf2) =	vadd.scan.msk.f32 $0xffff, v2;
	v26 =	vadd.f32 v47, v45;
	v47 =	vld [tilespmem:s0+$0x30];
	s6 =	ssub.s32 $0x5F3759DF, s26;
	s1 =	sshra.s32 s4, $0x1;
	s4 =	smul.f32 $5.000000000e-01, s4  }
0x1cd: {  	v44 =	vadd.f32 v27, v25;
	v46 =	vmul.f32 v24, v24;
	v45 =	vmul.f32 v28, v28;
	s31 =	smul.f32 s6, s19;
	s17 =	ssub.s32 $0x5F3759DF, s1  }
0x1ce: {  	v51 =	vadd.f32 v59, v58;
	v34 =	vadd.f32 v29, v42;
	s9 =	ssub.f32 $1.500000000e+00, s9;
	s2 =	smul.f32 s17, s4  }
0x1cf: {  	v1 =	vadd.f32 v61, v60;
	v45 =	vadd.f32 v46, v45;
	s0 =	smul.f32 s6, s31  }
0x1d0: {  	v29 =	vadd.f32 v56, v3;
	v46 =	vadd.f32 v26, v34;
	s26 =	smul.f32 s15, s9  }
0x1d1: {  	v53 =	vmul.f32 v25, v25;
	v1 =	vadd.f32 v45, v1;
	v35 =	vadd.f32 v47, v43;
	s3 =	smul.f32 s17, s2;
	s0 =	ssub.f32 $1.500000000e+00, s0  }
0x1d2: {  	v42 =	vmul.f32 v34, v34;
	v52 =	vmul.f32 v26, v26;
	v0 =	vadd.f32 v44, v46;
	s28 =	smul.f32 s26, s16  }
0x1d3: {  	v54 =	vmul.f32 v27, v27;
	v3 =	vadd.f32 v29, v33;
	(xrf2) =	vadd.scan.msk.f32 $0xffff, v1;
	v39 =	vadd.f32 v35, v51;
	s24 =	ssub.f32 $1.500000000e+00, s3;
	s15 =	smul.f32 s6, s0  }
0x1d4: {  	v40 =	vmul.f32 v33, v33;
	v2 =	vadd.f32 v52, v42;
	(xrf2) =	vadd.scan.msk.f32 $0xffff, v0;
	s28 =	smul.f32 s28, s26  }
0x1d5: {  	v56 =	vmul.f32 v51, v51;
	v0 =	vadd.f32 v54, v53;
	v3 =	vadd.f32 v39, v3;
	s24 =	smul.f32 s17, s24  }
0x1d6: {  	v55 =	vmul.f32 v29, v29;
	v57 =	vmul.f32 v35, v35;
	v58, _, _ =	vpop (xrf2);
	s31 =	spop (v2sf);
	s6 =	smul.f32 s15, s19  }
0x1d7: {  	(v2sf) =	vpush v58, $0xF;
	v0 =	vadd.f32 v0, v2;
	(xrf2) =	vadd.scan.msk.f32 $0xffff, v3;
	s0 =	smul.f32 $1.562500000e-02, s31;
	s1 =	spop (v2sf)  }
0x1d8: {  	v1 =	vadd.f32 v57, v56;
	v3 =	vadd.f32 v55, v40;
	s2 =	smul.f32 $1.562500000e-02, s1  }
0x1d9: {  	(xrf2) =	vadd.scan.msk.f32 $0xffff, v0;
	s1 =	smul.f32 s0, s0  }
0x1da: {  	s20 =	ssub.f32 $1.500000000e+00, s20;
	v1 =	vadd.f32 v1, v3;
	v3 =	vmov s11;
	s17 =	smul.f32 s6, s15  }
0x1db: {  	v43 =	vsub.f32 v22, v3;
	s3 =	smul.f32 s24, s4;
	s2 =	ssub.f32 s2, s1  }
0x1dc: {  	s9 =	simm.s32 $0x12E80;
	s11 =	smul.f32 s20, s18;
	v45 =	vsub.f32 v20, v3;
	v44 =	vsub.f32 v21, v3;
	v20 =	vmov s13;
	s17 =	ssub.f32 $1.500000000e+00, s17  }
0x1dd: {  	v61 =	vld [tilespmem:s9+$0x50];
	v46 =	vsub.f32 v19, v3;
	v47 =	vsub.f32 v23, v20;
	v59, _, _ =	vpop (xrf2);
	(xrf2) =	vadd.scan.msk.f32 $0xffff, v1;
	s1 =	smul.f32 s3, s24;
	s3 =	ssub.f32 $1.500000000e+00, s28  }
0x1de: {  	v3 =	vld [tilespmem:s9+$0x60];
	v19 =	vmov s12;
	v48 =	vsub.f32 v13, v20;
	(v2sf) =	vpush v59, $0xF;
	v60, _, _ =	vpop (xrf2);
	s15 =	smul.f32 s17, s15;
	s2 =	sadd.f32 $9.999999740e-06, s2  }
0x1df: {  	v41 =	vsub.f32 v16, v19;
	v16 =	vld [tilespmem:s9+$0xFFFFFF90];
	(v2sf) =	vpush v60, $0xF;
	s18 =	smul.f32 s3, s26  }
0x1e0: {  	v49 =	vsub.f32 v14, v20;
	v50 =	vsub.f32 v12, v20;
	v20 =	vld [tilespmem:s9+$0xFFFFFFA0];
	s12 =	smul.f32 $5.000000000e-01, s2  }
0x1e1: {  	s6 =	simm.s32 $0x98F0;
	v1 =	vld [tilespmem:s9+$0x40];
	v13, _, _ =	vpop (xrf2);
	s13 =	sshra.s32 s2, $0x1;
	s17 =	smul.f32 s15, s19  }
0x1e2: {  	v12 =	vmov s10;
	v0 =	vld [tilespmem:s6+$0xFFFFFFD0];
	(v2sf) =	vpush v13, $0xF;
	s16 =	smul.f32 s18, s16;
	s19 =	ssub.s32 $0x5F3759DF, s13  }
0x1e3: {  	v53 =	vsub.f32 v10, v12;
	v56 =	vld [tilespmem:s6+$0xFFFFFFE0];
	v10, _, _ =	vpop (xrf2);
	s10 =	smul.f32 s19, s12  }
0x1e4: {  	v21 =	vld [tilespmem:s6+$0xFFFFFFF0];
	(v2sf) =	vpush v10, $0xF;
	s2 =	smul.f32 s17, s15  }
0x1e5: {  	v14 =	vld [tilespmem:s6+$0x0];
	s1 =	ssub.f32 $1.500000000e+00, s1;
	s16 =	smul.f32 s16, s18  }
0x1e6: {  	v40 =	vsub.f32 v17, v19;
	v17 =	vld [tilespmem:s6+$0xFFFFFF20];
	s26 =	spop (v2sf);
	s20 =	smul.f32 s19, s10  }
0x1e7: {  	v54 =	vsub.f32 v9, v12;
	v13 =	vld [tilespmem:s9+$0x70];
	s28 =	smul.f32 $1.562500000e-02, s26;
	v9, _, _ =	vpop (xrf2)  }
0x1e8: {  	v39 =	vsub.f32 v18, v19;
	v18 =	vld [tilespmem:s6+$0xFFFFFF30];
	s10 =	smul.f32 s1, s24;
	(v2sf) =	vpush v9, $0xF;
	s31 =	ssub.f32 $1.500000000e+00, s20  }
0x1e9: {  	v42 =	vsub.f32 v15, v19;
	v57 =	vsub.f32 v11, v12;
	v23 =	vld [tilespmem:s6+$0xFFFFFF50];
	s2 =	ssub.f32 $1.500000000e+00, s2;
	s26 =	smul.f32 s28, s28  }
0x1ea: {  	v55 =	vsub.f32 v8, v12;
	v58 =	vld [tilespmem:s6+$0xFFFFFF70];
	v10 =	vadd.f32 v1, v0;
	s1 =	smul.f32 s19, s31  }
0x1eb: {  	v8 =	vadd.f32 v3, v21;
	v0 =	vld [tilespmem:s6+$0xFFFFFF40];
	s16 =	ssub.f32 $1.500000000e+00, s16;
	v9 =	vadd.f32 v61, v56;
	s13 =	smul.f32 s2, s15  }
0x1ec: {  	v3 =	vmul.f32 v10, v10;
	v60 =	vmov s28;
	v15 =	vadd.f32 v13, v14;
	v61 =	vld [tilespmem:s9+$0xFFFFFFB0];
	s20 =	smul.f32 s1, s12  }
0x1ed: {  	v14 =	vmul.f32 v8, v8;
	v56 =	vld [tilespmem:s9+$0xFFFFFFD0];
	v12 =	vsub.f32 v31, v60;
	s18 =	smul.f32 s16, s18;
	v13 =	vmul.f32 v9, v9;
	s3 =	spop (v2sf)  }
0x1ee: {  	v31 =	vld [tilespmem:s9+$0xFFFFFFC0];
	v19 =	vmul.f32 v15, v15;
	v21 =	vadd.f32 v9, v10;
	v22 =	vadd.f32 v15, v8;
	s24 =	spop (v2sf);
	s15 =	smul.f32 s20, s1  }
0x1ef: {  	v57 =	vmul.f32 s11, v57;
	v11 =	vsub.f32 v32, v60;
	v32 =	vld [tilespmem:s6+$0xFFFFFF60];
	v3 =	vadd.f32 v13, v3;
	s17 =	smul.f32 $1.562500000e-02, s24  }
0x1f0: {  	v2 =	vld [tilespmem:s6+$0xFFFFFF90];
	v53 =	vmul.f32 s11, v53;
	v19 =	vadd.f32 v19, v14;
	v21 =	vadd.f32 v22, v21;
	s2 =	smul.f32 $1.562500000e-02, s3;
	s15 =	ssub.f32 $1.500000000e+00, s15  }
0x1f1: {  	v54 =	vmul.f32 s11, v54;
	v14 =	vsub.f32 v28, v60;
	v22 =	vadd.f32 v20, v18;
	v18 =	vld [tilespmem:s6+$0xFFFFFF80];
	s3 =	smul.f32 s17, s17;
	s28 =	spop (v2sf)  }
0x1f2: {  	v53 =	vmul.f32 v53, v63;
	v13 =	vsub.f32 v24, v60;
	(xrf2) =	vadd.scan.msk.f32 $0xffff, v21;
	v21 =	vadd.f32 v61, v0;
	v0 =	vld [tilespmem:s9+$0xFFFFFFF0];
	s31 =	smul.f32 $1.562500000e-02, s28  }
0x1f3: {  	v60 =	vadd.f32 v19, v3;
	v3 =	vld [tilespmem:s9+$0xFFFFFFE0];
	v19 =	vadd.f32 v16, v17;
	v61 =	vmul.f32 v22, v22;
	s19 =	smul.f32 s15, s1;
	s16 =	spop (v2sf)  }
0x1f4: {  	v31 =	vadd.f32 v31, v23;
	v23 =	vld [tilespmem:s9+$0x0];
	v32 =	vadd.f32 v56, v32;
	v16 =	vmov s17;
	s15 =	smul.f32 $1.562500000e-02, s16  }
0x1f5: {  	v56 =	vld [tilespmem:s6+$0xFFFFFFA0];
	(xrf2) =	vadd.scan.msk.f32 $0xffff, v60;
	v17 =	vmul.f32 v21, v21;
	v24 =	vsub.f32 v34, v16;
	v26 =	vsub.f32 v26, v16;
	s12 =	smul.f32 s19, s12  }
0x1f6: {  	v60 =	vld [tilespmem:s9+$0x10];
	s2 =	ssub.f32 s2, s26;
	v25 =	vsub.f32 v25, v16;
	v28 =	vsub.f32 v27, v16;
	v27 =	vmul.f32 v31, v31;
	s24 =	smul.f32 s31, s31  }
0x1f7: {  	v1 =	vadd.f32 v17, v61;
	v34 =	vadd.f32 v0, v18;
	v20 =	vmov s31;
	s1 =	ssub.f32 s15, s3;
	s17 =	spop (v2sf)  }
0x1f8: {  	s2 =	sadd.f32 $9.999999740e-06, s2;
	v16 =	vsub.f32 v33, v20;
	v33 =	vadd.f32 v3, v58;
	v58 =	vmul.f32 v32, v32;
	s20 =	smul.f32 $1.562500000e-02, s17  }
0x1f9: {  	v52 =	vld [tilespmem:s9+$0xFFFFFF80];
	v54 =	vmul.f32 v54, v62;
	v17 =	vsub.f32 v29, v20;
	v18 =	vsub.f32 v51, v20;
	s17 =	smul.f32 s12, s19;
	s1 =	sadd.f32 $9.999999740e-06, s1  }
0x1fa: {  	v47 =	vmul.f32 s13, v47;
	v61 =	vld [tilespmem:s6+$0xFFFFFFB0];
	s26 =	sshra.s32 s2, $0x1;
	v51 =	vadd.f32 v58, v27;
	v29 =	vadd.f32 v34, v33;
	s12 =	smul.f32 $5.000000000e-01, s2  }
0x1fb: {  	v0 =	vld [tilespmem:s9+$0x20];
	s15 =	ssub.s32 $0x5F3759DF, s26;
	v27 =	vadd.f32 v23, v2;
	v23 =	vadd.f32 v60, v56;
	v60 =	vmov s0;
	s31 =	sshra.s32 s1, $0x1;
	s0 =	smul.f32 $5.000000000e-01, s1  }
0x1fc: {  	v53 =	vadd.f32 v53, v4;
	v48 =	vmul.f32 s13, v48;
	v49 =	vmul.f32 s13, v49;
	v58 =	vld [tilespmem:s6+$0xFFFFFF10];
	s28 =	ssub.f32 s20, s24;
	s20 =	smul.f32 s15, s12;
	s1 =	ssub.s32 $0x5F3759DF, s31  }
0x1fd: {  	v50 =	vmul.f32 s13, v50;
	v3 =	vadd.f32 v32, v31;
	v20 =	vsub.f32 v35, v20;
	v35, _, _ =	vpop (xrf2);
	s17 =	ssub.f32 $1.500000000e+00, s17;
	s24 =	smul.f32 s1, s0  }
0x1fe: {  	v43 =	vmul.f32 s18, v43;
	v45 =	vmul.f32 s18, v45;
	(v2sf) =	vpush v35, $0xF;
	s2 =	sadd.f32 $9.999999740e-06, s28;
	s20 =	smul.f32 s15, s20  }
0x1ff: {  	v44 =	vmul.f32 s18, v44;
	v46 =	vmul.f32 s18, v46;
	v3 =	vadd.f32 v29, v3;
	v29, _, _ =	vpop (xrf2);
	s17 =	smul.f32 s17, s19  }
0x200: {  	v47 =	vmul.f32 v47, v63;
	v56 =	vld [tilespmem:s6+$0xFFFFFFC0];
	(v2sf) =	vpush v29, $0xF;
	v29 =	vadd.f32 v0, v61;
	s3 =	sshra.s32 s2, $0x1;
	s16 =	smul.f32 $5.000000000e-01, s2  }
0x201: {  	v2 =	vld [tilespmem:s9+$0x30];
	v0 =	vmul.f32 v33, v33;
	v35 =	vadd.f32 v52, v58;
	v52 =	vmul.f32 v34, v34;
	s24 =	smul.f32 s1, s24;
	s2 =	ssub.f32 $1.500000000e+00, s20;
	s28 =	ssub.s32 $0x5F3759DF, s3  }
0x202: {  	v54 =	vadd.f32 v54, v5;
	v48 =	vmul.f32 v48, v62;
	v43 =	vmul.f32 v43, v63;
	s31 =	smul.f32 s28, s16  }
0x203: {  	v59 =	vadd.f32 v21, v22;
	v0 =	vadd.f32 v52, v0;
	v52 =	vmul.f32 s11, v55;
	s3 =	ssub.f32 $1.500000000e+00, s24;
	s11 =	smul.f32 s15, s2  }
0x204: {  	v45 =	vmul.f32 v45, v62;
	v38 =	vsub.f32 v38, v60;
	v37 =	vsub.f32 v37, v60;
	s26 =	smul.f32 s28, s31  }
0x205: {  	v36 =	vsub.f32 v36, v60;
	(xrf2) =	vadd.scan.msk.f32 $0xffff, v3;
	v3 =	vmul.f32 v23, v23;
	v58 =	vsub.f32 v30, v60;
	s1 =	smul.f32 s1, s3  }
0x206: {  	v30 =	vadd.f32 v2, v56;
	v60 =	vld [tilespmem:$0x1FFF0];
	v38 =	vmul.f32 s17, v38;
	v0 =	vadd.f32 v0, v51;
	s31 =	smul.f32 s11, s12  }
0x207: {  	v61 =	vld [tilespmem:$0x1FFE0];
	v37 =	vmul.f32 s17, v37;
	v2 =	vadd.f32 v19, v35;
	v55 =	vmul.f32 v27, v27;
	s24 =	ssub.f32 $1.500000000e+00, s26;
	s26 =	smul.f32 s10, s4  }
0x208: {  	v47 =	vadd.f32 v47, v4;
	v56 =	vmul.f32 v29, v29;
	(xrf2) =	vadd.scan.msk.f32 $0xffff, v0;
	v0 =	vmul.f32 v30, v30;
	s13 =	smul.f32 s31, s11  }
0x209: {  	v36 =	vmul.f32 s17, v36;
	v51 =	vadd.f32 v23, v27;
	v2 =	vadd.f32 v59, v2;
	s20 =	smul.f32 s28, s24  }
0x20a: {  	v37 =	vmul.f32 v37, v63;
	v3 =	vadd.f32 v3, v55;
	v0 =	vadd.f32 v0, v56;
	s28 =	smul.f32 s1, s0  }
0x20b: {  	[tilespmem:s23+$0xFFFFFFD0] =	vst v53;
	v59 =	vadd.f32 v30, v29;
	v38 =	vmul.f32 v38, v60;
	v56 =	vmul.f32 v57, v60;
	s2 =	smul.f32 s26, s10  }
0x20c: {  	[tilespmem:s23+$0xFFFFFFE0] =	vst v54;
	v57 =	vmul.f32 s17, v58;
	s17 =	ssub.f32 $1.500000000e+00, s13;
	v0 =	vadd.f32 v0, v3;
	v3 =	vmul.f32 v52, v61;
	s4 =	smul.f32 s28, s1  }
0x20d: {  	v55 =	vmul.f32 v19, v19;
	v50 =	vmul.f32 v50, v60;
	(xrf2) =	vadd.scan.msk.f32 $0xffff, v2;
	v38 =	vadd.f32 v38, v7;
	s3 =	smul.f32 s20, s16;
	s18 =	spop (v2sf)  }
0x20e: {  	[tilespmem:s23+$0xFFFFFF10] =	vst v47;
	v44 =	vmul.f32 v44, v61;
	v2 =	vmul.f32 v35, v35;
	s11 =	smul.f32 s17, s11;
	v3 =	vadd.f32 v3, v6;
	s4 =	ssub.f32 $1.500000000e+00, s4  }
0x20f: {  	v53 =	vmul.f32 v36, v61;
	v51 =	vadd.f32 v59, v51;
	v54 =	vadd.f32 v50, v7;
	[tilespmem:s25+$0x0] =	vst v38;
	s18 =	smul.f32 $1.562500000e-02, s18  }
0x210: {  	v2 =	vadd.f32 v55, v2;
	v59 =	vadd.f32 v56, v7;
	[tilespmem:s23+$0xFFFFFFF0] =	vst v3;
	v3 =	vmul.f32 v49, v61;
	s19 =	smul.f32 s4, s1;
	s4 =	ssub.f32 $1.500000000e+00, s2  }
0x211: {  	v36 =	vadd.f32 v37, v4;
	[tilespmem:s23+$0xFFFFFF40] =	vst v54;
	v52 =	vmul.f32 v57, v62;
	v57 =	vadd.f32 v45, v5;
	s15 =	smul.f32 s3, s20  }
0x212: {  	v46 =	vmul.f32 v46, v60;
	v1 =	vadd.f32 v1, v2;
	[tilespmem:s23+$0x0] =	vst v59;
	v3 =	vadd.f32 v3, v6;
	s1 =	smul.f32 s4, s10  }
0x213: {  	v2 =	vadd.f32 v48, v5;
	v56, _, _ =	vpop (xrf2);
	(xrf2) =	vadd.scan.msk.f32 $0xffff, v51;
	[tilespmem:s23+$0xFFFFFF60] =	vst v57;
	v37 =	vadd.f32 v52, v5;
	s26 =	smul.f32 s18, s18  }
0x214: {  	(v2sf) =	vpush v56, $0xF;
	s24 =	spop (v2sf);
	s2 =	ssub.f32 $1.500000000e+00, s15;
	v58, _, _ =	vpop (xrf2);
	[tilespmem:s23+$0xFFFFFF30] =	vst v3;
	v3 =	vadd.f32 v43, v4;
	v55 =	vmul.f32 s1, v39  }
0x215: {  	[tilespmem:s23+$0xFFFFFF20] =	vst v2;
	(v2sf) =	vpush v58, $0xF;
	s4 =	smul.f32 $1.562500000e-02, s24;
	v56 =	vmul.f32 s1, v42;
	v40 =	vmul.f32 s1, v40  }
0x216: {  	s10 =	smul.f32 s2, s20;
	v41 =	vmul.f32 s1, v41;
	[tilespmem:s23+$0xFFFFFF50] =	vst v3;
	v3 =	vadd.f32 v44, v6;
	v38 =	vmul.f32 v55, v63  }
0x217: {  	(xrf2) =	vadd.scan.msk.f32 $0xffff, v1;
	v59, _, _ =	vpop (xrf2);
	v58 =	vadd.f32 v46, v7;
	s28 =	smul.f32 s19, s0;
	v39 =	vmul.f32 v56, v62;
	v40 =	vmul.f32 v40, v61  }
0x218: {  	(v2sf) =	vpush v59, $0xF;
	s31 =	ssub.f32 s4, s26;
	s4 =	smul.f32 s11, s12;
	v59 =	vmul.f32 v41, v60;
	[tilespmem:s23+$0xFFFFFF70] =	vst v3;
	v3 =	vadd.f32 v38, v4  }
0x219: {  	s13 =	simm.s32 $0x99F0;
	[tilespmem:s23+$0xFFFFFF80] =	vst v58;
	s16 =	smul.f32 s10, s16;
	v41 =	vadd.f32 v39, v5;
	v40 =	vadd.f32 v40, v6  }
0x21a: {  	(xrf2) =	vadd.scan.msk.f32 $0xffff, v0;
	s12 =	simm.s32 $0x8;
	s20 =	smul.f32 s28, s19;
	s0 =	sadd.f32 $9.999999740e-06, s31;
	v39 =	vadd.f32 v59, v7;
	v38 =	vadd.f32 v53, v6;
	[tilespmem:s23+$0xFFFFFF90] =	vst v3  }
.LBB2_5:
0x21b: {  	_ = 	snop  }
0x21c: {  	s1 =	sshra.s32 s0, $0x1;
	s0 =	smul.f32 $5.000000000e-01, s0  }
0x21d: {  	v0 =	vld [tilespmem:s13+$0xFFFFFFD0];
	[tilespmem:s23+$0xFFFFFFA0] =	vst v41;
	s1 =	ssub.s32 $0x5F3759DF, s1  }
0x21e: {  	s9 =	sadd.s32 $0x100, s9;
	v59 =	vld [tilespmem:s13+$0xFFFFFFE0];
	[tilespmem:s23+$0xFFFFFFB0] =	vst v40;
	s15 =	smul.f32 s1, s0  }
0x21f: {  	v2 =	vld [tilespmem:s9+$0x40];
	[tilespmem:s23+$0xFFFFFFC0] =	vst v39;
	s23 =	smov.u32 s25  }
0x220: {  	v3 =	vld [tilespmem:s9+$0x50];
	[tilespmem:s23+$0xFFFFFFD0] =	vst v36;
	s15 =	smul.f32 s1, s15;
	v1, _, _ =	vpop (xrf2)  }
0x221: {  	v36 =	vld [tilespmem:s13+$0xFFFFFFF0];
	[tilespmem:s23+$0xFFFFFFE0] =	vst v37;
	(v2sf) =	vpush v1, $0xF  }
0x222: {  	s4 =	smul.f32 s4, s11;
	v37 =	vld [tilespmem:s9+$0x60];
	[tilespmem:s23+$0xFFFFFFF0] =	vst v38;
	v51, _, _ =	vpop (xrf2);
	s15 =	ssub.f32 $1.500000000e+00, s15  }
0x223: {  	s2 =	ssub.f32 $1.500000000e+00, s20;
	s26 =	smul.f32 s16, s10;
	v52 =	vld [tilespmem:s13+$0x0];
	(v2sf) =	vpush v51, $0xF  }
0x224: {  	v54 =	vld [tilespmem:s9+$0x70];
	s1 =	smul.f32 s1, s15  }
0x225: {  	s2 =	smul.f32 s2, s19  }
0x226: {  	v43 =	vld [tilespmem:s13+$0xFFFFFF20];
	s17 =	smul.f32 s1, s0;
	s28 =	spop (v2sf)  }
0x227: {  	v44 =	vld [tilespmem:s9+$0xFFFFFF90];
	v24 =	vmul.f32 s2, v24;
	v26 =	vmul.f32 s2, v26;
	v50 =	vadd.f32 v2, v0;
	v53, _, _ =	vpop (xrf2);
	s16 =	smul.f32 $1.562500000e-02, s28  }
0x228: {  	v56 =	vmul.f32 s2, v25;
	v48 =	vadd.f32 v3, v59;
	(v2sf) =	vpush v53, $0xF;
	s3 =	spop (v2sf);
	s17 =	smul.f32 s17, s1  }
0x229: {  	v40 =	vmul.f32 s2, v28;
	v42 =	vadd.f32 v37, v36;
	v2 =	vadd.f32 v54, v52;
	s19 =	spop (v2sf);
	s31 =	smul.f32 s16, s16  }
0x22a: {  	v3 =	vld [tilespmem:s13+$0xFFFFFF40];
	v39 =	vmul.f32 v56, v61;
	v25 =	vadd.f32 v48, v50;
	v55 =	vmov s16;
	s16 =	smul.f32 $1.562500000e-02, s3;
	s17 =	ssub.f32 $1.500000000e+00, s17  }
0x22b: {  	s24 =	ssub.f32 $1.500000000e+00, s4;
	v36 =	vmul.f32 v24, v63;
	v37 =	vmul.f32 v26, v62;
	v26 =	vld [tilespmem:s9+$0xFFFFFFB0];
	v24 =	vadd.f32 v2, v42;
	s15 =	smul.f32 $1.562500000e-02, s19  }
0x22c: {  	v45 =	vld [tilespmem:s13+$0xFFFFFF50];
	v44 =	vadd.f32 v44, v43;
	v28 =	vmul.f32 v50, v50;
	v58 =	vmul.f32 v48, v48;
	s1 =	smul.f32 s17, s1  }
0x22d: {  	v57 =	vld [tilespmem:s9+$0xFFFFFFA0];
	v47 =	vmul.f32 v42, v42;
	v49 =	vmul.f32 v2, v2;
	v24 =	vadd.f32 v24, v25;
	s19 =	smul.f32 s24, s11  }
0x22e: {  	v39 =	vadd.f32 v39, v6;
	v46 =	vsub.f32 v34, v55;
	v34 =	vld [tilespmem:s13+$0xFFFFFF30];
	s0 =	smul.f32 s1, s0  }
0x22f: {  	s4 =	ssub.f32 $1.500000000e+00, s26;
	v52 =	vld [tilespmem:s9+$0xFFFFFFC0];
	v25 =	vadd.f32 v58, v28;
	v28 =	vadd.f32 v49, v47;
	(xrf2) =	vadd.scan.msk.f32 $0xffff, v24;
	v53 =	vmov s15;
	s15 =	smul.f32 s15, s15  }
0x230: {  	v59 =	vld [tilespmem:s13+$0xFFFFFF60];
	v36 =	vadd.f32 v36, v4;
	v3 =	vadd.f32 v26, v3;
	s0 =	smul.f32 s0, s1;
	s20 =	spop (v2sf)  }
0x231: {  	v61 =	vld [tilespmem:s9+$0xFFFFFFD0];
	v31 =	vsub.f32 v31, v55;
	v28 =	vadd.f32 v28, v25;
	s16 =	ssub.f32 s16, s31;
	s2 =	smul.f32 $1.562500000e-02, s20  }
0x232: {  	v56 =	vmov s18;
	v32 =	vsub.f32 v32, v55;
	v33 =	vsub.f32 v33, v55;
	v55 =	vld [tilespmem:s9+$0xFFFFFFE0];
	s26 =	spop (v2sf);
	s0 =	ssub.f32 $1.500000000e+00, s0  }
0x233: {  	v63 =	vmul.f32 v3, v3;
	v24 =	vsub.f32 v35, v53;
	v35 =	vld [tilespmem:s13+$0xFFFFFF70];
	(xrf2) =	vadd.scan.msk.f32 $0xffff, v28;
	v1 =	vadd.f32 v57, v34;
	s17 =	smul.f32 $1.562500000e-02, s26  }
0x234: {  	v47 =	vmul.f32 s19, v11;
	v11 =	vmovc v31;
	v26 =	vsub.f32 v19, v53;
	v31 =	vadd.f32 v52, v45;
	v45 =	vld [tilespmem:s13+$0xFFFFFF80];
	s16 =	sadd.f32 $9.999999740e-06, s16;
	s18 =	smul.f32 s0, s1  }
0x235: {  	v25 =	vsub.f32 v22, v53;
	v52 =	vld [tilespmem:s9+$0xFFFFFFF0];
	v62 =	vmul.f32 v1, v1;
	v54 =	vmov s2;
	s2 =	smul.f32 s2, s2  }
0x236: {  	v28 =	vsub.f32 v21, v53;
	v51 =	vadd.f32 v3, v1;
	s0 =	smul.f32 $5.000000000e-01, s16  }
0x237: {  	v58 =	vld [tilespmem:s9+$0x10];
	v21 =	vmov v3;
	v3 =	vadd.f32 v63, v62;
	v62 =	vsub.f32 v15, v56;
	s15 =	ssub.f32 s17, s15;
	s28 =	spop (v2sf)  }
0x238: {  	v53 =	vmul.f32 s19, v12;
	v12 =	vmovc v32;
	s24 =	sshra.s32 s16, $0x1;
	v57 =	vmul.f32 s19, v14;
	v14 =	vmovc v33;
	v33 =	vadd.f32 v55, v35;
	v55 =	vld [tilespmem:s13+$0xFFFFFFA0];
	s31 =	smul.f32 $1.562500000e-02, s28  }
0x239: {  	s4 =	smul.f32 s4, s10;
	v32 =	vadd.f32 v61, v59;
	s11 =	ssub.s32 $0x5F3759DF, s24;
	v49 =	vsub.f32 v23, v54;
	v59, _, _ =	vpop (xrf2);
	v23 =	vmul.f32 s18, v62;
	s3 =	sadd.f32 $9.999999740e-06, s15  }
0x23a: {  	v38 =	vld [tilespmem:s9+$0xFFFFFF80];
	v43 =	vmul.f32 v44, v44;
	v22 =	vmovc v1;
	v34 =	vadd.f32 v52, v45;
	s20 =	smul.f32 s11, s0;
	(v2sf) =	vpush v59, $0xF;
	s17 =	ssub.f32 s31, s2  }
0x23b: {  	v1 =	vld [tilespmem:s13+$0xFFFFFF90];
	v15 =	vmovc v2;
	v2 =	vadd.f32 v32, v31;
	v41 =	vsub.f32 v27, v54;
	v23 =	vmul.f32 v23, v60;
	s15 =	sshra.s32 s3, $0x1;
	s16 =	smul.f32 $5.000000000e-01, s3  }
0x23c: {  	v19 =	vmovc v44;
	v61 =	vmul.f32 v31, v31;
	v27 =	vld [tilespmem:s9+$0x0];
	v44 =	vsub.f32 v29, v54;
	v45 =	vsub.f32 v30, v54;
	s2 =	ssub.s32 $0x5F3759DF, s15;
	s15 =	smul.f32 s11, s20;
	s1 =	sadd.f32 $9.999999740e-06, s17  }
0x23d: {  	v52 =	vld [tilespmem:s9+$0x20];
	v63 =	vmul.f32 v32, v32;
	v62 =	vadd.f32 v23, v7;
	v23 =	vadd.f32 v58, v55;
	v58, _, _ =	vpop (xrf2);
	s24 =	smul.f32 s2, s16  }
0x23e: {  	v29 =	vld [tilespmem:s13+$0xFFFFFFB0];
	v54 =	vadd.f32 v34, v33;
	(v2sf) =	vpush v58, $0xF;
	s15 =	ssub.f32 $1.500000000e+00, s15;
	s26 =	smul.f32 $5.000000000e-01, s1  }
0x23f: {  	v30 =	vsub.f32 v10, v56;
	v0 =	vadd.f32 v63, v61;
	v63 =	vmul.f32 s19, v13;
	v13 =	vmovc v46;
	v46 =	vld [tilespmem:s13+$0xFFFFFF10];
	s28 =	sshra.s32 s1, $0x1;
	s31 =	smul.f32 s2, s24  }
0x240: {  	v10 =	vmov v50;
	v50 =	vld [tilespmem:s9+$0x30];
	v61 =	vsub.f32 v9, v56;
	v2 =	vadd.f32 v54, v2;
	s3 =	ssub.s32 $0x5F3759DF, s28;
	s11 =	smul.f32 s11, s15  }
0x241: {  	v35 =	vmul.f32 v33, v33;
	v60 =	vmul.f32 v34, v34;
	v27 =	vadd.f32 v27, v1;
	v1 =	vld [tilespmem:s13+$0xFFFFFFC0];
	s19 =	smul.f32 s3, s26  }
0x242: {  	v37 =	vadd.f32 v37, v5;
	v56 =	vsub.f32 v8, v56;
	(xrf2) =	vadd.scan.msk.f32 $0xffff, v2;
	v2 =	vmul.f32 s18, v61;
	v61 =	vld [tilespmem:$0x1FFE0];
	s1 =	ssub.f32 $1.500000000e+00, s31;
	s24 =	smul.f32 s11, s0  }
0x243: {  	v54 =	vmul.f32 s18, v30;
	v29 =	vadd.f32 v52, v29;
	v58 =	vadd.f32 v60, v35;
	v60 =	vld [tilespmem:$0x1FFF0];
	s20 =	smul.f32 s3, s19  }
0x244: {  	s25 =	smov.u32 s6;
	v9 =	vmovc v48;
	v35 =	vadd.f32 v38, v46;
	v38 =	vmul.f32 s18, v56;
	v48 =	vmul.f32 v27, v27;
	s1 =	smul.f32 s2, s1  }
0x245: {  	[tilespmem:s25+$0x0] =	vst v62;
	v62 =	vld [tilespmem:$0x1FFD0];
	v52 =	vadd.f32 v23, v27;
	v55 =	vmul.f32 v23, v23;
	v0 =	vadd.f32 v58, v0;
	s2 =	smul.f32 s24, s11;
	s15 =	ssub.f32 $1.500000000e+00, s20  }
0x246: {  	v8 =	vmovc v42;
	v42 =	vmul.f32 v29, v29;
	v59 =	vadd.f32 v19, v35;
	v58 =	vld [tilespmem:$0x1FFC0];
	v30 =	vadd.f32 v50, v1;
	s28 =	smul.f32 s1, s16  }
0x247: {  	v1 =	vadd.f32 v55, v48;
	v55 =	vmul.f32 v35, v35;
	v56 =	vmul.f32 v57, v61;
	s31 =	smul.f32 s3, s15  }
0x248: {  	v59 =	vadd.f32 v51, v59;
	v38 =	vmul.f32 v38, v61;
	v40 =	vmul.f32 v40, v60;
	s3 =	smul.f32 s28, s1  }
0x249: {  	(xrf2) =	vadd.scan.msk.f32 $0xffff, v0;
	v46 =	vadd.f32 v30, v29;
	v48 =	vmul.f32 v30, v30;
	v43 =	vadd.f32 v43, v55;
	s18 =	spop (v2sf);
	s17 =	smul.f32 s31, s26  }
0x24a: {  	(xrf2) =	vadd.scan.msk.f32 $0xffff, v59;
	v2 =	vmul.f32 v2, v62;
	v50 =	vadd.f32 v56, v6;
	v55 =	vmul.f32 s4, v20;
	s18 =	smul.f32 $1.562500000e-02, s18;
	s15 =	ssub.f32 $1.500000000e+00, s3  }
0x24b: {  	v57 =	vld [tilespmem:$0x1FFC0];
	v38 =	vadd.f32 v38, v6;
	v0 =	vmul.f32 v47, v58;
	v47 =	vmul.f32 v53, v62;
	s17 =	smul.f32 s17, s31  }
0x24c: {  	[tilespmem:s23+$0xFFFFFF10] =	vst v36;
	v58 =	vmul.f32 v63, v60;
	v63 =	vld [tilespmem:$0x1FFC0];
	v40 =	vadd.f32 v40, v7;
	v46 =	vadd.f32 v46, v52;
	s19 =	smul.f32 s15, s1;
	s15 =	ssub.f32 $1.500000000e+00, s2  }
0x24d: {  	[tilespmem:s23+$0xFFFFFF20] =	vst v37;
	v53 =	vmul.f32 s4, v17;
	v42 =	vadd.f32 v48, v42;
	v3 =	vadd.f32 v3, v43;
	s28 =	smul.f32 s18, s18;
	s24 =	spop (v2sf)  }
0x24e: {  	[tilespmem:s23+$0xFFFFFF30] =	vst v39;
	v52 =	vmul.f32 s4, v16;
	v37 =	vadd.f32 v2, v5;
	v0 =	vadd.f32 v0, v4;
	s17 =	ssub.f32 $1.500000000e+00, s17;
	s11 =	smul.f32 s15, s11  }
0x24f: {  	s12 =	sadd.s32 $0x4, s12;
	v20 =	vmovc v45;
	v48 =	vadd.f32 v47, v5;
	v51 =	vadd.f32 v58, v7;
	v39 =	vmul.f32 v53, v62;
	s1 =	smul.f32 $1.562500000e-02, s24  }
0x250: {  	p0 =	slt.u32 s12, $0xC4;
	[tilespmem:s23+$0xFFFFFF70] =	vst v50;
	v58 =	vmul.f32 v55, v60;
	v1 =	vadd.f32 v42, v1;
	v42 =	vmul.f32 v54, v57;
	s10 =	smul.f32 s17, s31  }
.Ltmp3:
0x251: {  	v59, _, _ =	vpop (xrf2);
	[tilespmem:s23+$0xFFFFFF40] =	vst v40;
	(xrf2) =	vadd.scan.msk.f32 $0xffff, v46;
	v54 =	vmul.f32 s4, v18;
	v56 =	vmul.f32 v52, v63;
	(pc) =	sbr.rel @p0 .LBB2_5-.Ltmp3, $4  }
0x252: {  	v16 =	vmovc v41;
	(v2sf) =	vpush v59, $0xF;
	(xrf2) =	vadd.scan.msk.f32 $0xffff, v3;
	[tilespmem:s23+$0xFFFFFF50] =	vst v0;
	v41 =	vadd.f32 v39, v5;
	s31 =	smul.f32 s19, s16  }
0x253: {  	[tilespmem:s23+$0xFFFFFF60] =	vst v48;
	v39 =	vadd.f32 v58, v7;
	v57 =	vmul.f32 v54, v61;
	v3, _, _ =	vpop (xrf2);
	v59 =	vadd.f32 v56, v4;
	s1 =	ssub.f32 s1, s28;
	s4 =	smul.f32 s11, s0  }
0x254: {  	s6 =	smov.u32 s13;
	v17 =	vmov v49;
	[tilespmem:s23+$0xFFFFFF80] =	vst v51;
	v36 =	vadd.f32 v42, v4;
	(v2sf) =	vpush v3, $0xF;
	v3, _, _ =	vpop (xrf2);
	s16 =	smul.f32 s10, s26  }
0x255: {  	s13 =	sadd.s32 $0x100, s13;
	v18 =	vmovc v44;
	(xrf2) =	vadd.scan.msk.f32 $0xffff, v1;
	v40 =	vadd.f32 v57, v6;
	[tilespmem:s23+$0xFFFFFF90] =	vst v59;
	(v2sf) =	vpush v3, $0xF;
	s0 =	sadd.f32 $9.999999740e-06, s1;
	s20 =	smul.f32 s31, s19  }
0x256: {  	_ = 	snop  }
0x257: {  	s1 =	sshra.s32 s0, $0x1;
	s3 =	smul.f32 $5.000000000e-01, s0  }
0x258: {  	s1 =	ssub.s32 $0x5F3759DF, s1  }
0x259: {  	s2 =	smul.f32 s1, s3  }
0x25a: {  	s4 =	smul.f32 s4, s11  }
0x25b: {  	s2 =	smul.f32 s1, s2  }
0x25c: {  	s16 =	smul.f32 s16, s10;
	s4 =	ssub.f32 $1.500000000e+00, s4;
	v0, _, _ =	vpop (xrf2)  }
0x25d: {  	(v2sf) =	vpush v0, $0xF;
	v54, _, _ =	vpop (xrf2);
	s2 =	ssub.f32 $1.500000000e+00, s2  }
0x25e: {  	[tilespmem:s23+$0xFFFFFFA0] =	vst v41;
	s16 =	ssub.f32 $1.500000000e+00, s16;
	s11 =	smul.f32 s4, s11;
	(v2sf) =	vpush v54, $0xF  }
0x25f: {  	[tilespmem:s23+$0xFFFFFFC0] =	vst v39;
	s1 =	smul.f32 s1, s2  }
0x260: {  	s12 =	ssub.f32 $1.500000000e+00, s20;
	[tilespmem:s23+$0xFFFFFFB0] =	vst v40;
	s23 =	smul.f32 s16, s10;
	v55, _, _ =	vpop (xrf2)  }
0x261: {  	(v2sf) =	vpush v55, $0xF;
	s9 =	spop (v2sf);
	s20 =	smul.f32 s1, s3  }
0x262: {  	s13 =	smul.f32 $1.562500000e-02, s9  }
0x263: {  	s9 =	smul.f32 s20, s1  }
0x264: {  	s15 =	spop (v2sf);
	s24 =	smul.f32 s13, s13  }
0x265: {  	s15 =	smul.f32 $1.562500000e-02, s15;
	s9 =	ssub.f32 $1.500000000e+00, s9  }
0x266: {  	s2 =	smul.f32 s12, s19;
	s17 =	spop (v2sf)  }
0x267: {  	s28 =	ssub.f32 s15, s24;
	s1 =	smul.f32 s9, s1  }
0x268: {  	s17 =	smul.f32 $1.562500000e-02, s17  }
0x269: {  	s31 =	sadd.f32 $9.999999740e-06, s28;
	s0 =	smul.f32 s1, s3  }
0x26a: {  	s3 =	smul.f32 s17, s17  }
0x26b: {  	s9 =	smul.f32 $5.000000000e-01, s31  }
0x26c: {  	s26 =	spop (v2sf);
	s0 =	smul.f32 s0, s1  }
0x26d: {  	s15 =	smul.f32 $1.562500000e-02, s26;
	s20 =	spop (v2sf)  }
0x26e: {  	s12 =	smul.f32 $1.562500000e-02, s20  }
0x26f: {  	s0 =	ssub.f32 $1.500000000e+00, s0;
	s26 =	smul.f32 s15, s15  }
0x270: {  	s24 =	spop (v2sf);
	s12 =	ssub.f32 s12, s3  }
0x271: {  	s19 =	smul.f32 $1.562500000e-02, s24;
	s24 =	sshra.s32 s31, $0x1  }
0x272: {  	s0 =	smul.f32 s0, s1;
	s24 =	ssub.s32 $0x5F3759DF, s24;
	s28 =	sadd.f32 $9.999999740e-06, s12  }
0x273: {  	s31 =	ssub.f32 s19, s26;
	s3 =	smul.f32 s24, s9  }
0x274: {  	s26 =	sshra.s32 s28, $0x1;
	s12 =	smul.f32 $5.000000000e-01, s28  }
0x275: {  	s1 =	ssub.s32 $0x5F3759DF, s26;
	s28 =	sadd.f32 $9.999999740e-06, s31;
	s19 =	smul.f32 s24, s3  }
0x276: {  	s26 =	smul.f32 s1, s12  }
0x277: {  	s4 =	smul.f32 $5.000000000e-01, s28;
	s20 =	sshra.s32 s28, $0x1  }
0x278: {  	v11 =	vmul.f32 s11, v11;
	s19 =	ssub.f32 $1.500000000e+00, s19;
	s26 =	smul.f32 s1, s26;
	s20 =	ssub.s32 $0x5F3759DF, s20  }
0x279: {  	v14 =	vmul.f32 s11, v14;
	s31 =	smul.f32 s20, s4  }
0x27a: {  	v13 =	vmul.f32 s11, v13;
	v11 =	vmul.f32 v11, v63;
	v56 =	vmov s13;
	s13 =	smul.f32 s24, s19  }
0x27b: {  	v42 =	vmul.f32 v14, v61;
	s3 =	ssub.f32 $1.500000000e+00, s26;
	s19 =	smul.f32 s20, s31  }
0x27c: {  	v13 =	vmul.f32 v13, v60;
	v11 =	vadd.f32 v11, v4;
	v3 =	vmul.f32 s2, v24;
	s26 =	smul.f32 s13, s9  }
0x27d: {  	v57 =	vmul.f32 s2, v26;
	v26 =	vmov s18;
	v25 =	vmul.f32 s2, v25;
	s1 =	smul.f32 s1, s3  }
0x27e: {  	v28 =	vmul.f32 s2, v28;
	v15 =	vsub.f32 v15, v26;
	v10 =	vsub.f32 v10, v26;
	s28 =	ssub.f32 $1.500000000e+00, s19;
	s2 =	smul.f32 s26, s13  }
0x27f: {  	v14 =	vmul.f32 s23, v16;
	v9 =	vsub.f32 v9, v26;
	[tilespmem:s25+$0xFFFFFF50] =	vst v11;
	v11 =	vadd.f32 v13, v7;
	s31 =	smul.f32 s1, s12  }
0x280: {  	v8 =	vsub.f32 v8, v26;
	v3 =	vmul.f32 v3, v63;
	v0 =	vmul.f32 v57, v62;
	s3 =	smul.f32 s20, s28  }
0x281: {  	v1 =	vsub.f32 v31, v56;
	v2 =	vsub.f32 v32, v56;
	v15 =	vmul.f32 s0, v15;
	s2 =	ssub.f32 $1.500000000e+00, s2;
	s19 =	smul.f32 s31, s1  }
0x282: {  	v25 =	vmul.f32 v25, v61;
	v31 =	vsub.f32 v33, v56;
	v0 =	vadd.f32 v0, v5;
	s20 =	smul.f32 s3, s4  }
0x283: {  	[tilespmem:s25+$0xFFFFFFD0] =	vst v36;
	v24 =	vsub.f32 v34, v56;
	v3 =	vadd.f32 v3, v4;
	v15 =	vmul.f32 v15, v60;
	s2 =	smul.f32 s2, s13  }
0x284: {  	v25 =	vadd.f32 v25, v6;
	v58 =	vmov s17;
	[tilespmem:s25+$0xFFFFFF20] =	vst v0;
	v0 =	vadd.f32 v42, v6;
	s17 =	ssub.f32 $1.500000000e+00, s19;
	s18 =	smul.f32 s20, s3  }
0x285: {  	[tilespmem:s25+$0xFFFFFFE0] =	vst v37;
	v12 =	vmul.f32 s11, v12;
	v59 =	vsub.f32 v35, v58;
	v15 =	vadd.f32 v15, v7;
	s9 =	smul.f32 s2, s9  }
0x286: {  	[tilespmem:s25+$0xFFFFFFF0] =	vst v38;
	v14 =	vmul.f32 v14, v63;
	v19 =	vsub.f32 v19, v58;
	v22 =	vsub.f32 v22, v58;
	s1 =	smul.f32 s17, s1  }
0x287: {  	v21 =	vsub.f32 v21, v58;
	v41 =	vmov s15;
	[tilespmem:s6+$0x0] =	vst v15;
	v15 =	vmul.f32 v28, v60;
	s26 =	ssub.f32 $1.500000000e+00, s18;
	s9 =	smul.f32 s9, s2  }
0x288: {  	v13 =	vmul.f32 s23, v20;
	[tilespmem:s25+$0xFFFFFF80] =	vst v11;
	v27 =	vsub.f32 v27, v41;
	v23 =	vsub.f32 v23, v41;
	s24 =	smul.f32 s1, s12  }
0x289: {  	[tilespmem:s25+$0xFFFFFF10] =	vst v3;
	v3 =	vmul.f32 s0, v10;
	v10 =	vmul.f32 v12, v62;
	v12 =	vadd.f32 v15, v7;
	s28 =	smul.f32 s26, s3  }
0x28a: {  	[tilespmem:s25+$0xFFFFFF30] =	vst v25;
	v29 =	vsub.f32 v29, v41;
	v43 =	vmul.f32 s0, v9;
	v9 =	vmul.f32 v13, v60;
	s11 =	smul.f32 s24, s1  }
0x28b: {  	v10 =	vadd.f32 v10, v5;
	v3 =	vmul.f32 v3, v63;
	[tilespmem:s25+$0xFFFFFF40] =	vst v12;
	v12 =	vmul.f32 s23, v18;
	s3 =	ssub.f32 $1.500000000e+00, s9  }
0x28c: {  	[tilespmem:s25+$0xFFFFFF70] =	vst v0;
	v8 =	vmul.f32 s0, v8;
	v0 =	vmul.f32 v43, v62;
	v9 =	vadd.f32 v9, v7;
	s31 =	smul.f32 s28, s4;
	s11 =	ssub.f32 $1.500000000e+00, s11  }
0x28d: {  	[tilespmem:s25+$0xFFFFFF60] =	vst v10;
	v3 =	vadd.f32 v3, v4;
	v15 =	vmul.f32 s23, v17;
	v10 =	vmul.f32 v12, v61;
	s2 =	smul.f32 s3, s2  }
0x28e: {  	v30 =	vsub.f32 v30, v41;
	v8 =	vmul.f32 v8, v61;
	v0 =	vadd.f32 v0, v5;
	[tilespmem:s25+$0xFFFFFFC0] =	vst v9;
	s1 =	smul.f32 s11, s1  }
0x28f: {  	[tilespmem:s6+$0xFFFFFFD0] =	vst v3;
	v15 =	vmul.f32 v15, v62;
	v10 =	vadd.f32 v10, v6;
	v1 =	vmul.f32 s2, v1  }
0x290: {  	v8 =	vadd.f32 v8, v6;
	[tilespmem:s6+$0xFFFFFFE0] =	vst v0;
	s0 =	smul.f32 s31, s28;
	v2 =	vmul.f32 s2, v2;
	v11 =	vmul.f32 s1, v59  }
0x291: {  	v12 =	vadd.f32 v14, v4;
	[tilespmem:s25+$0xFFFFFFB0] =	vst v10;
	v1 =	vmul.f32 v1, v63;
	v10 =	vmul.f32 s1, v19  }
0x292: {  	[tilespmem:s6+$0xFFFFFFF0] =	vst v8;
	v13 =	vadd.f32 v15, v5;
	s0 =	ssub.f32 $1.500000000e+00, s0;
	v9 =	vmul.f32 s1, v22;
	v11 =	vmul.f32 v11, v63  }
0x293: {  	[tilespmem:s25+$0xFFFFFF90] =	vst v12;
	v3 =	vmul.f32 s1, v21;
	v1 =	vadd.f32 v1, v4;
	v10 =	vmul.f32 v10, v62  }
0x294: {  	[tilespmem:s25+$0xFFFFFFA0] =	vst v13;
	v2 =	vmul.f32 v2, v62;
	s0 =	smul.f32 s0, s28;
	v44 =	vmul.f32 v9, v61;
	v9 =	vadd.f32 v11, v4  }
0x295: {  	v3 =	vmul.f32 v3, v60;
	[tilespmem:s6+$0xFFFFFF50] =	vst v1;
	v8 =	vadd.f32 v10, v5;
	v10 =	vmul.f32 s2, v31  }
0x296: {  	v45 =	vmul.f32 s0, v27;
	v0 =	vadd.f32 v44, v6;
	[tilespmem:s6+$0xFFFFFF10] =	vst v9;
	v9 =	vmul.f32 s2, v24  }
0x297: {  	v3 =	vadd.f32 v3, v7;
	[tilespmem:s6+$0xFFFFFF20] =	vst v8;
	v8 =	vmul.f32 v10, v61;
	v10 =	vmul.f32 s0, v23  }
0x298: {  	v2 =	vadd.f32 v2, v5;
	[tilespmem:s6+$0xFFFFFF30] =	vst v0;
	v0 =	vmul.f32 v45, v63;
	v9 =	vmul.f32 v9, v60  }
0x299: {  	[tilespmem:s6+$0xFFFFFF40] =	vst v3;
	v3 =	vadd.f32 v8, v6;
	v8 =	vmul.f32 s0, v29;
	v10 =	vmul.f32 v10, v62  }
0x29a: {  	[tilespmem:s6+$0xFFFFFF60] =	vst v2;
	v0 =	vadd.f32 v0, v4;
	v46 =	vadd.f32 v9, v7;
	v9 =	vmul.f32 s0, v30  }
0x29b: {  	v47 =	vmul.f32 v8, v61;
	[tilespmem:s6+$0xFFFFFF70] =	vst v3  }
0x29c: {  	s4 =	sadd.s32 s22, s8;
	v8 =	vadd.f32 v10, v5;
	[tilespmem:s6+$0xFFFFFF90] =	vst v0;
	v3 =	vmul.f32 v9, v60  }
0x29d: {  	s0 =	smul.u32 $0xC80, s4;
	[tilespmem:s6+$0xFFFFFF80] =	vst v46;
	v48 =	vadd.f32 v47, v6  }
0x29e: {  	[tilespmem:s6+$0xFFFFFFA0] =	vst v8;
	v49 =	vadd.f32 v3, v7  }
0x29f: {  	s22 =	sadd.s32 s7, s0;
	[tilespmem:s6+$0xFFFFFFB0] =	vst v48  }
0x2a0: {  	p0 =	seq.s32 s21, $0x1F;
	s9 =	simm.s32 $0x9600;
	s0 =	sadd.s32 $0xC80, s22;
	[tilespmem:s6+$0xFFFFFFC0] =	vst v49  }
0x2a1: {  	[hbm4b:s0+s29] =	stream.strided.scatter [tilespmem:s9], [sflag:$0x6], $0x3200, s30, s29, $0x38;
	[tilespmem:$0x15E80] =	vst v63  }
0x2a2: {  	s1 =	smul.u32 @!p0 $0xC80, s21;
	s0 =	simm.s32 @!p0 $0x5  }
0x2a3: {  	s10 =	simm.s32 $0x3;
	_ =	swait.ge @!p0 [sflag:s0], $0x3200  }
0x2a4: {  	s23 =	sshra.s32 @!p0 s1, $0x2;
	s1 =	simm.s32 @!p0 $0x68;
	[sflag:s0] =	ssyncset.done @!p0 $0x0  }
0x2a5: {  	s2 =	simm.s32 @!p0 $0x6400;
	[sflag:s0] =	ssyncadd.s32 @!p0 $0xFFFFCE00;
	s0 =	sadd.s32 @!p0 $0x320, s23  }
0x2a6: {  	[tilespmem:s2], [sflag:$0x1] =	stream.indirect.gather @!p0 [hbm4b:s5+s1], $0x40, s0, s1, $0xb8;
	[tilespmem:$0x15E80] =	vst v63  }
0x2a7: {  	s0 =	sadd.s32 @!p0 $0x388, s23;
	s1 =	simm.s32 @!p0 $0x60;
	s2 =	simm.s32 @!p0 $0x7E00  }
0x2a8: {  	[tilespmem:s2], [sflag:$0x1] =	stream.indirect.gather @!p0 [hbm4b:s5+s1], $0x40, s0, s1, $0xb8;
	[tilespmem:$0x15E80] =	vst v63  }
0x2a9: {  	_ =	swait.ge [sflag:s10], $0x3200  }
0x2aa: {  	[sflag:s10] =	ssyncset.done $0x0  }
0x2ab: {  	s25 =	simm.s32 $0x0;
	[sflag:s10] =	ssyncadd.s32 $0xFFFFCE00  }
0x2ac: {  	v50 =	vld [tilespmem:s25+$0xC8C0]  }
0x2ad: {  	v51 =	vld [tilespmem:s25+$0x12CC0]  }
0x2ae: {  	v52 =	vld [tilespmem:s25+$0xC8D0]  }
0x2af: {  	v3 =	vld [tilespmem:s25+$0x12CD0]  }
0x2b0: {  	v8 =	vld [tilespmem:s25+$0xC8E0]  }
0x2b1: {  	v11 =	vld [tilespmem:s25+$0x12CE0]  }
0x2b2: {  	v12 =	vld [tilespmem:s25+$0xC8F0]  }
0x2b3: {  	v13 =	vld [tilespmem:s25+$0x12CF0]  }
0x2b4: {  	v14 =	vld [tilespmem:s25+$0xC800]  }
0x2b5: {  	v15 =	vld [tilespmem:s25+$0x12C00]  }
0x2b6: {  	v16 =	vld [tilespmem:s25+$0xC810]  }
0x2b7: {  	v18 =	vld [tilespmem:s25+$0x12C10]  }
0x2b8: {  	v53 =	vld [tilespmem:s25+$0xC820]  }
0x2b9: {  	v54 =	vld [tilespmem:s25+$0x12C20];
	v10 =	vadd.f32 v51, v50;
	v9 =	vadd.f32 v3, v52  }
0x2ba: {  	v21 =	vld [tilespmem:s25+$0x12C30];
	v8 =	vadd.f32 v11, v8;
	v11 =	vadd.f32 v13, v12  }
0x2bb: {  	v22 =	vld [tilespmem:s25+$0xC840];
	v55 =	vmul.f32 v10, v10;
	v3 =	vmul.f32 v9, v9  }
0x2bc: {  	v56 =	vld [tilespmem:s25+$0x12C60];
	v13 =	vmul.f32 v8, v8;
	v17 =	vmul.f32 v11, v11  }
0x2bd: {  	v24 =	vld [tilespmem:s25+$0x12C70];
	v19 =	vadd.f32 v9, v10;
	v20 =	vadd.f32 v11, v8  }
0x2be: {  	v58 =	vld [tilespmem:s25+$0xC880];
	v2 =	vadd.f32 v3, v55;
	v3 =	vadd.f32 v17, v13  }
0x2bf: {  	v12 =	vld [tilespmem:s25+$0xC830];
	v13 =	vadd.f32 v20, v19  }
0x2c0: {  	v19 =	vld [tilespmem:s25+$0x12C40];
	v2 =	vadd.f32 v3, v2  }
0x2c1: {  	v20 =	vld [tilespmem:s25+$0xC850];
	(xrf2) =	vadd.scan.msk.f32 $0xffff, v13  }
0x2c2: {  	v17 =	vadd.f32 v15, v14;
	v15 =	vadd.f32 v18, v16;
	v14 =	vld [tilespmem:s25+$0xC870];
	(xrf2) =	vadd.scan.msk.f32 $0xffff, v2  }
0x2c3: {  	v18 =	vadd.f32 v54, v53;
	v3 =	vld [tilespmem:s25+$0x12C50]  }
0x2c4: {  	v16 =	vadd.f32 v21, v12;
	v13 =	vld [tilespmem:s25+$0xC860];
	v23 =	vmul.f32 v17, v17;
	v57 =	vmul.f32 v15, v15  }
0x2c5: {  	v25 =	vld [tilespmem:s25+$0x12C80];
	v21 =	vadd.f32 v15, v17  }
0x2c6: {  	v26 =	vld [tilespmem:s25+$0xC890];
	v27 =	vmul.f32 v18, v18;
	v0 =	vadd.f32 v57, v23;
	v23 =	vadd.f32 v16, v18  }
0x2c7: {  	v29 =	vld [tilespmem:s25+$0x12C90];
	v28 =	vmul.f32 v16, v16;
	v19 =	vadd.f32 v19, v22;
	v14 =	vadd.f32 v24, v14  }
0x2c8: {  	v12 =	vadd.f32 v3, v20;
	v3 =	vadd.f32 v23, v21;
	v21 =	vld [tilespmem:s25+$0xC8A0]  }
0x2c9: {  	v20 =	vadd.f32 v28, v27;
	v13 =	vadd.f32 v56, v13;
	v23 =	vld [tilespmem:s25+$0x12CA0]  }
0x2ca: {  	v22 =	vmul.f32 v19, v19;
	v28 =	vld [tilespmem:s25+$0x12CB0];
	v31 =	vmul.f32 v14, v14;
	(xrf2) =	vadd.scan.msk.f32 $0xffff, v3;
	v24 =	vadd.f32 v12, v19  }
0x2cb: {  	v3 =	vld [tilespmem:s25+$0xC8B0];
	v27 =	vmul.f32 v12, v12;
	v0 =	vadd.f32 v20, v0;
	v33 =	vadd.f32 v14, v13;
	v59, _, _ =	vpop (xrf2)  }
0x2cc: {  	v30 =	vmul.f32 v13, v13;
	v20 =	vadd.f32 v29, v26;
	(v2sf) =	vpush v59, $0xF;
	v32, _, _ =	vpop (xrf2)  }
0x2cd: {  	v27 =	vadd.f32 v27, v22;
	(v2sf) =	vpush v32, $0xF  }
0x2ce: {  	v34 =	vadd.f32 v33, v24;
	v35 =	vadd.f32 v31, v30;
	(xrf2) =	vadd.scan.msk.f32 $0xffff, v0  }
0x2cf: {  	v22 =	vadd.f32 v25, v58;
	v23 =	vadd.f32 v23, v21  }
0x2d0: {  	v1 =	vadd.f32 v35, v27;
	(xrf2) =	vadd.scan.msk.f32 $0xffff, v34;
	v21 =	vadd.f32 v28, v3;
	v3 =	vmul.f32 v20, v20;
	_ =	sdelay $0x1  }
0x2d1: {  	v36 =	vmul.f32 v22, v22;
	v37 =	vadd.f32 v20, v22;
	(xrf2) =	vadd.scan.msk.f32 $0xffff, v1;
	v25 =	vadd.f32 v21, v23  }
0x2d2: {  	v24 =	vmul.f32 v23, v23  }
0x2d3: {  	v26 =	vmul.f32 v21, v21;
	v2 =	vadd.f32 v3, v36;
	v0 =	vadd.f32 v25, v37;
	v3, _, _ =	vpop (xrf2)  }
0x2d4: {  	(v2sf) =	vpush v3, $0xF  }
0x2d5: {  	v38 =	vadd.f32 v26, v24;
	(xrf2) =	vadd.scan.msk.f32 $0xffff, v0;
	_ =	sdelay $0x1  }
0x2d6: {  	v1 =	vadd.f32 v38, v2;
	v39, _, _ =	vpop (xrf2)  }
0x2d7: {  	(v2sf) =	vpush v39, $0xF  }
0x2d8: {  	(xrf2) =	vadd.scan.msk.f32 $0xffff, v1;
	v40, _, _ =	vpop (xrf2)  }
0x2d9: {  	(v2sf) =	vpush v40, $0xF;
	s11 =	spop (v2sf)  }
0x2da: {  	s6 =	simm.s32 $0x100;
	v42, _, _ =	vpop (xrf2);
	s10 =	smul.f32 $1.562500000e-02, s11;
	s12 =	spop (v2sf)  }
0x2db: {  	v41 =	vld [tilespmem:s6+$0xC8C0];
	(v2sf) =	vpush v42, $0xF;
	s0 =	smul.f32 $1.562500000e-02, s12  }
0x2dc: {  	v43 =	vld [tilespmem:s6+$0x12CC0];
	s13 =	smul.f32 s10, s10  }
0x2dd: {  	v44 =	vld [tilespmem:s6+$0xC8D0]  }
0x2de: {  	v45 =	vld [tilespmem:s6+$0x12C10];
	v3, _, _ =	vpop (xrf2);
	s0 =	ssub.f32 s0, s13  }
0x2df: {  	v46 =	vld [tilespmem:s6+$0xC820];
	(v2sf) =	vpush v3, $0xF  }
0x2e0: {  	v27 =	vld [tilespmem:s6+$0x12CF0];
	s0 =	sadd.f32 $9.999999740e-06, s0  }
0x2e1: {  	v24 =	vld [tilespmem:s6+$0x12CD0]  }
0x2e2: {  	v26 =	vld [tilespmem:s6+$0x12CE0];
	v25, _, _ =	vpop (xrf2);
	s16 =	spop (v2sf);
	s15 =	sshra.s32 s0, $0x1;
	s11 =	smul.f32 $5.000000000e-01, s0  }
0x2e3: {  	v3 =	vld [tilespmem:s6+$0xC8E0];
	(v2sf) =	vpush v25, $0xF;
	s0 =	smul.f32 $1.562500000e-02, s16;
	s1 =	ssub.s32 $0x5F3759DF, s15  }
0x2e4: {  	v25 =	vld [tilespmem:s6+$0xC8F0];
	s17 =	smul.f32 s1, s11  }
0x2e5: {  	v47 =	vld [tilespmem:s6+$0x12C20];
	s18 =	smul.f32 s0, s0  }
0x2e6: {  	v48 =	vld [tilespmem:s6+$0xC830];
	s19 =	spop (v2sf);
	s2 =	smul.f32 s1, s17  }
0x2e7: {  	v51 =	vld [tilespmem:s6+$0xC840];
	s9 =	smul.f32 $1.562500000e-02, s19  }
0x2e8: {  	v54 =	vld [tilespmem:s6+$0x12C80];
	v35 =	vadd.f32 v43, v41;
	v34 =	vadd.f32 v24, v44;
	s20 =	spop (v2sf);
	s2 =	ssub.f32 $1.500000000e+00, s2  }
0x2e9: {  	v57 =	vld [tilespmem:s6+$0x12C40];
	v36 =	vadd.f32 v26, v3;
	v28 =	vadd.f32 v27, v25;
	s13 =	smul.f32 $1.562500000e-02, s20  }
0x2ea: {  	v29 =	vld [tilespmem:s6+$0xC800];
	v24 =	vmul.f32 v34, v34;
	v3 =	vmul.f32 v35, v35;
	s24 =	spop (v2sf);
	s1 =	smul.f32 s1, s2  }
0x2eb: {  	v30 =	vld [tilespmem:s6+$0x12C00];
	v25 =	vmul.f32 v36, v36;
	v27 =	vmul.f32 v28, v28;
	s26 =	smul.f32 $1.562500000e-02, s24  }
0x2ec: {  	v31 =	vld [tilespmem:s6+$0xC810];
	v49 =	vadd.f32 v34, v35;
	v50 =	vadd.f32 v28, v36;
	s2 =	smul.f32 s1, s11  }
0x2ed: {  	v26 =	vld [tilespmem:s6+$0x12C30];
	v3 =	vadd.f32 v24, v3;
	s4 =	ssub.f32 s9, s18;
	v24 =	vadd.f32 v27, v25;
	s12 =	smul.f32 s13, s13  }
0x2ee: {  	v58 =	vld [tilespmem:s6+$0x12C50];
	v25 =	vadd.f32 v50, v49;
	s28 =	spop (v2sf);
	s2 =	smul.f32 s2, s1  }
0x2ef: {  	v59 =	vld [tilespmem:s6+$0x12C60];
	s31 =	sadd.f32 $9.999999740e-06, s4;
	v3 =	vadd.f32 v24, v3;
	s16 =	smul.f32 $1.562500000e-02, s28  }
0x2f0: {  	v30 =	vadd.f32 v30, v29;
	v29 =	vld [tilespmem:s6+$0xC880];
	(xrf2) =	vadd.scan.msk.f32 $0xffff, v25;
	s2 =	ssub.f32 $1.500000000e+00, s2  }
0x2f1: {  	v37 =	vld [tilespmem:s6+$0xC860];
	v25 =	vadd.f32 v45, v31;
	s12 =	ssub.f32 s26, s12;
	(xrf2) =	vadd.scan.msk.f32 $0xffff, v3;
	s15 =	smul.f32 s16, s16  }
0x2f2: {  	v27 =	vld [tilespmem:s6+$0xC850];
	v45 =	vadd.f32 v47, v46;
	v24 =	vadd.f32 v26, v48;
	s3 =	spop (v2sf);
	s4 =	smul.f32 s2, s1  }
0x2f3: {  	v47 =	vld [tilespmem:s6+$0x12C70];
	s1 =	smul.f32 $1.562500000e-02, s3  }
0x2f4: {  	s9 =	smul.f32 $5.000000000e-01, s31;
	v3 =	vld [tilespmem:s6+$0xC870];
	v26 =	vadd.f32 v25, v30;
	v31 =	vadd.f32 v24, v45;
	s2 =	sadd.f32 $9.999999740e-06, s12  }
0x2f5: {  	v51 =	vadd.f32 v57, v51;
	v57 =	vld [tilespmem:s6+$0x12C90];
	s17 =	sshra.s32 s31, $0x1;
	s11 =	smul.f32 s4, s11;
	s1 =	ssub.f32 s1, s15  }
0x2f6: {  	v52 =	vmul.f32 v30, v30;
	v44 =	vld [tilespmem:s6+$0x12CB0];
	v53 =	vmul.f32 v25, v25;
	v31 =	vadd.f32 v31, v26;
	s15 =	ssub.s32 $0x5F3759DF, s17;
	s18 =	sshra.s32 s2, $0x1;
	s12 =	smul.f32 $5.000000000e-01, s2  }
0x2f7: {  	v32 =	vadd.f32 v54, v29;
	v42 =	vld [tilespmem:s6+$0xC890];
	v55 =	vmul.f32 v45, v45;
	s2 =	ssub.s32 $0x5F3759DF, s18;
	s19 =	smul.f32 s15, s9  }
0x2f8: {  	v56 =	vmul.f32 v24, v24;
	v48 =	vadd.f32 v58, v27;
	v58 =	vld [tilespmem:s6+$0xC8A0];
	v1 =	vadd.f32 v53, v52;
	(xrf2) =	vadd.scan.msk.f32 $0xffff, v31;
	s24 =	smul.f32 s2, s12  }
0x2f9: {  	v26 =	vadd.f32 v59, v37;
	v59 =	vld [tilespmem:s6+$0x12CA0];
	v27 =	vadd.f32 v47, v3;
	s1 =	sadd.f32 $9.999999740e-06, s1;
	s11 =	smul.f32 s11, s4  }
0x2fa: {  	v2 =	vadd.f32 v56, v55;
	v31 =	vld [tilespmem:s6+$0xC8B0];
	v3 =	vadd.f32 v48, v51;
	v41, _, _ =	vpop (xrf2);
	s28 =	smul.f32 s15, s19  }
0x2fb: {  	v43 =	vadd.f32 v27, v26;
	(v2sf) =	vpush v41, $0xF;
	v46, _, _ =	vpop (xrf2);
	s26 =	sshra.s32 s1, $0x1;
	s20 =	smul.f32 $5.000000000e-01, s1  }
0x2fc: {  	v1 =	vadd.f32 v2, v1;
	(v2sf) =	vpush v46, $0xF;
	s18 =	smul.f32 s2, s24;
	s31 =	ssub.s32 $0x5F3759DF, s26;
	s1 =	ssub.f32 $1.500000000e+00, s28  }
0x2fd: {  	v40 =	vmul.f32 v26, v26;
	v47 =	vmul.f32 v51, v51;
	v49 =	vadd.f32 v43, v3;
	s19 =	smul.f32 s31, s20  }
0x2fe: {  	v33 =	vadd.f32 v57, v42;
	v50 =	vmul.f32 v27, v27;
	(xrf2) =	vadd.scan.msk.f32 $0xffff, v1;
	v3 =	vmul.f32 v48, v48;
	s18 =	ssub.f32 $1.500000000e+00, s18;
	s1 =	smul.f32 s15, s1  }
0x2ff: {  	v29 =	vadd.f32 v59, v58;
	v31 =	vadd.f32 v44, v31;
	(xrf2) =	vadd.scan.msk.f32 $0xffff, v49;
	s19 =	smul.f32 s31, s19  }
0x300: {  	v54 =	vadd.f32 v50, v40;
	v52 =	vadd.f32 v3, v47;
	s2 =	smul.f32 s2, s18  }
0x301: {  	v3 =	vadd.f32 v33, v32;
	s3 =	ssub.f32 $1.500000000e+00, s19;
	s19 =	smul.f32 s1, s9  }
0x302: {  	v56 =	vadd.f32 v31, v29;
	v0 =	vadd.f32 v54, v52;
	v58, _, _ =	vpop (xrf2);
	s18 =	smul.f32 s2, s12  }
0x303: {  	(v2sf) =	vpush v58, $0xF;
	s15 =	smul.f32 s31, s3  }
0x304: {  	v3 =	vadd.f32 v56, v3;
	(xrf2) =	vadd.scan.msk.f32 $0xffff, v0;
	s17 =	smul.f32 s19, s1  }
0x305: {  	v53 =	vmul.f32 v32, v32;
	v55 =	vmul.f32 v33, v33;
	s11 =	ssub.f32 $1.500000000e+00, s11;
	s18 =	smul.f32 s18, s2  }
0x306: {  	v57 =	vmul.f32 v29, v29;
	v59 =	vmul.f32 v31, v31;
	(xrf2) =	vadd.scan.msk.f32 $0xffff, v3;
	s24 =	smul.f32 s15, s20  }
0x307: {  	s26 =	smul.f32 s11, s4;
	s28 =	ssub.f32 $1.500000000e+00, s17  }
0x308: {  	v1 =	vadd.f32 v55, v53;
	v42 =	vadd.f32 v59, v57;
	v43, _, _ =	vpop (xrf2);
	s3 =	ssub.f32 $1.500000000e+00, s18;
	s31 =	smul.f32 s24, s15  }
0x309: {  	(v2sf) =	vpush v43, $0xF;
	v44, _, _ =	vpop (xrf2);
	s24 =	smul.f32 s28, s1  }
0x30a: {  	v0 =	vadd.f32 v42, v1;
	(v2sf) =	vpush v44, $0xF;
	s18 =	spop (v2sf);
	s11 =	smul.f32 s3, s2  }
0x30b: {  	v47 =	vmov s0;
	s18 =	smul.f32 $1.562500000e-02, s18;
	s19 =	spop (v2sf)  }
0x30c: {  	v2 =	vsub.f32 v17, v47;
	v57 =	vmov s10;
	(xrf2) =	vadd.scan.msk.f32 $0xffff, v0;
	s1 =	smul.f32 $1.562500000e-02, s19  }
0x30d: {  	v50 =	vsub.f32 v18, v47;
	v56 =	vmov s13;
	v11 =	vsub.f32 v11, v57;
	s28 =	ssub.f32 $1.500000000e+00, s31;
	s31 =	smul.f32 s18, s18  }
0x30e: {  	v10 =	vsub.f32 v10, v57;
	v42 =	vsub.f32 v12, v56;
	v46, _, _ =	vpop (xrf2);
	s3 =	smul.f32 s24, s9;
	s9 =	simm.s32 $0x200  }
0x30f: {  	v12 =	vmov s16;
	v1 =	vsub.f32 v8, v57;
	(v2sf) =	vpush v46, $0xF;
	s19 =	smul.f32 s11, s12;
	v3 =	vld [tilespmem:s9+$0xC8C0]  }
0x310: {  	v38 =	vsub.f32 v20, v12;
	v20 =	vsub.f32 v9, v57;
	v55, _, _ =	vpop (xrf2);
	v17 =	vld [tilespmem:s9+$0x12CC0];
	s4 =	smul.f32 s28, s15  }
0x311: {  	v11 =	vmul.f32 s26, v11;
	v58 =	vmul.f32 s26, v10;
	(v2sf) =	vpush v55, $0xF;
	v18 =	vld [tilespmem:s9+$0xC8D0];
	s1 =	ssub.f32 s1, s31;
	s17 =	smul.f32 s3, s24  }
0x312: {  	v41 =	vsub.f32 v19, v56;
	v1 =	vmul.f32 s26, v1;
	v20 =	vmul.f32 s26, v20;
	v19 =	vld [tilespmem:s9+$0x12CD0];
	s26 =	smul.f32 s19, s11;
	s28 =	spop (v2sf)  }
0x313: {  	v49 =	vsub.f32 v16, v47;
	v52 =	vsub.f32 v15, v47;
	v10 =	vmul.f32 v11, v60;
	v11 =	vld [tilespmem:s9+$0xC8F0];
	s12 =	smul.f32 s4, s20;
	s15 =	sadd.f32 $9.999999740e-06, s1  }
0x314: {  	v37 =	vsub.f32 v22, v12;
	v40 =	vsub.f32 v21, v12;
	v21 =	vld [tilespmem:s9+$0x12CF0];
	s3 =	smul.f32 $1.562500000e-02, s28  }
0x315: {  	v39 =	vsub.f32 v23, v12;
	v43 =	vsub.f32 v13, v56;
	v0 =	vmul.f32 v58, v63;
	v53 =	vld [tilespmem:s9+$0xC8E0];
	s31 =	sshra.s32 s15, $0x1;
	s13 =	smul.f32 $5.000000000e-01, s15  }
0x316: {  	v47 =	vadd.f32 v10, v7;
	v44 =	vsub.f32 v14, v56;
	v22 =	vld [tilespmem:s9+$0x12CE0];
	v15, _, _ =	vpop (xrf2);
	s26 =	ssub.f32 $1.500000000e+00, s26;
	s20 =	smul.f32 s3, s3;
	s15 =	ssub.s32 $0x5F3759DF, s31  }
0x317: {  	v46 =	vadd.f32 v0, v4;
	(v2sf) =	vpush v15, $0xF;
	s10 =	smul.f32 s15, s13  }
0x318: {  	v23 =	vld [tilespmem:s9+$0xC800];
	v8 =	vmov s3;
	v12 =	vadd.f32 v17, v3;
	v10 =	vadd.f32 v19, v18;
	s11 =	smul.f32 s26, s11;
	s28 =	spop (v2sf)  }
0x319: {  	v59 =	vld [tilespmem:s9+$0x12C00];
	v18 =	vadd.f32 v21, v11;
	v15 =	vsub.f32 v30, v8;
	s10 =	smul.f32 s15, s10;
	s31 =	spop (v2sf)  }
0x31a: {  	v0 =	vld [tilespmem:s9+$0xC840];
	v13 =	vsub.f32 v25, v8;
	v14 =	vsub.f32 v45, v8;
	s3 =	smul.f32 $1.562500000e-02, s31  }
0x31b: {  	v56 =	vld [tilespmem:s9+$0x12C40];
	v16 =	vsub.f32 v24, v8;
	v8 =	vadd.f32 v22, v53;
	s16 =	smul.f32 $1.562500000e-02, s28;
	s10 =	ssub.f32 $1.500000000e+00, s10  }
0x31c: {  	s1 =	ssub.f32 $1.500000000e+00, s17;
	v25 =	vld [tilespmem:s9+$0xC810];
	v17 =	vmul.f32 v12, v12;
	s17 =	smul.f32 s3, s3  }
0x31d: {  	v45 =	vld [tilespmem:s9+$0x12C10];
	v22 =	vmul.f32 v10, v10;
	v60 =	vadd.f32 v10, v12;
	v55 =	vadd.f32 v18, v8;
	s2 =	smul.f32 s15, s10;
	s15 =	ssub.f32 s16, s20  }
0x31e: {  	v3 =	vld [tilespmem:s9+$0xC820];
	v54 =	vmul.f32 v18, v18;
	v53 =	vmul.f32 v8, v8;
	s10 =	smul.f32 s1, s24;
	s20 =	spop (v2sf)  }
0x31f: {  	v19 =	vld [tilespmem:s9+$0x12C20];
	v24 =	vadd.f32 v59, v23;
	v59 =	vadd.f32 v55, v60;
	s24 =	smul.f32 $1.562500000e-02, s20  }
0x320: {  	v21 =	vld [tilespmem:s9+$0xC830];
	v22 =	vadd.f32 v22, v17;
	v23 =	vadd.f32 v54, v53;
	v30 =	vmov s3;
	s28 =	spop (v2sf);
	s16 =	smul.f32 s2, s13  }
0x321: {  	(xrf2) =	vadd.scan.msk.f32 $0xffff, v59;
	v9 =	vsub.f32 v51, v30;
	v51 =	vld [tilespmem:s9+$0x12C30];
	s15 =	sadd.f32 $9.999999740e-06, s15;
	s31 =	smul.f32 $1.562500000e-02, s28  }
0x322: {  	v54 =	vld [tilespmem:s9+$0x12C50];
	v25 =	vadd.f32 v45, v25;
	v22 =	vadd.f32 v23, v22;
	s1 =	smul.f32 s16, s2  }
0x323: {  	v60 =	vmul.f32 v24, v24;
	v45 =	vld [tilespmem:s9+$0xC860];
	v11 =	vsub.f32 v48, v30;
	v17 =	vsub.f32 v26, v30;
	s0 =	smul.f32 $5.000000000e-01, s15;
	s15 =	sshra.s32 s15, $0x1  }
0x324: {  	v48 =	vld [tilespmem:s9+$0xC850];
	v26 =	vadd.f32 v19, v3;
	v3 =	vmul.f32 v25, v25;
	v58 =	vadd.f32 v25, v24;
	s20 =	smul.f32 s31, s31;
	s15 =	ssub.s32 $0x5F3759DF, s15;
	s1 =	ssub.f32 $1.500000000e+00, s1  }
0x325: {  	v57 =	vmul.f32 v20, v62;
	v59 =	vld [tilespmem:s9+$0x12C60];
	v23 =	vsub.f32 v27, v30;
	v27 =	vadd.f32 v56, v0;
	s16 =	ssub.f32 s24, s17;
	s24 =	smul.f32 s15, s0  }
0x326: {  	(xrf2) =	vadd.scan.msk.f32 $0xffff, v22;
	v3 =	vadd.f32 v3, v60;
	v53 =	vmov s31;
	v30 =	vadd.f32 v51, v21;
	v51 =	vld [tilespmem:s9+$0xC870];
	s3 =	spop (v2sf);
	s1 =	smul.f32 s1, s2  }
0x327: {  	v55 =	vmul.f32 v26, v26;
	v19 =	vsub.f32 v32, v53;
	v20 =	vsub.f32 v33, v53;
	v33 =	vld [tilespmem:s9+$0x12C70];
	s2 =	smul.f32 $1.562500000e-02, s3  }
0x328: {  	v21 =	vsub.f32 v29, v53;
	v22 =	vsub.f32 v31, v53;
	v60 =	vmul.f32 v30, v30;
	s17 =	smul.f32 s15, s24  }
0x329: {  	v56 =	vmov s18;
	v31 =	vadd.f32 v54, v48;
	v32 =	vadd.f32 v30, v26;
	s13 =	smul.f32 s1, s13;
	s2 =	ssub.f32 s2, s20  }
0x32a: {  	v1 =	vmul.f32 v1, v61;
	s12 =	smul.f32 s12, s4;
	v0 =	vld [tilespmem:s9+$0xC880];
	v48 =	vadd.f32 v60, v55;
	v55 =	vsub.f32 v28, v56;
	s31 =	ssub.f32 $1.500000000e+00, s17  }
0x32b: {  	v29 =	vld [tilespmem:s9+$0x12C80];
	v54 =	vmul.f32 v27, v27;
	s16 =	sadd.f32 $9.999999740e-06, s16;
	v58 =	vadd.f32 v32, v58;
	v32 =	vadd.f32 v59, v45;
	v59, _, _ =	vpop (xrf2);
	s13 =	smul.f32 s13, s1  }
0x32c: {  	v53 =	vld [tilespmem:s9+$0xC890];
	v45 =	vmul.f32 v31, v31;
	v28 =	vadd.f32 v33, v51;
	(v2sf) =	vpush v59, $0xF;
	s2 =	sadd.f32 $9.999999740e-06, s2;
	s19 =	smul.f32 s15, s31  }
0x32d: {  	v60 =	vld [tilespmem:s9+$0x12C90];
	v3 =	vadd.f32 v48, v3;
	v48 =	vmul.f32 s10, v50;
	v50 =	vadd.f32 v31, v27;
	s28 =	ssub.f32 $1.500000000e+00, s13;
	s13 =	smul.f32 $5.000000000e-01, s16  }
0x32e: {  	s3 =	sshra.s32 s16, $0x1;
	v51 =	vld [tilespmem:s9+$0xC8A0];
	v45 =	vadd.f32 v45, v54;
	v54 =	vadd.f32 v28, v32;
	s16 =	smul.f32 $5.000000000e-01, s2  }
0x32f: {  	v1 =	vadd.f32 v1, v6;
	v41 =	vmul.f32 s11, v41;
	v42 =	vmul.f32 s11, v42;
	s17 =	ssub.s32 $0x5F3759DF, s3;
	v59 =	vld [tilespmem:$0x1FFF0];
	(xrf2) =	vadd.scan.msk.f32 $0xffff, v58;
	s2 =	sshra.s32 s2, $0x1;
	s18 =	smul.f32 s28, s1  }
0x330: {  	v2 =	vmul.f32 s10, v2;
	v52 =	vmul.f32 s10, v52;
	v58, _, _ =	vpop (xrf2);
	v50 =	vadd.f32 v54, v50;
	v54 =	vld [tilespmem:s9+$0xC8B0];
	s2 =	ssub.s32 $0x5F3759DF, s2;
	s15 =	smul.f32 s17, s13  }
0x331: {  	v49 =	vmul.f32 s10, v49;
	v29 =	vadd.f32 v29, v0;
	(xrf2) =	vadd.scan.msk.f32 $0xffff, v3;
	(v2sf) =	vpush v58, $0xF;
	v58 =	vld [tilespmem:s9+$0x12CB0];
	s24 =	smul.f32 s2, s16  }
0x332: {  	s12 =	ssub.f32 $1.500000000e+00, s12;
	v0 =	vmul.f32 v32, v32;
	v3 =	vmul.f32 v52, v62;
	v33 =	vadd.f32 v60, v53;
	v53 =	vld [tilespmem:s9+$0x12CA0];
	s1 =	smul.f32 s17, s15  }
0x333: {  	v57 =	vadd.f32 v57, v5;
	v60 =	vmul.f32 v28, v28;
	s10 =	smul.f32 s2, s24;
	v55 =	vmul.f32 s18, v55  }
0x334: {  	v43 =	vmul.f32 s11, v43;
	v44 =	vmul.f32 s11, v44;
	s4 =	smul.f32 s12, s4;
	v52 =	vsub.f32 v35, v56;
	s1 =	ssub.f32 $1.500000000e+00, s1  }
0x335: {  	v3 =	vadd.f32 v3, v5;
	v0 =	vadd.f32 v60, v0;
	s28 =	smul.f32 s19, s0;
	s10 =	ssub.f32 $1.500000000e+00, s10;
	v60 =	vmul.f32 v55, v59  }
0x336: {  	v42 =	vmul.f32 v42, v62;
	[tilespmem:s25+$0xC8F0] =	vst v47;
	v47 =	vadd.f32 v33, v29;
	v35 =	vadd.f32 v58, v54;
	s1 =	smul.f32 s17, s1  }
0x337: {  	v40 =	vmul.f32 s4, v40;
	(xrf2) =	vadd.scan.msk.f32 $0xffff, v50;
	v55 =	vsub.f32 v34, v56;
	v34 =	vadd.f32 v53, v51;
	s2 =	smul.f32 s2, s10  }
0x338: {  	v0 =	vadd.f32 v0, v45;
	v58 =	vmul.f32 v33, v33;
	v51 =	vmul.f32 v29, v29;
	s10 =	smul.f32 s28, s19  }
0x339: {  	v48 =	vmul.f32 v48, v61;
	[tilespmem:s25+$0xC810] =	vst v3;
	v53 =	vadd.f32 v60, v7;
	v50 =	vadd.f32 v35, v34;
	s31 =	smul.f32 s1, s13;
	v60, _, _ =	vpop (xrf2)  }
0x33a: {  	v3 =	vmul.f32 s4, v38;
	(xrf2) =	vadd.scan.msk.f32 $0xffff, v0;
	v51 =	vadd.f32 v58, v51;
	s3 =	smul.f32 s2, s16;
	(v2sf) =	vpush v60, $0xF  }
0x33b: {  	[tilespmem:s25+$0xC8D0] =	vst v57;
	v58 =	vmul.f32 v34, v34;
	s10 =	ssub.f32 $1.500000000e+00, s10;
	v47 =	vadd.f32 v50, v47;
	v60 =	vmul.f32 v35, v35;
	v57, _, _ =	vpop (xrf2);
	s15 =	smul.f32 s31, s1  }
0x33c: {  	[tilespmem:s25+$0xC8C0] =	vst v46;
	v46 =	vmul.f32 s18, v52;
	v3 =	vmul.f32 v3, v62;
	s11 =	smul.f32 s3, s2;
	(v2sf) =	vpush v57, $0xF  }
0x33d: {  	s20 =	spop (v2sf);
	s26 =	smul.f32 s10, s19;
	(xrf2) =	vadd.scan.msk.f32 $0xffff, v47;
	v47 =	vadd.f32 v48, v6;
	v48 =	vmul.f32 s4, v39;
	v0 =	vadd.f32 v60, v58  }
0x33e: {  	v52 =	vadd.f32 v42, v5;
	v60 =	vmul.f32 v44, v59;
	v44 =	vmul.f32 s4, v37;
	s4 =	smul.f32 $1.562500000e-02, s20  }
0x33f: {  	v2 =	vmul.f32 v2, v63;
	[tilespmem:s25+$0xC8E0] =	vst v1;
	v3 =	vadd.f32 v3, v5;
	s17 =	ssub.f32 $1.500000000e+00, s15;
	s0 =	smul.f32 s26, s0;
	v0 =	vadd.f32 v0, v51  }
0x340: {  	v36 =	vsub.f32 v36, v56;
	v49 =	vmul.f32 v49, v59;
	v56 =	vmul.f32 v41, v63;
	[tilespmem:s25+$0xC850] =	vst v52;
	s19 =	ssub.f32 $1.500000000e+00, s11;
	s31 =	smul.f32 s4, s4  }
0x341: {  	v45 =	vmul.f32 s18, v55;
	v55 =	vadd.f32 v2, v4;
	[tilespmem:s25+$0xC890] =	vst v3;
	v51, _, _ =	vpop (xrf2);
	s12 =	smul.f32 s17, s1;
	(xrf2) =	vadd.scan.msk.f32 $0xffff, v0  }
0x342: {  	v2 =	vmul.f32 s18, v36;
	v36 =	vadd.f32 v56, v4;
	[tilespmem:s6+$0xC8F0] =	vst v53;
	s28 =	spop (v2sf);
	s10 =	smul.f32 s19, s2;
	(v2sf) =	vpush v51, $0xF  }
0x343: {  	[tilespmem:s25+$0xC800] =	vst v55;
	v50 =	vadd.f32 v49, v7;
	v53 =	vmul.f32 v40, v59;
	v58 =	vmul.f32 v43, v61;
	s2 =	smul.f32 $1.562500000e-02, s28  }
0x344: {  	[tilespmem:s25+$0xC840] =	vst v36;
	v55 =	vmul.f32 v46, v63;
	v2 =	vmul.f32 v2, v61;
	v56, _, _ =	vpop (xrf2);
	s0 =	smul.f32 s0, s26  }
0x345: {  	[tilespmem:s25+$0xC830] =	vst v50;
	v1 =	vmul.f32 v44, v63;
	v54 =	vadd.f32 v58, v6;
	(v2sf) =	vpush v56, $0xF;
	s1 =	smul.f32 s12, s13  }
0x346: {  	v39 =	vadd.f32 v53, v7;
	[tilespmem:s25+$0xC820] =	vst v47;
	v38 =	vmul.f32 v48, v61;
	v57 =	vadd.f32 v60, v7;
	s24 =	smul.f32 s10, s16  }
0x347: {  	v36 =	vadd.f32 v2, v6;
	v58 =	vmul.f32 v45, v62;
	v1 =	vadd.f32 v1, v4;
	[tilespmem:s25+$0xC860] =	vst v54;
	s2 =	ssub.f32 s2, s31;
	s19 =	smul.f32 s1, s12  }
0x348: {  	s18 =	simm.s32 $0xC00;
	v40 =	vadd.f32 v38, v6;
	v38 =	vadd.f32 v55, v4;
	[tilespmem:s25+$0xC870] =	vst v57;
	s20 =	ssub.f32 $1.500000000e+00, s0;
	s0 =	smul.f32 s24, s10;
	v60, _, _ =	vpop (xrf2)  }
0x349: {  	v37 =	vadd.f32 v58, v5;
	s13 =	simm.s32 $0x8;
	[tilespmem:s25+$0xC880] =	vst v1;
	s11 =	sadd.f32 $9.999999740e-06, s2;
	s16 =	spop (v2sf);
	(v2sf) =	vpush v60, $0xF  }
.LBB2_7:
0x34a: {  	s1 =	sshra.s32 s18, $0x2;
	s2 =	smul.f32 $1.562500000e-02, s16;
	s19 =	ssub.f32 $1.500000000e+00, s19;
	[tilespmem:s25+$0xC8A0] =	vst v40  }
0x34b: {  	v0 =	vld [tilespmem:s1+$0xC8C0];
	s15 =	sshra.s32 s11, $0x1;
	s16 =	smul.f32 $5.000000000e-01, s11;
	v1, _, _ =	vpop (xrf2);
	s11 =	ssub.f32 $1.500000000e+00, s0;
	[tilespmem:s25+$0xC8B0] =	vst v39  }
0x34c: {  	v2 =	vld [tilespmem:s1+$0x12CC0];
	s0 =	smul.f32 s2, s2;
	v3 =	vmov s2;
	s2 =	ssub.s32 $0x5F3759DF, s15;
	s15 =	spop (v2sf);
	(v2sf) =	vpush v1, $0xF;
	[tilespmem:s6+$0xC8C0] =	vst v38  }
0x34d: {  	s25 =	smov.u32 s6;
	v1 =	vld [tilespmem:s1+$0xC8D0];
	v24 =	vsub.f32 v24, v3;
	v25 =	vsub.f32 v25, v3;
	s17 =	smul.f32 s2, s16;
	[tilespmem:s6+$0xC8D0] =	vst v37;
	s6 =	smov.u32 s9  }
0x34e: {  	s15 =	smul.f32 $1.562500000e-02, s15;
	v26 =	vsub.f32 v26, v3;
	v3 =	vsub.f32 v30, v3;
	s9 =	smov.u32 s1;
	v37 =	vld [tilespmem:s1+$0x12CD0];
	[tilespmem:s25+$0xC8E0] =	vst v36  }
0x34f: {  	v30 =	vld [tilespmem:s9+$0xC8E0];
	s1 =	smul.f32 s2, s17  }
0x350: {  	s0 =	ssub.f32 s15, s0;
	s15 =	smul.f32 s20, s26;
	v41 =	vld [tilespmem:s9+$0x12CE0]  }
0x351: {  	v44 =	vld [tilespmem:s9+$0xC8F0];
	s1 =	ssub.f32 $1.500000000e+00, s1;
	s17 =	spop (v2sf)  }
0x352: {  	s0 =	sadd.f32 $9.999999740e-06, s0;
	v36 =	vmul.f32 s15, v15;
	v38 =	vmul.f32 s15, v13;
	v15 =	vmovc v24;
	v13 =	vmov v25;
	v45 =	vld [tilespmem:s9+$0x12CF0];
	s17 =	smul.f32 $1.562500000e-02, s17  }
0x353: {  	s13 =	sadd.s32 $0x4, s13;
	v25 =	vmul.f32 s15, v14;
	v42 =	vmul.f32 s15, v16;
	v14 =	vmovc v26;
	v16 =	vmov v3;
	v24 =	vld [tilespmem:s9+$0xC800];
	s1 =	smul.f32 s2, s1  }
0x354: {  	p1 =	slt.u32 s13, $0xC4;
	v39 =	vmul.f32 v36, v63;
	v38 =	vmul.f32 v38, v62;
	v3 =	vld [tilespmem:s9+$0x12C00];
	s2 =	smul.f32 s17, s17;
	v46 =	vmov s17;
	s15 =	spop (v2sf)  }
0x355: {  	v36 =	vmul.f32 v25, v61;
	s17 =	sshra.s32 s0, $0x1;
	v26 =	vld [tilespmem:s9+$0xC810];
	v43 =	vsub.f32 v27, v46;
	v40 =	vsub.f32 v31, v46;
	s20 =	smul.f32 s1, s16  }
0x356: {  	v0 =	vadd.f32 v2, v0;
	v1 =	vadd.f32 v37, v1;
	v37 =	vmul.f32 v42, v59;
	s26 =	ssub.s32 $0x5F3759DF, s17;
	s15 =	smul.f32 $1.562500000e-02, s15;
	v25 =	vld [tilespmem:s9+$0x12C10]  }
0x357: {  	v42 =	vadd.f32 v41, v30;
	v2 =	vld [tilespmem:s9+$0xC820];
	v49 =	vadd.f32 v45, v44;
	s17 =	smul.f32 s20, s1  }
0x358: {  	v30 =	vadd.f32 v1, v0;
	v41 =	vsub.f32 v32, v46;
	s2 =	ssub.f32 s15, s2;
	v27 =	vld [tilespmem:s9+$0x12C20];
	s15 =	spop (v2sf)  }
0x359: {  	v44 =	vmul.f32 v0, v0;
	v45 =	vmul.f32 v1, v1;
	v31 =	vld [tilespmem:s9+$0xC830];
	v32 =	vadd.f32 v49, v42;
	s15 =	smul.f32 $1.562500000e-02, s15;
	s17 =	ssub.f32 $1.500000000e+00, s17  }
0x35a: {  	s0 =	smul.f32 $5.000000000e-01, s0;
	v47 =	vmul.f32 v42, v42;
	v24 =	vadd.f32 v3, v24;
	v48 =	vmul.f32 v49, v49;
	s2 =	sadd.f32 $9.999999740e-06, s2;
	v3 =	vld [tilespmem:s9+$0x12C30]  }
0x35b: {  	v25 =	vadd.f32 v25, v26;
	v50 =	vld [tilespmem:s9+$0xC840];
	v30 =	vadd.f32 v32, v30;
	v32 =	vmov s15;
	s1 =	smul.f32 s17, s1;
	s17 =	spop (v2sf)  }
0x35c: {  	v44 =	vadd.f32 v45, v44;
	v51 =	vmul.f32 v24, v24;
	v45 =	vadd.f32 v48, v47;
	s20 =	sshra.s32 s2, $0x1;
	v52 =	vld [tilespmem:s9+$0x12C40];
	s17 =	smul.f32 $1.562500000e-02, s17  }
0x35d: {  	s24 =	ssub.s32 $0x5F3759DF, s20;
	v26 =	vadd.f32 v27, v2;
	v2 =	vadd.f32 v25, v24;
	v27 =	vmul.f32 v25, v25;
	v53 =	vld [tilespmem:s9+$0xC850];
	(xrf2) =	vadd.scan.msk.f32 $0xffff, v30;
	s16 =	smul.f32 s1, s16  }
0x35e: {  	v48 =	vsub.f32 v28, v46;
	s15 =	smul.f32 s15, s15;
	v44 =	vadd.f32 v45, v44;
	v54 =	vld [tilespmem:s9+$0x12C50]  }
0x35f: {  	v30 =	vadd.f32 v3, v31;
	v3 =	vadd.f32 v27, v51;
	v28 =	vmul.f32 v26, v26;
	v51 =	vld [tilespmem:s9+$0xC860];
	s20 =	smul.f32 s16, s1  }
0x360: {  	v45 =	vsub.f32 v29, v32;
	s16 =	smul.f32 $5.000000000e-01, s2;
	s2 =	ssub.f32 s17, s15;
	v55 =	vld [tilespmem:s9+$0x12C60];
	(xrf2) =	vadd.scan.msk.f32 $0xffff, v44;
	v44 =	vsub.f32 v33, v32  }
0x361: {  	s15 =	smul.f32 s26, s0;
	v29 =	vadd.f32 v30, v26;
	v33 =	vmul.f32 v30, v30;
	v27 =	vadd.f32 v52, v50;
	v50 =	vld [tilespmem:s9+$0xC870];
	s17 =	ssub.f32 $1.500000000e+00, s20  }
0x362: {  	v47 =	vsub.f32 v34, v32;
	v46 =	vsub.f32 v35, v32;
	v35 =	vmov s4;
	s28 =	smul.f32 s24, s16;
	s2 =	sadd.f32 $9.999999740e-06, s2;
	v52 =	vld [tilespmem:s9+$0x12C70]  }
0x363: {  	v31 =	vadd.f32 v54, v53;
	v34 =	vmul.f32 v27, v27;
	v53 =	vld [tilespmem:s9+$0xC880];
	s20 =	smul.f32 s17, s1;
	v54 =	vsub.f32 v18, v35;
	v18 =	vmovc v49  }
0x364: {  	v2 =	vadd.f32 v29, v2;
	v28 =	vadd.f32 v33, v28;
	s1 =	sshra.s32 s2, $0x1;
	s4 =	smul.f32 $5.000000000e-01, s2;
	v29 =	vld [tilespmem:s9+$0x12C80]  }
0x365: {  	s2 =	smul.f32 s26, s15;
	s1 =	ssub.s32 $0x5F3759DF, s1;
	v32 =	vadd.f32 v55, v51;
	v49 =	vadd.f32 v31, v27;
	v33 =	vld [tilespmem:s9+$0xC890];
	v51 =	vmul.f32 s20, v54  }
0x366: {  	v3 =	vadd.f32 v28, v3;
	v54 =	vmul.f32 v31, v31;
	s15 =	smul.f32 s1, s4;
	v55 =	vld [tilespmem:s9+$0x12C90];
	(xrf2) =	vadd.scan.msk.f32 $0xffff, v2;
	v2 =	vsub.f32 v12, v35  }
0x367: {  	s17 =	smul.f32 s24, s28;
	s2 =	ssub.f32 $1.500000000e+00, s2;
	v28 =	vadd.f32 v52, v50;
	v50 =	vmul.f32 v32, v32;
	v52 =	vld [tilespmem:s9+$0xC8A0];
	v56, _, _ =	vpop (xrf2);
	v51 =	vmul.f32 v51, v59  }
0x368: {  	v57 =	vsub.f32 v10, v35;
	v10 =	vmovc v1;
	v12 =	vmovc v0;
	v54 =	vadd.f32 v54, v34;
	s15 =	smul.f32 s1, s15;
	v34 =	vld [tilespmem:s9+$0x12CA0];
	v2 =	vmul.f32 s20, v2  }
0x369: {  	s26 =	smul.f32 s26, s2;
	s2 =	ssub.f32 $1.500000000e+00, s17;
	v0 =	vmul.f32 v28, v28;
	v29 =	vadd.f32 v29, v53;
	v1 =	vld [tilespmem:s9+$0xC8B0];
	(xrf2) =	vadd.scan.msk.f32 $0xffff, v3;
	v3 =	vadd.f32 v51, v7  }
0x36a: {  	v57 =	vmul.f32 s20, v57;
	s17 =	smul.f32 s19, s12;
	v51 =	vadd.f32 v28, v32;
	s15 =	ssub.f32 $1.500000000e+00, s15;
	v53 =	vld [tilespmem:s9+$0x12CB0];
	(v2sf) =	vpush v56, $0xF;
	v56, _, _ =	vpop (xrf2)  }
0x36b: {  	s12 =	smul.f32 s24, s2;
	v33 =	vadd.f32 v55, v33;
	v55 =	vmul.f32 v29, v29;
	(v2sf) =	vpush v56, $0xF;
	[tilespmem:s6+$0xC8F0] =	vst v3  }
0x36c: {  	v3 =	vadd.f32 v51, v49;
	v0 =	vadd.f32 v0, v50;
	s19 =	smul.f32 s1, s15;
	v49 =	vmul.f32 s17, v9;
	v9 =	vmovc v43  }
0x36d: {  	s1 =	smul.f32 s26, s0;
	v34 =	vadd.f32 v34, v52;
	v43 =	vadd.f32 v33, v29;
	v50 =	vmul.f32 v33, v33  }
0x36e: {  	s2 =	smul.f32 s12, s16;
	v51 =	vmul.f32 s17, v11;
	v11 =	vmovc v40;
	v0 =	vadd.f32 v0, v54;
	(xrf2) =	vadd.scan.msk.f32 $0xffff, v3;
	v3 =	vsub.f32 v8, v35  }
0x36f: {  	s15 =	smul.f32 s19, s4;
	v8 =	vmovc v42;
	v35 =	vadd.f32 v53, v1;
	v1 =	vadd.f32 v50, v55;
	v40 =	vmul.f32 v34, v34  }
0x370: {  	v39 =	vadd.f32 v39, v4;
	s1 =	smul.f32 s1, s26;
	v52 =	vmul.f32 s17, v23;
	v50 =	vmul.f32 s17, v17;
	v42, _, _ =	vpop (xrf2)  }
0x371: {  	s2 =	smul.f32 s2, s12;
	v17 =	vmovc v41;
	v53 =	vadd.f32 v35, v34;
	v54 =	vmul.f32 v35, v35;
	(v2sf) =	vpush v42, $0xF;
	(xrf2) =	vadd.scan.msk.f32 $0xffff, v0  }
0x372: {  	v23 =	vmovc v48;
	s1 =	ssub.f32 $1.500000000e+00, s1;
	s15 =	smul.f32 s15, s19;
	v0 =	vmul.f32 s20, v3;
	v3 =	vadd.f32 v38, v5;
	v38 =	vmul.f32 v49, v63;
	[tilespmem:s25+$0xC800] =	vst v39  }
0x373: {  	s11 =	smul.f32 s11, s10;
	s2 =	ssub.f32 $1.500000000e+00, s2;
	v42 =	vmul.f32 v51, v62;
	v39 =	vadd.f32 v53, v43;
	v40 =	vadd.f32 v54, v40;
	v41, _, _ =	vpop (xrf2)  }
0x374: {  	s26 =	smul.f32 s1, s26;
	s1 =	ssub.f32 $1.500000000e+00, s15;
	(v2sf) =	vpush v41, $0xF;
	[tilespmem:s25+$0xC810] =	vst v3;
	v3 =	vmul.f32 v50, v61;
	v41 =	vmul.f32 v52, v59  }
0x375: {  	s12 =	smul.f32 s2, s12;
	v1 =	vadd.f32 v40, v1;
	(xrf2) =	vadd.scan.msk.f32 $0xffff, v39;
	v39 =	vmul.f32 s11, v19;
	v40 =	vmul.f32 s11, v20;
	v19 =	vmovc v45  }
0x376: {  	v36 =	vadd.f32 v36, v6;
	s10 =	smul.f32 s1, s19;
	v43 =	vmul.f32 s11, v21;
	v21 =	vmovc v47;
	v45 =	vmul.f32 s11, v22;
	v20 =	vmovc v44  }
0x377: {  	v37 =	vadd.f32 v37, v7;
	s0 =	smul.f32 s26, s0;
	v22 =	vmovc v46;
	v39 =	vmul.f32 v39, v63;
	v40 =	vmul.f32 v40, v62  }
0x378: {  	s1 =	smul.f32 s12, s16;
	v44, _, _ =	vpop (xrf2);
	(xrf2) =	vadd.scan.msk.f32 $0xffff, v1;
	v1 =	vadd.f32 v38, v4;
	v38 =	vmul.f32 v43, v61;
	v43 =	vmul.f32 v45, v59  }
0x379: {  	v2 =	vmul.f32 v2, v63;
	s11 =	smul.f32 s10, s4;
	(v2sf) =	vpush v44, $0xF;
	s2 =	spop (v2sf);
	v44 =	vmul.f32 v57, v62;
	[tilespmem:s25+$0xC820] =	vst v36  }
0x37a: {  	s4 =	smul.f32 $1.562500000e-02, s2;
	s2 =	spop (v2sf)  }
0x37b: {  	v0 =	vmul.f32 v0, v61;
	v3 =	vadd.f32 v3, v6;
	v36 =	vadd.f32 v42, v5;
	[tilespmem:s25+$0xC830] =	vst v37;
	s2 =	smul.f32 $1.562500000e-02, s2  }
0x37c: {  	v37, _, _ =	vpop (xrf2);
	[tilespmem:s25+$0xC840] =	vst v1;
	v1 =	vadd.f32 v41, v7;
	v41 =	vadd.f32 v39, v4;
	s15 =	smul.f32 s4, s4  }
.Ltmp4:
0x37d: {  	v42 =	vadd.f32 v40, v5;
	(v2sf) =	vpush v37, $0xF;
	[tilespmem:s25+$0xC850] =	vst v36;
	(pc) =	sbr.rel @p1 .LBB2_7-.Ltmp4, $4  }
0x37e: {  	s0 =	smul.f32 s0, s26;
	v40 =	vadd.f32 v38, v6;
	v39 =	vadd.f32 v43, v7;
	[tilespmem:s25+$0xC860] =	vst v3  }
0x37f: {  	s19 =	smul.f32 s1, s12;
	v38 =	vadd.f32 v2, v4;
	v37 =	vadd.f32 v44, v5;
	s2 =	ssub.f32 s2, s15;
	[tilespmem:s25+$0xC870] =	vst v1  }
0x380: {  	s20 =	ssub.f32 $1.500000000e+00, s0;
	s0 =	smul.f32 s11, s10;
	v36 =	vadd.f32 v0, v6;
	v1, _, _ =	vpop (xrf2);
	[tilespmem:s25+$0xC880] =	vst v41  }
0x381: {  	s18 =	sadd.s32 $0x400, s18;
	s11 =	sadd.f32 $9.999999740e-06, s2;
	s16 =	spop (v2sf);
	(v2sf) =	vpush v1, $0xF;
	[tilespmem:s25+$0xC890] =	vst v42  }
0x382: {  	s15 =	smul.f32 $1.562500000e-02, s16  }
0x383: {  	s17 =	smul.f32 s20, s26  }
0x384: {  	v0, _, _ =	vpop (xrf2);
	s1 =	sshra.s32 s11, $0x1;
	s2 =	smul.f32 $5.000000000e-01, s11  }
0x385: {  	(v2sf) =	vpush v0, $0xF;
	s1 =	ssub.s32 $0x5F3759DF, s1;
	s13 =	smul.f32 s15, s15  }
0x386: {  	s24 =	spop (v2sf);
	s11 =	smul.f32 s1, s2  }
0x387: {  	s16 =	smul.f32 $1.562500000e-02, s24;
	v48 =	vmov s15;
	s15 =	ssub.f32 $1.500000000e+00, s19  }
0x388: {  	s11 =	smul.f32 s1, s11  }
0x389: {  	s12 =	smul.f32 s15, s12  }
0x38a: {  	s18 =	spop (v2sf);
	s11 =	ssub.f32 $1.500000000e+00, s11  }
0x38b: {  	s20 =	smul.f32 $1.562500000e-02, s18  }
0x38c: {  	s1 =	smul.f32 s1, s11  }
0x38d: {  	s26 =	ssub.f32 s16, s13;
	s3 =	smul.f32 s20, s20  }
0x38e: {  	s24 =	spop (v2sf);
	s28 =	smul.f32 s1, s2  }
0x38f: {  	s11 =	sadd.f32 $9.999999740e-06, s26;
	s24 =	smul.f32 $1.562500000e-02, s24  }
0x390: {  	s13 =	smul.f32 s28, s1  }
0x391: {  	s18 =	smul.f32 $5.000000000e-01, s11  }
0x392: {  	s26 =	spop (v2sf);
	s13 =	ssub.f32 $1.500000000e+00, s13  }
0x393: {  	s16 =	ssub.f32 s24, s3;
	s26 =	smul.f32 $1.562500000e-02, s26  }
0x394: {  	s28 =	spop (v2sf);
	s1 =	smul.f32 s13, s1  }
0x395: {  	s13 =	smul.f32 $1.562500000e-02, s28  }
0x396: {  	s16 =	sadd.f32 $9.999999740e-06, s16;
	s24 =	smul.f32 s26, s26  }
0x397: {  	s2 =	smul.f32 s1, s2  }
0x398: {  	s11 =	sshra.s32 s11, $0x1;
	s3 =	sshra.s32 s16, $0x1;
	s16 =	smul.f32 $5.000000000e-01, s16  }
0x399: {  	s13 =	ssub.f32 s13, s24;
	s24 =	ssub.s32 $0x5F3759DF, s3;
	s2 =	smul.f32 s2, s1  }
0x39a: {  	s28 =	ssub.s32 $0x5F3759DF, s11;
	s3 =	smul.f32 s24, s16  }
0x39b: {  	s31 =	smul.f32 s28, s18;
	s2 =	ssub.f32 $1.500000000e+00, s2  }
0x39c: {  	s13 =	sadd.f32 $9.999999740e-06, s13;
	s3 =	smul.f32 s24, s3  }
0x39d: {  	s11 =	smul.f32 s2, s1  }
0x39e: {  	s1 =	sshra.s32 s13, $0x1;
	s13 =	smul.f32 $5.000000000e-01, s13  }
0x39f: {  	v1 =	vmov s4;
	s3 =	ssub.f32 $1.500000000e+00, s3;
	s2 =	smul.f32 s28, s31;
	s1 =	ssub.s32 $0x5F3759DF, s1  }
0x3a0: {  	v18 =	vsub.f32 v18, v1;
	s31 =	smul.f32 s1, s13  }
0x3a1: {  	v12 =	vsub.f32 v12, v1;
	v10 =	vsub.f32 v10, v1;
	v15 =	vmul.f32 s17, v15;
	s3 =	smul.f32 s24, s3;
	s2 =	ssub.f32 $1.500000000e+00, s2  }
0x3a2: {  	v13 =	vmul.f32 s17, v13;
	v14 =	vmul.f32 s17, v14;
	v2 =	vsub.f32 v24, v48;
	s19 =	smul.f32 s1, s31  }
0x3a3: {  	v3 =	vsub.f32 v25, v48;
	v24 =	vsub.f32 v26, v48;
	v25 =	vmov s20;
	s2 =	smul.f32 s28, s2  }
0x3a4: {  	v26 =	vsub.f32 v27, v25;
	v27 =	vsub.f32 v31, v25;
	v31 =	vmov s26;
	s26 =	smul.f32 s3, s16;
	s19 =	ssub.f32 $1.500000000e+00, s19  }
0x3a5: {  	v1 =	vsub.f32 v8, v1;
	v16 =	vmul.f32 s17, v16;
	v15 =	vmul.f32 v15, v63;
	s24 =	smul.f32 s2, s18  }
0x3a6: {  	[tilespmem:s25+$0xC8A0] =	vst v40;
	s0 =	ssub.f32 $1.500000000e+00, s0;
	v0 =	vsub.f32 v30, v48;
	v13 =	vmul.f32 v13, v62;
	v14 =	vmul.f32 v14, v61;
	s4 =	smul.f32 s1, s19  }
0x3a7: {  	[tilespmem:s25+$0xC8B0] =	vst v39;
	v16 =	vmul.f32 v16, v59;
	v9 =	vmul.f32 s12, v9;
	v15 =	vadd.f32 v15, v4;
	s1 =	smul.f32 s24, s2  }
0x3a8: {  	[tilespmem:s6+$0xC8C0] =	vst v38;
	s0 =	smul.f32 s0, s10;
	v11 =	vmul.f32 s12, v11;
	v13 =	vadd.f32 v13, v5;
	v17 =	vmul.f32 s12, v17  }
0x3a9: {  	v14 =	vadd.f32 v14, v6;
	[tilespmem:s6+$0xC800] =	vst v15;
	v9 =	vmul.f32 v9, v63;
	v15 =	vmul.f32 s12, v23;
	s15 =	smul.f32 s26, s3;
	s1 =	ssub.f32 $1.500000000e+00, s1  }
0x3aa: {  	v11 =	vmul.f32 v11, v62;
	[tilespmem:s6+$0xC810] =	vst v13;
	v13 =	vadd.f32 v16, v7;
	v16 =	vmul.f32 v17, v61;
	s28 =	smul.f32 s4, s13  }
0x3ab: {  	v17 =	vmul.f32 s0, v19;
	[tilespmem:s6+$0xC820] =	vst v14;
	v30 =	vsub.f32 v32, v25;
	v9 =	vadd.f32 v9, v4;
	s1 =	smul.f32 s1, s2  }
0x3ac: {  	v25 =	vsub.f32 v28, v25;
	v14 =	vmul.f32 v15, v59;
	v15 =	vmul.f32 s0, v20;
	[tilespmem:s6+$0xC830] =	vst v13;
	s15 =	ssub.f32 $1.500000000e+00, s15;
	s17 =	smul.f32 s28, s4  }
0x3ad: {  	v11 =	vadd.f32 v11, v5;
	v13 =	vmul.f32 s0, v21;
	[tilespmem:s6+$0xC840] =	vst v9;
	v9 =	vmul.f32 s0, v22;
	s19 =	smul.f32 s1, s18  }
0x3ae: {  	[tilespmem:s6+$0xC8D0] =	vst v37;
	v17 =	vmul.f32 v17, v63;
	v16 =	vadd.f32 v16, v6;
	v15 =	vmul.f32 v15, v62;
	s2 =	smul.f32 s15, s3  }
0x3af: {  	[tilespmem:s6+$0xC8E0] =	vst v36;
	v14 =	vadd.f32 v14, v7;
	v8 =	vmul.f32 v13, v61;
	v9 =	vmul.f32 v9, v59;
	s20 =	ssub.f32 $1.500000000e+00, s17;
	s10 =	smul.f32 s19, s1  }
0x3b0: {  	[tilespmem:s6+$0xC850] =	vst v11;
	v11 =	vadd.f32 v17, v4;
	v13 =	vadd.f32 v15, v5;
	s24 =	smul.f32 s2, s16  }
0x3b1: {  	[tilespmem:s6+$0xC860] =	vst v16;
	v8 =	vadd.f32 v8, v6;
	v9 =	vadd.f32 v9, v7;
	v18 =	vmul.f32 s11, v18;
	s3 =	smul.f32 s20, s4;
	s25 =	ssub.f32 $1.500000000e+00, s10  }
0x3b2: {  	[tilespmem:s6+$0xC870] =	vst v14;
	v28 =	vsub.f32 v29, v31;
	v29 =	vsub.f32 v33, v31;
	v12 =	vmul.f32 s11, v12;
	s26 =	smul.f32 s24, s2  }
0x3b3: {  	[tilespmem:s6+$0xC880] =	vst v11;
	v49 =	vsub.f32 v34, v31;
	v10 =	vmul.f32 s11, v10;
	v18 =	vmul.f32 v18, v59;
	s0 =	smul.f32 s25, s1  }
0x3b4: {  	[tilespmem:s6+$0xC890] =	vst v13;
	v31 =	vsub.f32 v35, v31;
	v1 =	vmul.f32 s11, v1;
	v12 =	vmul.f32 v12, v63;
	s28 =	smul.f32 s3, s13  }
0x3b5: {  	[tilespmem:s6+$0xC8A0] =	vst v8;
	v10 =	vmul.f32 v10, v62;
	v18 =	vadd.f32 v18, v7;
	s4 =	ssub.f32 $1.500000000e+00, s26;
	v2 =	vmul.f32 s0, v2  }
0x3b6: {  	[tilespmem:s6+$0xC8B0] =	vst v9;
	v1 =	vmul.f32 v1, v61;
	v11 =	vadd.f32 v12, v4;
	s1 =	smul.f32 s28, s3;
	v3 =	vmul.f32 s0, v3  }
0x3b7: {  	v8 =	vadd.f32 v10, v5;
	[tilespmem:s9+$0xC8F0] =	vst v18;
	s2 =	smul.f32 s4, s2;
	v9 =	vmul.f32 s0, v24;
	v2 =	vmul.f32 v2, v63  }
0x3b8: {  	v1 =	vadd.f32 v1, v6;
	[tilespmem:s9+$0xC8C0] =	vst v11;
	v0 =	vmul.f32 s0, v0;
	v3 =	vmul.f32 v3, v62  }
0x3b9: {  	[tilespmem:s9+$0xC8D0] =	vst v8;
	s6 =	ssub.f32 $1.500000000e+00, s1;
	v50 =	vmul.f32 s2, v27;
	v8 =	vmul.f32 v9, v61;
	v2 =	vadd.f32 v2, v4  }
0x3ba: {  	[tilespmem:s9+$0xC8E0] =	vst v1;
	v9 =	vmul.f32 s2, v26;
	v0 =	vmul.f32 v0, v59;
	v3 =	vadd.f32 v3, v5  }
0x3bb: {  	v10 =	vmul.f32 s2, v30;
	s0 =	smul.f32 s6, s3;
	v1 =	vmul.f32 v50, v62;
	v8 =	vadd.f32 v8, v6;
	[tilespmem:s9+$0xC800] =	vst v2  }
0x3bc: {  	v51 =	vmul.f32 v9, v63;
	v9 =	vmul.f32 s2, v25;
	v0 =	vadd.f32 v0, v7;
	[tilespmem:s9+$0xC810] =	vst v3  }
0x3bd: {  	v52 =	vadd.f32 v1, v5;
	v53 =	vmul.f32 s0, v49;
	v3 =	vmul.f32 v10, v61;
	[tilespmem:s9+$0xC820] =	vst v8  }
0x3be: {  	v10 =	vmul.f32 s0, v28;
	v2 =	vadd.f32 v51, v4;
	v8 =	vmul.f32 v9, v59;
	[tilespmem:s9+$0xC830] =	vst v0  }
0x3bf: {  	v9 =	vmul.f32 s0, v29;
	[tilespmem:s9+$0xC850] =	vst v52;
	v55 =	vmul.f32 v53, v61;
	v3 =	vadd.f32 v3, v6  }
0x3c0: {  	v54 =	vmul.f32 s0, v31;
	v10 =	vmul.f32 v10, v63;
	[tilespmem:s9+$0xC840] =	vst v2;
	v8 =	vadd.f32 v8, v7  }
0x3c1: {  	v9 =	vmul.f32 v9, v62;
	v0 =	vadd.f32 v55, v6;
	[tilespmem:s9+$0xC860] =	vst v3  }
0x3c2: {  	v2 =	vmul.f32 v54, v59;
	v56 =	vadd.f32 v10, v4;
	[tilespmem:s9+$0xC870] =	vst v8  }
0x3c3: {  	v3 =	vadd.f32 v9, v5;
	[tilespmem:s9+$0xC8A0] =	vst v0  }
0x3c4: {  	v57 =	vadd.f32 v2, v7;
	[tilespmem:s9+$0xC880] =	vst v56  }
0x3c5: {  	[tilespmem:s9+$0xC890] =	vst v3  }
0x3c6: {  	s31 =	simm.s32 $0xC800;
	s10 =	sadd.s32 $0x1900, s22;
	s0 =	simm.s32 @!p0 $0x6;
	[tilespmem:s9+$0xC8B0] =	vst v57  }
0x3c7: {  	[hbm4b:s10+s29] =	stream.strided.scatter [tilespmem:s31], [sflag:$0x7], $0x3200, s30, s29, $0x38;
	[tilespmem:$0x15E80] =	vst v63  }
0x3c8: {  	_ =	swait.ge @!p0 [sflag:s0], $0x3200  }
0x3c9: {  	s11 =	simm.s32 $0x4;
	s1 =	simm.s32 @!p0 $0x68;
	[sflag:s0] =	ssyncset.done @!p0 $0x0  }
0x3ca: {  	s2 =	simm.s32 @!p0 $0x9600;
	[sflag:s0] =	ssyncadd.s32 @!p0 $0xFFFFCE00;
	s0 =	sadd.s32 @!p0 $0x3E8, s23  }
0x3cb: {  	[tilespmem:s2], [sflag:$0x2] =	stream.indirect.gather @!p0 [hbm4b:s5+s1], $0x40, s0, s1, $0xb8;
	[tilespmem:$0x15E80] =	vst v63  }
0x3cc: {  	s0 =	sadd.s32 @!p0 $0x450, s23;
	s1 =	simm.s32 @!p0 $0x60;
	s2 =	simm.s32 @!p0 $0xB000  }
0x3cd: {  	[tilespmem:s2], [sflag:$0x2] =	stream.indirect.gather @!p0 [hbm4b:s5+s1], $0x40, s0, s1, $0xb8;
	[tilespmem:$0x15E80] =	vst v63  }
0x3ce: {  	_ =	swait.ge [sflag:s11], $0x3200  }
0x3cf: {  	[sflag:s11] =	ssyncset.done $0x0  }
0x3d0: {  	s23 =	simm.s32 $0x0;
	[sflag:s11] =	ssyncadd.s32 $0xFFFFCE00  }
0x3d1: {  	v58 =	vld [tilespmem:s23+$0xFAC0]  }
0x3d2: {  	v60 =	vld [tilespmem:s23+$0x12CC0]  }
0x3d3: {  	v32 =	vld [tilespmem:s23+$0xFAD0]  }
0x3d4: {  	v3 =	vld [tilespmem:s23+$0x12CD0]  }
0x3d5: {  	v8 =	vld [tilespmem:s23+$0xFAE0]  }
0x3d6: {  	v11 =	vld [tilespmem:s23+$0x12CE0]  }
0x3d7: {  	v12 =	vld [tilespmem:s23+$0xFAF0]  }
0x3d8: {  	v13 =	vld [tilespmem:s23+$0x12CF0]  }
0x3d9: {  	v14 =	vld [tilespmem:s23+$0xFA00]  }
0x3da: {  	v15 =	vld [tilespmem:s23+$0x12C00]  }
0x3db: {  	v16 =	vld [tilespmem:s23+$0xFA10]  }
0x3dc: {  	v17 =	vld [tilespmem:s23+$0x12C10]  }
0x3dd: {  	v33 =	vld [tilespmem:s23+$0xFA20]  }
0x3de: {  	v34 =	vld [tilespmem:s23+$0x12C20];
	v9 =	vadd.f32 v60, v58;
	v10 =	vadd.f32 v3, v32  }
0x3df: {  	v21 =	vld [tilespmem:s23+$0x12C30];
	v8 =	vadd.f32 v11, v8;
	v11 =	vadd.f32 v13, v12  }
0x3e0: {  	v22 =	vld [tilespmem:s23+$0xFA40];
	v35 =	vmul.f32 v9, v9;
	v3 =	vmul.f32 v10, v10  }
0x3e1: {  	v36 =	vld [tilespmem:s23+$0x12C60];
	v13 =	vmul.f32 v8, v8;
	v18 =	vmul.f32 v11, v11  }
0x3e2: {  	v24 =	vld [tilespmem:s23+$0x12C70];
	v19 =	vadd.f32 v10, v9;
	v20 =	vadd.f32 v11, v8  }
0x3e3: {  	v38 =	vld [tilespmem:s23+$0xFA80];
	v2 =	vadd.f32 v3, v35;
	v3 =	vadd.f32 v18, v13  }
0x3e4: {  	v12 =	vld [tilespmem:s23+$0xFA30];
	v13 =	vadd.f32 v20, v19  }
0x3e5: {  	v25 =	vld [tilespmem:s23+$0xFA90];
	v2 =	vadd.f32 v3, v2  }
0x3e6: {  	v15 =	vadd.f32 v15, v14;
	v16 =	vadd.f32 v17, v16;
	v19 =	vld [tilespmem:s23+$0x12C40];
	(xrf2) =	vadd.scan.msk.f32 $0xffff, v13  }
0x3e7: {  	v20 =	vld [tilespmem:s23+$0xFA50];
	(xrf2) =	vadd.scan.msk.f32 $0xffff, v2  }
0x3e8: {  	v23 =	vmul.f32 v15, v15;
	v37 =	vmul.f32 v16, v16;
	v3 =	vld [tilespmem:s23+$0x12C50]  }
0x3e9: {  	v14 =	vld [tilespmem:s23+$0xFA70];
	v18 =	vadd.f32 v34, v33;
	v17 =	vadd.f32 v21, v12  }
0x3ea: {  	v0 =	vadd.f32 v37, v23;
	v13 =	vld [tilespmem:s23+$0xFA60]  }
0x3eb: {  	v28 =	vld [tilespmem:s23+$0x12C90];
	v12 =	vadd.f32 v16, v15;
	v23 =	vadd.f32 v17, v18  }
0x3ec: {  	v29 =	vld [tilespmem:s23+$0x12CB0];
	v26 =	vmul.f32 v18, v18;
	v27 =	vmul.f32 v17, v17;
	v19 =	vadd.f32 v19, v22  }
0x3ed: {  	v21 =	vld [tilespmem:s23+$0x12C80];
	v20 =	vadd.f32 v3, v20;
	v3 =	vadd.f32 v23, v12  }
0x3ee: {  	v26 =	vadd.f32 v27, v26;
	v12 =	vld [tilespmem:s23+$0xFAA0]  }
0x3ef: {  	v22 =	vadd.f32 v36, v13;
	v13 =	vld [tilespmem:s23+$0x12CA0];
	v27 =	vmul.f32 v19, v19;
	v23 =	vadd.f32 v24, v14;
	(xrf2) =	vadd.scan.msk.f32 $0xffff, v3  }
0x3f0: {  	v0 =	vadd.f32 v26, v0;
	v3 =	vld [tilespmem:s23+$0xFAB0];
	v14 =	vadd.f32 v20, v19;
	v24 =	vmul.f32 v20, v20;
	v39, _, _ =	vpop (xrf2)  }
0x3f1: {  	v41 =	vadd.f32 v23, v22;
	(v2sf) =	vpush v39, $0xF;
	v40, _, _ =	vpop (xrf2)  }
0x3f2: {  	v26 =	vmul.f32 v22, v22;
	v24 =	vadd.f32 v24, v27;
	(v2sf) =	vpush v40, $0xF  }
0x3f3: {  	v27 =	vmul.f32 v23, v23;
	v42 =	vadd.f32 v41, v14;
	v14 =	vadd.f32 v28, v25;
	(xrf2) =	vadd.scan.msk.f32 $0xffff, v0  }
0x3f4: {  	v21 =	vadd.f32 v21, v38;
	v13 =	vadd.f32 v13, v12  }
0x3f5: {  	v43 =	vadd.f32 v27, v26;
	v12 =	vadd.f32 v29, v3;
	v3 =	vmul.f32 v14, v14;
	(xrf2) =	vadd.scan.msk.f32 $0xffff, v42  }
0x3f6: {  	v45 =	vadd.f32 v14, v21  }
0x3f7: {  	v44 =	vmul.f32 v21, v21;
	v1 =	vadd.f32 v43, v24;
	v25 =	vadd.f32 v12, v13  }
0x3f8: {  	v24 =	vmul.f32 v13, v13  }
0x3f9: {  	v26 =	vmul.f32 v12, v12;
	v2 =	vadd.f32 v3, v44;
	(xrf2) =	vadd.scan.msk.f32 $0xffff, v1;
	v0 =	vadd.f32 v25, v45;
	v3, _, _ =	vpop (xrf2)  }
0x3fa: {  	(v2sf) =	vpush v3, $0xF  }
0x3fb: {  	v46 =	vadd.f32 v26, v24;
	(xrf2) =	vadd.scan.msk.f32 $0xffff, v0;
	_ =	sdelay $0x1  }
0x3fc: {  	v1 =	vadd.f32 v46, v2;
	v47, _, _ =	vpop (xrf2)  }
0x3fd: {  	(v2sf) =	vpush v47, $0xF  }
0x3fe: {  	(xrf2) =	vadd.scan.msk.f32 $0xffff, v1;
	v48, _, _ =	vpop (xrf2)  }
0x3ff: {  	(v2sf) =	vpush v48, $0xF;
	s12 =	spop (v2sf)  }
0x400: {  	s11 =	smul.f32 $1.562500000e-02, s12;
	s13 =	spop (v2sf)  }
0x401: {  	s0 =	smul.f32 $1.562500000e-02, s13  }
0x402: {  	s6 =	simm.s32 $0x100;
	v50, _, _ =	vpop (xrf2);
	s15 =	smul.f32 s11, s11  }
0x403: {  	v49 =	vld [tilespmem:s6+$0xFAC0];
	(v2sf) =	vpush v50, $0xF  }
0x404: {  	v51 =	vld [tilespmem:s6+$0x12CC0];
	v3, _, _ =	vpop (xrf2);
	s0 =	ssub.f32 s0, s15  }
0x405: {  	v52 =	vld [tilespmem:s6+$0xFAD0];
	(v2sf) =	vpush v3, $0xF  }
0x406: {  	v30 =	vld [tilespmem:s6+$0xFA10];
	s0 =	sadd.f32 $9.999999740e-06, s0  }
0x407: {  	v31 =	vld [tilespmem:s6+$0x12C10]  }
0x408: {  	v27 =	vld [tilespmem:s6+$0x12CF0];
	v25, _, _ =	vpop (xrf2);
	s17 =	spop (v2sf);
	s16 =	sshra.s32 s0, $0x1;
	s10 =	smul.f32 $5.000000000e-01, s0  }
0x409: {  	v24 =	vld [tilespmem:s6+$0x12CD0];
	(v2sf) =	vpush v25, $0xF;
	s0 =	smul.f32 $1.562500000e-02, s17;
	s1 =	ssub.s32 $0x5F3759DF, s16  }
0x40a: {  	v26 =	vld [tilespmem:s6+$0x12CE0];
	s18 =	smul.f32 s1, s10  }
0x40b: {  	v3 =	vld [tilespmem:s6+$0xFAE0];
	s19 =	smul.f32 s0, s0  }
0x40c: {  	v25 =	vld [tilespmem:s6+$0xFAF0];
	s20 =	spop (v2sf);
	s2 =	smul.f32 s1, s18  }
0x40d: {  	v53 =	vld [tilespmem:s6+$0xFA20];
	s4 =	smul.f32 $1.562500000e-02, s20  }
0x40e: {  	v54 =	vld [tilespmem:s6+$0x12C20];
	s24 =	spop (v2sf);
	s2 =	ssub.f32 $1.500000000e+00, s2  }
0x40f: {  	v55 =	vld [tilespmem:s6+$0xFA30];
	s9 =	smul.f32 $1.562500000e-02, s24  }
0x410: {  	v56 =	vld [tilespmem:s6+$0xFA40];
	v35 =	vadd.f32 v51, v49;
	v34 =	vadd.f32 v24, v52;
	s1 =	smul.f32 s1, s2  }
0x411: {  	v60 =	vld [tilespmem:s6+$0x12C40];
	v36 =	vadd.f32 v26, v3;
	v27 =	vadd.f32 v27, v25;
	s25 =	smul.f32 s9, s9  }
0x412: {  	v32 =	vld [tilespmem:s6+$0xFA80];
	v2 =	vmul.f32 v35, v35;
	v57 =	vadd.f32 v34, v35;
	v3 =	vmul.f32 v34, v34;
	s26 =	spop (v2sf);
	s2 =	smul.f32 s1, s10  }
0x413: {  	v28 =	vld [tilespmem:s6+$0xFA00];
	v24 =	vmul.f32 v36, v36;
	v25 =	vmul.f32 v27, v27;
	v58 =	vadd.f32 v27, v36;
	s3 =	ssub.f32 s4, s19;
	s28 =	smul.f32 $1.562500000e-02, s26  }
0x414: {  	v29 =	vld [tilespmem:s6+$0x12C00];
	v2 =	vadd.f32 v3, v2;
	s13 =	spop (v2sf);
	s2 =	smul.f32 s2, s1  }
0x415: {  	v26 =	vld [tilespmem:s6+$0x12C30];
	v3 =	vadd.f32 v25, v24;
	v25 =	vadd.f32 v58, v57;
	s3 =	sadd.f32 $9.999999740e-06, s3;
	s13 =	smul.f32 $1.562500000e-02, s13  }
0x416: {  	v41 =	vld [tilespmem:s6+$0x12C80];
	s2 =	ssub.f32 $1.500000000e+00, s2  }
0x417: {  	v45 =	vld [tilespmem:s6+$0xFA50];
	(xrf2) =	vadd.scan.msk.f32 $0xffff, v25;
	s17 =	ssub.f32 s28, s25;
	s18 =	smul.f32 s13, s13  }
0x418: {  	v51 =	vadd.f32 v54, v53;
	v46 =	vld [tilespmem:s6+$0x12C50];
	s16 =	spop (v2sf);
	s4 =	smul.f32 s2, s1  }
0x419: {  	v47 =	vld [tilespmem:s6+$0xFA70];
	v24 =	vadd.f32 v29, v28;
	v2 =	vadd.f32 v3, v2;
	s1 =	smul.f32 $1.562500000e-02, s16  }
0x41a: {  	v28 =	vld [tilespmem:s6+$0x12C60];
	v25 =	vadd.f32 v31, v30;
	v30 =	vadd.f32 v26, v55;
	s16 =	smul.f32 $5.000000000e-01, s3;
	s2 =	sadd.f32 $9.999999740e-06, s17;
	s3 =	sshra.s32 s3, $0x1  }
0x41b: {  	v3 =	vld [tilespmem:s6+$0xFA60];
	s3 =	ssub.s32 $0x5F3759DF, s3;
	s10 =	smul.f32 s4, s10  }
0x41c: {  	v31 =	vld [tilespmem:s6+$0x12C70];
	(xrf2) =	vadd.scan.msk.f32 $0xffff, v2;
	v49 =	vadd.f32 v25, v24;
	v50 =	vadd.f32 v30, v51;
	s1 =	ssub.f32 s1, s18;
	s19 =	sshra.s32 s2, $0x1;
	s18 =	smul.f32 $5.000000000e-01, s2  }
0x41d: {  	v44 =	vld [tilespmem:s6+$0xFAB0];
	v29 =	vmul.f32 v24, v24;
	v48 =	vmul.f32 v25, v25;
	s20 =	smul.f32 s3, s16;
	s2 =	ssub.s32 $0x5F3759DF, s19  }
0x41e: {  	v57 =	vld [tilespmem:s6+$0xFA90];
	v55 =	vadd.f32 v60, v56;
	v1 =	vadd.f32 v50, v49;
	s24 =	smul.f32 s2, s18  }
0x41f: {  	v60 =	vld [tilespmem:s6+$0x12CA0];
	v42 =	vmul.f32 v30, v30;
	v0 =	vadd.f32 v48, v29;
	v29 =	vmul.f32 v51, v51;
	s1 =	sadd.f32 $9.999999740e-06, s1;
	s26 =	smul.f32 s3, s20  }
0x420: {  	v52 =	vadd.f32 v46, v45;
	v26 =	vadd.f32 v28, v3;
	v3 =	vld [tilespmem:s6+$0x12C90];
	(xrf2) =	vadd.scan.msk.f32 $0xffff, v1;
	s10 =	smul.f32 s10, s4  }
0x421: {  	v28 =	vadd.f32 v31, v47;
	v58 =	vadd.f32 v42, v29;
	v29 =	vld [tilespmem:s6+$0xFAA0];
	v43, _, _ =	vpop (xrf2);
	s25 =	sshra.s32 s1, $0x1;
	s19 =	smul.f32 $5.000000000e-01, s1  }
0x422: {  	v45 =	vld [tilespmem:s6+$0x12CB0];
	v31 =	vadd.f32 v52, v55;
	(v2sf) =	vpush v43, $0xF;
	s15 =	smul.f32 s2, s24;
	s1 =	ssub.f32 $1.500000000e+00, s26;
	s28 =	ssub.s32 $0x5F3759DF, s25  }
0x423: {  	v42 =	vadd.f32 v28, v26;
	v0 =	vadd.f32 v58, v0;
	s17 =	smul.f32 s28, s19  }
0x424: {  	v32 =	vadd.f32 v41, v32;
	v48 =	vmul.f32 v52, v52;
	s15 =	ssub.f32 $1.500000000e+00, s15;
	s1 =	smul.f32 s3, s1  }
0x425: {  	v47 =	vmul.f32 v55, v55;
	v49 =	vmul.f32 v26, v26;
	v31 =	vadd.f32 v42, v31;
	(xrf2) =	vadd.scan.msk.f32 $0xffff, v0;
	s17 =	smul.f32 s28, s17  }
0x426: {  	v50 =	vmul.f32 v28, v28;
	v33 =	vadd.f32 v3, v57;
	v29 =	vadd.f32 v60, v29;
	v46, _, _ =	vpop (xrf2);
	s2 =	smul.f32 s2, s15  }
0x427: {  	(xrf2) =	vadd.scan.msk.f32 $0xffff, v31;
	v31 =	vadd.f32 v45, v44;
	(v2sf) =	vpush v46, $0xF;
	s24 =	smul.f32 s1, s16  }
0x428: {  	v54 =	vadd.f32 v50, v49;
	v0 =	vadd.f32 v48, v47;
	s10 =	ssub.f32 $1.500000000e+00, s10;
	s15 =	smul.f32 s2, s18  }
0x429: {  	v53 =	vmul.f32 v32, v32;
	v3 =	vadd.f32 v33, v32;
	v57 =	vadd.f32 v31, v29;
	s20 =	ssub.f32 $1.500000000e+00, s17;
	s12 =	smul.f32 s24, s1  }
0x42a: {  	v56 =	vmul.f32 v33, v33;
	v0 =	vadd.f32 v54, v0;
	v58 =	vmul.f32 v29, v29;
	v60, _, _ =	vpop (xrf2);
	s24 =	smul.f32 s10, s4  }
0x42b: {  	v39 =	vmul.f32 v31, v31;
	v3 =	vadd.f32 v57, v3;
	(v2sf) =	vpush v60, $0xF;
	s3 =	smul.f32 s28, s20  }
0x42c: {  	(xrf2) =	vadd.scan.msk.f32 $0xffff, v0;
	s15 =	smul.f32 s15, s2;
	s12 =	ssub.f32 $1.500000000e+00, s12  }
0x42d: {  	v1 =	vadd.f32 v56, v53;
	v40 =	vadd.f32 v39, v58;
	(xrf2) =	vadd.scan.msk.f32 $0xffff, v3;
	s25 =	smul.f32 s3, s19  }
0x42e: {  	s26 =	ssub.f32 $1.500000000e+00, s15;
	s20 =	smul.f32 s12, s1  }
0x42f: {  	v0 =	vadd.f32 v40, v1;
	v41, _, _ =	vpop (xrf2);
	s17 =	smul.f32 s25, s3  }
0x430: {  	(v2sf) =	vpush v41, $0xF;
	s10 =	smul.f32 s26, s2  }
0x431: {  	v49 =	vmov s9;
	v43 =	vmov s0;
	v42, _, _ =	vpop (xrf2);
	(xrf2) =	vadd.scan.msk.f32 $0xffff, v0;
	s15 =	smul.f32 s20, s16;
	s2 =	spop (v2sf)  }
0x432: {  	s9 =	simm.s32 $0x200;
	v38 =	vsub.f32 v23, v49;
	v50 =	vsub.f32 v15, v43;
	v54 =	vmov s11;
	s28 =	ssub.f32 $1.500000000e+00, s17;
	s12 =	smul.f32 $1.562500000e-02, s2  }
0x433: {  	v23 =	vld [tilespmem:s9+$0xFA10];
	v3 =	vsub.f32 v11, v54;
	(v2sf) =	vpush v42, $0xF;
	s16 =	smul.f32 s10, s18  }
0x434: {  	v47 =	vsub.f32 v16, v43;
	v45 =	vsub.f32 v18, v43;
	v18 =	vld [tilespmem:s9+$0x12CD0];
	s4 =	smul.f32 s28, s3  }
0x435: {  	v44 =	vsub.f32 v19, v49;
	v46 =	vsub.f32 v17, v43;
	v57 =	vld [tilespmem:s9+$0xFAC0];
	v3 =	vmul.f32 s24, v3;
	s1 =	smul.f32 s12, s12  }
0x436: {  	v9 =	vsub.f32 v9, v54;
	v10 =	vsub.f32 v10, v54;
	v58 =	vld [tilespmem:s9+$0x12CC0];
	v11 =	vmov s13;
	v53, _, _ =	vpop (xrf2);
	s3 =	spop (v2sf);
	s13 =	smul.f32 s16, s10  }
0x437: {  	v17 =	vld [tilespmem:s9+$0xFAD0];
	v1 =	vsub.f32 v8, v54;
	v3 =	vmul.f32 v3, v59;
	(v2sf) =	vpush v53, $0xF;
	v56, _, _ =	vpop (xrf2);
	s0 =	smul.f32 $1.562500000e-02, s3  }
0x438: {  	v41 =	vsub.f32 v20, v49;
	v10 =	vmul.f32 s24, v10;
	v20 =	vld [tilespmem:s9+$0xFAF0];
	(v2sf) =	vpush v56, $0xF;
	s17 =	smul.f32 s4, s19;
	s13 =	ssub.f32 $1.500000000e+00, s13  }
0x439: {  	v39 =	vsub.f32 v22, v49;
	v1 =	vmul.f32 s24, v1;
	v54 =	vadd.f32 v3, v7;
	v3 =	vld [tilespmem:s9+$0x12CF0];
	s2 =	smul.f32 s15, s20;
	s0 =	ssub.f32 s0, s1  }
0x43a: {  	v19 =	vld [tilespmem:s9+$0x12CE0];
	v37 =	vsub.f32 v21, v11;
	v9 =	vmul.f32 s24, v9;
	v10 =	vmul.f32 v10, v62;
	s25 =	spop (v2sf);
	s11 =	smul.f32 s17, s4  }
0x43b: {  	v43 =	vsub.f32 v12, v11;
	v21 =	vld [tilespmem:s9+$0xFA00];
	v12 =	vadd.f32 v58, v57;
	v1 =	vmul.f32 v1, v61;
	v8, _, _ =	vpop (xrf2);
	s1 =	smul.f32 $1.562500000e-02, s25;
	s0 =	sadd.f32 $9.999999740e-06, s0  }
0x43c: {  	v9 =	vmul.f32 v9, v63;
	v49 =	vadd.f32 v10, v5;
	(v2sf) =	vpush v8, $0xF;
	v8 =	vld [tilespmem:s9+$0xFAE0];
	s10 =	smul.f32 s13, s10  }
0x43d: {  	v48 =	vadd.f32 v1, v6;
	v1 =	vld [tilespmem:s9+$0x12C00];
	v10 =	vadd.f32 v18, v17;
	s18 =	sshra.s32 s0, $0x1;
	s16 =	smul.f32 $5.000000000e-01, s0  }
0x43e: {  	v53 =	vadd.f32 v9, v4;
	v18 =	vadd.f32 v3, v20;
	v3 =	vld [tilespmem:s9+$0xFA30];
	v9 =	vmov s1;
	s1 =	smul.f32 s1, s1;
	s19 =	ssub.s32 $0x5F3759DF, s18  }
0x43f: {  	v40 =	vsub.f32 v14, v11;
	s26 =	spop (v2sf);
	v14 =	vsub.f32 v25, v9;
	v25 =	vld [tilespmem:s9+$0x12C10];
	s3 =	smul.f32 s19, s16  }
0x440: {  	v42 =	vsub.f32 v13, v11;
	v17 =	vmul.f32 v12, v12;
	s2 =	ssub.f32 $1.500000000e+00, s2;
	v16 =	vsub.f32 v30, v9;
	v30 =	vld [tilespmem:s9+$0x12C30];
	s15 =	smul.f32 $1.562500000e-02, s26  }
0x441: {  	v20 =	vadd.f32 v10, v12;
	v58 =	vmul.f32 v18, v18;
	s11 =	ssub.f32 $1.500000000e+00, s11;
	v8 =	vadd.f32 v19, v8;
	s3 =	smul.f32 s19, s3  }
0x442: {  	v60 =	vld [tilespmem:s9+$0x12C20];
	v13 =	vsub.f32 v24, v9;
	v15 =	vsub.f32 v51, v9;
	s18 =	smul.f32 s2, s20;
	s28 =	spop (v2sf);
	v19 =	vmul.f32 v10, v10  }
0x443: {  	v0 =	vld [tilespmem:s9+$0xFA20];
	v24 =	vadd.f32 v1, v21;
	s17 =	smul.f32 $1.562500000e-02, s28;
	v57 =	vmul.f32 v8, v8;
	v59 =	vadd.f32 v18, v8;
	s3 =	ssub.f32 $1.500000000e+00, s3  }
0x444: {  	v1 =	vld [tilespmem:s9+$0xFA40];
	s4 =	smul.f32 s11, s4;
	v19 =	vadd.f32 v19, v17;
	v25 =	vadd.f32 v25, v23  }
0x445: {  	v21 =	vld [tilespmem:s9+$0x12C40];
	v22 =	vmov s17;
	v30 =	vadd.f32 v30, v3;
	v51 =	vadd.f32 v58, v57;
	s3 =	smul.f32 s19, s3  }
0x446: {  	v2 =	vld [tilespmem:s9+$0xFA60];
	s1 =	ssub.f32 s15, s1;
	v9 =	vsub.f32 v55, v22;
	s20 =	spop (v2sf);
	v20 =	vadd.f32 v59, v20  }
0x447: {  	v3 =	vld [tilespmem:s9+$0xFA70];
	v11 =	vsub.f32 v52, v22;
	s25 =	spop (v2sf);
	v19 =	vadd.f32 v51, v19;
	s15 =	smul.f32 s3, s16  }
0x448: {  	v52 =	vld [tilespmem:s9+$0xFA50];
	v17 =	vsub.f32 v26, v22;
	v26 =	vadd.f32 v60, v0;
	(xrf2) =	vadd.scan.msk.f32 $0xffff, v20;
	s26 =	smul.f32 $1.562500000e-02, s25  }
0x449: {  	s2 =	sadd.f32 $9.999999740e-06, s1;
	v55 =	vld [tilespmem:s9+$0x12C50];
	v23 =	vsub.f32 v28, v22;
	v60 =	vmul.f32 v25, v25;
	v51 =	vmul.f32 v24, v24;
	(xrf2) =	vadd.scan.msk.f32 $0xffff, v19;
	s1 =	smul.f32 s15, s3  }
0x44a: {  	v57 =	vld [tilespmem:s9+$0x12C60];
	v28 =	vadd.f32 v21, v1;
	s24 =	smul.f32 $1.562500000e-02, s20;
	v56 =	vadd.f32 v25, v24;
	v58 =	vmul.f32 v30, v30  }
0x44b: {  	v1 =	vld [tilespmem:s9+$0xFA80];
	s0 =	smul.f32 $5.000000000e-01, s2;
	v0 =	vadd.f32 v60, v51;
	v60 =	vadd.f32 v30, v26;
	v22 =	vmov s26;
	s1 =	ssub.f32 $1.500000000e+00, s1  }
0x44c: {  	s19 =	smul.f32 s17, s17;
	v51 =	vmul.f32 v26, v26;
	v19 =	vsub.f32 v32, v22;
	v20 =	vsub.f32 v33, v22;
	v33 =	vld [tilespmem:s9+$0x12C70]  }
0x44d: {  	v21 =	vsub.f32 v29, v22;
	v22 =	vsub.f32 v31, v22;
	v29 =	vld [tilespmem:s9+$0x12C80];
	s1 =	smul.f32 s1, s3  }
0x44e: {  	v59 =	vmov s12;
	s20 =	smul.f32 s26, s26;
	s15 =	ssub.f32 s24, s19;
	v31 =	vadd.f32 v55, v52;
	v51 =	vadd.f32 v58, v51;
	v52 =	vld [tilespmem:s9+$0xFA90]  }
0x44f: {  	s28 =	spop (v2sf);
	v55 =	vmul.f32 v28, v28;
	v58 =	vsub.f32 v27, v59;
	v56 =	vadd.f32 v60, v56;
	v60 =	vld [tilespmem:s9+$0x12C90];
	s16 =	smul.f32 s1, s16  }
0x450: {  	v32 =	vadd.f32 v57, v2;
	s15 =	sadd.f32 $9.999999740e-06, s15;
	v0 =	vadd.f32 v51, v0;
	v2 =	vmul.f32 v31, v31;
	s3 =	smul.f32 $1.562500000e-02, s28  }
0x451: {  	s2 =	sshra.s32 s2, $0x1;
	v51 =	vadd.f32 v31, v28;
	v27 =	vadd.f32 v33, v3;
	s24 =	smul.f32 s16, s1  }
0x452: {  	s2 =	ssub.s32 $0x5F3759DF, s2;
	s25 =	sshra.s32 s15, $0x1;
	v2 =	vadd.f32 v2, v55;
	v3 =	vmul.f32 s18, v50;
	v29 =	vadd.f32 v29, v1;
	v57, _, _ =	vpop (xrf2);
	s16 =	smul.f32 $5.000000000e-01, s15  }
0x453: {  	s26 =	smul.f32 s2, s0;
	(xrf2) =	vadd.scan.msk.f32 $0xffff, v56;
	v1 =	vmul.f32 v32, v32;
	v50 =	vld [tilespmem:s9+$0xFAA0];
	s3 =	ssub.f32 s3, s20;
	v55 =	vadd.f32 v27, v32;
	(v2sf) =	vpush v57, $0xF;
	s15 =	ssub.s32 $0x5F3759DF, s25;
	v56, _, _ =	vpop (xrf2)  }
0x454: {  	v33 =	vadd.f32 v60, v52;
	v60 =	vld [tilespmem:$0x1FFF0];
	(v2sf) =	vpush v56, $0xF;
	v56 =	vmul.f32 v27, v27;
	s19 =	ssub.f32 $1.500000000e+00, s24;
	s20 =	smul.f32 s15, s16  }
0x455: {  	v44 =	vmul.f32 s10, v44;
	s3 =	sadd.f32 $9.999999740e-06, s3;
	v51 =	vadd.f32 v55, v51;
	v55 =	vld [tilespmem:s9+$0xFAB0];
	s24 =	smul.f32 s2, s26  }
0x456: {  	v41 =	vmul.f32 s10, v41;
	v1 =	vadd.f32 v56, v1;
	v56 =	vld [tilespmem:s9+$0x12CB0];
	s12 =	smul.f32 s19, s1  }
0x457: {  	v38 =	vmul.f32 s10, v38;
	v44 =	vmul.f32 v44, v63;
	v52 =	vld [tilespmem:s9+$0x12CA0];
	s28 =	sshra.s32 s3, $0x1;
	s19 =	smul.f32 $5.000000000e-01, s3  }
0x458: {  	v47 =	vmul.f32 s18, v47;
	(xrf2) =	vadd.scan.msk.f32 $0xffff, v0;
	s1 =	ssub.s32 $0x5F3759DF, s28;
	s3 =	ssub.f32 $1.500000000e+00, s24;
	s20 =	smul.f32 s15, s20;
	v57 =	vmul.f32 s12, v58  }
0x459: {  	v41 =	vmul.f32 v41, v62;
	v45 =	vmul.f32 s18, v45;
	s25 =	smul.f32 s1, s19  }
0x45a: {  	v47 =	vmul.f32 v47, v62;
	v34 =	vsub.f32 v34, v59;
	s2 =	smul.f32 s2, s3;
	s26 =	ssub.f32 $1.500000000e+00, s20;
	v58 =	vmul.f32 v57, v60  }
0x45b: {  	v0 =	vmul.f32 v3, v63;
	v3 =	vsub.f32 v35, v59;
	s17 =	smul.f32 s1, s25;
	v35 =	vadd.f32 v56, v55  }
0x45c: {  	s3 =	smul.f32 s15, s26;
	v57 =	vadd.f32 v58, v7;
	v58 =	vmul.f32 s12, v34;
	v34 =	vadd.f32 v52, v50  }
0x45d: {  	v46 =	vmul.f32 s18, v46;
	v44 =	vadd.f32 v44, v4;
	v47 =	vadd.f32 v47, v5;
	(xrf2) =	vadd.scan.msk.f32 $0xffff, v51;
	s28 =	smul.f32 s2, s0  }
0x45e: {  	v43 =	vmul.f32 s4, v43;
	v1 =	vadd.f32 v1, v2;
	s17 =	ssub.f32 $1.500000000e+00, s17;
	s15 =	smul.f32 s3, s16;
	v56 =	vadd.f32 v35, v34  }
0x45f: {  	[tilespmem:s23+$0xFAF0] =	vst v54;
	v54 =	vmul.f32 v33, v33;
	v2 =	vsub.f32 v36, v59;
	v55, _, _ =	vpop (xrf2);
	v50 =	vmul.f32 v29, v29;
	s13 =	smul.f32 s28, s2  }
0x460: {  	v45 =	vmul.f32 v45, v61;
	(xrf2) =	vadd.scan.msk.f32 $0xffff, v1;
	(v2sf) =	vpush v55, $0xF;
	v52 =	vadd.f32 v33, v29;
	s1 =	smul.f32 s1, s17  }
0x461: {  	s15 =	smul.f32 s15, s3;
	v36 =	vadd.f32 v54, v50;
	v59 =	vmul.f32 v34, v34;
	s13 =	ssub.f32 $1.500000000e+00, s13;
	v54 =	vmul.f32 v35, v35  }
0x462: {  	[tilespmem:s23+$0xFAC0] =	vst v53;
	v53 =	vmul.f32 s10, v39;
	v0 =	vadd.f32 v0, v4;
	s17 =	smul.f32 s1, s19;
	v55 =	vadd.f32 v56, v52;
	v56, _, _ =	vpop (xrf2)  }
0x463: {  	[tilespmem:s23+$0xFAD0] =	vst v49;
	v49 =	vmul.f32 s4, v40;
	s25 =	smul.f32 s13, s2;
	v39 =	vadd.f32 v54, v59;
	s20 =	spop (v2sf);
	(v2sf) =	vpush v56, $0xF  }
0x464: {  	[tilespmem:s23+$0xFAE0] =	vst v48;
	v50 =	vmul.f32 s4, v42;
	s15 =	ssub.f32 $1.500000000e+00, s15;
	v59 =	vmul.f32 s4, v37;
	s4 =	smul.f32 $1.562500000e-02, s20;
	(xrf2) =	vadd.scan.msk.f32 $0xffff, v55  }
0x465: {  	v41 =	vadd.f32 v41, v5;
	v38 =	vmul.f32 v38, v60;
	[tilespmem:s23+$0xFA00] =	vst v0;
	s17 =	smul.f32 s17, s1;
	v0 =	vadd.f32 v39, v36  }
0x466: {  	v48 =	vadd.f32 v45, v6;
	[tilespmem:s23+$0xFA10] =	vst v47;
	v3 =	vmul.f32 s12, v3;
	v2 =	vmul.f32 s12, v2;
	s12 =	smul.f32 s15, s3  }
0x467: {  	[tilespmem:s23+$0xFA40] =	vst v44;
	v46 =	vmul.f32 v46, v60;
	v1 =	vmul.f32 v53, v61;
	s0 =	smul.f32 s25, s0;
	s26 =	spop (v2sf);
	v53, _, _ =	vpop (xrf2);
	(xrf2) =	vadd.scan.msk.f32 $0xffff, v0  }
0x468: {  	[tilespmem:s23+$0xFA50] =	vst v41;
	v38 =	vadd.f32 v38, v7;
	v3 =	vmul.f32 v3, v63;
	s2 =	smul.f32 $1.562500000e-02, s26;
	(v2sf) =	vpush v53, $0xF  }
0x469: {  	[tilespmem:s23+$0xFA20] =	vst v48;
	v51 =	vadd.f32 v46, v7;
	s28 =	smul.f32 s4, s4;
	s17 =	ssub.f32 $1.500000000e+00, s17  }
0x46a: {  	[tilespmem:s23+$0xFA70] =	vst v38;
	v1 =	vadd.f32 v1, v6;
	v38 =	vadd.f32 v3, v4;
	v52 =	vmul.f32 v49, v62;
	v55, _, _ =	vpop (xrf2);
	s0 =	smul.f32 s0, s25  }
0x46b: {  	[tilespmem:s23+$0xFA30] =	vst v51;
	v40 =	vmul.f32 v50, v61;
	v36 =	vmul.f32 v59, v63;
	(v2sf) =	vpush v55, $0xF;
	s10 =	smul.f32 s17, s1  }
0x46c: {  	[tilespmem:s6+$0xFAF0] =	vst v57;
	v54 =	vmul.f32 v43, v60;
	v57 =	vadd.f32 v52, v5;
	v56 =	vmul.f32 v58, v62;
	s18 =	smul.f32 s12, s16;
	s2 =	ssub.f32 s2, s28  }
0x46d: {  	[tilespmem:s23+$0xFA60] =	vst v1;
	v40 =	vadd.f32 v40, v6;
	v58 =	vmul.f32 v2, v61;
	v36 =	vadd.f32 v36, v4;
	s20 =	ssub.f32 $1.500000000e+00, s0;
	s24 =	smul.f32 s10, s19  }
0x46e: {  	s13 =	simm.s32 $0x8;
	v39 =	vadd.f32 v54, v7;
	[tilespmem:s23+$0xFA90] =	vst v57;
	v37 =	vadd.f32 v56, v5;
	s11 =	sadd.f32 $9.999999740e-06, s2;
	s19 =	smul.f32 s18, s12;
	v59, _, _ =	vpop (xrf2)  }
0x46f: {  	[tilespmem:s23+$0xFA80] =	vst v36;
	v36 =	vadd.f32 v58, v6;
	s18 =	simm.s32 $0xC00;
	s0 =	smul.f32 s24, s10;
	s16 =	spop (v2sf);
	(v2sf) =	vpush v59, $0xF  }
.LBB2_9:
0x470: {  	s1 =	sshra.s32 s18, $0x2;
	s2 =	smul.f32 $1.562500000e-02, s16;
	s19 =	ssub.f32 $1.500000000e+00, s19;
	[tilespmem:s23+$0xFAA0] =	vst v40  }
0x471: {  	v0 =	vld [tilespmem:s1+$0xFAC0];
	s3 =	sshra.s32 s11, $0x1;
	s16 =	smul.f32 $5.000000000e-01, s11;
	v1, _, _ =	vpop (xrf2);
	s11 =	ssub.f32 $1.500000000e+00, s0;
	[tilespmem:s23+$0xFAB0] =	vst v39  }
0x472: {  	v2 =	vld [tilespmem:s1+$0x12CC0];
	s0 =	smul.f32 s2, s2;
	v3 =	vmov s2;
	s2 =	ssub.s32 $0x5F3759DF, s3;
	s3 =	spop (v2sf);
	(v2sf) =	vpush v1, $0xF;
	[tilespmem:s6+$0xFAC0] =	vst v38  }
0x473: {  	s23 =	smov.u32 s6;
	v1 =	vld [tilespmem:s1+$0xFAD0];
	v24 =	vsub.f32 v24, v3;
	v25 =	vsub.f32 v25, v3;
	s15 =	smul.f32 s2, s16;
	[tilespmem:s6+$0xFAD0] =	vst v37;
	s6 =	smov.u32 s9  }
0x474: {  	s3 =	smul.f32 $1.562500000e-02, s3;
	v26 =	vsub.f32 v26, v3;
	v3 =	vsub.f32 v30, v3;
	s9 =	smov.u32 s1;
	v37 =	vld [tilespmem:s1+$0x12CD0];
	[tilespmem:s23+$0xFAE0] =	vst v36  }
0x475: {  	v30 =	vld [tilespmem:s9+$0xFAE0];
	s1 =	smul.f32 s2, s15  }
0x476: {  	s0 =	ssub.f32 s3, s0;
	s3 =	smul.f32 s20, s25;
	v41 =	vld [tilespmem:s9+$0x12CE0]  }
0x477: {  	v44 =	vld [tilespmem:s9+$0xFAF0];
	s1 =	ssub.f32 $1.500000000e+00, s1;
	s15 =	spop (v2sf)  }
0x478: {  	s0 =	sadd.f32 $9.999999740e-06, s0;
	v36 =	vmul.f32 s3, v13;
	v38 =	vmul.f32 s3, v14;
	v13 =	vmovc v24;
	v14 =	vmov v25;
	v45 =	vld [tilespmem:s9+$0x12CF0];
	s15 =	smul.f32 $1.562500000e-02, s15  }
0x479: {  	s13 =	sadd.s32 $0x4, s13;
	v25 =	vmul.f32 s3, v15;
	v42 =	vmul.f32 s3, v16;
	v15 =	vmovc v26;
	v16 =	vmov v3;
	v24 =	vld [tilespmem:s9+$0xFA00];
	s1 =	smul.f32 s2, s1  }
0x47a: {  	p1 =	slt.u32 s13, $0xC4;
	v39 =	vmul.f32 v36, v63;
	v38 =	vmul.f32 v38, v62;
	v3 =	vld [tilespmem:s9+$0x12C00];
	s2 =	smul.f32 s15, s15;
	v46 =	vmov s15;
	s3 =	spop (v2sf)  }
0x47b: {  	v36 =	vmul.f32 v25, v61;
	s15 =	sshra.s32 s0, $0x1;
	v26 =	vld [tilespmem:s9+$0xFA10];
	v43 =	vsub.f32 v28, v46;
	v40 =	vsub.f32 v31, v46;
	s17 =	smul.f32 s1, s16  }
0x47c: {  	v0 =	vadd.f32 v2, v0;
	v1 =	vadd.f32 v37, v1;
	v37 =	vmul.f32 v42, v60;
	s25 =	ssub.s32 $0x5F3759DF, s15;
	s3 =	smul.f32 $1.562500000e-02, s3;
	v25 =	vld [tilespmem:s9+$0x12C10]  }
0x47d: {  	v42 =	vadd.f32 v41, v30;
	v2 =	vld [tilespmem:s9+$0xFA20];
	v49 =	vadd.f32 v45, v44;
	s15 =	smul.f32 s17, s1  }
0x47e: {  	v30 =	vadd.f32 v1, v0;
	v41 =	vsub.f32 v32, v46;
	s2 =	ssub.f32 s3, s2;
	v28 =	vld [tilespmem:s9+$0x12C20];
	s3 =	spop (v2sf)  }
0x47f: {  	v44 =	vmul.f32 v0, v0;
	v45 =	vmul.f32 v1, v1;
	v31 =	vld [tilespmem:s9+$0xFA30];
	v32 =	vadd.f32 v49, v42;
	s3 =	smul.f32 $1.562500000e-02, s3;
	s15 =	ssub.f32 $1.500000000e+00, s15  }
0x480: {  	s0 =	smul.f32 $5.000000000e-01, s0;
	v47 =	vmul.f32 v42, v42;
	v24 =	vadd.f32 v3, v24;
	v48 =	vmul.f32 v49, v49;
	s2 =	sadd.f32 $9.999999740e-06, s2;
	v3 =	vld [tilespmem:s9+$0x12C30]  }
0x481: {  	v25 =	vadd.f32 v25, v26;
	v50 =	vld [tilespmem:s9+$0xFA40];
	v30 =	vadd.f32 v32, v30;
	v32 =	vmov s3;
	s1 =	smul.f32 s15, s1;
	s15 =	spop (v2sf)  }
0x482: {  	v44 =	vadd.f32 v45, v44;
	v51 =	vmul.f32 v24, v24;
	v45 =	vadd.f32 v48, v47;
	s17 =	sshra.s32 s2, $0x1;
	v52 =	vld [tilespmem:s9+$0x12C40];
	s15 =	smul.f32 $1.562500000e-02, s15  }
0x483: {  	s24 =	ssub.s32 $0x5F3759DF, s17;
	v26 =	vadd.f32 v28, v2;
	v2 =	vadd.f32 v25, v24;
	v28 =	vmul.f32 v25, v25;
	v53 =	vld [tilespmem:s9+$0xFA50];
	(xrf2) =	vadd.scan.msk.f32 $0xffff, v30;
	s16 =	smul.f32 s1, s16  }
0x484: {  	v48 =	vsub.f32 v27, v46;
	s3 =	smul.f32 s3, s3;
	v44 =	vadd.f32 v45, v44;
	v54 =	vld [tilespmem:s9+$0x12C50]  }
0x485: {  	v30 =	vadd.f32 v3, v31;
	v3 =	vadd.f32 v28, v51;
	v27 =	vmul.f32 v26, v26;
	v51 =	vld [tilespmem:s9+$0xFA60];
	s17 =	smul.f32 s16, s1  }
0x486: {  	v45 =	vsub.f32 v29, v32;
	s16 =	smul.f32 $5.000000000e-01, s2;
	s2 =	ssub.f32 s15, s3;
	v55 =	vld [tilespmem:s9+$0x12C60];
	(xrf2) =	vadd.scan.msk.f32 $0xffff, v44;
	v44 =	vsub.f32 v33, v32  }
0x487: {  	s3 =	smul.f32 s25, s0;
	v29 =	vadd.f32 v30, v26;
	v33 =	vmul.f32 v30, v30;
	v28 =	vadd.f32 v52, v50;
	v50 =	vld [tilespmem:s9+$0xFA70];
	s15 =	ssub.f32 $1.500000000e+00, s17  }
0x488: {  	v47 =	vsub.f32 v34, v32;
	v46 =	vsub.f32 v35, v32;
	v35 =	vmov s4;
	s17 =	smul.f32 s24, s16;
	s2 =	sadd.f32 $9.999999740e-06, s2;
	v52 =	vld [tilespmem:s9+$0x12C70]  }
0x489: {  	v31 =	vadd.f32 v54, v53;
	v34 =	vmul.f32 v28, v28;
	v53 =	vld [tilespmem:s9+$0xFA80];
	s20 =	smul.f32 s15, s1;
	v54 =	vsub.f32 v18, v35;
	v18 =	vmovc v49  }
0x48a: {  	v2 =	vadd.f32 v29, v2;
	v27 =	vadd.f32 v33, v27;
	s1 =	sshra.s32 s2, $0x1;
	s4 =	smul.f32 $5.000000000e-01, s2;
	v29 =	vld [tilespmem:s9+$0x12C80]  }
0x48b: {  	s2 =	smul.f32 s25, s3;
	s1 =	ssub.s32 $0x5F3759DF, s1;
	v32 =	vadd.f32 v55, v51;
	v49 =	vadd.f32 v31, v28;
	v33 =	vld [tilespmem:s9+$0xFA90];
	v51 =	vmul.f32 s20, v54  }
0x48c: {  	v3 =	vadd.f32 v27, v3;
	v54 =	vmul.f32 v31, v31;
	s3 =	smul.f32 s1, s4;
	v55 =	vld [tilespmem:s9+$0x12C90];
	(xrf2) =	vadd.scan.msk.f32 $0xffff, v2;
	v2 =	vsub.f32 v12, v35  }
0x48d: {  	s15 =	smul.f32 s24, s17;
	s2 =	ssub.f32 $1.500000000e+00, s2;
	v27 =	vadd.f32 v52, v50;
	v50 =	vmul.f32 v32, v32;
	v52 =	vld [tilespmem:s9+$0xFAA0];
	v56, _, _ =	vpop (xrf2);
	v51 =	vmul.f32 v51, v60  }
0x48e: {  	v57 =	vsub.f32 v10, v35;
	v10 =	vmovc v1;
	v12 =	vmovc v0;
	v54 =	vadd.f32 v54, v34;
	s3 =	smul.f32 s1, s3;
	v34 =	vld [tilespmem:s9+$0x12CA0];
	v2 =	vmul.f32 s20, v2  }
0x48f: {  	s25 =	smul.f32 s25, s2;
	s2 =	ssub.f32 $1.500000000e+00, s15;
	v0 =	vmul.f32 v27, v27;
	v29 =	vadd.f32 v29, v53;
	v1 =	vld [tilespmem:s9+$0xFAB0];
	(xrf2) =	vadd.scan.msk.f32 $0xffff, v3;
	v3 =	vadd.f32 v51, v7  }
0x490: {  	v57 =	vmul.f32 s20, v57;
	s15 =	smul.f32 s19, s12;
	v51 =	vadd.f32 v27, v32;
	s3 =	ssub.f32 $1.500000000e+00, s3;
	v53 =	vld [tilespmem:s9+$0x12CB0];
	(v2sf) =	vpush v56, $0xF;
	v56, _, _ =	vpop (xrf2)  }
0x491: {  	s12 =	smul.f32 s24, s2;
	v33 =	vadd.f32 v55, v33;
	v55 =	vmul.f32 v29, v29;
	(v2sf) =	vpush v56, $0xF;
	[tilespmem:s6+$0xFAF0] =	vst v3  }
0x492: {  	v3 =	vadd.f32 v51, v49;
	v0 =	vadd.f32 v0, v50;
	s19 =	smul.f32 s1, s3;
	v49 =	vmul.f32 s15, v9;
	v9 =	vmovc v43  }
0x493: {  	s1 =	smul.f32 s25, s0;
	v34 =	vadd.f32 v34, v52;
	v43 =	vadd.f32 v33, v29;
	v50 =	vmul.f32 v33, v33  }
0x494: {  	s2 =	smul.f32 s12, s16;
	v51 =	vmul.f32 s15, v11;
	v11 =	vmovc v40;
	v0 =	vadd.f32 v0, v54;
	(xrf2) =	vadd.scan.msk.f32 $0xffff, v3;
	v3 =	vsub.f32 v8, v35  }
0x495: {  	s3 =	smul.f32 s19, s4;
	v8 =	vmovc v42;
	v35 =	vadd.f32 v53, v1;
	v1 =	vadd.f32 v50, v55;
	v40 =	vmul.f32 v34, v34  }
0x496: {  	v39 =	vadd.f32 v39, v4;
	s1 =	smul.f32 s1, s25;
	v52 =	vmul.f32 s15, v23;
	v50 =	vmul.f32 s15, v17;
	v42, _, _ =	vpop (xrf2)  }
0x497: {  	s2 =	smul.f32 s2, s12;
	v17 =	vmovc v41;
	v53 =	vadd.f32 v35, v34;
	v54 =	vmul.f32 v35, v35;
	(v2sf) =	vpush v42, $0xF;
	(xrf2) =	vadd.scan.msk.f32 $0xffff, v0  }
0x498: {  	v23 =	vmovc v48;
	s1 =	ssub.f32 $1.500000000e+00, s1;
	s3 =	smul.f32 s3, s19;
	v0 =	vmul.f32 s20, v3;
	v3 =	vadd.f32 v38, v5;
	v38 =	vmul.f32 v49, v63;
	[tilespmem:s23+$0xFA00] =	vst v39  }
0x499: {  	s11 =	smul.f32 s11, s10;
	s2 =	ssub.f32 $1.500000000e+00, s2;
	v42 =	vmul.f32 v51, v62;
	v39 =	vadd.f32 v53, v43;
	v40 =	vadd.f32 v54, v40;
	v41, _, _ =	vpop (xrf2)  }
0x49a: {  	s25 =	smul.f32 s1, s25;
	s1 =	ssub.f32 $1.500000000e+00, s3;
	(v2sf) =	vpush v41, $0xF;
	[tilespmem:s23+$0xFA10] =	vst v3;
	v3 =	vmul.f32 v50, v61;
	v41 =	vmul.f32 v52, v60  }
0x49b: {  	s12 =	smul.f32 s2, s12;
	v1 =	vadd.f32 v40, v1;
	(xrf2) =	vadd.scan.msk.f32 $0xffff, v39;
	v39 =	vmul.f32 s11, v19;
	v40 =	vmul.f32 s11, v20;
	v19 =	vmovc v45  }
0x49c: {  	v36 =	vadd.f32 v36, v6;
	s10 =	smul.f32 s1, s19;
	v43 =	vmul.f32 s11, v21;
	v21 =	vmovc v47;
	v45 =	vmul.f32 s11, v22;
	v20 =	vmovc v44  }
0x49d: {  	v37 =	vadd.f32 v37, v7;
	s0 =	smul.f32 s25, s0;
	v22 =	vmovc v46;
	v39 =	vmul.f32 v39, v63;
	v40 =	vmul.f32 v40, v62  }
0x49e: {  	s1 =	smul.f32 s12, s16;
	v44, _, _ =	vpop (xrf2);
	(xrf2) =	vadd.scan.msk.f32 $0xffff, v1;
	v1 =	vadd.f32 v38, v4;
	v38 =	vmul.f32 v43, v61;
	v43 =	vmul.f32 v45, v60  }
0x49f: {  	v2 =	vmul.f32 v2, v63;
	s3 =	smul.f32 s10, s4;
	(v2sf) =	vpush v44, $0xF;
	s2 =	spop (v2sf);
	v44 =	vmul.f32 v57, v62;
	[tilespmem:s23+$0xFA20] =	vst v36  }
0x4a0: {  	s4 =	smul.f32 $1.562500000e-02, s2;
	s2 =	spop (v2sf)  }
0x4a1: {  	v0 =	vmul.f32 v0, v61;
	v3 =	vadd.f32 v3, v6;
	v36 =	vadd.f32 v42, v5;
	[tilespmem:s23+$0xFA30] =	vst v37;
	s2 =	smul.f32 $1.562500000e-02, s2  }
0x4a2: {  	v37, _, _ =	vpop (xrf2);
	[tilespmem:s23+$0xFA40] =	vst v1;
	v1 =	vadd.f32 v41, v7;
	v41 =	vadd.f32 v39, v4;
	s11 =	smul.f32 s4, s4  }
.Ltmp5:
0x4a3: {  	v42 =	vadd.f32 v40, v5;
	(v2sf) =	vpush v37, $0xF;
	[tilespmem:s23+$0xFA50] =	vst v36;
	(pc) =	sbr.rel @p1 .LBB2_9-.Ltmp5, $4  }
0x4a4: {  	s0 =	smul.f32 s0, s25;
	v40 =	vadd.f32 v38, v6;
	v39 =	vadd.f32 v43, v7;
	[tilespmem:s23+$0xFA60] =	vst v3  }
0x4a5: {  	s19 =	smul.f32 s1, s12;
	v38 =	vadd.f32 v2, v4;
	v37 =	vadd.f32 v44, v5;
	s2 =	ssub.f32 s2, s11;
	[tilespmem:s23+$0xFA70] =	vst v1  }
0x4a6: {  	s20 =	ssub.f32 $1.500000000e+00, s0;
	s0 =	smul.f32 s3, s10;
	v36 =	vadd.f32 v0, v6;
	v1, _, _ =	vpop (xrf2);
	[tilespmem:s23+$0xFA80] =	vst v41  }
0x4a7: {  	s18 =	sadd.s32 $0x400, s18;
	s11 =	sadd.f32 $9.999999740e-06, s2;
	s16 =	spop (v2sf);
	(v2sf) =	vpush v1, $0xF;
	[tilespmem:s23+$0xFA90] =	vst v42  }
0x4a8: {  	_ = 	snop  }
0x4a9: {  	v0, _, _ =	vpop (xrf2);
	s1 =	sshra.s32 s11, $0x1;
	s2 =	smul.f32 $5.000000000e-01, s11  }
0x4aa: {  	s15 =	smul.f32 $1.562500000e-02, s16;
	(v2sf) =	vpush v0, $0xF;
	s1 =	ssub.s32 $0x5F3759DF, s1  }
0x4ab: {  	s3 =	smul.f32 s1, s2  }
0x4ac: {  	s17 =	smul.f32 s20, s25  }
0x4ad: {  	s19 =	ssub.f32 $1.500000000e+00, s19;
	s3 =	smul.f32 s1, s3  }
0x4ae: {  	s18 =	spop (v2sf);
	s13 =	smul.f32 s15, s15  }
0x4af: {  	s11 =	smul.f32 $1.562500000e-02, s18;
	s3 =	ssub.f32 $1.500000000e+00, s3  }
0x4b0: {  	s12 =	smul.f32 s19, s12  }
0x4b1: {  	s24 =	spop (v2sf);
	s1 =	smul.f32 s1, s3  }
0x4b2: {  	s25 =	ssub.f32 s11, s13;
	s20 =	smul.f32 $1.562500000e-02, s24  }
0x4b3: {  	s26 =	smul.f32 s1, s2  }
0x4b4: {  	s3 =	sadd.f32 $9.999999740e-06, s25;
	s28 =	smul.f32 s20, s20  }
0x4b5: {  	s25 =	spop (v2sf);
	s11 =	smul.f32 s26, s1  }
0x4b6: {  	s16 =	smul.f32 $1.562500000e-02, s25;
	s18 =	spop (v2sf)  }
0x4b7: {  	s24 =	smul.f32 $1.562500000e-02, s18;
	s11 =	ssub.f32 $1.500000000e+00, s11  }
0x4b8: {  	s13 =	ssub.f32 s16, s28;
	s18 =	smul.f32 $5.000000000e-01, s3  }
0x4b9: {  	s26 =	spop (v2sf);
	s1 =	smul.f32 s11, s1  }
0x4ba: {  	s11 =	smul.f32 $1.562500000e-02, s26  }
0x4bb: {  	s13 =	sadd.f32 $9.999999740e-06, s13;
	s28 =	smul.f32 s24, s24  }
0x4bc: {  	s2 =	smul.f32 s1, s2  }
0x4bd: {  	s26 =	sshra.s32 s13, $0x1;
	s16 =	smul.f32 $5.000000000e-01, s13  }
0x4be: {  	s3 =	sshra.s32 s3, $0x1;
	s25 =	ssub.s32 $0x5F3759DF, s26;
	s2 =	smul.f32 s2, s1  }
0x4bf: {  	s3 =	ssub.s32 $0x5F3759DF, s3;
	s11 =	ssub.f32 s11, s28;
	s28 =	smul.f32 s25, s16  }
0x4c0: {  	s26 =	smul.f32 s3, s18;
	s2 =	ssub.f32 $1.500000000e+00, s2  }
0x4c1: {  	s13 =	sadd.f32 $9.999999740e-06, s11;
	s28 =	smul.f32 s25, s28  }
0x4c2: {  	s11 =	smul.f32 s2, s1  }
0x4c3: {  	s1 =	sshra.s32 s13, $0x1;
	s13 =	smul.f32 $5.000000000e-01, s13  }
0x4c4: {  	s0 =	ssub.f32 $1.500000000e+00, s0;
	s2 =	smul.f32 s3, s26;
	s1 =	ssub.s32 $0x5F3759DF, s1  }
0x4c5: {  	v1 =	vmov s4;
	s26 =	smul.f32 s1, s13  }
0x4c6: {  	v18 =	vsub.f32 v18, v1;
	s0 =	smul.f32 s0, s10;
	s2 =	ssub.f32 $1.500000000e+00, s2  }
0x4c7: {  	v12 =	vsub.f32 v12, v1;
	v10 =	vsub.f32 v10, v1;
	s28 =	ssub.f32 $1.500000000e+00, s28;
	s26 =	smul.f32 s1, s26  }
0x4c8: {  	v1 =	vsub.f32 v8, v1;
	v13 =	vmul.f32 s17, v13;
	v14 =	vmul.f32 s17, v14;
	s2 =	smul.f32 s3, s2  }
0x4c9: {  	v51 =	vmov s15;
	v15 =	vmul.f32 s17, v15;
	v16 =	vmul.f32 s17, v16;
	s3 =	smul.f32 s25, s28  }
0x4ca: {  	v13 =	vmul.f32 v13, v63;
	v14 =	vmul.f32 v14, v62;
	v53 =	vmov s20;
	s19 =	ssub.f32 $1.500000000e+00, s26;
	s20 =	smul.f32 s2, s18  }
0x4cb: {  	v2 =	vsub.f32 v24, v51;
	v15 =	vmul.f32 v15, v61;
	v16 =	vmul.f32 v16, v60;
	s25 =	smul.f32 s3, s16  }
0x4cc: {  	v3 =	vsub.f32 v25, v51;
	v9 =	vmul.f32 s12, v9;
	v11 =	vmul.f32 s12, v11;
	s4 =	smul.f32 s1, s19  }
0x4cd: {  	[tilespmem:s6+$0xFAC0] =	vst v38;
	v52 =	vsub.f32 v26, v51;
	v17 =	vmul.f32 s12, v17;
	v38 =	vmul.f32 s12, v23;
	s1 =	smul.f32 s20, s2  }
0x4ce: {  	[tilespmem:s23+$0xFAA0] =	vst v40;
	v0 =	vsub.f32 v30, v51;
	v41 =	vmul.f32 s0, v19;
	v43 =	vmul.f32 s0, v20;
	s15 =	smul.f32 s25, s3  }
0x4cf: {  	[tilespmem:s23+$0xFAB0] =	vst v39;
	v44 =	vmul.f32 s0, v21;
	v13 =	vadd.f32 v13, v4;
	v14 =	vadd.f32 v14, v5;
	s26 =	smul.f32 s4, s13  }
0x4d0: {  	[tilespmem:s6+$0xFAD0] =	vst v37;
	v9 =	vmul.f32 v9, v63;
	v37 =	vadd.f32 v15, v6;
	v11 =	vmul.f32 v11, v62;
	s1 =	ssub.f32 $1.500000000e+00, s1  }
0x4d1: {  	[tilespmem:s6+$0xFAE0] =	vst v36;
	v39 =	vadd.f32 v16, v7;
	v40 =	vmul.f32 v17, v61;
	v42 =	vmul.f32 v38, v60;
	s28 =	ssub.f32 $1.500000000e+00, s15;
	s17 =	smul.f32 s26, s4  }
0x4d2: {  	v17 =	vmul.f32 v41, v63;
	v15 =	vmul.f32 v43, v62;
	[tilespmem:s6+$0xFA00] =	vst v13;
	v9 =	vadd.f32 v9, v4;
	s1 =	smul.f32 s1, s2  }
0x4d3: {  	v8 =	vmul.f32 v44, v61;
	[tilespmem:s6+$0xFA10] =	vst v14;
	v11 =	vadd.f32 v11, v5;
	v16 =	vadd.f32 v40, v6;
	s2 =	smul.f32 s28, s3  }
0x4d4: {  	v45 =	vmul.f32 s0, v22;
	[tilespmem:s6+$0xFA20] =	vst v37;
	v13 =	vadd.f32 v42, v7;
	v46 =	vadd.f32 v17, v4;
	s15 =	smul.f32 s1, s18  }
0x4d5: {  	[tilespmem:s6+$0xFA30] =	vst v39;
	v47 =	vadd.f32 v15, v5;
	v8 =	vadd.f32 v8, v6;
	s18 =	ssub.f32 $1.500000000e+00, s17;
	s19 =	smul.f32 s2, s16  }
0x4d6: {  	v54 =	vsub.f32 v28, v53;
	v55 =	vsub.f32 v31, v53;
	[tilespmem:s6+$0xFA40] =	vst v9;
	v9 =	vmul.f32 v45, v60;
	s10 =	smul.f32 s15, s1  }
0x4d7: {  	v56 =	vsub.f32 v32, v53;
	v25 =	vsub.f32 v27, v53;
	[tilespmem:s6+$0xFA50] =	vst v11;
	v57 =	vmov s24;
	s3 =	smul.f32 s18, s4  }
0x4d8: {  	[tilespmem:s6+$0xFA60] =	vst v16;
	v9 =	vadd.f32 v9, v7;
	v29 =	vsub.f32 v29, v57;
	v18 =	vmul.f32 s11, v18;
	s23 =	smul.f32 s19, s2;
	s20 =	ssub.f32 $1.500000000e+00, s10  }
0x4d9: {  	[tilespmem:s6+$0xFA70] =	vst v13;
	v58 =	vsub.f32 v33, v57;
	v12 =	vmul.f32 s11, v12;
	v10 =	vmul.f32 s11, v10;
	s24 =	smul.f32 s3, s13  }
0x4da: {  	[tilespmem:s6+$0xFA80] =	vst v46;
	v59 =	vsub.f32 v34, v57;
	v1 =	vmul.f32 s11, v1;
	v18 =	vmul.f32 v18, v60;
	s0 =	smul.f32 s20, s1  }
0x4db: {  	[tilespmem:s6+$0xFA90] =	vst v47;
	v27 =	vsub.f32 v35, v57;
	v12 =	vmul.f32 v12, v63;
	v10 =	vmul.f32 v10, v62;
	s4 =	ssub.f32 $1.500000000e+00, s23  }
0x4dc: {  	[tilespmem:s6+$0xFAA0] =	vst v8;
	v1 =	vmul.f32 v1, v61;
	v18 =	vadd.f32 v18, v7;
	s1 =	smul.f32 s24, s3;
	v2 =	vmul.f32 s0, v2  }
0x4dd: {  	[tilespmem:s6+$0xFAB0] =	vst v9;
	v48 =	vadd.f32 v12, v4;
	s2 =	smul.f32 s4, s2;
	v3 =	vmul.f32 s0, v3;
	v49 =	vmul.f32 s0, v52  }
0x4de: {  	v8 =	vadd.f32 v10, v5;
	[tilespmem:s9+$0xFAF0] =	vst v18;
	v0 =	vmul.f32 s0, v0;
	v2 =	vmul.f32 v2, v63  }
0x4df: {  	v1 =	vadd.f32 v1, v6;
	[tilespmem:s9+$0xFAC0] =	vst v48;
	s25 =	ssub.f32 $1.500000000e+00, s1;
	v50 =	vmul.f32 s2, v54;
	v3 =	vmul.f32 v3, v62  }
0x4e0: {  	[tilespmem:s9+$0xFAD0] =	vst v8;
	v51 =	vmul.f32 s2, v55;
	v8 =	vmul.f32 v49, v61;
	v2 =	vadd.f32 v2, v4  }
0x4e1: {  	[tilespmem:s9+$0xFAE0] =	vst v1;
	v52 =	vmul.f32 s2, v56;
	v0 =	vmul.f32 v0, v60;
	s0 =	smul.f32 s25, s3;
	v3 =	vadd.f32 v3, v5  }
0x4e2: {  	v54 =	vmul.f32 s2, v25;
	v1 =	vmul.f32 v51, v62;
	v8 =	vadd.f32 v8, v6;
	[tilespmem:s9+$0xFA00] =	vst v2  }
0x4e3: {  	v53 =	vmul.f32 v50, v63;
	v0 =	vadd.f32 v0, v7;
	v55 =	vmul.f32 s0, v29;
	[tilespmem:s9+$0xFA10] =	vst v3  }
0x4e4: {  	v56 =	vmul.f32 s0, v58;
	v57 =	vadd.f32 v1, v5;
	v3 =	vmul.f32 v52, v61;
	[tilespmem:s9+$0xFA20] =	vst v8  }
0x4e5: {  	v58 =	vmul.f32 s0, v59;
	v2 =	vadd.f32 v53, v4;
	v8 =	vmul.f32 v54, v60;
	[tilespmem:s9+$0xFA30] =	vst v0  }
0x4e6: {  	v10 =	vmul.f32 v55, v63;
	[tilespmem:s9+$0xFA50] =	vst v57;
	v3 =	vadd.f32 v3, v6  }
0x4e7: {  	v59 =	vmul.f32 s0, v27;
	v61 =	vmul.f32 v58, v61;
	[tilespmem:s9+$0xFA40] =	vst v2;
	v8 =	vadd.f32 v8, v7  }
0x4e8: {  	v9 =	vmul.f32 v56, v62;
	v62 =	vadd.f32 v10, v4;
	[tilespmem:s9+$0xFA60] =	vst v3  }
0x4e9: {  	v2 =	vmul.f32 v59, v60;
	v0 =	vadd.f32 v61, v6;
	[tilespmem:s9+$0xFA70] =	vst v8  }
.Ltmp6:
0x4ea: {  	v3 =	vadd.f32 v9, v5;
	[tilespmem:s9+$0xFA80] =	vst v62;
	(pc) =	sbr.rel @p0 .LBB2_12-.Ltmp6, $4  }
0x4eb: {  	v63 =	vadd.f32 v2, v7;
	[tilespmem:s9+$0xFAA0] =	vst v0  }
0x4ec: {  	[tilespmem:s9+$0xFA90] =	vst v3  }
0x4ed: {  	s26 =	sadd.s32 $0x2580, s22;
	s28 =	simm.s32 $0xFA00;
	[tilespmem:s9+$0xFAB0] =	vst v63  }
0x4ee: {  	[hbm4b:s26+s29] =	stream.strided.scatter [tilespmem:s28], [sflag:$0x8], $0x3200, s30, s29, $0x38;
	[tilespmem:$0x15E80] =	vst v63  }
0x4ef: {  	s0 =	smul.u32 $0xC80, s21  }
0x4f0: {  	_ =	swait.ge [sflag:s14], $0x3200;
	s2 =	simm.s32 $0x68  }
.Ltmp7:
0x4f1: {  	[sflag:s14] =	ssyncset.done $0x0;
	s0 =	sshra.s32 s0, $0x2;
	(pc) =	sbr.rel .LBB2_2-.Ltmp7, $4  }
0x4f2: {  	s28 =	simm.s32 $0x60;
	[sflag:s14] =	ssyncadd.s32 $0xFFFFCE00;
	s1 =	sadd.s32 $0x4B0, s0  }
0x4f3: {  	[tilespmem:s31], [sflag:$0x3] =	stream.indirect.gather [hbm4b:s5+s2], $0x40, s1, s2, $0xb8;
	[tilespmem:$0x15E80] =	vst v63  }
0x4f4: {  	s21 =	sadd.s32 $0x1, s21;
	s0 =	sadd.s32 $0x518, s0;
	s31 =	simm.s32 $0xE200  }
0x4f5: {  	[tilespmem:s31], [sflag:$0x3] =	stream.indirect.gather [hbm4b:s5+s28], $0x40, s0, s28, $0xb8;
	[tilespmem:$0x15E80] =	vst v63  }
.LBB2_13:
0x4f6: {  	_ =	sfence.sel $0x180000  }
0x4f7: {  	[bflag:$0x0] =	sbarrier.arrive $0xFFFF  }
0x4f8: {  	_ =	strace $0x9000004A  }
0x4f9: {  	s0 =	stileid.u32;
	[bflag:$0x2] =	sbarrier.arrive $0xFFFF  }
0x4fa: {  	p0 =	sne.s32 s0, $0x0;
	s0 =	rddreg [dreg:$0x4]  }
0x4fb: {  	s0 =	sadd.s32 @!p0 $0x100000, s0  }
0x4fc: {  	[sflag:s0] =	ssyncadd.tile.s32 @!p0 $0x1;
	_ =	shalt  }
.Lfunc_end2:
_tile_overlayer_lowered:
.L_overlay_start_2:
0x4fd: {  	(tag) =	ssettag $0x2  }
0x4fe: {  	s0 =	rddreg [dreg:$0x0];
	s2 =	stileid.u32  }
0x4ff: {  	s1 =	rddreg [dreg:$0x1];
	p0 =	sne.s32 s2, $0x0  }
0x500: {  	s3 =	rddreg [dreg:$0x2];
	[bflag:$0x3] =	sbarrier.arrive $0xFFFF;
	s2 =	simm.s32 @!p0 $0x1C09  }
0x501: {  	[timem:s3], [sflag:s2] =	dma.local @!p0 [hbm:s0], s1  }
0x502: {  	s0 =	simm.s32 @!p0 $0x9  }
0x503: {  	_ =	swait.ge @!p0 [sflag:s0], s1  }
0x504: {  	s1 =	ssub.s32 @!p0 $0x0, s1;
	[sflag:s0] =	ssyncset.done @!p0 $0x0  }
0x505: {  	[sflag:s0] =	ssyncadd.s32 @!p0 s1  }
0x506: {  	[bflag:$0x3] =	sbarrier.arrive $0xFFFF  }
0x507: {  	_ =	shalt  }

// kernel: sparse-core-data-format-call.1.cloned.1.call-start
scs
called_computation.1_lowered:
.L_overlay_start_0:
0x0: {  	s2 =	sld [smem:$0x3FD9]  }
0x1: {  	s3 =	sld [smem:$0x3FFE];
	_ =	sdelay $0x1  }
0x2: {  	s1 =	srdreg.scid  }
0x3: {  	s0 =	sand.u32 $0x1, s1  }
0x4: {  	s18 =	sshll.u32 s0, $0xA;
	s2 =	sadd.s32 s3, s2  }
0x5: {  	s2 =	sadd.s32 s2, s18  }
0x6: {  	[smem:$0x3FC3] =	sst s2  }
0x7: {  	_ = 	snop  }
0x8: {  	s2 =	sld [smem:$0x3FC8];
	(tm) =	ssettm $0x1  }
0x9: {  	s19 =	sld [smem:$0x3FFB];
	_ =	sdelay $0x3  }
0xa: {  	_ =	strace s19  }
0xb: {  	s3 =	sld [smem:$0x3FFC];
	_ =	sdelay $0x3  }
0xc: {  	_ =	strace s3  }
0xd: {  	s3 =	sld [smem:$0x3FFD];
	_ =	sdelay $0x3  }
0xe: {  	_ =	strace s3  }
0xf: {  	_ =	strace $0x8FFFFFFF  }
0x10: {  	s20 =	sld [smem:$0x3FDB];
	_ =	sdelay $0x1  }
0x11: {  	s4 =	simm.s32 $_scs_section_size  }
0x12: {  	s5 =	simm.s32 $_size__tile_overlayer_lowered;
	s6 =	simm.s32 $_tile_overlayer_lowered  }
0x13: {  	s23 =	simm.s32 $0x1BFF;
	s22 =	sshll.u32 s6, $0x1;
	s3 =	sadd.s32 s4, s20  }
0x14: {  	s7 =	simm.s32 $0x0;
	s21 =	sshll.u32 s5, $0x1;
	s5 =	sadd.s32 s22, s3  }
0x15: {  	[timem:s7], [sflag:s23] =	dma.local [hbm:s5], s21  }
0x16: {  	_ =	swait.ge [sflag:s23], s21  }
0x17: {  	s4 =	ssub.s32 $0x0, s21;
	[sflag:s23] =	ssyncset.done $0x0  }
0x18: {  	[sflag:s23] =	ssyncadd.s32 s4;
	_ =	sdelay $0x1  }
0x19: {  	s24 =	simm.s32 $0x1B8B  }
0x1a: {  	_ =	swait.ge [sflag:s24], $0x1  }
0x1b: {  	[sflag:s24] =	ssyncset.done $0x0  }
0x1c: {  	s26 =	simm.s32 $0x1B8E;
	s25 =	sld [smem:$0x3FFE];
	[sflag:s24] =	ssyncadd.s32 $0xFFFFFFFF  }
0x1d: {  	s27 =	simm.s32 $execute0_lowered;
	[smem:$0x3FD2] =	sst s26  }
0x1e: {  	s5 =	sshll.u32 s27, $0x1;
	_ =	strace $0x80000046;
	[dreg:$0x1] =	wrdreg $0xFFFFFFFF  }
0x1f: {  	s28 =	simm.s32 $_size_execute0_lowered;
	s3 =	sadd.s32 s3, s5;
	[dreg:$0x0] =	wrdreg $0x0  }
0x20: {  	s5 =	sshll.u32 s28, $0x1;
	[dreg:$0x2] =	wrdreg s3  }
0x21: {  	[dreg:$0x3] =	wrdreg s5  }
0x22: {  	[dreg:$0x4] =	wrdreg $0xC0  }
0x23: {  	_ =	task [dreg:s7], $0x5FFFF  }
0x24: {  	[dreg:$0x1] =	wrdreg $0xFFFFFFFF  }
0x25: {  	[dreg:$0x0] =	wrdreg $0x60  }
0x26: {  	[dreg:$0x2] =	wrdreg s2  }
0x27: {  	[dreg:$0x3] =	wrdreg s25  }
0x28: {  	[dreg:$0x4] =	wrdreg $0x9  }
0x29: {  	_ =	task.clear_ibuf [dreg:s7], $0x5FFFF;
	_ =	strace $0x90000046  }
0x2a: {  	s29 =	simm.s32 $0x9;
	_ =	strace $0x80000048  }
0x2b: {  	_ =	swait.ge [sflag:s29], $0x1  }
0x2c: {  	[sflag:s29] =	ssyncadd.s32 $0xFFFFFFFF  }
0x2d: {  	_ =	strace $0x90000048  }
0x2e: {  	_ =	sfence  }
0x2f: {  	s30 =	sld [smem:$0x0];
	_ =	sdelay $0x2  }
0x30: {  	s31 =	sshll.u32 s1, $0xD;
	s1 =	sshrl.u32 s1, $0x2  }
0x31: {  	s3 =	sand.u32 $0x4000, s31;
	s1 =	sadd.s32 s1, s30  }
0x32: {  	s0 =	sor.u32 s3, s0;
	s1 =	sshll.u32 s1, $0x11  }
0x33: {  	s0 =	sor.u32 s1, s0  }
0x34: {  	s0 =	sadd.s32 $0x8F2B, s0  }
0x35: {  	[sflag:s0] =	ssyncadd.remote.s32 $0x1  }
0x36: {  	_ =	sfence.sel $0xFFFF  }
0x37: {  	[dreg:$0x0] =	wrdreg $0xFFFFFFFF;
	(pc) =	sbr.abs _section_cstart, $3  }
0x38: {  	[dreg:$0x1] =	wrdreg $0xFFFFFFFF  }
0x39: {  	_ =	task.clear_ibuf [dreg:s7], $0x2FFFF;
	_ =	strace $0x9FFFFFFF  }
0x3a: {  	(tm) =	ssettm $0x7FFFFFFF  }
0x3b: {  	_ =	shalt  }
tec
execute0_lowered:
.L_overlay_start_1:
0x0: {  	(tag) =	ssettag $0x1  }
0x1: {  	s0 =	srdreg.scid;
	s2 =	rddreg [dreg:$0x0]  }
0x2: {  	s5 =	rddreg [dreg:$0x1];
	s1 =	stileid.u32  }
0x3: {  	s4 =	simm.s32 $0x1;
	s6 =	simm.s32 $0x2;
	s15 =	simm.s32 $0x0  }
0x4: {  	p0 =	por $0x0, $0x0;
	s8 =	simm.s32 $0x80;
	s0 =	sshll.u32 s0, $0x4  }
0x5: {  	s14 =	simm.s32 $0x0;
	s9 =	simm.s32 $0x0;
	s3 =	sand.u32 $0x10, s0  }
.Ltmp0:
0x6: {  	s10 =	simm.s32 $0x0;
	s3 =	sor.u32 s1, s3;
	(pc) =	sbr.rel .LBB1_1-.Ltmp0, $4  }
0x7: {  	s0 =	rddreg [dreg:$0x2];
	_ =	strace $0x80000047;
	s3 =	sshll.u32 s3, $0x7  }
0x8: {  	s12 =	simm.s32 $0x0;
	[sflag:s4] =	ssyncpa.u1 $0x0;
	s7 =	ssub.s32 $0xF4200, s3  }
0x9: {  	s13 =	simm.s32 $0x0;
	[sflag:s6] =	ssyncpa.u1 $0x0;
	s6 =	sshrl.u32 s7, $0xC  }
0xa: {  	s5 =	sadd.s32 $0x1200, s5;
	s11 =	smov.u32 s3;
	s7 =	sadd.s32 $0x2, s6  }
.LBB1_5:
0xb: {  	p1 =	slt.u32 s13, $0x2  }
0xc: {  	s17 =	smov.u32 s15;
	p2 =	sgt.s32 @!p1 s15, $0xF41C0;
	s16 =	sshra.s32 @!p1 s15, $0x1F  }
0xd: {  	p3 =	sgt.s32 @!p1 s14, $0x40;
	s18 =	sshra.s32 @!p1 s14, $0x1F;
	p2 =	por !p2, p1  }
0xe: {  	s15 =	sand.u32 @!p1 s16, s15;
	p3 =	por !p3, p1;
	s16 =	smov.u32 s14  }
0xf: {  	s14 =	sand.u32 @!p1 s18, s14;
	s17 =	simm.s32 @p2 $0xF41C0;
	s16 =	simm.s32 @p3 $0x40  }
0x10: {  	s15 =	ssub.s32 @!p1 s17, s15;
	s14 =	ssub.s32 @!p1 s16, s14  }
0x11: {  	s18 =	smov.u32 s12;
	s16 =	sadd.s32 @!p1 $0xFFF0BE40, s15;
	s17 =	sadd.s32 @!p1 $0xFFFFFFC0, s14  }
0x12: {  	s15 =	ssub.s32 @!p1 $0xF4240, s15;
	p2 =	sgt.s32 @!p1 s16, $0x7F;
	p3 =	sgt.s32 @!p1 s17, $0x3F  }
0x13: {  	s14 =	ssub.s32 @!p1 $0x80, s14;
	p2 =	por !p2, p1;
	p3 =	por !p3, p1  }
0x14: {  	s16 =	sadd.s32 $0x1000, s11;
	s15 =	simm.s32 @!p2 $0x0;
	s14 =	simm.s32 @!p3 $0x0  }
0x15: {  	p2 =	sgt.s32 s16, $0xF423F;
	s14 =	smul.u32 @!p1 s14, s15;
	s15 =	sadd.s32 $0x40, s12  }
0x16: {  	s18 =	smov.u32 @p2 s15  }
0x17: {  	s16 =	smov.u32 @p2 s3;
	p2 =	sgt.s32 s18, $0x3F  }
0x18: {  	s18 =	simm.s32 @p2 $0x0;
	p2 =	sne.s32 s13, s7  }
.Ltmp1:
0x19: {  	p0 =	por !p0, !p0;
	s17 =	simm.s32 @!p1 $0x2;
	(pc) =	sbr.rel @!p2 .LBB1_6-.Ltmp1, $4  }
0x1a: {  	s15 =	smov.u32 s9;
	s9 =	smov.u32 s11;
	s14 =	sand.u32 @!p1 $0x3FFFFFFF, s14  }
0x1b: {  	s11 =	smov.u32 s16;
	_ =	swait.ge @!p1 [sflag:s17], s14;
	s19 =	ssub.s32 @!p1 $0x0, s14  }
0x1c: {  	s14 =	smov.u32 s10;
	s13 =	sadd.s32 $0x1, s13;
	[sflag:s17] =	ssyncset.done @!p1 $0x0  }
0x1d: {  	s10 =	smov.u32 s12;
	s12 =	smov.u32 s18;
	[sflag:s17] =	ssyncadd.s32 @!p1 s19  }
.LBB1_1:
0x1e: {  	p1 =	sgt.u32 s13, s6  }
0x1f: {  	s16 =	sshrl.u32 @!p1 s12, $0x3  }
0x20: {  	s17 =	sshll.u32 @!p1 s11, $0x3;
	s16 =	smul.u32 @!p1 $0x7A1400, s16  }
0x21: {  	s18 =	sshll.u32 @!p1 s12, $0x7;
	s17 =	sand.u32 @!p1 $0xFFFFFC00, s17  }
0x22: {  	s16 =	sadd.s32 @!p1 s16, s17;
	s17 =	sand.u32 @!p1 $0x380, s18  }
0x23: {  	s18 =	sand.u32 @!p1 $0x7F, s11;
	s16 =	sor.u32 @!p1 s17, s16  }
0x24: {  	s17 =	sor.u32 @!p1 s18, s16  }
0x25: {  	s18 =	smulhi.u32 @!p1 $0x218D6287, s17;
	_ =	sdelay $0x1  }
0x26: {  	s16 =	smulhi.u32 @!p1 $0x218D6287, s16;
	s18 =	sshrl.u32 @!p1 s18, $0x11  }
0x27: {  	s18 =	smul.u32 @!p1 $0xF4280, s18  }
0x28: {  	s19 =	sxor.u32 @!p1 $0xFFFFFFFF, s13;
	s16 =	sshrl.u32 @!p1 s16, $0x11  }
0x29: {  	s19 =	sshll.u32 @!p1 s19, $0xD;
	s16 =	sand.u32 @!p1 $0x3F, s16;
	s17 =	ssub.s32 @!p1 s17, s18  }
0x2a: {  	s16 =	smul.u32 @!p1 $0x1E850, s16;
	s18 =	sshrl.u32 @!p1 s17, $0x3;
	s17 =	sand.u32 @!p1 $0x7, s17  }
0x2b: {  	s19 =	sand.u32 @!p1 $0x2000, s19;
	s18 =	sadd.s32 @!p1 s2, s18;
	s17 =	sshll.u32 @!p1 s17, $0x12  }
0x2c: {  	s16 =	sadd.s32 @!p1 s16, s18;
	s17 =	sor.u32 @!p1 $0x400, s17;
	s18 =	simm.s32 @!p1 $0x7A1400  }
0x2d: {  	[tilespmem:s19], [sflag:$0x1] =	stream.strided.gather @!p1 [hbm4b:s16+s17], $0x2000, s18, s17, $0x38;
	[tilespmem:$0x8100] =	vst v63  }
0x2e: {  	p1 =	seq.s32 s13, $0x0  }
0x2f: {  	p2 =	sge.u32 @!p1 s13, s7  }
0x30: {  	p1 =	por p1, p2  }
.Ltmp2:
0x31: {  	_ = 	snop;
	(pc) =	sbr.rel @p1 .LBB1_5-.Ltmp2, $1  }
0x32: {  	_ =	sdelay $0x3  }
0x33: {  	s16 =	simm.s32 $0x1  }
0x34: {  	_ =	swait.ge [sflag:s4], $0x2000;
	s16 =	simm.s32 @!p0 $0x0  }
0x35: {  	[sflag:s4] =	ssyncset.done $0x0;
	s17 =	sshll.u32 s16, $0xD  }
0x36: {  	[sflag:s4] =	ssyncadd.s32 $0xFFFFE000;
	s17 =	sor.u32 $0x40, s17  }
0x37: {  	s16 =	smul.u32 $0x8200, s16;
	v0 =	vld [tilespmem:s17+$0x30]  }
0x38: {  	v1 =	vld [tilespmem:s17+$0xFFFFFFD0]  }
0x39: {  	s16 =	sshrl.u32 s16, $0x2;
	v5 =	vld [tilespmem:s17+$0xFFFFFFE0]  }
0x3a: {  	v6 =	vld [tilespmem:s17+$0xFFFFFFF0];
	s19 =	sor.u32 $0x4000, s16  }
0x3b: {  	s31 =	sand.u32 $0x1, s13;
	v4 =	vld [tilespmem:s17+$0x0];
	s18 =	sadd.s32 $0x0, s19  }
0x3c: {  	v3 =	vld [tilespmem:s17+$0x10];
	s16 =	smul.u32 $0x8200, s31;
	[tilespmem:s18+$0x1C70 ss:$0x41] =	vst.msk $0xffff, v0  }
0x3d: {  	v2 =	vld [tilespmem:s17+$0x20];
	[tilespmem:s18+$0x410 ss:$0x41] =	vst.msk $0xffff, v1  }
0x3e: {  	s16 =	sshrl.u32 s16, $0x2;
	v1 =	vld [tilespmem:s17+$0xFFFFFFC0];
	[tilespmem:s18+$0x820 ss:$0x41] =	vst.msk $0xffff, v5;
	s17 =	sadd.s32 $0x80, s17  }
0x3f: {  	s20 =	simm.s32 $0x4;
	s21 =	simm.s32 $0x8;
	s16 =	sor.u32 $0x4000, s16;
	[tilespmem:s18+$0xC30 ss:$0x41] =	vst.msk $0xffff, v6;
	v0 =	vld [tilespmem:s17+$0x30]  }
.LBB1_3:
0x40: {  	p1 =	sne.s32 s21, $0xFC;
	v5 =	vld [tilespmem:s17+$0xFFFFFFD0];
	[tilespmem:s18+$0x1040 ss:$0x41] =	vst.msk $0xffff, v4  }
0x41: {  	v6 =	vld [tilespmem:s17+$0xFFFFFFE0];
	[tilespmem:s18+$0x1450 ss:$0x41] =	vst.msk $0xffff, v3  }
0x42: {  	s22 =	sshra.s32 s20, $0x2;
	s20 =	smov.u32 s21;
	v7 =	vld [tilespmem:s17+$0xFFFFFFF0];
	[tilespmem:s18+$0x1860 ss:$0x41] =	vst.msk $0xffff, v2  }
.Ltmp3:
0x43: {  	v4 =	vld [tilespmem:s17+$0x0];
	[tilespmem:s18+$0x0 ss:$0x41] =	vst.msk $0xffff, v1;
	s18 =	sadd.s32 s22, s19;
	(pc) =	sbr.rel @p1 .LBB1_3-.Ltmp3, $4  }
0x44: {  	v3 =	vld [tilespmem:s17+$0x10];
	[tilespmem:s18+$0x1C70 ss:$0x41] =	vst.msk $0xffff, v0  }
0x45: {  	[tilespmem:s18+$0x410 ss:$0x41] =	vst.msk $0xffff, v5;
	v2 =	vld [tilespmem:s17+$0x20]  }
0x46: {  	v1 =	vld [tilespmem:s17+$0xFFFFFFC0];
	[tilespmem:s18+$0x820 ss:$0x41] =	vst.msk $0xffff, v6;
	s17 =	sadd.s32 $0x80, s17  }
0x47: {  	s21 =	sadd.s32 $0x4, s21;
	v0 =	vld [tilespmem:s17+$0x30];
	[tilespmem:s18+$0xC30 ss:$0x41] =	vst.msk $0xffff, v7  }
0x48: {  	s21 =	sshll.u32 s9, $0x7;
	s22 =	sshll.u32 s10, $0x3;
	s20 =	sshra.s32 s20, $0x2  }
0x49: {  	p1 =	sgt.s32 s9, $0xF41C0;
	s30 =	sshra.s32 s9, $0x1F;
	s25 =	sshra.s32 s10, $0x1F  }
0x4a: {  	v5 =	vld [tilespmem:s17+$0xFFFFFFD0];
	s28 =	sshrl.u32 s10, $0x3;
	s23 =	sand.u32 $0xFFFFFC00, s21;
	s22 =	sand.u32 $0xFFFFFC00, s22  }
0x4b: {  	[tilespmem:s18+$0x1040 ss:$0x41] =	vst.msk $0xffff, v4;
	v58 =	vld [tilespmem:s17+$0xFFFFFFE0];
	s21 =	sand.u32 $0x380, s21;
	s19 =	sadd.s32 s20, s19;
	s22 =	sadd.s32 s22, s23  }
0x4c: {  	v59 =	vld [tilespmem:s17+$0xFFFFFFF0];
	[tilespmem:s18+$0x1450 ss:$0x41] =	vst.msk $0xffff, v3;
	s29 =	sor.u32 s21, s22;
	s21 =	smov.u32 s9;
	s22 =	sand.u32 s30, s9  }
0x4d: {  	v60 =	vld [tilespmem:s17+$0x0];
	[tilespmem:s18+$0x1860 ss:$0x41] =	vst.msk $0xffff, v2;
	s30 =	sand.u32 $0x7, s10;
	s20 =	sshrl.u32 s29, $0x7;
	s21 =	simm.s32 @!p1 $0xF41C0  }
0x4e: {  	v61 =	vld [tilespmem:s17+$0x10];
	[tilespmem:s18+$0x0 ss:$0x41] =	vst.msk $0xffff, v1;
	p1 =	sgt.s32 s10, $0x40;
	s24 =	ssub.s32 s21, s22;
	s21 =	smov.u32 s10  }
0x4f: {  	v62 =	vld [tilespmem:s17+$0x20];
	[tilespmem:s19+$0x1C70 ss:$0x41] =	vst.msk $0xffff, v0;
	s31 =	smulhi.u32 $0x218DEF5, s20;
	s22 =	sand.u32 s25, s10;
	s21 =	simm.s32 @!p1 $0x40  }
0x50: {  	v63 =	vld [tilespmem:s17+$0xFFFFFFC0];
	[tilespmem:s19+$0x410 ss:$0x41] =	vst.msk $0xffff, v5;
	s26 =	sadd.s32 $0xFFF0BE40, s24;
	s17 =	ssub.s32 $0xF4240, s24;
	s21 =	ssub.s32 s21, s22  }
0x51: {  	[tilespmem:s19+$0x820 ss:$0x41] =	vst.msk $0xffff, v58;
	s23 =	sshrl.u32 s31, $0xD;
	p1 =	sgt.s32 s26, $0x7F;
	s27 =	sadd.s32 $0xFFFFFFC0, s21  }
0x52: {  	[tilespmem:s19+$0xC30 ss:$0x41] =	vst.msk $0xffff, v59;
	s23 =	smul.u32 $0xF4240, s23;
	s18 =	ssub.s32 $0x80, s21;
	p2 =	sgt.s32 s27, $0x3F  }
.Ltmp4:
0x53: {  	[tilespmem:s19+$0x1040 ss:$0x41] =	vst.msk $0xffff, v60;
	s17 =	simm.s32 @p1 $0x0;
	s18 =	simm.s32 @p2 $0x0;
	(pc) =	sbr.rel .LBB1_5-.Ltmp4, $4  }
0x54: {  	s29 =	sand.u32 $0xF, s28;
	[tilespmem:s19+$0x1450 ss:$0x41] =	vst.msk $0xffff, v61;
	s20 =	ssub.s32 s20, s23;
	s17 =	smul.u32 s18, s17  }
0x55: {  	[tilespmem:s19+$0x1860 ss:$0x41] =	vst.msk $0xffff, v62;
	s21 =	sshll.u32 s30, $0x12;
	s20 =	sshll.u32 s20, $0x4;
	s18 =	sadd.s32 s5, s29  }
0x56: {  	[tilespmem:s19+$0x0 ss:$0x41] =	vst.msk $0xffff, v63;
	s31 =	sor.u32 $0x40, s21;
	s18 =	sadd.s32 s20, s18;
	s17 =	sand.u32 $0x3FFFFFFF, s17  }
0x57: {  	[hbm4b:s18+s31] =	stream.strided.scatter [tilespmem:s16], [sflag:$0x2], s17, s8, s31, $0x18;
	[tilespmem:$0x8100] =	vst v63  }
.LBB1_6:
0x58: {  	_ =	sfence.sel $0x180000  }
0x59: {  	s2 =	simm.s32 $0x1;
	[bflag:$0x0] =	sbarrier.arrive $0xFFFF  }
0x5a: {  	s31 =	simm.s32 $0x2;
	[sflag:s2] =	ssyncpa.u1 $0x1  }
0x5b: {  	[sflag:s31] =	ssyncpa.u1 $0x1  }
0x5c: {  	p0 =	sne.s32 s1, $0x0;
	_ =	strace $0x90000047  }
0x5d: {  	s0 =	sadd.s32 @!p0 $0x100000, s0;
	[bflag:$0x2] =	sbarrier.arrive $0xFFFF  }
0x5e: {  	[sflag:s0] =	ssyncadd.tile.s32 @!p0 $0x1;
	_ =	shalt  }
.Lfunc_end1:
_tile_overlayer_lowered:
.L_overlay_start_2:
0x5f: {  	(tag) =	ssettag $0x2  }
0x60: {  	s0 =	rddreg [dreg:$0x0];
	s2 =	stileid.u32  }
0x61: {  	s1 =	rddreg [dreg:$0x1];
	p0 =	sne.s32 s2, $0x0  }
0x62: {  	s3 =	rddreg [dreg:$0x2];
	[bflag:$0x3] =	sbarrier.arrive $0xFFFF;
	s2 =	simm.s32 @!p0 $0x1C01  }
0x63: {  	[timem:s3], [sflag:s2] =	dma.local @!p0 [hbm:s0], s1  }
0x64: {  	s0 =	simm.s32 @!p0 $0x1  }
0x65: {  	_ =	swait.ge @!p0 [sflag:s0], s1  }
0x66: {  	s1 =	ssub.s32 @!p0 $0x0, s1;
	[sflag:s0] =	ssyncset.done @!p0 $0x0  }
0x67: {  	[sflag:s0] =	ssyncadd.s32 @!p0 s1  }
0x68: {  	[bflag:$0x3] =	sbarrier.arrive $0xFFFF  }
0x69: {  	_ =	shalt  }

// kernel: sparse-core-data-format-call.cloned.1.call-start
scs
called_computation_lowered:
.L_overlay_start_0:
0x0: {  	s2 =	sld [smem:$0x3FD9]  }
0x1: {  	s3 =	sld [smem:$0x3FFE];
	_ =	sdelay $0x1  }
0x2: {  	s1 =	srdreg.scid  }
0x3: {  	s0 =	sand.u32 $0x1, s1  }
0x4: {  	s18 =	sshll.u32 s0, $0xA;
	s2 =	sadd.s32 s3, s2  }
0x5: {  	s2 =	sadd.s32 s2, s18  }
0x6: {  	[smem:$0x3FC3] =	sst s2  }
0x7: {  	_ = 	snop  }
0x8: {  	s2 =	sld [smem:$0x3FD0];
	(tm) =	ssettm $0x1  }
0x9: {  	s19 =	sld [smem:$0x3FFB];
	_ =	sdelay $0x3  }
0xa: {  	_ =	strace s19  }
0xb: {  	s3 =	sld [smem:$0x3FFC];
	_ =	sdelay $0x3  }
0xc: {  	_ =	strace s3  }
0xd: {  	s3 =	sld [smem:$0x3FFD];
	_ =	sdelay $0x3  }
0xe: {  	_ =	strace s3  }
0xf: {  	_ =	strace $0x8FFFFFFF  }
0x10: {  	s20 =	sld [smem:$0x3FDB];
	_ =	sdelay $0x1  }
0x11: {  	s4 =	simm.s32 $_scs_section_size  }
0x12: {  	s5 =	simm.s32 $_size__tile_overlayer_lowered;
	s6 =	simm.s32 $_tile_overlayer_lowered  }
0x13: {  	s23 =	simm.s32 $0x1BFF;
	s22 =	sshll.u32 s6, $0x1;
	s3 =	sadd.s32 s4, s20  }
0x14: {  	s7 =	simm.s32 $0x0;
	s21 =	sshll.u32 s5, $0x1;
	s5 =	sadd.s32 s22, s3  }
0x15: {  	[timem:s7], [sflag:s23] =	dma.local [hbm:s5], s21  }
0x16: {  	_ =	swait.ge [sflag:s23], s21  }
0x17: {  	s4 =	ssub.s32 $0x0, s21;
	[sflag:s23] =	ssyncset.done $0x0  }
0x18: {  	[sflag:s23] =	ssyncadd.s32 s4;
	_ =	sdelay $0x1  }
0x19: {  	s24 =	simm.s32 $0x1B8B  }
0x1a: {  	_ =	swait.ge [sflag:s24], $0x1  }
0x1b: {  	[sflag:s24] =	ssyncset.done $0x0  }
0x1c: {  	s26 =	simm.s32 $0x1B8E;
	s25 =	sld [smem:$0x3FFE];
	[sflag:s24] =	ssyncadd.s32 $0xFFFFFFFF  }
0x1d: {  	s27 =	simm.s32 $execute0_lowered;
	[smem:$0x3FD2] =	sst s26  }
0x1e: {  	s5 =	sshll.u32 s27, $0x1;
	_ =	strace $0x8000004C;
	[dreg:$0x1] =	wrdreg $0xFFFFFFFF  }
0x1f: {  	s28 =	simm.s32 $_size_execute0_lowered;
	s3 =	sadd.s32 s3, s5;
	[dreg:$0x0] =	wrdreg $0x0  }
0x20: {  	s5 =	sshll.u32 s28, $0x1;
	[dreg:$0x2] =	wrdreg s3  }
0x21: {  	[dreg:$0x3] =	wrdreg s5  }
0x22: {  	[dreg:$0x4] =	wrdreg $0xC0  }
0x23: {  	_ =	task [dreg:s7], $0x5FFFF  }
0x24: {  	[dreg:$0x1] =	wrdreg $0xFFFFFFFF  }
0x25: {  	[dreg:$0x0] =	wrdreg $0x60  }
0x26: {  	[dreg:$0x2] =	wrdreg s25  }
0x27: {  	[dreg:$0x3] =	wrdreg s2  }
0x28: {  	[dreg:$0x4] =	wrdreg $0x9  }
0x29: {  	_ =	task.clear_ibuf [dreg:s7], $0x5FFFF;
	_ =	strace $0x9000004C  }
0x2a: {  	s29 =	simm.s32 $0x9;
	_ =	strace $0x8000004E  }
0x2b: {  	_ =	swait.ge [sflag:s29], $0x1  }
0x2c: {  	[sflag:s29] =	ssyncadd.s32 $0xFFFFFFFF  }
0x2d: {  	_ =	strace $0x9000004E  }
0x2e: {  	_ =	sfence  }
0x2f: {  	s30 =	sld [smem:$0x0];
	_ =	sdelay $0x2  }
0x30: {  	s31 =	sshll.u32 s1, $0xD;
	s1 =	sshrl.u32 s1, $0x2  }
0x31: {  	s3 =	sand.u32 $0x4000, s31;
	s1 =	sadd.s32 s1, s30  }
0x32: {  	s0 =	sor.u32 s3, s0;
	s1 =	sshll.u32 s1, $0x11  }
0x33: {  	s0 =	sor.u32 s1, s0  }
0x34: {  	s0 =	sadd.s32 $0x8F2B, s0  }
0x35: {  	[sflag:s0] =	ssyncadd.remote.s32 $0x1  }
0x36: {  	_ =	sfence.sel $0xFFFF  }
0x37: {  	[dreg:$0x0] =	wrdreg $0xFFFFFFFF;
	(pc) =	sbr.abs _section_cstart, $3  }
0x38: {  	[dreg:$0x1] =	wrdreg $0xFFFFFFFF  }
0x39: {  	_ =	task.clear_ibuf [dreg:s7], $0x2FFFF;
	_ =	strace $0x9FFFFFFF  }
0x3a: {  	(tm) =	ssettm $0x7FFFFFFF  }
0x3b: {  	_ =	shalt  }
tec
execute0_lowered:
.L_overlay_start_1:
0x0: {  	(tag) =	ssettag $0x1  }
0x1: {  	s0 =	srdreg.scid  }
0x2: {  	s1 =	sshll.u32 s0, $0x4  }
0x3: {  	s0 =	stileid.u32;
	s1 =	sand.u32 $0x10, s1  }
0x4: {  	s1 =	sor.u32 s0, s1  }
0x5: {  	s6 =	rddreg [dreg:$0x0];
	s4 =	simm.s32 $0x1;
	s2 =	sshll.u32 s1, $0x7  }
0x6: {  	s7 =	simm.s32 $0x2;
	s12 =	simm.s32 $0x0;
	s1 =	ssub.s32 $0x1000, s2  }
0x7: {  	s8 =	simm.s32 $0x8000;
	s13 =	simm.s32 $0x0;
	s3 =	sand.u32 $0xF80, s1  }
0x8: {  	s9 =	simm.s32 $0x0;
	s5 =	sshrl.u32 s1, $0xC;
	p0 =	sne.s32 s3, $0x0  }
.Ltmp0:
0x9: {  	s1 =	rddreg [dreg:$0x2];
	s4 =	simm.s32 @!p0 $0x0;
	(pc) =	sbr.rel .LBB1_1-.Ltmp0, $4  }
0xa: {  	s11 =	simm.s32 $0x0;
	s3 =	rddreg [dreg:$0x1];
	s5 =	sadd.s32 s4, s5  }
0xb: {  	_ =	strace $0x8000004D;
	s4 =	simm.s32 $0x1;
	s5 =	smul.u32 $0xC8, s5  }
0xc: {  	s6 =	sadd.s32 $0x1200, s6;
	s10 =	smov.u32 s2;
	[sflag:s4] =	ssyncpa.u1 $0x0  }
0xd: {  	p0 =	por $0x0, $0x0;
	[sflag:s7] =	ssyncpa.u1 $0x0;
	s7 =	sor.u32 $0x1, s5  }
.LBB1_4:
0xe: {  	s16 =	sshll.u32 s13, $0x3;
	s17 =	sand.u32 $0x78, s13  }
0xf: {  	s30 =	sand.u32 $0x7E00, s13;
	s12 =	sshll.u32 s12, $0xF;
	s16 =	sand.u32 $0xC00, s16  }
0x10: {  	[tilespmem:s15+$0x810 ss:$0x81] =	vst.msk $0xffff, v2;
	s31 =	sand.u32 $0x7, s13;
	s16 =	sor.u32 s17, s16;
	s17 =	sadd.s32 s3, s30  }
0x11: {  	[tilespmem:s15+$0x1020 ss:$0x81] =	vst.msk $0xffff, v0;
	s13 =	sshll.u32 s31, $0x12;
	s12 =	sadd.s32 s12, s17;
	s16 =	sshrl.u32 s16, $0x3  }
0x12: {  	[tilespmem:s15+$0x0 ss:$0x81] =	vst.msk $0xffff, v1;
	s13 =	sor.u32 $0x400, s13;
	s12 =	sadd.s32 s16, s12  }
0x13: {  	[hbm4b:s12+s13] =	stream.strided.scatter [tilespmem:s14], [sflag:$0x2], $0x2000, s8, s13, $0x20;
	[tilespmem:$0x8080] =	vst v63  }
.LBB1_5:
0x14: {  	s14 =	sadd.s32 $0x1, s9  }
0x15: {  	s12 =	sadd.s32 $0x1000, s10;
	s16 =	smov.u32 s10;
	p2 =	sgt.s32 s14, $0xC7  }
0x16: {  	s16 =	smov.u32 @p2 s12  }
0x17: {  	s14 =	simm.s32 @p2 $0x0;
	p2 =	sgt.s32 s16, $0xFFF  }
0x18: {  	s16 =	smov.u32 @p2 s2;
	p2 =	sne.s32 s11, s7  }
.Ltmp1:
0x19: {  	p1 =	slt.u32 s11, $0x2;
	(pc) =	sbr.rel @!p2 .LBB1_6-.Ltmp1, $4  }
0x1a: {  	s15 =	simm.s32 @!p1 $0x2  }
0x1b: {  	s13 =	smov.u32 s10;
	p0 =	por !p0, !p0;
	_ =	swait.ge @!p1 [sflag:s15], $0x2000  }
0x1c: {  	s12 =	smov.u32 s9;
	[sflag:s15] =	ssyncset.done @!p1 $0x0;
	s9 =	smov.u32 s14  }
0x1d: {  	s11 =	sadd.s32 $0x1, s11;
	[sflag:s15] =	ssyncadd.s32 @!p1 $0xFFFFE000;
	s10 =	smov.u32 s16  }
.LBB1_1:
0x1e: {  	p1 =	sge.u32 s11, s5  }
0x1f: {  	s14 =	sand.u32 @!p1 $0x1FFFFFF, s9  }
0x20: {  	s15 =	smulhi.u32 @!p1 $0x147AE15, s14;
	_ =	sdelay $0x1  }
0x21: {  	s15 =	smul.u32 @!p1 $0xC8, s15  }
0x22: {  	s16 =	sxor.u32 @!p1 $0xFFFFFFFF, s11;
	s17 =	smul.u32 @!p1 $0xC80, s10  }
0x23: {  	s31 =	sadd.s32 $0xFFFFFFFF, s11;
	s16 =	sshll.u32 @!p1 s16, $0xD;
	s14 =	ssub.s32 @!p1 s14, s15  }
0x24: {  	s15 =	sand.u32 @!p1 $0x2000, s16;
	s16 =	sadd.s32 @!p1 s6, s17;
	s14 =	sshll.u32 @!p1 s14, $0x4  }
0x25: {  	s17 =	simm.s32 @!p1 $0x6400;
	s14 =	sadd.s32 @!p1 s14, s16;
	s16 =	simm.s32 @!p1 $0x40  }
0x26: {  	[tilespmem:s15], [sflag:$0x1] =	stream.strided.gather @!p1 [hbm4b:s14+s16], $0x2000, s17, s16, $0x38;
	[tilespmem:$0x8080] =	vst v63  }
0x27: {  	p1 =	sge.u32 s31, s5  }
.Ltmp2:
0x28: {  	_ = 	snop;
	(pc) =	sbr.rel @p1 .LBB1_5-.Ltmp2, $1  }
0x29: {  	_ =	sdelay $0x3  }
0x2a: {  	s14 =	simm.s32 $0x1  }
0x2b: {  	_ =	swait.ge [sflag:s4], $0x2000;
	s14 =	simm.s32 @!p0 $0x0  }
0x2c: {  	[sflag:s4] =	ssyncset.done $0x0;
	s15 =	sshll.u32 s14, $0xD  }
0x2d: {  	[sflag:s4] =	ssyncadd.s32 $0xFFFFE000;
	s18 =	sor.u32 $0x20, s15  }
0x2e: {  	s14 =	smul.u32 $0x8100, s14;
	v3 =	vld [tilespmem:s18+$0x10]  }
0x2f: {  	s30 =	sand.u32 $0x1, s11;
	v2 =	vld [tilespmem:s18+$0xFFFFFFF0]  }
0x30: {  	s15 =	smul.u32 $0x8100, s30;
	s14 =	sshrl.u32 s14, $0x2;
	v0 =	vld [tilespmem:s18+$0x0]  }
0x31: {  	v1 =	vld [tilespmem:s18+$0xFFFFFFE0];
	s16 =	sor.u32 $0x4000, s14  }
0x32: {  	s31 =	sshrl.u32 s15, $0x2;
	s15 =	sadd.s32 $0x0, s16  }
0x33: {  	s17 =	simm.s32 $0x4;
	s18 =	sadd.s32 $0x40, s18;
	s14 =	sor.u32 $0x4000, s31;
	[tilespmem:s15+$0x1830 ss:$0x81] =	vst.msk $0xffff, v3  }
.LBB1_3:
0x34: {  	v3 =	vld [tilespmem:s18+$0x10];
	p1 =	sne.s32 s17, $0x1FC;
	[tilespmem:s15+$0x810 ss:$0x81] =	vst.msk $0xffff, v2;
	s19 =	smov.u32 s17;
	s17 =	sadd.s32 $0x4, s17  }
.Ltmp3:
0x35: {  	v2 =	vld [tilespmem:s18+$0xFFFFFFF0];
	[tilespmem:s15+$0x1020 ss:$0x81] =	vst.msk $0xffff, v0;
	(pc) =	sbr.rel @p1 .LBB1_3-.Ltmp3, $4  }
0x36: {  	v0 =	vld [tilespmem:s18+$0x0];
	[tilespmem:s15+$0x0 ss:$0x81] =	vst.msk $0xffff, v1  }
0x37: {  	s15 =	sshra.s32 s19, $0x2;
	v1 =	vld [tilespmem:s18+$0xFFFFFFE0]  }
0x38: {  	s15 =	sadd.s32 s15, s16  }
0x39: {  	s18 =	sadd.s32 $0x40, s18;
	[tilespmem:s15+$0x1830 ss:$0x81] =	vst.msk $0xffff, v3  }
.Ltmp4:
0x3a: {  	_ = 	snop;
	(pc) =	sbr.rel .LBB1_4-.Ltmp4, $1  }
0x3b: {  	_ =	sdelay $0x3  }
.LBB1_6:
0x3c: {  	_ =	sfence.sel $0x180000  }
0x3d: {  	s2 =	simm.s32 $0x1;
	[bflag:$0x0] =	sbarrier.arrive $0xFFFF  }
0x3e: {  	s31 =	simm.s32 $0x2;
	[sflag:s2] =	ssyncpa.u1 $0x1  }
0x3f: {  	[sflag:s31] =	ssyncpa.u1 $0x1  }
0x40: {  	p0 =	sne.s32 s0, $0x0;
	_ =	strace $0x9000004D  }
0x41: {  	s0 =	sadd.s32 @!p0 $0x100000, s1;
	[bflag:$0x2] =	sbarrier.arrive $0xFFFF  }
0x42: {  	[sflag:s0] =	ssyncadd.tile.s32 @!p0 $0x1;
	_ =	shalt  }
.Lfunc_end1:
_tile_overlayer_lowered:
.L_overlay_start_2:
0x43: {  	(tag) =	ssettag $0x2  }
0x44: {  	s0 =	rddreg [dreg:$0x0];
	s2 =	stileid.u32  }
0x45: {  	s1 =	rddreg [dreg:$0x1];
	p0 =	sne.s32 s2, $0x0  }
0x46: {  	s3 =	rddreg [dreg:$0x2];
	[bflag:$0x3] =	sbarrier.arrive $0xFFFF;
	s2 =	simm.s32 @!p0 $0x1C01  }
0x47: {  	[timem:s3], [sflag:s2] =	dma.local @!p0 [hbm:s0], s1  }
0x48: {  	s0 =	simm.s32 @!p0 $0x1  }
0x49: {  	_ =	swait.ge @!p0 [sflag:s0], s1  }
0x4a: {  	s1 =	ssub.s32 @!p0 $0x0, s1;
	[sflag:s0] =	ssyncset.done @!p0 $0x0  }
0x4b: {  	[sflag:s0] =	ssyncadd.s32 @!p0 s1  }
0x4c: {  	[bflag:$0x3] =	sbarrier.arrive $0xFFFF  }
0x4d: {  	_ =	shalt  }

</sc_bundles>
